<compile_context>
chip_gen: v7x
topology: tpu7x:2x2x1
jax: 0.10.2.dev20260603
libtpu: 0.0.44.dev20260713+nightly
codegen_flags: <defaults>
</compile_context>

<pallas_src>
import functools

import jax
import jax.numpy as jnp
from jax import lax
from jax.experimental import pallas as pl
from jax.experimental.pallas import tpu as pltpu
from jax.experimental.pallas import tpu_sc as plsc

B = 4096
LH = 50
D = 64
NC = 2
NS = 16
NW = NC * NS
BPW = B // NW
SLOT = 64
PPW = BPW * SLOT
C = 8
ROWS = C * LH
NCHUNK = BPW // C
LANES = 16
DV = D // LANES


def _make_embed_call():
    mesh = plsc.VectorSubcoreMesh(core_axis_name="c", subcore_axis_name="s")

    @functools.partial(
        pl.kernel,
        mesh=mesh,
        compiler_params=pltpu.CompilerParams(use_tc_tiling_on_sc=False),
        out_type=jax.ShapeDtypeStruct((B, D), jnp.float32),
        scratch_types=[
            pltpu.VMEM((PPW,), jnp.int32),
            pltpu.VMEM((ROWS, D), jnp.float32),
            pltpu.VMEM((ROWS, D), jnp.float32),
            pltpu.VMEM((C, D), jnp.float32),
            pltpu.SemaphoreType.DMA,
            pltpu.SemaphoreType.DMA,
        ],
    )
    def sc_embed(xp_hbm, tab_hbm, out_hbm, idx_v, rows0, rows1, outc_v,
                 sem0, sem1):
        wid = lax.axis_index("s") * NC + lax.axis_index("c")
        pltpu.sync_copy(xp_hbm.at[pl.ds(wid * PPW, PPW)], idx_v)

        def fire(ci, buf, sem):
            for j in range(C):
                pltpu.async_copy(
                    tab_hbm.at[idx_v.at[pl.ds((ci * C + j) * SLOT, LH)]],
                    buf.at[pl.ds(j * LH, LH)],
                    sem,
                )

        def drain(buf, sem):
            pltpu.make_async_copy(tab_hbm.at[pl.ds(0, ROWS)], buf, sem).wait()

        UNROLL = 5

        def accum_store(ci, buf):
            for b in range(C):
                def body(k, accs):
                    l = k * UNROLL
                    for u in range(UNROLL):
                        accs = tuple(
                            accs[d] + buf[b * LH + l + u,
                                          pl.ds(d * LANES, LANES)]
                            for d in range(DV)
                        )
                    return accs

                acc0 = tuple(
                    jnp.zeros((LANES,), jnp.float32) for _ in range(DV)
                )
                accs = lax.fori_loop(0, LH // UNROLL, body, acc0)
                for d in range(DV):
                    outc_v[b, pl.ds(d * LANES, LANES)] = accs[d] * (1.0 / LH)
            pltpu.sync_copy(outc_v, out_hbm.at[pl.ds(wid * BPW + ci * C, C)])

        fire(0, rows0, sem0)

        def body(i, carry):
            c0 = 2 * i
            c1 = 2 * i + 1
            fire(c1, rows1, sem1)
            drain(rows0, sem0)
            accum_store(c0, rows0)

            @pl.when(c1 + 1 < NCHUNK)
            def _():
                fire(c1 + 1, rows0, sem0)

            drain(rows1, sem1)
            accum_store(c1, rows1)
            return carry

        lax.fori_loop(0, NCHUNK // 2, body, 0)

    return sc_embed


_sc_embed = _make_embed_call()


@jax.jit
def kernel(x, table):
    xp = jnp.pad(x, ((0, 0), (0, SLOT - LH))).reshape(-1)
    return _sc_embed(xp, table)

# --- scband reference (transcript-rebuilt; emitter-appended) ---
"""Pipeline reference for scband-pre-train-embedding-13477607375782 (READ-ONLY COPY).

The authoritative reference and input builder live on the scoring server;
editing this copy changes nothing except your own understanding.
"""

import jax, jax.numpy as jnp
import numpy as np

VOCAB = 100000
EMBED_DIM = 64
BATCH = 4096
HIST_LEN = 50


def setup_inputs(seed: int = 0) -> dict:
    key = jax.random.key(seed)
    k1, k2 = jax.random.split(key)
    # bag-of-words indices: [B, L] with values < vocab size
    x = jax.random.randint(k1, (BATCH, HIST_LEN), 0, VOCAB, dtype=jnp.int32)
    # pretrained embedding table (row 0 is the padding/zero row in the original,
    # but the forward math is identical regardless of initialization)
    table = jax.random.normal(k2, (VOCAB, EMBED_DIM), dtype=jnp.float32) * 0.02
    return {"x": x, "table": table}


def reference(x, table):
    # torch.nn.EmbeddingBag(mode='mean') applied to a 2D index tensor [B, L]:
    # gather rows then mean over the bag (L) dimension -> [B, D]
    emb = jnp.take(table, x, axis=0)  # [B, L, D]
    return jnp.mean(emb, axis=1)       # [B, D]

if __name__ == "__main__":
    import jax
    _d = setup_inputs()
    print(jax.jit(kernel)(*tuple(_d.values())))

</pallas_src>

<mosaic_0001>
#map = affine_map<(d0, d1) -> (0)>
#map1 = affine_map<(d0, d1) -> (0, 0)>
module attributes {stable_mosaic.version = 14 : i64} {
  func.func @sc_embed(%arg0: i32, %arg1: i32, %arg2: memref<262144xi32, #tpu.memory_space<hbm>>, %arg3: memref<100000x64xf32, #tpu.memory_space<hbm>>, %arg4: memref<4096x64xf32, #tpu.memory_space<hbm>>, %arg5: memref<8192xi32, #tpu.memory_space<vmem>>, %arg6: memref<400x64xf32, #tpu.memory_space<vmem>>, %arg7: memref<400x64xf32, #tpu.memory_space<vmem>>, %arg8: memref<8x64xf32, #tpu.memory_space<vmem>>, %arg9: memref<!tpu.dma_semaphore, #tpu.memory_space<semaphore_mem>>, %arg10: memref<!tpu.dma_semaphore, #tpu.memory_space<semaphore_mem>>) attributes {dimension_semantics = [#tpu.dimension_semantics<core_parallel>, #tpu.dimension_semantics<subcore_parallel>], iteration_bounds = array<i64: 2, 16>, scalar_prefetch = 0 : i64, scratch_operands = 6 : i64, tpu.core_type = #tpu.core_type<sc_vector_subcore>, window_params = [{transform_indices = #map}, {transform_indices = #map1}, {transform_indices = #map1}]} {
    %mul3A = arith.constant 2 : i32
    %mul3A_0 = arith.muli %arg1, %mul3A : i32
    %add3A = arith.addi %mul3A_0, %arg0 : i32
    %mul3A_1 = arith.constant 8192 : i32
    %mul3A_2 = arith.muli %add3A, %mul3A_1 : i32
    "tpu.region"() ({
      %run_scoped3A = tpu.sem_alloc : memref<!tpu.dma_semaphore, #tpu.memory_space<semaphore_mem>>
      %dma_start3A_71 = tpu.memref_slice %arg2[%mul3A_2] : memref<262144xi32, #tpu.memory_space<hbm>> -> memref<8192xi32, #tpu.memory_space<hbm>>
      %dma_start3A_72 = tpu.memref_slice %arg2[%mul3A_2] : memref<262144xi32, #tpu.memory_space<hbm>> -> memref<8192xi32, #tpu.memory_space<hbm>>
      tpu.enqueue_dma source(%dma_start3A_72 : memref<8192xi32, #tpu.memory_space<hbm>>) target(%arg5 : memref<8192xi32, #tpu.memory_space<vmem>>) target_semaphore(%run_scoped3A : memref<!tpu.dma_semaphore, #tpu.memory_space<semaphore_mem>>)
      %dma_wait3A = tpu.memref_slice %arg2[%mul3A_2] : memref<262144xi32, #tpu.memory_space<hbm>> -> memref<8192xi32, #tpu.memory_space<hbm>>
      %dma_wait3A_73 = tpu.memref_slice %arg2[%mul3A_2] : memref<262144xi32, #tpu.memory_space<hbm>> -> memref<8192xi32, #tpu.memory_space<hbm>>
      tpu.wait_dma2 semaphore(%run_scoped3A : memref<!tpu.dma_semaphore, #tpu.memory_space<semaphore_mem>>) src(%dma_wait3A_73 : memref<8192xi32, #tpu.memory_space<hbm>>) dst(%arg5 : memref<8192xi32, #tpu.memory_space<vmem>>)
      tpu.yield
    }) : () -> ()
    %dma_start3A = arith.constant 0 : i32
    %dma_start3A_3 = arith.constant 0 : i32
    %dma_start3A_4 = tpu.memref_slice %arg6[%dma_start3A, %dma_start3A_3] : memref<400x64xf32, #tpu.memory_space<vmem>> -> memref<50x64xf32, #tpu.memory_space<vmem>>
    %dma_start3A_5 = arith.constant 0 : i32
    %dma_start3A_6 = tpu.memref_slice %arg5[%dma_start3A_5] : memref<8192xi32, #tpu.memory_space<vmem>> -> memref<50xi32, #tpu.memory_space<vmem>>
    %dma_start3A_7 = arith.constant 0 : i32
    %dma_start3A_8 = arith.constant 0 : i32
    %dma_start3A_9 = tpu.memref_slice %arg3[%dma_start3A_7, %dma_start3A_8] : memref<100000x64xf32, #tpu.memory_space<hbm>> -> memref<100000x64xf32, #tpu.memory_space<hbm>>
    tpu.enqueue_indirect_dma source(%dma_start3A_9 : memref<100000x64xf32, #tpu.memory_space<hbm>>) target(%dma_start3A_4 : memref<50x64xf32, #tpu.memory_space<vmem>>) offsets(%dma_start3A_6 : memref<50xi32, #tpu.memory_space<vmem>>) semaphore(%arg9 : memref<!tpu.dma_semaphore, #tpu.memory_space<semaphore_mem>>)
    %dma_start3A_10 = arith.constant 50 : i32
    %dma_start3A_11 = arith.constant 0 : i32
    %dma_start3A_12 = tpu.memref_slice %arg6[%dma_start3A_10, %dma_start3A_11] : memref<400x64xf32, #tpu.memory_space<vmem>> -> memref<50x64xf32, #tpu.memory_space<vmem>>
    %dma_start3A_13 = arith.constant 64 : i32
    %dma_start3A_14 = tpu.memref_slice %arg5[%dma_start3A_13] : memref<8192xi32, #tpu.memory_space<vmem>> -> memref<50xi32, #tpu.memory_space<vmem>>
    %dma_start3A_15 = arith.constant 0 : i32
    %dma_start3A_16 = arith.constant 0 : i32
    %dma_start3A_17 = tpu.memref_slice %arg3[%dma_start3A_15, %dma_start3A_16] : memref<100000x64xf32, #tpu.memory_space<hbm>> -> memref<100000x64xf32, #tpu.memory_space<hbm>>
    tpu.enqueue_indirect_dma source(%dma_start3A_17 : memref<100000x64xf32, #tpu.memory_space<hbm>>) target(%dma_start3A_12 : memref<50x64xf32, #tpu.memory_space<vmem>>) offsets(%dma_start3A_14 : memref<50xi32, #tpu.memory_space<vmem>>) semaphore(%arg9 : memref<!tpu.dma_semaphore, #tpu.memory_space<semaphore_mem>>)
    %dma_start3A_18 = arith.constant 100 : i32
    %dma_start3A_19 = arith.constant 0 : i32
    %dma_start3A_20 = tpu.memref_slice %arg6[%dma_start3A_18, %dma_start3A_19] : memref<400x64xf32, #tpu.memory_space<vmem>> -> memref<50x64xf32, #tpu.memory_space<vmem>>
    %dma_start3A_21 = arith.constant 128 : i32
    %dma_start3A_22 = tpu.memref_slice %arg5[%dma_start3A_21] : memref<8192xi32, #tpu.memory_space<vmem>> -> memref<50xi32, #tpu.memory_space<vmem>>
    %dma_start3A_23 = arith.constant 0 : i32
    %dma_start3A_24 = arith.constant 0 : i32
    %dma_start3A_25 = tpu.memref_slice %arg3[%dma_start3A_23, %dma_start3A_24] : memref<100000x64xf32, #tpu.memory_space<hbm>> -> memref<100000x64xf32, #tpu.memory_space<hbm>>
    tpu.enqueue_indirect_dma source(%dma_start3A_25 : memref<100000x64xf32, #tpu.memory_space<hbm>>) target(%dma_start3A_20 : memref<50x64xf32, #tpu.memory_space<vmem>>) offsets(%dma_start3A_22 : memref<50xi32, #tpu.memory_space<vmem>>) semaphore(%arg9 : memref<!tpu.dma_semaphore, #tpu.memory_space<semaphore_mem>>)
    %dma_start3A_26 = arith.constant 150 : i32
    %dma_start3A_27 = arith.constant 0 : i32
    %dma_start3A_28 = tpu.memref_slice %arg6[%dma_start3A_26, %dma_start3A_27] : memref<400x64xf32, #tpu.memory_space<vmem>> -> memref<50x64xf32, #tpu.memory_space<vmem>>
    %dma_start3A_29 = arith.constant 192 : i32
    %dma_start3A_30 = tpu.memref_slice %arg5[%dma_start3A_29] : memref<8192xi32, #tpu.memory_space<vmem>> -> memref<50xi32, #tpu.memory_space<vmem>>
    %dma_start3A_31 = arith.constant 0 : i32
    %dma_start3A_32 = arith.constant 0 : i32
    %dma_start3A_33 = tpu.memref_slice %arg3[%dma_start3A_31, %dma_start3A_32] : memref<100000x64xf32, #tpu.memory_space<hbm>> -> memref<100000x64xf32, #tpu.memory_space<hbm>>
    tpu.enqueue_indirect_dma source(%dma_start3A_33 : memref<100000x64xf32, #tpu.memory_space<hbm>>) target(%dma_start3A_28 : memref<50x64xf32, #tpu.memory_space<vmem>>) offsets(%dma_start3A_30 : memref<50xi32, #tpu.memory_space<vmem>>) semaphore(%arg9 : memref<!tpu.dma_semaphore, #tpu.memory_space<semaphore_mem>>)
    %dma_start3A_34 = arith.constant 200 : i32
    %dma_start3A_35 = arith.constant 0 : i32
    %dma_start3A_36 = tpu.memref_slice %arg6[%dma_start3A_34, %dma_start3A_35] : memref<400x64xf32, #tpu.memory_space<vmem>> -> memref<50x64xf32, #tpu.memory_space<vmem>>
    %dma_start3A_37 = arith.constant 256 : i32
    %dma_start3A_38 = tpu.memref_slice %arg5[%dma_start3A_37] : memref<8192xi32, #tpu.memory_space<vmem>> -> memref<50xi32, #tpu.memory_space<vmem>>
    %dma_start3A_39 = arith.constant 0 : i32
    %dma_start3A_40 = arith.constant 0 : i32
    %dma_start3A_41 = tpu.memref_slice %arg3[%dma_start3A_39, %dma_start3A_40] : memref<100000x64xf32, #tpu.memory_space<hbm>> -> memref<100000x64xf32, #tpu.memory_space<hbm>>
    tpu.enqueue_indirect_dma source(%dma_start3A_41 : memref<100000x64xf32, #tpu.memory_space<hbm>>) target(%dma_start3A_36 : memref<50x64xf32, #tpu.memory_space<vmem>>) offsets(%dma_start3A_38 : memref<50xi32, #tpu.memory_space<vmem>>) semaphore(%arg9 : memref<!tpu.dma_semaphore, #tpu.memory_space<semaphore_mem>>)
    %dma_start3A_42 = arith.constant 250 : i32
    %dma_start3A_43 = arith.constant 0 : i32
    %dma_start3A_44 = tpu.memref_slice %arg6[%dma_start3A_42, %dma_start3A_43] : memref<400x64xf32, #tpu.memory_space<vmem>> -> memref<50x64xf32, #tpu.memory_space<vmem>>
    %dma_start3A_45 = arith.constant 320 : i32
    %dma_start3A_46 = tpu.memref_slice %arg5[%dma_start3A_45] : memref<8192xi32, #tpu.memory_space<vmem>> -> memref<50xi32, #tpu.memory_space<vmem>>
    %dma_start3A_47 = arith.constant 0 : i32
    %dma_start3A_48 = arith.constant 0 : i32
    %dma_start3A_49 = tpu.memref_slice %arg3[%dma_start3A_47, %dma_start3A_48] : memref<100000x64xf32, #tpu.memory_space<hbm>> -> memref<100000x64xf32, #tpu.memory_space<hbm>>
    tpu.enqueue_indirect_dma source(%dma_start3A_49 : memref<100000x64xf32, #tpu.memory_space<hbm>>) target(%dma_start3A_44 : memref<50x64xf32, #tpu.memory_space<vmem>>) offsets(%dma_start3A_46 : memref<50xi32, #tpu.memory_space<vmem>>) semaphore(%arg9 : memref<!tpu.dma_semaphore, #tpu.memory_space<semaphore_mem>>)
    %dma_start3A_50 = arith.constant 300 : i32
    %dma_start3A_51 = arith.constant 0 : i32
    %dma_start3A_52 = tpu.memref_slice %arg6[%dma_start3A_50, %dma_start3A_51] : memref<400x64xf32, #tpu.memory_space<vmem>> -> memref<50x64xf32, #tpu.memory_space<vmem>>
    %dma_start3A_53 = arith.constant 384 : i32
    %dma_start3A_54 = tpu.memref_slice %arg5[%dma_start3A_53] : memref<8192xi32, #tpu.memory_space<vmem>> -> memref<50xi32, #tpu.memory_space<vmem>>
    %dma_start3A_55 = arith.constant 0 : i32
    %dma_start3A_56 = arith.constant 0 : i32
    %dma_start3A_57 = tpu.memref_slice %arg3[%dma_start3A_55, %dma_start3A_56] : memref<100000x64xf32, #tpu.memory_space<hbm>> -> memref<100000x64xf32, #tpu.memory_space<hbm>>
    tpu.enqueue_indirect_dma source(%dma_start3A_57 : memref<100000x64xf32, #tpu.memory_space<hbm>>) target(%dma_start3A_52 : memref<50x64xf32, #tpu.memory_space<vmem>>) offsets(%dma_start3A_54 : memref<50xi32, #tpu.memory_space<vmem>>) semaphore(%arg9 : memref<!tpu.dma_semaphore, #tpu.memory_space<semaphore_mem>>)
    %dma_start3A_58 = arith.constant 350 : i32
    %dma_start3A_59 = arith.constant 0 : i32
    %dma_start3A_60 = tpu.memref_slice %arg6[%dma_start3A_58, %dma_start3A_59] : memref<400x64xf32, #tpu.memory_space<vmem>> -> memref<50x64xf32, #tpu.memory_space<vmem>>
    %dma_start3A_61 = arith.constant 448 : i32
    %dma_start3A_62 = tpu.memref_slice %arg5[%dma_start3A_61] : memref<8192xi32, #tpu.memory_space<vmem>> -> memref<50xi32, #tpu.memory_space<vmem>>
    %dma_start3A_63 = arith.constant 0 : i32
    %dma_start3A_64 = arith.constant 0 : i32
    %dma_start3A_65 = tpu.memref_slice %arg3[%dma_start3A_63, %dma_start3A_64] : memref<100000x64xf32, #tpu.memory_space<hbm>> -> memref<100000x64xf32, #tpu.memory_space<hbm>>
    tpu.enqueue_indirect_dma source(%dma_start3A_65 : memref<100000x64xf32, #tpu.memory_space<hbm>>) target(%dma_start3A_60 : memref<50x64xf32, #tpu.memory_space<vmem>>) offsets(%dma_start3A_62 : memref<50xi32, #tpu.memory_space<vmem>>) semaphore(%arg9 : memref<!tpu.dma_semaphore, #tpu.memory_space<semaphore_mem>>)
    %scan3A = arith.constant 0 : i32
    %scan3A_66 = arith.constant 0 : i32
    %scan3A_67 = arith.constant 8 : i32
    %scan3A_68 = arith.addi %scan3A_66, %scan3A_67 : i32
    %scan3A_69 = arith.constant 1 : i32
    scf.for %scan3A_71 = %scan3A_66 to %scan3A_68 step %scan3A_69  : i32 {
      %mul3A_72 = arith.constant 2 : i32
      %mul3A_73 = arith.muli %mul3A_72, %scan3A_71 : i32
      %mul3A_74 = arith.constant 2 : i32
      %mul3A_75 = arith.muli %mul3A_74, %scan3A_71 : i32
      %add3A_76 = arith.constant 1 : i32
      %add3A_77 = arith.addi %mul3A_75, %add3A_76 : i32
      %mul3A_78 = arith.constant 8 : i32
      %mul3A_79 = arith.muli %add3A_77, %mul3A_78 : i32
      %add3A_80 = arith.constant 0 : i32
      %add3A_81 = arith.addi %mul3A_79, %add3A_80 : i32
      %mul3A_82 = arith.constant 64 : i32
      %mul3A_83 = arith.muli %add3A_81, %mul3A_82 : i32
      %dma_start3A_84 = arith.constant 0 : i32
      %dma_start3A_85 = arith.constant 0 : i32
      %dma_start3A_86 = tpu.memref_slice %arg7[%dma_start3A_84, %dma_start3A_85] : memref<400x64xf32, #tpu.memory_space<vmem>> -> memref<50x64xf32, #tpu.memory_space<vmem>>
      %dma_start3A_87 = tpu.memref_slice %arg5[%mul3A_83] : memref<8192xi32, #tpu.memory_space<vmem>> -> memref<50xi32, #tpu.memory_space<vmem>>
      %dma_start3A_88 = arith.constant 0 : i32
      %dma_start3A_89 = arith.constant 0 : i32
      %dma_start3A_90 = tpu.memref_slice %arg3[%dma_start3A_88, %dma_start3A_89] : memref<100000x64xf32, #tpu.memory_space<hbm>> -> memref<100000x64xf32, #tpu.memory_space<hbm>>
      tpu.enqueue_indirect_dma source(%dma_start3A_90 : memref<100000x64xf32, #tpu.memory_space<hbm>>) target(%dma_start3A_86 : memref<50x64xf32, #tpu.memory_space<vmem>>) offsets(%dma_start3A_87 : memref<50xi32, #tpu.memory_space<vmem>>) semaphore(%arg10 : memref<!tpu.dma_semaphore, #tpu.memory_space<semaphore_mem>>)
      %mul3A_91 = arith.constant 8 : i32
      %mul3A_92 = arith.muli %add3A_77, %mul3A_91 : i32
      %add3A_93 = arith.constant 1 : i32
      %add3A_94 = arith.addi %mul3A_92, %add3A_93 : i32
      %mul3A_95 = arith.constant 64 : i32
      %mul3A_96 = arith.muli %add3A_94, %mul3A_95 : i32
      %dma_start3A_97 = arith.constant 50 : i32
      %dma_start3A_98 = arith.constant 0 : i32
      %dma_start3A_99 = tpu.memref_slice %arg7[%dma_start3A_97, %dma_start3A_98] : memref<400x64xf32, #tpu.memory_space<vmem>> -> memref<50x64xf32, #tpu.memory_space<vmem>>
      %dma_start3A_100 = tpu.memref_slice %arg5[%mul3A_96] : memref<8192xi32, #tpu.memory_space<vmem>> -> memref<50xi32, #tpu.memory_space<vmem>>
      %dma_start3A_101 = arith.constant 0 : i32
      %dma_start3A_102 = arith.constant 0 : i32
      %dma_start3A_103 = tpu.memref_slice %arg3[%dma_start3A_101, %dma_start3A_102] : memref<100000x64xf32, #tpu.memory_space<hbm>> -> memref<100000x64xf32, #tpu.memory_space<hbm>>
      tpu.enqueue_indirect_dma source(%dma_start3A_103 : memref<100000x64xf32, #tpu.memory_space<hbm>>) target(%dma_start3A_99 : memref<50x64xf32, #tpu.memory_space<vmem>>) offsets(%dma_start3A_100 : memref<50xi32, #tpu.memory_space<vmem>>) semaphore(%arg10 : memref<!tpu.dma_semaphore, #tpu.memory_space<semaphore_mem>>)
      %mul3A_104 = arith.constant 8 : i32
      %mul3A_105 = arith.muli %add3A_77, %mul3A_104 : i32
      %add3A_106 = arith.constant 2 : i32
      %add3A_107 = arith.addi %mul3A_105, %add3A_106 : i32
      %mul3A_108 = arith.constant 64 : i32
      %mul3A_109 = arith.muli %add3A_107, %mul3A_108 : i32
      %dma_start3A_110 = arith.constant 100 : i32
      %dma_start3A_111 = arith.constant 0 : i32
      %dma_start3A_112 = tpu.memref_slice %arg7[%dma_start3A_110, %dma_start3A_111] : memref<400x64xf32, #tpu.memory_space<vmem>> -> memref<50x64xf32, #tpu.memory_space<vmem>>
      %dma_start3A_113 = tpu.memref_slice %arg5[%mul3A_109] : memref<8192xi32, #tpu.memory_space<vmem>> -> memref<50xi32, #tpu.memory_space<vmem>>
      %dma_start3A_114 = arith.constant 0 : i32
      %dma_start3A_115 = arith.constant 0 : i32
      %dma_start3A_116 = tpu.memref_slice %arg3[%dma_start3A_114, %dma_start3A_115] : memref<100000x64xf32, #tpu.memory_space<hbm>> -> memref<100000x64xf32, #tpu.memory_space<hbm>>
      tpu.enqueue_indirect_dma source(%dma_start3A_116 : memref<100000x64xf32, #tpu.memory_space<hbm>>) target(%dma_start3A_112 : memref<50x64xf32, #tpu.memory_space<vmem>>) offsets(%dma_start3A_113 : memref<50xi32, #tpu.memory_space<vmem>>) semaphore(%arg10 : memref<!tpu.dma_semaphore, #tpu.memory_space<semaphore_mem>>)
      %mul3A_117 = arith.constant 8 : i32
      %mul3A_118 = arith.muli %add3A_77, %mul3A_117 : i32
      %add3A_119 = arith.constant 3 : i32
      %add3A_120 = arith.addi %mul3A_118, %add3A_119 : i32
      %mul3A_121 = arith.constant 64 : i32
      %mul3A_122 = arith.muli %add3A_120, %mul3A_121 : i32
      %dma_start3A_123 = arith.constant 150 : i32
      %dma_start3A_124 = arith.constant 0 : i32
      %dma_start3A_125 = tpu.memref_slice %arg7[%dma_start3A_123, %dma_start3A_124] : memref<400x64xf32, #tpu.memory_space<vmem>> -> memref<50x64xf32, #tpu.memory_space<vmem>>
      %dma_start3A_126 = tpu.memref_slice %arg5[%mul3A_122] : memref<8192xi32, #tpu.memory_space<vmem>> -> memref<50xi32, #tpu.memory_space<vmem>>
      %dma_start3A_127 = arith.constant 0 : i32
      %dma_start3A_128 = arith.constant 0 : i32
      %dma_start3A_129 = tpu.memref_slice %arg3[%dma_start3A_127, %dma_start3A_128] : memref<100000x64xf32, #tpu.memory_space<hbm>> -> memref<100000x64xf32, #tpu.memory_space<hbm>>
      tpu.enqueue_indirect_dma source(%dma_start3A_129 : memref<100000x64xf32, #tpu.memory_space<hbm>>) target(%dma_start3A_125 : memref<50x64xf32, #tpu.memory_space<vmem>>) offsets(%dma_start3A_126 : memref<50xi32, #tpu.memory_space<vmem>>) semaphore(%arg10 : memref<!tpu.dma_semaphore, #tpu.memory_space<semaphore_mem>>)
      %mul3A_130 = arith.constant 8 : i32
      %mul3A_131 = arith.muli %add3A_77, %mul3A_130 : i32
      %add3A_132 = arith.constant 4 : i32
      %add3A_133 = arith.addi %mul3A_131, %add3A_132 : i32
      %mul3A_134 = arith.constant 64 : i32
      %mul3A_135 = arith.muli %add3A_133, %mul3A_134 : i32
      %dma_start3A_136 = arith.constant 200 : i32
      %dma_start3A_137 = arith.constant 0 : i32
      %dma_start3A_138 = tpu.memref_slice %arg7[%dma_start3A_136, %dma_start3A_137] : memref<400x64xf32, #tpu.memory_space<vmem>> -> memref<50x64xf32, #tpu.memory_space<vmem>>
      %dma_start3A_139 = tpu.memref_slice %arg5[%mul3A_135] : memref<8192xi32, #tpu.memory_space<vmem>> -> memref<50xi32, #tpu.memory_space<vmem>>
      %dma_start3A_140 = arith.constant 0 : i32
      %dma_start3A_141 = arith.constant 0 : i32
      %dma_start3A_142 = tpu.memref_slice %arg3[%dma_start3A_140, %dma_start3A_141] : memref<100000x64xf32, #tpu.memory_space<hbm>> -> memref<100000x64xf32, #tpu.memory_space<hbm>>
      tpu.enqueue_indirect_dma source(%dma_start3A_142 : memref<100000x64xf32, #tpu.memory_space<hbm>>) target(%dma_start3A_138 : memref<50x64xf32, #tpu.memory_space<vmem>>) offsets(%dma_start3A_139 : memref<50xi32, #tpu.memory_space<vmem>>) semaphore(%arg10 : memref<!tpu.dma_semaphore, #tpu.memory_space<semaphore_mem>>)
      %mul3A_143 = arith.constant 8 : i32
      %mul3A_144 = arith.muli %add3A_77, %mul3A_143 : i32
      %add3A_145 = arith.constant 5 : i32
      %add3A_146 = arith.addi %mul3A_144, %add3A_145 : i32
      %mul3A_147 = arith.constant 64 : i32
      %mul3A_148 = arith.muli %add3A_146, %mul3A_147 : i32
      %dma_start3A_149 = arith.constant 250 : i32
      %dma_start3A_150 = arith.constant 0 : i32
      %dma_start3A_151 = tpu.memref_slice %arg7[%dma_start3A_149, %dma_start3A_150] : memref<400x64xf32, #tpu.memory_space<vmem>> -> memref<50x64xf32, #tpu.memory_space<vmem>>
      %dma_start3A_152 = tpu.memref_slice %arg5[%mul3A_148] : memref<8192xi32, #tpu.memory_space<vmem>> -> memref<50xi32, #tpu.memory_space<vmem>>
      %dma_start3A_153 = arith.constant 0 : i32
      %dma_start3A_154 = arith.constant 0 : i32
      %dma_start3A_155 = tpu.memref_slice %arg3[%dma_start3A_153, %dma_start3A_154] : memref<100000x64xf32, #tpu.memory_space<hbm>> -> memref<100000x64xf32, #tpu.memory_space<hbm>>
      tpu.enqueue_indirect_dma source(%dma_start3A_155 : memref<100000x64xf32, #tpu.memory_space<hbm>>) target(%dma_start3A_151 : memref<50x64xf32, #tpu.memory_space<vmem>>) offsets(%dma_start3A_152 : memref<50xi32, #tpu.memory_space<vmem>>) semaphore(%arg10 : memref<!tpu.dma_semaphore, #tpu.memory_space<semaphore_mem>>)
      %mul3A_156 = arith.constant 8 : i32
      %mul3A_157 = arith.muli %add3A_77, %mul3A_156 : i32
      %add3A_158 = arith.constant 6 : i32
      %add3A_159 = arith.addi %mul3A_157, %add3A_158 : i32
      %mul3A_160 = arith.constant 64 : i32
      %mul3A_161 = arith.muli %add3A_159, %mul3A_160 : i32
      %dma_start3A_162 = arith.constant 300 : i32
      %dma_start3A_163 = arith.constant 0 : i32
      %dma_start3A_164 = tpu.memref_slice %arg7[%dma_start3A_162, %dma_start3A_163] : memref<400x64xf32, #tpu.memory_space<vmem>> -> memref<50x64xf32, #tpu.memory_space<vmem>>
      %dma_start3A_165 = tpu.memref_slice %arg5[%mul3A_161] : memref<8192xi32, #tpu.memory_space<vmem>> -> memref<50xi32, #tpu.memory_space<vmem>>
      %dma_start3A_166 = arith.constant 0 : i32
      %dma_start3A_167 = arith.constant 0 : i32
      %dma_start3A_168 = tpu.memref_slice %arg3[%dma_start3A_166, %dma_start3A_167] : memref<100000x64xf32, #tpu.memory_space<hbm>> -> memref<100000x64xf32, #tpu.memory_space<hbm>>
      tpu.enqueue_indirect_dma source(%dma_start3A_168 : memref<100000x64xf32, #tpu.memory_space<hbm>>) target(%dma_start3A_164 : memref<50x64xf32, #tpu.memory_space<vmem>>) offsets(%dma_start3A_165 : memref<50xi32, #tpu.memory_space<vmem>>) semaphore(%arg10 : memref<!tpu.dma_semaphore, #tpu.memory_space<semaphore_mem>>)
      %mul3A_169 = arith.constant 8 : i32
      %mul3A_170 = arith.muli %add3A_77, %mul3A_169 : i32
      %add3A_171 = arith.constant 7 : i32
      %add3A_172 = arith.addi %mul3A_170, %add3A_171 : i32
      %mul3A_173 = arith.constant 64 : i32
      %mul3A_174 = arith.muli %add3A_172, %mul3A_173 : i32
      %dma_start3A_175 = arith.constant 350 : i32
      %dma_start3A_176 = arith.constant 0 : i32
      %dma_start3A_177 = tpu.memref_slice %arg7[%dma_start3A_175, %dma_start3A_176] : memref<400x64xf32, #tpu.memory_space<vmem>> -> memref<50x64xf32, #tpu.memory_space<vmem>>
      %dma_start3A_178 = tpu.memref_slice %arg5[%mul3A_174] : memref<8192xi32, #tpu.memory_space<vmem>> -> memref<50xi32, #tpu.memory_space<vmem>>
      %dma_start3A_179 = arith.constant 0 : i32
      %dma_start3A_180 = arith.constant 0 : i32
      %dma_start3A_181 = tpu.memref_slice %arg3[%dma_start3A_179, %dma_start3A_180] : memref<100000x64xf32, #tpu.memory_space<hbm>> -> memref<100000x64xf32, #tpu.memory_space<hbm>>
      tpu.enqueue_indirect_dma source(%dma_start3A_181 : memref<100000x64xf32, #tpu.memory_space<hbm>>) target(%dma_start3A_177 : memref<50x64xf32, #tpu.memory_space<vmem>>) offsets(%dma_start3A_178 : memref<50xi32, #tpu.memory_space<vmem>>) semaphore(%arg10 : memref<!tpu.dma_semaphore, #tpu.memory_space<semaphore_mem>>)
      %dma_wait3A = arith.constant 0 : i32
      %dma_wait3A_182 = arith.constant 0 : i32
      %dma_wait3A_183 = tpu.memref_slice %arg3[%dma_wait3A, %dma_wait3A_182] : memref<100000x64xf32, #tpu.memory_space<hbm>> -> memref<400x64xf32, #tpu.memory_space<hbm>>
      %dma_wait3A_184 = arith.constant 0 : i32
      %dma_wait3A_185 = arith.constant 0 : i32
      %dma_wait3A_186 = tpu.memref_slice %arg3[%dma_wait3A_184, %dma_wait3A_185] : memref<100000x64xf32, #tpu.memory_space<hbm>> -> memref<400x64xf32, #tpu.memory_space<hbm>>
      tpu.wait_dma2 semaphore(%arg9 : memref<!tpu.dma_semaphore, #tpu.memory_space<semaphore_mem>>) src(%dma_wait3A_186 : memref<400x64xf32, #tpu.memory_space<hbm>>) dst(%arg6 : memref<400x64xf32, #tpu.memory_space<vmem>>)
      %broadcast_in_dim3A = arith.constant 0.000000e+00 : f32
      %broadcast_in_dim3A_187 = vector.broadcast %broadcast_in_dim3A : f32 to vector<16xf32>
      %broadcast_in_dim3A_188 = arith.constant 0.000000e+00 : f32
      %broadcast_in_dim3A_189 = vector.broadcast %broadcast_in_dim3A_188 : f32 to vector<16xf32>
      %broadcast_in_dim3A_190 = arith.constant 0.000000e+00 : f32
      %broadcast_in_dim3A_191 = vector.broadcast %broadcast_in_dim3A_190 : f32 to vector<16xf32>
      %broadcast_in_dim3A_192 = arith.constant 0.000000e+00 : f32
      %broadcast_in_dim3A_193 = vector.broadcast %broadcast_in_dim3A_192 : f32 to vector<16xf32>
      %scan3A_194 = arith.constant 0 : i32
      %scan3A_195 = arith.constant 10 : i32
      %scan3A_196 = arith.addi %scan3A_194, %scan3A_195 : i32
      %scan3A_197 = arith.constant 1 : i32
      %scan3A_198:4 = scf.for %scan3A_1005 = %scan3A_194 to %scan3A_196 step %scan3A_197 iter_args(%scan3A_1006 = %broadcast_in_dim3A_187, %scan3A_1007 = %broadcast_in_dim3A_189, %scan3A_1008 = %broadcast_in_dim3A_191, %scan3A_1009 = %broadcast_in_dim3A_193) -> (vector<16xf32>, vector<16xf32>, vector<16xf32>, vector<16xf32>)  : i32 {
        %mul3A_1010 = arith.constant 5 : i32
        %mul3A_1011 = arith.muli %scan3A_1005, %mul3A_1010 : i32
        %add3A_1012 = arith.constant 0 : i32
        %add3A_1013 = arith.addi %add3A_1012, %mul3A_1011 : i32
        %add3A_1014 = arith.constant 0 : i32
        %add3A_1015 = arith.addi %add3A_1013, %add3A_1014 : i32
        %get3A = arith.index_cast %add3A_1015 : i32 to index
        %get3A_1016 = arith.constant 0 : index
        %get3A_1017 = tpu.vector_load %arg6[%get3A, %get3A_1016] {strides = array<i32>} : memref<400x64xf32, #tpu.memory_space<vmem>>, vector<1x16xf32>,
        %get3A_1018 = vector.shape_cast %get3A_1017 : vector<1x16xf32> to vector<16xf32>
        %add3A_1019 = arith.addf %scan3A_1006, %get3A_1018 : vector<16xf32>
        %add3A_1020 = arith.constant 0 : i32
        %add3A_1021 = arith.addi %add3A_1020, %mul3A_1011 : i32
        %add3A_1022 = arith.constant 0 : i32
        %add3A_1023 = arith.addi %add3A_1021, %add3A_1022 : i32
        %get3A_1024 = arith.index_cast %add3A_1023 : i32 to index
        %get3A_1025 = arith.constant 16 : index
        %get3A_1026 = tpu.vector_load %arg6[%get3A_1024, %get3A_1025] {strides = array<i32>} : memref<400x64xf32, #tpu.memory_space<vmem>>, vector<1x16xf32>,
        %get3A_1027 = vector.shape_cast %get3A_1026 : vector<1x16xf32> to vector<16xf32>
        %add3A_1028 = arith.addf %scan3A_1007, %get3A_1027 : vector<16xf32>
        %add3A_1029 = arith.constant 0 : i32
        %add3A_1030 = arith.addi %add3A_1029, %mul3A_1011 : i32
        %add3A_1031 = arith.constant 0 : i32
        %add3A_1032 = arith.addi %add3A_1030, %add3A_1031 : i32
        %get3A_1033 = arith.index_cast %add3A_1032 : i32 to index
        %get3A_1034 = arith.constant 32 : index
        %get3A_1035 = tpu.vector_load %arg6[%get3A_1033, %get3A_1034] {strides = array<i32>} : memref<400x64xf32, #tpu.memory_space<vmem>>, vector<1x16xf32>,
        %get3A_1036 = vector.shape_cast %get3A_1035 : vector<1x16xf32> to vector<16xf32>
        %add3A_1037 = arith.addf %scan3A_1008, %get3A_1036 : vector<16xf32>
        %add3A_1038 = arith.constant 0 : i32
        %add3A_1039 = arith.addi %add3A_1038, %mul3A_1011 : i32
        %add3A_1040 = arith.constant 0 : i32
        %add3A_1041 = arith.addi %add3A_1039, %add3A_1040 : i32
        %get3A_1042 = arith.index_cast %add3A_1041 : i32 to index
        %get3A_1043 = arith.constant 48 : index
        %get3A_1044 = tpu.vector_load %arg6[%get3A_1042, %get3A_1043] {strides = array<i32>} : memref<400x64xf32, #tpu.memory_space<vmem>>, vector<1x16xf32>,
        %get3A_1045 = vector.shape_cast %get3A_1044 : vector<1x16xf32> to vector<16xf32>
        %add3A_1046 = arith.addf %scan3A_1009, %get3A_1045 : vector<16xf32>
        %add3A_1047 = arith.constant 0 : i32
        %add3A_1048 = arith.addi %add3A_1047, %mul3A_1011 : i32
        %add3A_1049 = arith.constant 1 : i32
        %add3A_1050 = arith.addi %add3A_1048, %add3A_1049 : i32
        %get3A_1051 = arith.index_cast %add3A_1050 : i32 to index
        %get3A_1052 = arith.constant 0 : index
        %get3A_1053 = tpu.vector_load %arg6[%get3A_1051, %get3A_1052] {strides = array<i32>} : memref<400x64xf32, #tpu.memory_space<vmem>>, vector<1x16xf32>,
        %get3A_1054 = vector.shape_cast %get3A_1053 : vector<1x16xf32> to vector<16xf32>
        %add3A_1055 = arith.addf %add3A_1019, %get3A_1054 : vector<16xf32>
        %add3A_1056 = arith.constant 0 : i32
        %add3A_1057 = arith.addi %add3A_1056, %mul3A_1011 : i32
        %add3A_1058 = arith.constant 1 : i32
        %add3A_1059 = arith.addi %add3A_1057, %add3A_1058 : i32
        %get3A_1060 = arith.index_cast %add3A_1059 : i32 to index
        %get3A_1061 = arith.constant 16 : index
        %get3A_1062 = tpu.vector_load %arg6[%get3A_1060, %get3A_1061] {strides = array<i32>} : memref<400x64xf32, #tpu.memory_space<vmem>>, vector<1x16xf32>,
        %get3A_1063 = vector.shape_cast %get3A_1062 : vector<1x16xf32> to vector<16xf32>
        %add3A_1064 = arith.addf %add3A_1028, %get3A_1063 : vector<16xf32>
        %add3A_1065 = arith.constant 0 : i32
        %add3A_1066 = arith.addi %add3A_1065, %mul3A_1011 : i32
        %add3A_1067 = arith.constant 1 : i32
        %add3A_1068 = arith.addi %add3A_1066, %add3A_1067 : i32
        %get3A_1069 = arith.index_cast %add3A_1068 : i32 to index
        %get3A_1070 = arith.constant 32 : index
        %get3A_1071 = tpu.vector_load %arg6[%get3A_1069, %get3A_1070] {strides = array<i32>} : memref<400x64xf32, #tpu.memory_space<vmem>>, vector<1x16xf32>,
        %get3A_1072 = vector.shape_cast %get3A_1071 : vector<1x16xf32> to vector<16xf32>
        %add3A_1073 = arith.addf %add3A_1037, %get3A_1072 : vector<16xf32>
        %add3A_1074 = arith.constant 0 : i32
        %add3A_1075 = arith.addi %add3A_1074, %mul3A_1011 : i32
        %add3A_1076 = arith.constant 1 : i32
        %add3A_1077 = arith.addi %add3A_1075, %add3A_1076 : i32
        %get3A_1078 = arith.index_cast %add3A_1077 : i32 to index
        %get3A_1079 = arith.constant 48 : index
        %get3A_1080 = tpu.vector_load %arg6[%get3A_1078, %get3A_1079] {strides = array<i32>} : memref<400x64xf32, #tpu.memory_space<vmem>>, vector<1x16xf32>,
        %get3A_1081 = vector.shape_cast %get3A_1080 : vector<1x16xf32> to vector<16xf32>
        %add3A_1082 = arith.addf %add3A_1046, %get3A_1081 : vector<16xf32>
        %add3A_1083 = arith.constant 0 : i32
        %add3A_1084 = arith.addi %add3A_1083, %mul3A_1011 : i32
        %add3A_1085 = arith.constant 2 : i32
        %add3A_1086 = arith.addi %add3A_1084, %add3A_1085 : i32
        %get3A_1087 = arith.index_cast %add3A_1086 : i32 to index
        %get3A_1088 = arith.constant 0 : index
        %get3A_1089 = tpu.vector_load %arg6[%get3A_1087, %get3A_1088] {strides = array<i32>} : memref<400x64xf32, #tpu.memory_space<vmem>>, vector<1x16xf32>,
        %get3A_1090 = vector.shape_cast %get3A_1089 : vector<1x16xf32> to vector<16xf32>
        %add3A_1091 = arith.addf %add3A_1055, %get3A_1090 : vector<16xf32>
        %add3A_1092 = arith.constant 0 : i32
        %add3A_1093 = arith.addi %add3A_1092, %mul3A_1011 : i32
        %add3A_1094 = arith.constant 2 : i32
        %add3A_1095 = arith.addi %add3A_1093, %add3A_1094 : i32
        %get3A_1096 = arith.index_cast %add3A_1095 : i32 to index
        %get3A_1097 = arith.constant 16 : index
        %get3A_1098 = tpu.vector_load %arg6[%get3A_1096, %get3A_1097] {strides = array<i32>} : memref<400x64xf32, #tpu.memory_space<vmem>>, vector<1x16xf32>,
        %get3A_1099 = vector.shape_cast %get3A_1098 : vector<1x16xf32> to vector<16xf32>
        %add3A_1100 = arith.addf %add3A_1064, %get3A_1099 : vector<16xf32>
        %add3A_1101 = arith.constant 0 : i32
        %add3A_1102 = arith.addi %add3A_1101, %mul3A_1011 : i32
        %add3A_1103 = arith.constant 2 : i32
        %add3A_1104 = arith.addi %add3A_1102, %add3A_1103 : i32
        %get3A_1105 = arith.index_cast %add3A_1104 : i32 to index
        %get3A_1106 = arith.constant 32 : index
        %get3A_1107 = tpu.vector_load %arg6[%get3A_1105, %get3A_1106] {strides = array<i32>} : memref<400x64xf32, #tpu.memory_space<vmem>>, vector<1x16xf32>,
        %get3A_1108 = vector.shape_cast %get3A_1107 : vector<1x16xf32> to vector<16xf32>
        %add3A_1109 = arith.addf %add3A_1073, %get3A_1108 : vector<16xf32>
        %add3A_1110 = arith.constant 0 : i32
        %add3A_1111 = arith.addi %add3A_1110, %mul3A_1011 : i32
        %add3A_1112 = arith.constant 2 : i32
        %add3A_1113 = arith.addi %add3A_1111, %add3A_1112 : i32
        %get3A_1114 = arith.index_cast %add3A_1113 : i32 to index
        %get3A_1115 = arith.constant 48 : index
        %get3A_1116 = tpu.vector_load %arg6[%get3A_1114, %get3A_1115] {strides = array<i32>} : memref<400x64xf32, #tpu.memory_space<vmem>>, vector<1x16xf32>,
        %get3A_1117 = vector.shape_cast %get3A_1116 : vector<1x16xf32> to vector<16xf32>
        %add3A_1118 = arith.addf %add3A_1082, %get3A_1117 : vector<16xf32>
        %add3A_1119 = arith.constant 0 : i32
        %add3A_1120 = arith.addi %add3A_1119, %mul3A_1011 : i32
        %add3A_1121 = arith.constant 3 : i32
        %add3A_1122 = arith.addi %add3A_1120, %add3A_1121 : i32
        %get3A_1123 = arith.index_cast %add3A_1122 : i32 to index
        %get3A_1124 = arith.constant 0 : index
        %get3A_1125 = tpu.vector_load %arg6[%get3A_1123, %get3A_1124] {strides = array<i32>} : memref<400x64xf32, #tpu.memory_space<vmem>>, vector<1x16xf32>,
        %get3A_1126 = vector.shape_cast %get3A_1125 : vector<1x16xf32> to vector<16xf32>
        %add3A_1127 = arith.addf %add3A_1091, %get3A_1126 : vector<16xf32>
        %add3A_1128 = arith.constant 0 : i32
        %add3A_1129 = arith.addi %add3A_1128, %mul3A_1011 : i32
        %add3A_1130 = arith.constant 3 : i32
        %add3A_1131 = arith.addi %add3A_1129, %add3A_1130 : i32
        %get3A_1132 = arith.index_cast %add3A_1131 : i32 to index
        %get3A_1133 = arith.constant 16 : index
        %get3A_1134 = tpu.vector_load %arg6[%get3A_1132, %get3A_1133] {strides = array<i32>} : memref<400x64xf32, #tpu.memory_space<vmem>>, vector<1x16xf32>,
        %get3A_1135 = vector.shape_cast %get3A_1134 : vector<1x16xf32> to vector<16xf32>
        %add3A_1136 = arith.addf %add3A_1100, %get3A_1135 : vector<16xf32>
        %add3A_1137 = arith.constant 0 : i32
        %add3A_1138 = arith.addi %add3A_1137, %mul3A_1011 : i32
        %add3A_1139 = arith.constant 3 : i32
        %add3A_1140 = arith.addi %add3A_1138, %add3A_1139 : i32
        %get3A_1141 = arith.index_cast %add3A_1140 : i32 to index
        %get3A_1142 = arith.constant 32 : index
        %get3A_1143 = tpu.vector_load %arg6[%get3A_1141, %get3A_1142] {strides = array<i32>} : memref<400x64xf32, #tpu.memory_space<vmem>>, vector<1x16xf32>,
        %get3A_1144 = vector.shape_cast %get3A_1143 : vector<1x16xf32> to vector<16xf32>
        %add3A_1145 = arith.addf %add3A_1109, %get3A_1144 : vector<16xf32>
        %add3A_1146 = arith.constant 0 : i32
        %add3A_1147 = arith.addi %add3A_1146, %mul3A_1011 : i32
        %add3A_1148 = arith.constant 3 : i32
        %add3A_1149 = arith.addi %add3A_1147, %add3A_1148 : i32
        %get3A_1150 = arith.index_cast %add3A_1149 : i32 to index
        %get3A_1151 = arith.constant 48 : index
        %get3A_1152 = tpu.vector_load %arg6[%get3A_1150, %get3A_1151] {strides = array<i32>} : memref<400x64xf32, #tpu.memory_space<vmem>>, vector<1x16xf32>,
        %get3A_1153 = vector.shape_cast %get3A_1152 : vector<1x16xf32> to vector<16xf32>
        %add3A_1154 = arith.addf %add3A_1118, %get3A_1153 : vector<16xf32>
        %add3A_1155 = arith.constant 0 : i32
        %add3A_1156 = arith.addi %add3A_1155, %mul3A_1011 : i32
        %add3A_1157 = arith.constant 4 : i32
        %add3A_1158 = arith.addi %add3A_1156, %add3A_1157 : i32
        %get3A_1159 = arith.index_cast %add3A_1158 : i32 to index
        %get3A_1160 = arith.constant 0 : index
        %get3A_1161 = tpu.vector_load %arg6[%get3A_1159, %get3A_1160] {strides = array<i32>} : memref<400x64xf32, #tpu.memory_space<vmem>>, vector<1x16xf32>,
        %get3A_1162 = vector.shape_cast %get3A_1161 : vector<1x16xf32> to vector<16xf32>
        %add3A_1163 = arith.addf %add3A_1127, %get3A_1162 : vector<16xf32>
        %add3A_1164 = arith.constant 0 : i32
        %add3A_1165 = arith.addi %add3A_1164, %mul3A_1011 : i32
        %add3A_1166 = arith.constant 4 : i32
        %add3A_1167 = arith.addi %add3A_1165, %add3A_1166 : i32
        %get3A_1168 = arith.index_cast %add3A_1167 : i32 to index
        %get3A_1169 = arith.constant 16 : index
        %get3A_1170 = tpu.vector_load %arg6[%get3A_1168, %get3A_1169] {strides = array<i32>} : memref<400x64xf32, #tpu.memory_space<vmem>>, vector<1x16xf32>,
        %get3A_1171 = vector.shape_cast %get3A_1170 : vector<1x16xf32> to vector<16xf32>
        %add3A_1172 = arith.addf %add3A_1136, %get3A_1171 : vector<16xf32>
        %add3A_1173 = arith.constant 0 : i32
        %add3A_1174 = arith.addi %add3A_1173, %mul3A_1011 : i32
        %add3A_1175 = arith.constant 4 : i32
        %add3A_1176 = arith.addi %add3A_1174, %add3A_1175 : i32
        %get3A_1177 = arith.index_cast %add3A_1176 : i32 to index
        %get3A_1178 = arith.constant 32 : index
        %get3A_1179 = tpu.vector_load %arg6[%get3A_1177, %get3A_1178] {strides = array<i32>} : memref<400x64xf32, #tpu.memory_space<vmem>>, vector<1x16xf32>,
        %get3A_1180 = vector.shape_cast %get3A_1179 : vector<1x16xf32> to vector<16xf32>
        %add3A_1181 = arith.addf %add3A_1145, %get3A_1180 : vector<16xf32>
        %add3A_1182 = arith.constant 0 : i32
        %add3A_1183 = arith.addi %add3A_1182, %mul3A_1011 : i32
        %add3A_1184 = arith.constant 4 : i32
        %add3A_1185 = arith.addi %add3A_1183, %add3A_1184 : i32
        %get3A_1186 = arith.index_cast %add3A_1185 : i32 to index
        %get3A_1187 = arith.constant 48 : index
        %get3A_1188 = tpu.vector_load %arg6[%get3A_1186, %get3A_1187] {strides = array<i32>} : memref<400x64xf32, #tpu.memory_space<vmem>>, vector<1x16xf32>,
        %get3A_1189 = vector.shape_cast %get3A_1188 : vector<1x16xf32> to vector<16xf32>
        %add3A_1190 = arith.addf %add3A_1154, %get3A_1189 : vector<16xf32>
        scf.yield %add3A_1163, %add3A_1172, %add3A_1181, %add3A_1190 : vector<16xf32>, vector<16xf32>, vector<16xf32>, vector<16xf32>
      }
      %scan3A_199 = arith.constant 10 : i32
      %mul3A_200 = arith.constant 2.000000e-02 : f32
      %mul3A_201 = vector.broadcast %mul3A_200 : f32 to vector<16xf32>
      %mul3A_202 = arith.mulf %scan3A_198#0, %mul3A_201 : vector<16xf32>
      %swap3A = arith.constant 0 : i32
      %swap3A_203 = arith.index_cast %swap3A : i32 to index
      %swap3A_204 = arith.constant 0 : index
      %swap3A_205 = tpu.vector_load %arg8[%swap3A_203, %swap3A_204] {strides = array<i32>} : memref<8x64xf32, #tpu.memory_space<vmem>>, vector<1x16xf32>,
      %swap3A_206 = vector.shape_cast %swap3A_205 : vector<1x16xf32> to vector<16xf32>
      %swap3A_207 = vector.shape_cast %mul3A_202 : vector<16xf32> to vector<1x16xf32>
      tpu.vector_store %arg8[%swap3A_203, %swap3A_204], %swap3A_207 {strides = array<i32>} : memref<8x64xf32, #tpu.memory_space<vmem>>, vector<1x16xf32>,
      %mul3A_208 = arith.constant 2.000000e-02 : f32
      %mul3A_209 = vector.broadcast %mul3A_208 : f32 to vector<16xf32>
      %mul3A_210 = arith.mulf %scan3A_198#1, %mul3A_209 : vector<16xf32>
      %swap3A_211 = arith.constant 0 : i32
      %swap3A_212 = arith.index_cast %swap3A_211 : i32 to index
      %swap3A_213 = arith.constant 16 : index
      %swap3A_214 = tpu.vector_load %arg8[%swap3A_212, %swap3A_213] {strides = array<i32>} : memref<8x64xf32, #tpu.memory_space<vmem>>, vector<1x16xf32>,
      %swap3A_215 = vector.shape_cast %swap3A_214 : vector<1x16xf32> to vector<16xf32>
      %swap3A_216 = vector.shape_cast %mul3A_210 : vector<16xf32> to vector<1x16xf32>
      tpu.vector_store %arg8[%swap3A_212, %swap3A_213], %swap3A_216 {strides = array<i32>} : memref<8x64xf32, #tpu.memory_space<vmem>>, vector<1x16xf32>,
      %mul3A_217 = arith.constant 2.000000e-02 : f32
      %mul3A_218 = vector.broadcast %mul3A_217 : f32 to vector<16xf32>
      %mul3A_219 = arith.mulf %scan3A_198#2, %mul3A_218 : vector<16xf32>
      %swap3A_220 = arith.constant 0 : i32
      %swap3A_221 = arith.index_cast %swap3A_220 : i32 to index
      %swap3A_222 = arith.constant 32 : index
      %swap3A_223 = tpu.vector_load %arg8[%swap3A_221, %swap3A_222] {strides = array<i32>} : memref<8x64xf32, #tpu.memory_space<vmem>>, vector<1x16xf32>,
      %swap3A_224 = vector.shape_cast %swap3A_223 : vector<1x16xf32> to vector<16xf32>
      %swap3A_225 = vector.shape_cast %mul3A_219 : vector<16xf32> to vector<1x16xf32>
      tpu.vector_store %arg8[%swap3A_221, %swap3A_222], %swap3A_225 {strides = array<i32>} : memref<8x64xf32, #tpu.memory_space<vmem>>, vector<1x16xf32>,
      %mul3A_226 = arith.constant 2.000000e-02 : f32
      %mul3A_227 = vector.broadcast %mul3A_226 : f32 to vector<16xf32>
      %mul3A_228 = arith.mulf %scan3A_198#3, %mul3A_227 : vector<16xf32>
      %swap3A_229 = arith.constant 0 : i32
      %swap3A_230 = arith.index_cast %swap3A_229 : i32 to index
      %swap3A_231 = arith.constant 48 : index
      %swap3A_232 = tpu.vector_load %arg8[%swap3A_230, %swap3A_231] {strides = array<i32>} : memref<8x64xf32, #tpu.memory_space<vmem>>, vector<1x16xf32>,
      %swap3A_233 = vector.shape_cast %swap3A_232 : vector<1x16xf32> to vector<16xf32>
      %swap3A_234 = vector.shape_cast %mul3A_228 : vector<16xf32> to vector<1x16xf32>
      tpu.vector_store %arg8[%swap3A_230, %swap3A_231], %swap3A_234 {strides = array<i32>} : memref<8x64xf32, #tpu.memory_space<vmem>>, vector<1x16xf32>,
      %broadcast_in_dim3A_235 = arith.constant 0.000000e+00 : f32
      %broadcast_in_dim3A_236 = vector.broadcast %broadcast_in_dim3A_235 : f32 to vector<16xf32>
      %broadcast_in_dim3A_237 = arith.constant 0.000000e+00 : f32
      %broadcast_in_dim3A_238 = vector.broadcast %broadcast_in_dim3A_237 : f32 to vector<16xf32>
      %broadcast_in_dim3A_239 = arith.constant 0.000000e+00 : f32
      %broadcast_in_dim3A_240 = vector.broadcast %broadcast_in_dim3A_239 : f32 to vector<16xf32>
      %broadcast_in_dim3A_241 = arith.constant 0.000000e+00 : f32
      %broadcast_in_dim3A_242 = vector.broadcast %broadcast_in_dim3A_241 : f32 to vector<16xf32>
      %scan3A_243 = arith.constant 0 : i32
      %scan3A_244 = arith.constant 10 : i32
      %scan3A_245 = arith.addi %scan3A_243, %scan3A_244 : i32
      %scan3A_246 = arith.constant 1 : i32
      %scan3A_247:4 = scf.for %scan3A_1005 = %scan3A_243 to %scan3A_245 step %scan3A_246 iter_args(%scan3A_1006 = %broadcast_in_dim3A_236, %scan3A_1007 = %broadcast_in_dim3A_238, %scan3A_1008 = %broadcast_in_dim3A_240, %scan3A_1009 = %broadcast_in_dim3A_242) -> (vector<16xf32>, vector<16xf32>, vector<16xf32>, vector<16xf32>)  : i32 {
        %mul3A_1010 = arith.constant 5 : i32
        %mul3A_1011 = arith.muli %scan3A_1005, %mul3A_1010 : i32
        %add3A_1012 = arith.constant 50 : i32
        %add3A_1013 = arith.addi %add3A_1012, %mul3A_1011 : i32
        %add3A_1014 = arith.constant 0 : i32
        %add3A_1015 = arith.addi %add3A_1013, %add3A_1014 : i32
        %get3A = arith.index_cast %add3A_1015 : i32 to index
        %get3A_1016 = arith.constant 0 : index
        %get3A_1017 = tpu.vector_load %arg6[%get3A, %get3A_1016] {strides = array<i32>} : memref<400x64xf32, #tpu.memory_space<vmem>>, vector<1x16xf32>,
        %get3A_1018 = vector.shape_cast %get3A_1017 : vector<1x16xf32> to vector<16xf32>
        %add3A_1019 = arith.addf %scan3A_1006, %get3A_1018 : vector<16xf32>
        %add3A_1020 = arith.constant 50 : i32
        %add3A_1021 = arith.addi %add3A_1020, %mul3A_1011 : i32
        %add3A_1022 = arith.constant 0 : i32
        %add3A_1023 = arith.addi %add3A_1021, %add3A_1022 : i32
        %get3A_1024 = arith.index_cast %add3A_1023 : i32 to index
        %get3A_1025 = arith.constant 16 : index
        %get3A_1026 = tpu.vector_load %arg6[%get3A_1024, %get3A_1025] {strides = array<i32>} : memref<400x64xf32, #tpu.memory_space<vmem>>, vector<1x16xf32>,
        %get3A_1027 = vector.shape_cast %get3A_1026 : vector<1x16xf32> to vector<16xf32>
        %add3A_1028 = arith.addf %scan3A_1007, %get3A_1027 : vector<16xf32>
        %add3A_1029 = arith.constant 50 : i32
        %add3A_1030 = arith.addi %add3A_1029, %mul3A_1011 : i32
        %add3A_1031 = arith.constant 0 : i32
        %add3A_1032 = arith.addi %add3A_1030, %add3A_1031 : i32
        %get3A_1033 = arith.index_cast %add3A_1032 : i32 to index
        %get3A_1034 = arith.constant 32 : index
        %get3A_1035 = tpu.vector_load %arg6[%get3A_1033, %get3A_1034] {strides = array<i32>} : memref<400x64xf32, #tpu.memory_space<vmem>>, vector<1x16xf32>,
        %get3A_1036 = vector.shape_cast %get3A_1035 : vector<1x16xf32> to vector<16xf32>
        %add3A_1037 = arith.addf %scan3A_1008, %get3A_1036 : vector<16xf32>
        %add3A_1038 = arith.constant 50 : i32
        %add3A_1039 = arith.addi %add3A_1038, %mul3A_1011 : i32
        %add3A_1040 = arith.constant 0 : i32
        %add3A_1041 = arith.addi %add3A_1039, %add3A_1040 : i32
        %get3A_1042 = arith.index_cast %add3A_1041 : i32 to index
        %get3A_1043 = arith.constant 48 : index
        %get3A_1044 = tpu.vector_load %arg6[%get3A_1042, %get3A_1043] {strides = array<i32>} : memref<400x64xf32, #tpu.memory_space<vmem>>, vector<1x16xf32>,
        %get3A_1045 = vector.shape_cast %get3A_1044 : vector<1x16xf32> to vector<16xf32>
        %add3A_1046 = arith.addf %scan3A_1009, %get3A_1045 : vector<16xf32>
        %add3A_1047 = arith.constant 50 : i32
        %add3A_1048 = arith.addi %add3A_1047, %mul3A_1011 : i32
        %add3A_1049 = arith.constant 1 : i32
        %add3A_1050 = arith.addi %add3A_1048, %add3A_1049 : i32
        %get3A_1051 = arith.index_cast %add3A_1050 : i32 to index
        %get3A_1052 = arith.constant 0 : index
        %get3A_1053 = tpu.vector_load %arg6[%get3A_1051, %get3A_1052] {strides = array<i32>} : memref<400x64xf32, #tpu.memory_space<vmem>>, vector<1x16xf32>,
        %get3A_1054 = vector.shape_cast %get3A_1053 : vector<1x16xf32> to vector<16xf32>
        %add3A_1055 = arith.addf %add3A_1019, %get3A_1054 : vector<16xf32>
        %add3A_1056 = arith.constant 50 : i32
        %add3A_1057 = arith.addi %add3A_1056, %mul3A_1011 : i32
        %add3A_1058 = arith.constant 1 : i32
        %add3A_1059 = arith.addi %add3A_1057, %add3A_1058 : i32
        %get3A_1060 = arith.index_cast %add3A_1059 : i32 to index
        %get3A_1061 = arith.constant 16 : index
        %get3A_1062 = tpu.vector_load %arg6[%get3A_1060, %get3A_1061] {strides = array<i32>} : memref<400x64xf32, #tpu.memory_space<vmem>>, vector<1x16xf32>,
        %get3A_1063 = vector.shape_cast %get3A_1062 : vector<1x16xf32> to vector<16xf32>
        %add3A_1064 = arith.addf %add3A_1028, %get3A_1063 : vector<16xf32>
        %add3A_1065 = arith.constant 50 : i32
        %add3A_1066 = arith.addi %add3A_1065, %mul3A_1011 : i32
        %add3A_1067 = arith.constant 1 : i32
        %add3A_1068 = arith.addi %add3A_1066, %add3A_1067 : i32
        %get3A_1069 = arith.index_cast %add3A_1068 : i32 to index
        %get3A_1070 = arith.constant 32 : index
        %get3A_1071 = tpu.vector_load %arg6[%get3A_1069, %get3A_1070] {strides = array<i32>} : memref<400x64xf32, #tpu.memory_space<vmem>>, vector<1x16xf32>,
        %get3A_1072 = vector.shape_cast %get3A_1071 : vector<1x16xf32> to vector<16xf32>
        %add3A_1073 = arith.addf %add3A_1037, %get3A_1072 : vector<16xf32>
        %add3A_1074 = arith.constant 50 : i32
        %add3A_1075 = arith.addi %add3A_1074, %mul3A_1011 : i32
        %add3A_1076 = arith.constant 1 : i32
        %add3A_1077 = arith.addi %add3A_1075, %add3A_1076 : i32
        %get3A_1078 = arith.index_cast %add3A_1077 : i32 to index
        %get3A_1079 = arith.constant 48 : index
        %get3A_1080 = tpu.vector_load %arg6[%get3A_1078, %get3A_1079] {strides = array<i32>} : memref<400x64xf32, #tpu.memory_space<vmem>>, vector<1x16xf32>,
        %get3A_1081 = vector.shape_cast %get3A_1080 : vector<1x16xf32> to vector<16xf32>
        %add3A_1082 = arith.addf %add3A_1046, %get3A_1081 : vector<16xf32>
        %add3A_1083 = arith.constant 50 : i32
        %add3A_1084 = arith.addi %add3A_1083, %mul3A_1011 : i32
        %add3A_1085 = arith.constant 2 : i32
        %add3A_1086 = arith.addi %add3A_1084, %add3A_1085 : i32
        %get3A_1087 = arith.index_cast %add3A_1086 : i32 to index
        %get3A_1088 = arith.constant 0 : index
        %get3A_1089 = tpu.vector_load %arg6[%get3A_1087, %get3A_1088] {strides = array<i32>} : memref<400x64xf32, #tpu.memory_space<vmem>>, vector<1x16xf32>,
        %get3A_1090 = vector.shape_cast %get3A_1089 : vector<1x16xf32> to vector<16xf32>
        %add3A_1091 = arith.addf %add3A_1055, %get3A_1090 : vector<16xf32>
        %add3A_1092 = arith.constant 50 : i32
        %add3A_1093 = arith.addi %add3A_1092, %mul3A_1011 : i32
        %add3A_1094 = arith.constant 2 : i32
        %add3A_1095 = arith.addi %add3A_1093, %add3A_1094 : i32
        %get3A_1096 = arith.index_cast %add3A_1095 : i32 to index
        %get3A_1097 = arith.constant 16 : index
        %get3A_1098 = tpu.vector_load %arg6[%get3A_1096, %get3A_1097] {strides = array<i32>} : memref<400x64xf32, #tpu.memory_space<vmem>>, vector<1x16xf32>,
        %get3A_1099 = vector.shape_cast %get3A_1098 : vector<1x16xf32> to vector<16xf32>
        %add3A_1100 = arith.addf %add3A_1064, %get3A_1099 : vector<16xf32>
        %add3A_1101 = arith.constant 50 : i32
        %add3A_1102 = arith.addi %add3A_1101, %mul3A_1011 : i32
        %add3A_1103 = arith.constant 2 : i32
        %add3A_1104 = arith.addi %add3A_1102, %add3A_1103 : i32
        %get3A_1105 = arith.index_cast %add3A_1104 : i32 to index
        %get3A_1106 = arith.constant 32 : index
        %get3A_1107 = tpu.vector_load %arg6[%get3A_1105, %get3A_1106] {strides = array<i32>} : memref<400x64xf32, #tpu.memory_space<vmem>>, vector<1x16xf32>,
        %get3A_1108 = vector.shape_cast %get3A_1107 : vector<1x16xf32> to vector<16xf32>
        %add3A_1109 = arith.addf %add3A_1073, %get3A_1108 : vector<16xf32>
        %add3A_1110 = arith.constant 50 : i32
        %add3A_1111 = arith.addi %add3A_1110, %mul3A_1011 : i32
        %add3A_1112 = arith.constant 2 : i32
        %add3A_1113 = arith.addi %add3A_1111, %add3A_1112 : i32
        %get3A_1114 = arith.index_cast %add3A_1113 : i32 to index
        %get3A_1115 = arith.constant 48 : index
        %get3A_1116 = tpu.vector_load %arg6[%get3A_1114, %get3A_1115] {strides = array<i32>} : memref<400x64xf32, #tpu.memory_space<vmem>>, vector<1x16xf32>,
        %get3A_1117 = vector.shape_cast %get3A_1116 : vector<1x16xf32> to vector<16xf32>
        %add3A_1118 = arith.addf %add3A_1082, %get3A_1117 : vector<16xf32>
        %add3A_1119 = arith.constant 50 : i32
        %add3A_1120 = arith.addi %add3A_1119, %mul3A_1011 : i32
        %add3A_1121 = arith.constant 3 : i32
        %add3A_1122 = arith.addi %add3A_1120, %add3A_1121 : i32
        %get3A_1123 = arith.index_cast %add3A_1122 : i32 to index
        %get3A_1124 = arith.constant 0 : index
        %get3A_1125 = tpu.vector_load %arg6[%get3A_1123, %get3A_1124] {strides = array<i32>} : memref<400x64xf32, #tpu.memory_space<vmem>>, vector<1x16xf32>,
        %get3A_1126 = vector.shape_cast %get3A_1125 : vector<1x16xf32> to vector<16xf32>
        %add3A_1127 = arith.addf %add3A_1091, %get3A_1126 : vector<16xf32>
        %add3A_1128 = arith.constant 50 : i32
        %add3A_1129 = arith.addi %add3A_1128, %mul3A_1011 : i32
        %add3A_1130 = arith.constant 3 : i32
        %add3A_1131 = arith.addi %add3A_1129, %add3A_1130 : i32
        %get3A_1132 = arith.index_cast %add3A_1131 : i32 to index
        %get3A_1133 = arith.constant 16 : index
        %get3A_1134 = tpu.vector_load %arg6[%get3A_1132, %get3A_1133] {strides = array<i32>} : memref<400x64xf32, #tpu.memory_space<vmem>>, vector<1x16xf32>,
        %get3A_1135 = vector.shape_cast %get3A_1134 : vector<1x16xf32> to vector<16xf32>
        %add3A_1136 = arith.addf %add3A_1100, %get3A_1135 : vector<16xf32>
        %add3A_1137 = arith.constant 50 : i32
        %add3A_1138 = arith.addi %add3A_1137, %mul3A_1011 : i32
        %add3A_1139 = arith.constant 3 : i32
        %add3A_1140 = arith.addi %add3A_1138, %add3A_1139 : i32
        %get3A_1141 = arith.index_cast %add3A_1140 : i32 to index
        %get3A_1142 = arith.constant 32 : index
        %get3A_1143 = tpu.vector_load %arg6[%get3A_1141, %get3A_1142] {strides = array<i32>} : memref<400x64xf32, #tpu.memory_space<vmem>>, vector<1x16xf32>,
        %get3A_1144 = vector.shape_cast %get3A_1143 : vector<1x16xf32> to vector<16xf32>
        %add3A_1145 = arith.addf %add3A_1109, %get3A_1144 : vector<16xf32>
        %add3A_1146 = arith.constant 50 : i32
        %add3A_1147 = arith.addi %add3A_1146, %mul3A_1011 : i32
        %add3A_1148 = arith.constant 3 : i32
        %add3A_1149 = arith.addi %add3A_1147, %add3A_1148 : i32
        %get3A_1150 = arith.index_cast %add3A_1149 : i32 to index
        %get3A_1151 = arith.constant 48 : index
        %get3A_1152 = tpu.vector_load %arg6[%get3A_1150, %get3A_1151] {strides = array<i32>} : memref<400x64xf32, #tpu.memory_space<vmem>>, vector<1x16xf32>,
        %get3A_1153 = vector.shape_cast %get3A_1152 : vector<1x16xf32> to vector<16xf32>
        %add3A_1154 = arith.addf %add3A_1118, %get3A_1153 : vector<16xf32>
        %add3A_1155 = arith.constant 50 : i32
        %add3A_1156 = arith.addi %add3A_1155, %mul3A_1011 : i32
        %add3A_1157 = arith.constant 4 : i32
        %add3A_1158 = arith.addi %add3A_1156, %add3A_1157 : i32
        %get3A_1159 = arith.index_cast %add3A_1158 : i32 to index
        %get3A_1160 = arith.constant 0 : index
        %get3A_1161 = tpu.vector_load %arg6[%get3A_1159, %get3A_1160] {strides = array<i32>} : memref<400x64xf32, #tpu.memory_space<vmem>>, vector<1x16xf32>,
        %get3A_1162 = vector.shape_cast %get3A_1161 : vector<1x16xf32> to vector<16xf32>
        %add3A_1163 = arith.addf %add3A_1127, %get3A_1162 : vector<16xf32>
        %add3A_1164 = arith.constant 50 : i32
        %add3A_1165 = arith.addi %add3A_1164, %mul3A_1011 : i32
        %add3A_1166 = arith.constant 4 : i32
        %add3A_1167 = arith.addi %add3A_1165, %add3A_1166 : i32
        %get3A_1168 = arith.index_cast %add3A_1167 : i32 to index
        %get3A_1169 = arith.constant 16 : index
        %get3A_1170 = tpu.vector_load %arg6[%get3A_1168, %get3A_1169] {strides = array<i32>} : memref<400x64xf32, #tpu.memory_space<vmem>>, vector<1x16xf32>,
        %get3A_1171 = vector.shape_cast %get3A_1170 : vector<1x16xf32> to vector<16xf32>
        %add3A_1172 = arith.addf %add3A_1136, %get3A_1171 : vector<16xf32>
        %add3A_1173 = arith.constant 50 : i32
        %add3A_1174 = arith.addi %add3A_1173, %mul3A_1011 : i32
        %add3A_1175 = arith.constant 4 : i32
        %add3A_1176 = arith.addi %add3A_1174, %add3A_1175 : i32
        %get3A_1177 = arith.index_cast %add3A_1176 : i32 to index
        %get3A_1178 = arith.constant 32 : index
        %get3A_1179 = tpu.vector_load %arg6[%get3A_1177, %get3A_1178] {strides = array<i32>} : memref<400x64xf32, #tpu.memory_space<vmem>>, vector<1x16xf32>,
        %get3A_1180 = vector.shape_cast %get3A_1179 : vector<1x16xf32> to vector<16xf32>
        %add3A_1181 = arith.addf %add3A_1145, %get3A_1180 : vector<16xf32>
        %add3A_1182 = arith.constant 50 : i32
        %add3A_1183 = arith.addi %add3A_1182, %mul3A_1011 : i32
        %add3A_1184 = arith.constant 4 : i32
        %add3A_1185 = arith.addi %add3A_1183, %add3A_1184 : i32
        %get3A_1186 = arith.index_cast %add3A_1185 : i32 to index
        %get3A_1187 = arith.constant 48 : index
        %get3A_1188 = tpu.vector_load %arg6[%get3A_1186, %get3A_1187] {strides = array<i32>} : memref<400x64xf32, #tpu.memory_space<vmem>>, vector<1x16xf32>,
        %get3A_1189 = vector.shape_cast %get3A_1188 : vector<1x16xf32> to vector<16xf32>
        %add3A_1190 = arith.addf %add3A_1154, %get3A_1189 : vector<16xf32>
        scf.yield %add3A_1163, %add3A_1172, %add3A_1181, %add3A_1190 : vector<16xf32>, vector<16xf32>, vector<16xf32>, vector<16xf32>
      }
      %scan3A_248 = arith.constant 10 : i32
      %mul3A_249 = arith.constant 2.000000e-02 : f32
      %mul3A_250 = vector.broadcast %mul3A_249 : f32 to vector<16xf32>
      %mul3A_251 = arith.mulf %scan3A_247#0, %mul3A_250 : vector<16xf32>
      %swap3A_252 = arith.constant 1 : i32
      %swap3A_253 = arith.index_cast %swap3A_252 : i32 to index
      %swap3A_254 = arith.constant 0 : index
      %swap3A_255 = tpu.vector_load %arg8[%swap3A_253, %swap3A_254] {strides = array<i32>} : memref<8x64xf32, #tpu.memory_space<vmem>>, vector<1x16xf32>,
      %swap3A_256 = vector.shape_cast %swap3A_255 : vector<1x16xf32> to vector<16xf32>
      %swap3A_257 = vector.shape_cast %mul3A_251 : vector<16xf32> to vector<1x16xf32>
      tpu.vector_store %arg8[%swap3A_253, %swap3A_254], %swap3A_257 {strides = array<i32>} : memref<8x64xf32, #tpu.memory_space<vmem>>, vector<1x16xf32>,
      %mul3A_258 = arith.constant 2.000000e-02 : f32
      %mul3A_259 = vector.broadcast %mul3A_258 : f32 to vector<16xf32>
      %mul3A_260 = arith.mulf %scan3A_247#1, %mul3A_259 : vector<16xf32>
      %swap3A_261 = arith.constant 1 : i32
      %swap3A_262 = arith.index_cast %swap3A_261 : i32 to index
      %swap3A_263 = arith.constant 16 : index
      %swap3A_264 = tpu.vector_load %arg8[%swap3A_262, %swap3A_263] {strides = array<i32>} : memref<8x64xf32, #tpu.memory_space<vmem>>, vector<1x16xf32>,
      %swap3A_265 = vector.shape_cast %swap3A_264 : vector<1x16xf32> to vector<16xf32>
      %swap3A_266 = vector.shape_cast %mul3A_260 : vector<16xf32> to vector<1x16xf32>
      tpu.vector_store %arg8[%swap3A_262, %swap3A_263], %swap3A_266 {strides = array<i32>} : memref<8x64xf32, #tpu.memory_space<vmem>>, vector<1x16xf32>,
      %mul3A_267 = arith.constant 2.000000e-02 : f32
      %mul3A_268 = vector.broadcast %mul3A_267 : f32 to vector<16xf32>
      %mul3A_269 = arith.mulf %scan3A_247#2, %mul3A_268 : vector<16xf32>
      %swap3A_270 = arith.constant 1 : i32
      %swap3A_271 = arith.index_cast %swap3A_270 : i32 to index
      %swap3A_272 = arith.constant 32 : index
      %swap3A_273 = tpu.vector_load %arg8[%swap3A_271, %swap3A_272] {strides = array<i32>} : memref<8x64xf32, #tpu.memory_space<vmem>>, vector<1x16xf32>,
      %swap3A_274 = vector.shape_cast %swap3A_273 : vector<1x16xf32> to vector<16xf32>
      %swap3A_275 = vector.shape_cast %mul3A_269 : vector<16xf32> to vector<1x16xf32>
      tpu.vector_store %arg8[%swap3A_271, %swap3A_272], %swap3A_275 {strides = array<i32>} : memref<8x64xf32, #tpu.memory_space<vmem>>, vector<1x16xf32>,
      %mul3A_276 = arith.constant 2.000000e-02 : f32
      %mul3A_277 = vector.broadcast %mul3A_276 : f32 to vector<16xf32>
      %mul3A_278 = arith.mulf %scan3A_247#3, %mul3A_277 : vector<16xf32>
      %swap3A_279 = arith.constant 1 : i32
      %swap3A_280 = arith.index_cast %swap3A_279 : i32 to index
      %swap3A_281 = arith.constant 48 : index
      %swap3A_282 = tpu.vector_load %arg8[%swap3A_280, %swap3A_281] {strides = array<i32>} : memref<8x64xf32, #tpu.memory_space<vmem>>, vector<1x16xf32>,
      %swap3A_283 = vector.shape_cast %swap3A_282 : vector<1x16xf32> to vector<16xf32>
      %swap3A_284 = vector.shape_cast %mul3A_278 : vector<16xf32> to vector<1x16xf32>
      tpu.vector_store %arg8[%swap3A_280, %swap3A_281], %swap3A_284 {strides = array<i32>} : memref<8x64xf32, #tpu.memory_space<vmem>>, vector<1x16xf32>,
      %broadcast_in_dim3A_285 = arith.constant 0.000000e+00 : f32
      %broadcast_in_dim3A_286 = vector.broadcast %broadcast_in_dim3A_285 : f32 to vector<16xf32>
      %broadcast_in_dim3A_287 = arith.constant 0.000000e+00 : f32
      %broadcast_in_dim3A_288 = vector.broadcast %broadcast_in_dim3A_287 : f32 to vector<16xf32>
      %broadcast_in_dim3A_289 = arith.constant 0.000000e+00 : f32
      %broadcast_in_dim3A_290 = vector.broadcast %broadcast_in_dim3A_289 : f32 to vector<16xf32>
      %broadcast_in_dim3A_291 = arith.constant 0.000000e+00 : f32
      %broadcast_in_dim3A_292 = vector.broadcast %broadcast_in_dim3A_291 : f32 to vector<16xf32>
      %scan3A_293 = arith.constant 0 : i32
      %scan3A_294 = arith.constant 10 : i32
      %scan3A_295 = arith.addi %scan3A_293, %scan3A_294 : i32
      %scan3A_296 = arith.constant 1 : i32
      %scan3A_297:4 = scf.for %scan3A_1005 = %scan3A_293 to %scan3A_295 step %scan3A_296 iter_args(%scan3A_1006 = %broadcast_in_dim3A_286, %scan3A_1007 = %broadcast_in_dim3A_288, %scan3A_1008 = %broadcast_in_dim3A_290, %scan3A_1009 = %broadcast_in_dim3A_292) -> (vector<16xf32>, vector<16xf32>, vector<16xf32>, vector<16xf32>)  : i32 {
        %mul3A_1010 = arith.constant 5 : i32
        %mul3A_1011 = arith.muli %scan3A_1005, %mul3A_1010 : i32
        %add3A_1012 = arith.constant 100 : i32
        %add3A_1013 = arith.addi %add3A_1012, %mul3A_1011 : i32
        %add3A_1014 = arith.constant 0 : i32
        %add3A_1015 = arith.addi %add3A_1013, %add3A_1014 : i32
        %get3A = arith.index_cast %add3A_1015 : i32 to index
        %get3A_1016 = arith.constant 0 : index
        %get3A_1017 = tpu.vector_load %arg6[%get3A, %get3A_1016] {strides = array<i32>} : memref<400x64xf32, #tpu.memory_space<vmem>>, vector<1x16xf32>,
        %get3A_1018 = vector.shape_cast %get3A_1017 : vector<1x16xf32> to vector<16xf32>
        %add3A_1019 = arith.addf %scan3A_1006, %get3A_1018 : vector<16xf32>
        %add3A_1020 = arith.constant 100 : i32
        %add3A_1021 = arith.addi %add3A_1020, %mul3A_1011 : i32
        %add3A_1022 = arith.constant 0 : i32
        %add3A_1023 = arith.addi %add3A_1021, %add3A_1022 : i32
        %get3A_1024 = arith.index_cast %add3A_1023 : i32 to index
        %get3A_1025 = arith.constant 16 : index
        %get3A_1026 = tpu.vector_load %arg6[%get3A_1024, %get3A_1025] {strides = array<i32>} : memref<400x64xf32, #tpu.memory_space<vmem>>, vector<1x16xf32>,
        %get3A_1027 = vector.shape_cast %get3A_1026 : vector<1x16xf32> to vector<16xf32>
        %add3A_1028 = arith.addf %scan3A_1007, %get3A_1027 : vector<16xf32>
        %add3A_1029 = arith.constant 100 : i32
        %add3A_1030 = arith.addi %add3A_1029, %mul3A_1011 : i32
        %add3A_1031 = arith.constant 0 : i32
        %add3A_1032 = arith.addi %add3A_1030, %add3A_1031 : i32
        %get3A_1033 = arith.index_cast %add3A_1032 : i32 to index
        %get3A_1034 = arith.constant 32 : index
        %get3A_1035 = tpu.vector_load %arg6[%get3A_1033, %get3A_1034] {strides = array<i32>} : memref<400x64xf32, #tpu.memory_space<vmem>>, vector<1x16xf32>,
        %get3A_1036 = vector.shape_cast %get3A_1035 : vector<1x16xf32> to vector<16xf32>
        %add3A_1037 = arith.addf %scan3A_1008, %get3A_1036 : vector<16xf32>
        %add3A_1038 = arith.constant 100 : i32
        %add3A_1039 = arith.addi %add3A_1038, %mul3A_1011 : i32
        %add3A_1040 = arith.constant 0 : i32
        %add3A_1041 = arith.addi %add3A_1039, %add3A_1040 : i32
        %get3A_1042 = arith.index_cast %add3A_1041 : i32 to index
        %get3A_1043 = arith.constant 48 : index
        %get3A_1044 = tpu.vector_load %arg6[%get3A_1042, %get3A_1043] {strides = array<i32>} : memref<400x64xf32, #tpu.memory_space<vmem>>, vector<1x16xf32>,
        %get3A_1045 = vector.shape_cast %get3A_1044 : vector<1x16xf32> to vector<16xf32>
        %add3A_1046 = arith.addf %scan3A_1009, %get3A_1045 : vector<16xf32>
        %add3A_1047 = arith.constant 100 : i32
        %add3A_1048 = arith.addi %add3A_1047, %mul3A_1011 : i32
        %add3A_1049 = arith.constant 1 : i32
        %add3A_1050 = arith.addi %add3A_1048, %add3A_1049 : i32
        %get3A_1051 = arith.index_cast %add3A_1050 : i32 to index
        %get3A_1052 = arith.constant 0 : index
        %get3A_1053 = tpu.vector_load %arg6[%get3A_1051, %get3A_1052] {strides = array<i32>} : memref<400x64xf32, #tpu.memory_space<vmem>>, vector<1x16xf32>,
        %get3A_1054 = vector.shape_cast %get3A_1053 : vector<1x16xf32> to vector<16xf32>
        %add3A_1055 = arith.addf %add3A_1019, %get3A_1054 : vector<16xf32>
        %add3A_1056 = arith.constant 100 : i32
        %add3A_1057 = arith.addi %add3A_1056, %mul3A_1011 : i32
        %add3A_1058 = arith.constant 1 : i32
        %add3A_1059 = arith.addi %add3A_1057, %add3A_1058 : i32
        %get3A_1060 = arith.index_cast %add3A_1059 : i32 to index
        %get3A_1061 = arith.constant 16 : index
        %get3A_1062 = tpu.vector_load %arg6[%get3A_1060, %get3A_1061] {strides = array<i32>} : memref<400x64xf32, #tpu.memory_space<vmem>>, vector<1x16xf32>,
        %get3A_1063 = vector.shape_cast %get3A_1062 : vector<1x16xf32> to vector<16xf32>
        %add3A_1064 = arith.addf %add3A_1028, %get3A_1063 : vector<16xf32>
        %add3A_1065 = arith.constant 100 : i32
        %add3A_1066 = arith.addi %add3A_1065, %mul3A_1011 : i32
        %add3A_1067 = arith.constant 1 : i32
        %add3A_1068 = arith.addi %add3A_1066, %add3A_1067 : i32
        %get3A_1069 = arith.index_cast %add3A_1068 : i32 to index
        %get3A_1070 = arith.constant 32 : index
        %get3A_1071 = tpu.vector_load %arg6[%get3A_1069, %get3A_1070] {strides = array<i32>} : memref<400x64xf32, #tpu.memory_space<vmem>>, vector<1x16xf32>,
        %get3A_1072 = vector.shape_cast %get3A_1071 : vector<1x16xf32> to vector<16xf32>
        %add3A_1073 = arith.addf %add3A_1037, %get3A_1072 : vector<16xf32>
        %add3A_1074 = arith.constant 100 : i32
        %add3A_1075 = arith.addi %add3A_1074, %mul3A_1011 : i32
        %add3A_1076 = arith.constant 1 : i32
        %add3A_1077 = arith.addi %add3A_1075, %add3A_1076 : i32
        %get3A_1078 = arith.index_cast %add3A_1077 : i32 to index
        %get3A_1079 = arith.constant 48 : index
        %get3A_1080 = tpu.vector_load %arg6[%get3A_1078, %get3A_1079] {strides = array<i32>} : memref<400x64xf32, #tpu.memory_space<vmem>>, vector<1x16xf32>,
        %get3A_1081 = vector.shape_cast %get3A_1080 : vector<1x16xf32> to vector<16xf32>
        %add3A_1082 = arith.addf %add3A_1046, %get3A_1081 : vector<16xf32>
        %add3A_1083 = arith.constant 100 : i32
        %add3A_1084 = arith.addi %add3A_1083, %mul3A_1011 : i32
        %add3A_1085 = arith.constant 2 : i32
        %add3A_1086 = arith.addi %add3A_1084, %add3A_1085 : i32
        %get3A_1087 = arith.index_cast %add3A_1086 : i32 to index
        %get3A_1088 = arith.constant 0 : index
        %get3A_1089 = tpu.vector_load %arg6[%get3A_1087, %get3A_1088] {strides = array<i32>} : memref<400x64xf32, #tpu.memory_space<vmem>>, vector<1x16xf32>,
        %get3A_1090 = vector.shape_cast %get3A_1089 : vector<1x16xf32> to vector<16xf32>
        %add3A_1091 = arith.addf %add3A_1055, %get3A_1090 : vector<16xf32>
        %add3A_1092 = arith.constant 100 : i32
        %add3A_1093 = arith.addi %add3A_1092, %mul3A_1011 : i32
        %add3A_1094 = arith.constant 2 : i32
        %add3A_1095 = arith.addi %add3A_1093, %add3A_1094 : i32
        %get3A_1096 = arith.index_cast %add3A_1095 : i32 to index
        %get3A_1097 = arith.constant 16 : index
        %get3A_1098 = tpu.vector_load %arg6[%get3A_1096, %get3A_1097] {strides = array<i32>} : memref<400x64xf32, #tpu.memory_space<vmem>>, vector<1x16xf32>,
        %get3A_1099 = vector.shape_cast %get3A_1098 : vector<1x16xf32> to vector<16xf32>
        %add3A_1100 = arith.addf %add3A_1064, %get3A_1099 : vector<16xf32>
        %add3A_1101 = arith.constant 100 : i32
        %add3A_1102 = arith.addi %add3A_1101, %mul3A_1011 : i32
        %add3A_1103 = arith.constant 2 : i32
        %add3A_1104 = arith.addi %add3A_1102, %add3A_1103 : i32
        %get3A_1105 = arith.index_cast %add3A_1104 : i32 to index
        %get3A_1106 = arith.constant 32 : index
        %get3A_1107 = tpu.vector_load %arg6[%get3A_1105, %get3A_1106] {strides = array<i32>} : memref<400x64xf32, #tpu.memory_space<vmem>>, vector<1x16xf32>,
        %get3A_1108 = vector.shape_cast %get3A_1107 : vector<1x16xf32> to vector<16xf32>
        %add3A_1109 = arith.addf %add3A_1073, %get3A_1108 : vector<16xf32>
        %add3A_1110 = arith.constant 100 : i32
        %add3A_1111 = arith.addi %add3A_1110, %mul3A_1011 : i32
        %add3A_1112 = arith.constant 2 : i32
        %add3A_1113 = arith.addi %add3A_1111, %add3A_1112 : i32
        %get3A_1114 = arith.index_cast %add3A_1113 : i32 to index
        %get3A_1115 = arith.constant 48 : index
        %get3A_1116 = tpu.vector_load %arg6[%get3A_1114, %get3A_1115] {strides = array<i32>} : memref<400x64xf32, #tpu.memory_space<vmem>>, vector<1x16xf32>,
        %get3A_1117 = vector.shape_cast %get3A_1116 : vector<1x16xf32> to vector<16xf32>
        %add3A_1118 = arith.addf %add3A_1082, %get3A_1117 : vector<16xf32>
        %add3A_1119 = arith.constant 100 : i32
        %add3A_1120 = arith.addi %add3A_1119, %mul3A_1011 : i32
        %add3A_1121 = arith.constant 3 : i32
        %add3A_1122 = arith.addi %add3A_1120, %add3A_1121 : i32
        %get3A_1123 = arith.index_cast %add3A_1122 : i32 to index
        %get3A_1124 = arith.constant 0 : index
        %get3A_1125 = tpu.vector_load %arg6[%get3A_1123, %get3A_1124] {strides = array<i32>} : memref<400x64xf32, #tpu.memory_space<vmem>>, vector<1x16xf32>,
        %get3A_1126 = vector.shape_cast %get3A_1125 : vector<1x16xf32> to vector<16xf32>
        %add3A_1127 = arith.addf %add3A_1091, %get3A_1126 : vector<16xf32>
        %add3A_1128 = arith.constant 100 : i32
        %add3A_1129 = arith.addi %add3A_1128, %mul3A_1011 : i32
        %add3A_1130 = arith.constant 3 : i32
        %add3A_1131 = arith.addi %add3A_1129, %add3A_1130 : i32
        %get3A_1132 = arith.index_cast %add3A_1131 : i32 to index
        %get3A_1133 = arith.constant 16 : index
        %get3A_1134 = tpu.vector_load %arg6[%get3A_1132, %get3A_1133] {strides = array<i32>} : memref<400x64xf32, #tpu.memory_space<vmem>>, vector<1x16xf32>,
        %get3A_1135 = vector.shape_cast %get3A_1134 : vector<1x16xf32> to vector<16xf32>
        %add3A_1136 = arith.addf %add3A_1100, %get3A_1135 : vector<16xf32>
        %add3A_1137 = arith.constant 100 : i32
        %add3A_1138 = arith.addi %add3A_1137, %mul3A_1011 : i32
        %add3A_1139 = arith.constant 3 : i32
        %add3A_1140 = arith.addi %add3A_1138, %add3A_1139 : i32
        %get3A_1141 = arith.index_cast %add3A_1140 : i32 to index
        %get3A_1142 = arith.constant 32 : index
        %get3A_1143 = tpu.vector_load %arg6[%get3A_1141, %get3A_1142] {strides = array<i32>} : memref<400x64xf32, #tpu.memory_space<vmem>>, vector<1x16xf32>,
        %get3A_1144 = vector.shape_cast %get3A_1143 : vector<1x16xf32> to vector<16xf32>
        %add3A_1145 = arith.addf %add3A_1109, %get3A_1144 : vector<16xf32>
        %add3A_1146 = arith.constant 100 : i32
        %add3A_1147 = arith.addi %add3A_1146, %mul3A_1011 : i32
        %add3A_1148 = arith.constant 3 : i32
        %add3A_1149 = arith.addi %add3A_1147, %add3A_1148 : i32
        %get3A_1150 = arith.index_cast %add3A_1149 : i32 to index
        %get3A_1151 = arith.constant 48 : index
        %get3A_1152 = tpu.vector_load %arg6[%get3A_1150, %get3A_1151] {strides = array<i32>} : memref<400x64xf32, #tpu.memory_space<vmem>>, vector<1x16xf32>,
        %get3A_1153 = vector.shape_cast %get3A_1152 : vector<1x16xf32> to vector<16xf32>
        %add3A_1154 = arith.addf %add3A_1118, %get3A_1153 : vector<16xf32>
        %add3A_1155 = arith.constant 100 : i32
        %add3A_1156 = arith.addi %add3A_1155, %mul3A_1011 : i32
        %add3A_1157 = arith.constant 4 : i32
        %add3A_1158 = arith.addi %add3A_1156, %add3A_1157 : i32
        %get3A_1159 = arith.index_cast %add3A_1158 : i32 to index
        %get3A_1160 = arith.constant 0 : index
        %get3A_1161 = tpu.vector_load %arg6[%get3A_1159, %get3A_1160] {strides = array<i32>} : memref<400x64xf32, #tpu.memory_space<vmem>>, vector<1x16xf32>,
        %get3A_1162 = vector.shape_cast %get3A_1161 : vector<1x16xf32> to vector<16xf32>
        %add3A_1163 = arith.addf %add3A_1127, %get3A_1162 : vector<16xf32>
        %add3A_1164 = arith.constant 100 : i32
        %add3A_1165 = arith.addi %add3A_1164, %mul3A_1011 : i32
        %add3A_1166 = arith.constant 4 : i32
        %add3A_1167 = arith.addi %add3A_1165, %add3A_1166 : i32
        %get3A_1168 = arith.index_cast %add3A_1167 : i32 to index
        %get3A_1169 = arith.constant 16 : index
        %get3A_1170 = tpu.vector_load %arg6[%get3A_1168, %get3A_1169] {strides = array<i32>} : memref<400x64xf32, #tpu.memory_space<vmem>>, vector<1x16xf32>,
        %get3A_1171 = vector.shape_cast %get3A_1170 : vector<1x16xf32> to vector<16xf32>
        %add3A_1172 = arith.addf %add3A_1136, %get3A_1171 : vector<16xf32>
        %add3A_1173 = arith.constant 100 : i32
        %add3A_1174 = arith.addi %add3A_1173, %mul3A_1011 : i32
        %add3A_1175 = arith.constant 4 : i32
        %add3A_1176 = arith.addi %add3A_1174, %add3A_1175 : i32
        %get3A_1177 = arith.index_cast %add3A_1176 : i32 to index
        %get3A_1178 = arith.constant 32 : index
        %get3A_1179 = tpu.vector_load %arg6[%get3A_1177, %get3A_1178] {strides = array<i32>} : memref<400x64xf32, #tpu.memory_space<vmem>>, vector<1x16xf32>,
        %get3A_1180 = vector.shape_cast %get3A_1179 : vector<1x16xf32> to vector<16xf32>
        %add3A_1181 = arith.addf %add3A_1145, %get3A_1180 : vector<16xf32>
        %add3A_1182 = arith.constant 100 : i32
        %add3A_1183 = arith.addi %add3A_1182, %mul3A_1011 : i32
        %add3A_1184 = arith.constant 4 : i32
        %add3A_1185 = arith.addi %add3A_1183, %add3A_1184 : i32
        %get3A_1186 = arith.index_cast %add3A_1185 : i32 to index
        %get3A_1187 = arith.constant 48 : index
        %get3A_1188 = tpu.vector_load %arg6[%get3A_1186, %get3A_1187] {strides = array<i32>} : memref<400x64xf32, #tpu.memory_space<vmem>>, vector<1x16xf32>,
        %get3A_1189 = vector.shape_cast %get3A_1188 : vector<1x16xf32> to vector<16xf32>
        %add3A_1190 = arith.addf %add3A_1154, %get3A_1189 : vector<16xf32>
        scf.yield %add3A_1163, %add3A_1172, %add3A_1181, %add3A_1190 : vector<16xf32>, vector<16xf32>, vector<16xf32>, vector<16xf32>
      }
      %scan3A_298 = arith.constant 10 : i32
      %mul3A_299 = arith.constant 2.000000e-02 : f32
      %mul3A_300 = vector.broadcast %mul3A_299 : f32 to vector<16xf32>
      %mul3A_301 = arith.mulf %scan3A_297#0, %mul3A_300 : vector<16xf32>
      %swap3A_302 = arith.constant 2 : i32
      %swap3A_303 = arith.index_cast %swap3A_302 : i32 to index
      %swap3A_304 = arith.constant 0 : index
      %swap3A_305 = tpu.vector_load %arg8[%swap3A_303, %swap3A_304] {strides = array<i32>} : memref<8x64xf32, #tpu.memory_space<vmem>>, vector<1x16xf32>,
      %swap3A_306 = vector.shape_cast %swap3A_305 : vector<1x16xf32> to vector<16xf32>
      %swap3A_307 = vector.shape_cast %mul3A_301 : vector<16xf32> to vector<1x16xf32>
      tpu.vector_store %arg8[%swap3A_303, %swap3A_304], %swap3A_307 {strides = array<i32>} : memref<8x64xf32, #tpu.memory_space<vmem>>, vector<1x16xf32>,
      %mul3A_308 = arith.constant 2.000000e-02 : f32
      %mul3A_309 = vector.broadcast %mul3A_308 : f32 to vector<16xf32>
      %mul3A_310 = arith.mulf %scan3A_297#1, %mul3A_309 : vector<16xf32>
      %swap3A_311 = arith.constant 2 : i32
      %swap3A_312 = arith.index_cast %swap3A_311 : i32 to index
      %swap3A_313 = arith.constant 16 : index
      %swap3A_314 = tpu.vector_load %arg8[%swap3A_312, %swap3A_313] {strides = array<i32>} : memref<8x64xf32, #tpu.memory_space<vmem>>, vector<1x16xf32>,
      %swap3A_315 = vector.shape_cast %swap3A_314 : vector<1x16xf32> to vector<16xf32>
      %swap3A_316 = vector.shape_cast %mul3A_310 : vector<16xf32> to vector<1x16xf32>
      tpu.vector_store %arg8[%swap3A_312, %swap3A_313], %swap3A_316 {strides = array<i32>} : memref<8x64xf32, #tpu.memory_space<vmem>>, vector<1x16xf32>,
      %mul3A_317 = arith.constant 2.000000e-02 : f32
      %mul3A_318 = vector.broadcast %mul3A_317 : f32 to vector<16xf32>
      %mul3A_319 = arith.mulf %scan3A_297#2, %mul3A_318 : vector<16xf32>
      %swap3A_320 = arith.constant 2 : i32
      %swap3A_321 = arith.index_cast %swap3A_320 : i32 to index
      %swap3A_322 = arith.constant 32 : index
      %swap3A_323 = tpu.vector_load %arg8[%swap3A_321, %swap3A_322] {strides = array<i32>} : memref<8x64xf32, #tpu.memory_space<vmem>>, vector<1x16xf32>,
      %swap3A_324 = vector.shape_cast %swap3A_323 : vector<1x16xf32> to vector<16xf32>
      %swap3A_325 = vector.shape_cast %mul3A_319 : vector<16xf32> to vector<1x16xf32>
      tpu.vector_store %arg8[%swap3A_321, %swap3A_322], %swap3A_325 {strides = array<i32>} : memref<8x64xf32, #tpu.memory_space<vmem>>, vector<1x16xf32>,
      %mul3A_326 = arith.constant 2.000000e-02 : f32
      %mul3A_327 = vector.broadcast %mul3A_326 : f32 to vector<16xf32>
      %mul3A_328 = arith.mulf %scan3A_297#3, %mul3A_327 : vector<16xf32>
      %swap3A_329 = arith.constant 2 : i32
      %swap3A_330 = arith.index_cast %swap3A_329 : i32 to index
      %swap3A_331 = arith.constant 48 : index
      %swap3A_332 = tpu.vector_load %arg8[%swap3A_330, %swap3A_331] {strides = array<i32>} : memref<8x64xf32, #tpu.memory_space<vmem>>, vector<1x16xf32>,
      %swap3A_333 = vector.shape_cast %swap3A_332 : vector<1x16xf32> to vector<16xf32>
      %swap3A_334 = vector.shape_cast %mul3A_328 : vector<16xf32> to vector<1x16xf32>
      tpu.vector_store %arg8[%swap3A_330, %swap3A_331], %swap3A_334 {strides = array<i32>} : memref<8x64xf32, #tpu.memory_space<vmem>>, vector<1x16xf32>,
      %broadcast_in_dim3A_335 = arith.constant 0.000000e+00 : f32
      %broadcast_in_dim3A_336 = vector.broadcast %broadcast_in_dim3A_335 : f32 to vector<16xf32>
      %broadcast_in_dim3A_337 = arith.constant 0.000000e+00 : f32
      %broadcast_in_dim3A_338 = vector.broadcast %broadcast_in_dim3A_337 : f32 to vector<16xf32>
      %broadcast_in_dim3A_339 = arith.constant 0.000000e+00 : f32
      %broadcast_in_dim3A_340 = vector.broadcast %broadcast_in_dim3A_339 : f32 to vector<16xf32>
      %broadcast_in_dim3A_341 = arith.constant 0.000000e+00 : f32
      %broadcast_in_dim3A_342 = vector.broadcast %broadcast_in_dim3A_341 : f32 to vector<16xf32>
      %scan3A_343 = arith.constant 0 : i32
      %scan3A_344 = arith.constant 10 : i32
      %scan3A_345 = arith.addi %scan3A_343, %scan3A_344 : i32
      %scan3A_346 = arith.constant 1 : i32
      %scan3A_347:4 = scf.for %scan3A_1005 = %scan3A_343 to %scan3A_345 step %scan3A_346 iter_args(%scan3A_1006 = %broadcast_in_dim3A_336, %scan3A_1007 = %broadcast_in_dim3A_338, %scan3A_1008 = %broadcast_in_dim3A_340, %scan3A_1009 = %broadcast_in_dim3A_342) -> (vector<16xf32>, vector<16xf32>, vector<16xf32>, vector<16xf32>)  : i32 {
        %mul3A_1010 = arith.constant 5 : i32
        %mul3A_1011 = arith.muli %scan3A_1005, %mul3A_1010 : i32
        %add3A_1012 = arith.constant 150 : i32
        %add3A_1013 = arith.addi %add3A_1012, %mul3A_1011 : i32
        %add3A_1014 = arith.constant 0 : i32
        %add3A_1015 = arith.addi %add3A_1013, %add3A_1014 : i32
        %get3A = arith.index_cast %add3A_1015 : i32 to index
        %get3A_1016 = arith.constant 0 : index
        %get3A_1017 = tpu.vector_load %arg6[%get3A, %get3A_1016] {strides = array<i32>} : memref<400x64xf32, #tpu.memory_space<vmem>>, vector<1x16xf32>,
        %get3A_1018 = vector.shape_cast %get3A_1017 : vector<1x16xf32> to vector<16xf32>
        %add3A_1019 = arith.addf %scan3A_1006, %get3A_1018 : vector<16xf32>
        %add3A_1020 = arith.constant 150 : i32
        %add3A_1021 = arith.addi %add3A_1020, %mul3A_1011 : i32
        %add3A_1022 = arith.constant 0 : i32
        %add3A_1023 = arith.addi %add3A_1021, %add3A_1022 : i32
        %get3A_1024 = arith.index_cast %add3A_1023 : i32 to index
        %get3A_1025 = arith.constant 16 : index
        %get3A_1026 = tpu.vector_load %arg6[%get3A_1024, %get3A_1025] {strides = array<i32>} : memref<400x64xf32, #tpu.memory_space<vmem>>, vector<1x16xf32>,
        %get3A_1027 = vector.shape_cast %get3A_1026 : vector<1x16xf32> to vector<16xf32>
        %add3A_1028 = arith.addf %scan3A_1007, %get3A_1027 : vector<16xf32>
        %add3A_1029 = arith.constant 150 : i32
        %add3A_1030 = arith.addi %add3A_1029, %mul3A_1011 : i32
        %add3A_1031 = arith.constant 0 : i32
        %add3A_1032 = arith.addi %add3A_1030, %add3A_1031 : i32
        %get3A_1033 = arith.index_cast %add3A_1032 : i32 to index
        %get3A_1034 = arith.constant 32 : index
        %get3A_1035 = tpu.vector_load %arg6[%get3A_1033, %get3A_1034] {strides = array<i32>} : memref<400x64xf32, #tpu.memory_space<vmem>>, vector<1x16xf32>,
        %get3A_1036 = vector.shape_cast %get3A_1035 : vector<1x16xf32> to vector<16xf32>
        %add3A_1037 = arith.addf %scan3A_1008, %get3A_1036 : vector<16xf32>
        %add3A_1038 = arith.constant 150 : i32
        %add3A_1039 = arith.addi %add3A_1038, %mul3A_1011 : i32
        %add3A_1040 = arith.constant 0 : i32
        %add3A_1041 = arith.addi %add3A_1039, %add3A_1040 : i32
        %get3A_1042 = arith.index_cast %add3A_1041 : i32 to index
        %get3A_1043 = arith.constant 48 : index
        %get3A_1044 = tpu.vector_load %arg6[%get3A_1042, %get3A_1043] {strides = array<i32>} : memref<400x64xf32, #tpu.memory_space<vmem>>, vector<1x16xf32>,
        %get3A_1045 = vector.shape_cast %get3A_1044 : vector<1x16xf32> to vector<16xf32>
        %add3A_1046 = arith.addf %scan3A_1009, %get3A_1045 : vector<16xf32>
        %add3A_1047 = arith.constant 150 : i32
        %add3A_1048 = arith.addi %add3A_1047, %mul3A_1011 : i32
        %add3A_1049 = arith.constant 1 : i32
        %add3A_1050 = arith.addi %add3A_1048, %add3A_1049 : i32
        %get3A_1051 = arith.index_cast %add3A_1050 : i32 to index
        %get3A_1052 = arith.constant 0 : index
        %get3A_1053 = tpu.vector_load %arg6[%get3A_1051, %get3A_1052] {strides = array<i32>} : memref<400x64xf32, #tpu.memory_space<vmem>>, vector<1x16xf32>,
        %get3A_1054 = vector.shape_cast %get3A_1053 : vector<1x16xf32> to vector<16xf32>
        %add3A_1055 = arith.addf %add3A_1019, %get3A_1054 : vector<16xf32>
        %add3A_1056 = arith.constant 150 : i32
        %add3A_1057 = arith.addi %add3A_1056, %mul3A_1011 : i32
        %add3A_1058 = arith.constant 1 : i32
        %add3A_1059 = arith.addi %add3A_1057, %add3A_1058 : i32
        %get3A_1060 = arith.index_cast %add3A_1059 : i32 to index
        %get3A_1061 = arith.constant 16 : index
        %get3A_1062 = tpu.vector_load %arg6[%get3A_1060, %get3A_1061] {strides = array<i32>} : memref<400x64xf32, #tpu.memory_space<vmem>>, vector<1x16xf32>,
        %get3A_1063 = vector.shape_cast %get3A_1062 : vector<1x16xf32> to vector<16xf32>
        %add3A_1064 = arith.addf %add3A_1028, %get3A_1063 : vector<16xf32>
        %add3A_1065 = arith.constant 150 : i32
        %add3A_1066 = arith.addi %add3A_1065, %mul3A_1011 : i32
        %add3A_1067 = arith.constant 1 : i32
        %add3A_1068 = arith.addi %add3A_1066, %add3A_1067 : i32
        %get3A_1069 = arith.index_cast %add3A_1068 : i32 to index
        %get3A_1070 = arith.constant 32 : index
        %get3A_1071 = tpu.vector_load %arg6[%get3A_1069, %get3A_1070] {strides = array<i32>} : memref<400x64xf32, #tpu.memory_space<vmem>>, vector<1x16xf32>,
        %get3A_1072 = vector.shape_cast %get3A_1071 : vector<1x16xf32> to vector<16xf32>
        %add3A_1073 = arith.addf %add3A_1037, %get3A_1072 : vector<16xf32>
        %add3A_1074 = arith.constant 150 : i32
        %add3A_1075 = arith.addi %add3A_1074, %mul3A_1011 : i32
        %add3A_1076 = arith.constant 1 : i32
        %add3A_1077 = arith.addi %add3A_1075, %add3A_1076 : i32
        %get3A_1078 = arith.index_cast %add3A_1077 : i32 to index
        %get3A_1079 = arith.constant 48 : index
        %get3A_1080 = tpu.vector_load %arg6[%get3A_1078, %get3A_1079] {strides = array<i32>} : memref<400x64xf32, #tpu.memory_space<vmem>>, vector<1x16xf32>,
        %get3A_1081 = vector.shape_cast %get3A_1080 : vector<1x16xf32> to vector<16xf32>
        %add3A_1082 = arith.addf %add3A_1046, %get3A_1081 : vector<16xf32>
        %add3A_1083 = arith.constant 150 : i32
        %add3A_1084 = arith.addi %add3A_1083, %mul3A_1011 : i32
        %add3A_1085 = arith.constant 2 : i32
        %add3A_1086 = arith.addi %add3A_1084, %add3A_1085 : i32
        %get3A_1087 = arith.index_cast %add3A_1086 : i32 to index
        %get3A_1088 = arith.constant 0 : index
        %get3A_1089 = tpu.vector_load %arg6[%get3A_1087, %get3A_1088] {strides = array<i32>} : memref<400x64xf32, #tpu.memory_space<vmem>>, vector<1x16xf32>,
        %get3A_1090 = vector.shape_cast %get3A_1089 : vector<1x16xf32> to vector<16xf32>
        %add3A_1091 = arith.addf %add3A_1055, %get3A_1090 : vector<16xf32>
        %add3A_1092 = arith.constant 150 : i32
        %add3A_1093 = arith.addi %add3A_1092, %mul3A_1011 : i32
        %add3A_1094 = arith.constant 2 : i32
        %add3A_1095 = arith.addi %add3A_1093, %add3A_1094 : i32
        %get3A_1096 = arith.index_cast %add3A_1095 : i32 to index
        %get3A_1097 = arith.constant 16 : index
        %get3A_1098 = tpu.vector_load %arg6[%get3A_1096, %get3A_1097] {strides = array<i32>} : memref<400x64xf32, #tpu.memory_space<vmem>>, vector<1x16xf32>,
        %get3A_1099 = vector.shape_cast %get3A_1098 : vector<1x16xf32> to vector<16xf32>
        %add3A_1100 = arith.addf %add3A_1064, %get3A_1099 : vector<16xf32>
        %add3A_1101 = arith.constant 150 : i32
        %add3A_1102 = arith.addi %add3A_1101, %mul3A_1011 : i32
        %add3A_1103 = arith.constant 2 : i32
        %add3A_1104 = arith.addi %add3A_1102, %add3A_1103 : i32
        %get3A_1105 = arith.index_cast %add3A_1104 : i32 to index
        %get3A_1106 = arith.constant 32 : index
        %get3A_1107 = tpu.vector_load %arg6[%get3A_1105, %get3A_1106] {strides = array<i32>} : memref<400x64xf32, #tpu.memory_space<vmem>>, vector<1x16xf32>,
        %get3A_1108 = vector.shape_cast %get3A_1107 : vector<1x16xf32> to vector<16xf32>
        %add3A_1109 = arith.addf %add3A_1073, %get3A_1108 : vector<16xf32>
        %add3A_1110 = arith.constant 150 : i32
        %add3A_1111 = arith.addi %add3A_1110, %mul3A_1011 : i32
        %add3A_1112 = arith.constant 2 : i32
        %add3A_1113 = arith.addi %add3A_1111, %add3A_1112 : i32
        %get3A_1114 = arith.index_cast %add3A_1113 : i32 to index
        %get3A_1115 = arith.constant 48 : index
        %get3A_1116 = tpu.vector_load %arg6[%get3A_1114, %get3A_1115] {strides = array<i32>} : memref<400x64xf32, #tpu.memory_space<vmem>>, vector<1x16xf32>,
        %get3A_1117 = vector.shape_cast %get3A_1116 : vector<1x16xf32> to vector<16xf32>
        %add3A_1118 = arith.addf %add3A_1082, %get3A_1117 : vector<16xf32>
        %add3A_1119 = arith.constant 150 : i32
        %add3A_1120 = arith.addi %add3A_1119, %mul3A_1011 : i32
        %add3A_1121 = arith.constant 3 : i32
        %add3A_1122 = arith.addi %add3A_1120, %add3A_1121 : i32
        %get3A_1123 = arith.index_cast %add3A_1122 : i32 to index
        %get3A_1124 = arith.constant 0 : index
        %get3A_1125 = tpu.vector_load %arg6[%get3A_1123, %get3A_1124] {strides = array<i32>} : memref<400x64xf32, #tpu.memory_space<vmem>>, vector<1x16xf32>,
        %get3A_1126 = vector.shape_cast %get3A_1125 : vector<1x16xf32> to vector<16xf32>
        %add3A_1127 = arith.addf %add3A_1091, %get3A_1126 : vector<16xf32>
        %add3A_1128 = arith.constant 150 : i32
        %add3A_1129 = arith.addi %add3A_1128, %mul3A_1011 : i32
        %add3A_1130 = arith.constant 3 : i32
        %add3A_1131 = arith.addi %add3A_1129, %add3A_1130 : i32
        %get3A_1132 = arith.index_cast %add3A_1131 : i32 to index
        %get3A_1133 = arith.constant 16 : index
        %get3A_1134 = tpu.vector_load %arg6[%get3A_1132, %get3A_1133] {strides = array<i32>} : memref<400x64xf32, #tpu.memory_space<vmem>>, vector<1x16xf32>,
        %get3A_1135 = vector.shape_cast %get3A_1134 : vector<1x16xf32> to vector<16xf32>
        %add3A_1136 = arith.addf %add3A_1100, %get3A_1135 : vector<16xf32>
        %add3A_1137 = arith.constant 150 : i32
        %add3A_1138 = arith.addi %add3A_1137, %mul3A_1011 : i32
        %add3A_1139 = arith.constant 3 : i32
        %add3A_1140 = arith.addi %add3A_1138, %add3A_1139 : i32
        %get3A_1141 = arith.index_cast %add3A_1140 : i32 to index
        %get3A_1142 = arith.constant 32 : index
        %get3A_1143 = tpu.vector_load %arg6[%get3A_1141, %get3A_1142] {strides = array<i32>} : memref<400x64xf32, #tpu.memory_space<vmem>>, vector<1x16xf32>,
        %get3A_1144 = vector.shape_cast %get3A_1143 : vector<1x16xf32> to vector<16xf32>
        %add3A_1145 = arith.addf %add3A_1109, %get3A_1144 : vector<16xf32>
        %add3A_1146 = arith.constant 150 : i32
        %add3A_1147 = arith.addi %add3A_1146, %mul3A_1011 : i32
        %add3A_1148 = arith.constant 3 : i32
        %add3A_1149 = arith.addi %add3A_1147, %add3A_1148 : i32
        %get3A_1150 = arith.index_cast %add3A_1149 : i32 to index
        %get3A_1151 = arith.constant 48 : index
        %get3A_1152 = tpu.vector_load %arg6[%get3A_1150, %get3A_1151] {strides = array<i32>} : memref<400x64xf32, #tpu.memory_space<vmem>>, vector<1x16xf32>,
        %get3A_1153 = vector.shape_cast %get3A_1152 : vector<1x16xf32> to vector<16xf32>
        %add3A_1154 = arith.addf %add3A_1118, %get3A_1153 : vector<16xf32>
        %add3A_1155 = arith.constant 150 : i32
        %add3A_1156 = arith.addi %add3A_1155, %mul3A_1011 : i32
        %add3A_1157 = arith.constant 4 : i32
        %add3A_1158 = arith.addi %add3A_1156, %add3A_1157 : i32
        %get3A_1159 = arith.index_cast %add3A_1158 : i32 to index
        %get3A_1160 = arith.constant 0 : index
        %get3A_1161 = tpu.vector_load %arg6[%get3A_1159, %get3A_1160] {strides = array<i32>} : memref<400x64xf32, #tpu.memory_space<vmem>>, vector<1x16xf32>,
        %get3A_1162 = vector.shape_cast %get3A_1161 : vector<1x16xf32> to vector<16xf32>
        %add3A_1163 = arith.addf %add3A_1127, %get3A_1162 : vector<16xf32>
        %add3A_1164 = arith.constant 150 : i32
        %add3A_1165 = arith.addi %add3A_1164, %mul3A_1011 : i32
        %add3A_1166 = arith.constant 4 : i32
        %add3A_1167 = arith.addi %add3A_1165, %add3A_1166 : i32
        %get3A_1168 = arith.index_cast %add3A_1167 : i32 to index
        %get3A_1169 = arith.constant 16 : index
        %get3A_1170 = tpu.vector_load %arg6[%get3A_1168, %get3A_1169] {strides = array<i32>} : memref<400x64xf32, #tpu.memory_space<vmem>>, vector<1x16xf32>,
        %get3A_1171 = vector.shape_cast %get3A_1170 : vector<1x16xf32> to vector<16xf32>
        %add3A_1172 = arith.addf %add3A_1136, %get3A_1171 : vector<16xf32>
        %add3A_1173 = arith.constant 150 : i32
        %add3A_1174 = arith.addi %add3A_1173, %mul3A_1011 : i32
        %add3A_1175 = arith.constant 4 : i32
        %add3A_1176 = arith.addi %add3A_1174, %add3A_1175 : i32
        %get3A_1177 = arith.index_cast %add3A_1176 : i32 to index
        %get3A_1178 = arith.constant 32 : index
        %get3A_1179 = tpu.vector_load %arg6[%get3A_1177, %get3A_1178] {strides = array<i32>} : memref<400x64xf32, #tpu.memory_space<vmem>>, vector<1x16xf32>,
        %get3A_1180 = vector.shape_cast %get3A_1179 : vector<1x16xf32> to vector<16xf32>
        %add3A_1181 = arith.addf %add3A_1145, %get3A_1180 : vector<16xf32>
        %add3A_1182 = arith.constant 150 : i32
        %add3A_1183 = arith.addi %add3A_1182, %mul3A_1011 : i32
        %add3A_1184 = arith.constant 4 : i32
        %add3A_1185 = arith.addi %add3A_1183, %add3A_1184 : i32
        %get3A_1186 = arith.index_cast %add3A_1185 : i32 to index
        %get3A_1187 = arith.constant 48 : index
        %get3A_1188 = tpu.vector_load %arg6[%get3A_1186, %get3A_1187] {strides = array<i32>} : memref<400x64xf32, #tpu.memory_space<vmem>>, vector<1x16xf32>,
        %get3A_1189 = vector.shape_cast %get3A_1188 : vector<1x16xf32> to vector<16xf32>
        %add3A_1190 = arith.addf %add3A_1154, %get3A_1189 : vector<16xf32>
        scf.yield %add3A_1163, %add3A_1172, %add3A_1181, %add3A_1190 : vector<16xf32>, vector<16xf32>, vector<16xf32>, vector<16xf32>
      }
      %scan3A_348 = arith.constant 10 : i32
      %mul3A_349 = arith.constant 2.000000e-02 : f32
      %mul3A_350 = vector.broadcast %mul3A_349 : f32 to vector<16xf32>
      %mul3A_351 = arith.mulf %scan3A_347#0, %mul3A_350 : vector<16xf32>
      %swap3A_352 = arith.constant 3 : i32
      %swap3A_353 = arith.index_cast %swap3A_352 : i32 to index
      %swap3A_354 = arith.constant 0 : index
      %swap3A_355 = tpu.vector_load %arg8[%swap3A_353, %swap3A_354] {strides = array<i32>} : memref<8x64xf32, #tpu.memory_space<vmem>>, vector<1x16xf32>,
      %swap3A_356 = vector.shape_cast %swap3A_355 : vector<1x16xf32> to vector<16xf32>
      %swap3A_357 = vector.shape_cast %mul3A_351 : vector<16xf32> to vector<1x16xf32>
      tpu.vector_store %arg8[%swap3A_353, %swap3A_354], %swap3A_357 {strides = array<i32>} : memref<8x64xf32, #tpu.memory_space<vmem>>, vector<1x16xf32>,
      %mul3A_358 = arith.constant 2.000000e-02 : f32
      %mul3A_359 = vector.broadcast %mul3A_358 : f32 to vector<16xf32>
      %mul3A_360 = arith.mulf %scan3A_347#1, %mul3A_359 : vector<16xf32>
      %swap3A_361 = arith.constant 3 : i32
      %swap3A_362 = arith.index_cast %swap3A_361 : i32 to index
      %swap3A_363 = arith.constant 16 : index
      %swap3A_364 = tpu.vector_load %arg8[%swap3A_362, %swap3A_363] {strides = array<i32>} : memref<8x64xf32, #tpu.memory_space<vmem>>, vector<1x16xf32>,
      %swap3A_365 = vector.shape_cast %swap3A_364 : vector<1x16xf32> to vector<16xf32>
      %swap3A_366 = vector.shape_cast %mul3A_360 : vector<16xf32> to vector<1x16xf32>
      tpu.vector_store %arg8[%swap3A_362, %swap3A_363], %swap3A_366 {strides = array<i32>} : memref<8x64xf32, #tpu.memory_space<vmem>>, vector<1x16xf32>,
      %mul3A_367 = arith.constant 2.000000e-02 : f32
      %mul3A_368 = vector.broadcast %mul3A_367 : f32 to vector<16xf32>
      %mul3A_369 = arith.mulf %scan3A_347#2, %mul3A_368 : vector<16xf32>
      %swap3A_370 = arith.constant 3 : i32
      %swap3A_371 = arith.index_cast %swap3A_370 : i32 to index
      %swap3A_372 = arith.constant 32 : index
      %swap3A_373 = tpu.vector_load %arg8[%swap3A_371, %swap3A_372] {strides = array<i32>} : memref<8x64xf32, #tpu.memory_space<vmem>>, vector<1x16xf32>,
      %swap3A_374 = vector.shape_cast %swap3A_373 : vector<1x16xf32> to vector<16xf32>
      %swap3A_375 = vector.shape_cast %mul3A_369 : vector<16xf32> to vector<1x16xf32>
      tpu.vector_store %arg8[%swap3A_371, %swap3A_372], %swap3A_375 {strides = array<i32>} : memref<8x64xf32, #tpu.memory_space<vmem>>, vector<1x16xf32>,
      %mul3A_376 = arith.constant 2.000000e-02 : f32
      %mul3A_377 = vector.broadcast %mul3A_376 : f32 to vector<16xf32>
      %mul3A_378 = arith.mulf %scan3A_347#3, %mul3A_377 : vector<16xf32>
      %swap3A_379 = arith.constant 3 : i32
      %swap3A_380 = arith.index_cast %swap3A_379 : i32 to index
      %swap3A_381 = arith.constant 48 : index
      %swap3A_382 = tpu.vector_load %arg8[%swap3A_380, %swap3A_381] {strides = array<i32>} : memref<8x64xf32, #tpu.memory_space<vmem>>, vector<1x16xf32>,
      %swap3A_383 = vector.shape_cast %swap3A_382 : vector<1x16xf32> to vector<16xf32>
      %swap3A_384 = vector.shape_cast %mul3A_378 : vector<16xf32> to vector<1x16xf32>
      tpu.vector_store %arg8[%swap3A_380, %swap3A_381], %swap3A_384 {strides = array<i32>} : memref<8x64xf32, #tpu.memory_space<vmem>>, vector<1x16xf32>,
      %broadcast_in_dim3A_385 = arith.constant 0.000000e+00 : f32
      %broadcast_in_dim3A_386 = vector.broadcast %broadcast_in_dim3A_385 : f32 to vector<16xf32>
      %broadcast_in_dim3A_387 = arith.constant 0.000000e+00 : f32
      %broadcast_in_dim3A_388 = vector.broadcast %broadcast_in_dim3A_387 : f32 to vector<16xf32>
      %broadcast_in_dim3A_389 = arith.constant 0.000000e+00 : f32
      %broadcast_in_dim3A_390 = vector.broadcast %broadcast_in_dim3A_389 : f32 to vector<16xf32>
      %broadcast_in_dim3A_391 = arith.constant 0.000000e+00 : f32
      %broadcast_in_dim3A_392 = vector.broadcast %broadcast_in_dim3A_391 : f32 to vector<16xf32>
      %scan3A_393 = arith.constant 0 : i32
      %scan3A_394 = arith.constant 10 : i32
      %scan3A_395 = arith.addi %scan3A_393, %scan3A_394 : i32
      %scan3A_396 = arith.constant 1 : i32
      %scan3A_397:4 = scf.for %scan3A_1005 = %scan3A_393 to %scan3A_395 step %scan3A_396 iter_args(%scan3A_1006 = %broadcast_in_dim3A_386, %scan3A_1007 = %broadcast_in_dim3A_388, %scan3A_1008 = %broadcast_in_dim3A_390, %scan3A_1009 = %broadcast_in_dim3A_392) -> (vector<16xf32>, vector<16xf32>, vector<16xf32>, vector<16xf32>)  : i32 {
        %mul3A_1010 = arith.constant 5 : i32
        %mul3A_1011 = arith.muli %scan3A_1005, %mul3A_1010 : i32
        %add3A_1012 = arith.constant 200 : i32
        %add3A_1013 = arith.addi %add3A_1012, %mul3A_1011 : i32
        %add3A_1014 = arith.constant 0 : i32
        %add3A_1015 = arith.addi %add3A_1013, %add3A_1014 : i32
        %get3A = arith.index_cast %add3A_1015 : i32 to index
        %get3A_1016 = arith.constant 0 : index
        %get3A_1017 = tpu.vector_load %arg6[%get3A, %get3A_1016] {strides = array<i32>} : memref<400x64xf32, #tpu.memory_space<vmem>>, vector<1x16xf32>,
        %get3A_1018 = vector.shape_cast %get3A_1017 : vector<1x16xf32> to vector<16xf32>
        %add3A_1019 = arith.addf %scan3A_1006, %get3A_1018 : vector<16xf32>
        %add3A_1020 = arith.constant 200 : i32
        %add3A_1021 = arith.addi %add3A_1020, %mul3A_1011 : i32
        %add3A_1022 = arith.constant 0 : i32
        %add3A_1023 = arith.addi %add3A_1021, %add3A_1022 : i32
        %get3A_1024 = arith.index_cast %add3A_1023 : i32 to index
        %get3A_1025 = arith.constant 16 : index
        %get3A_1026 = tpu.vector_load %arg6[%get3A_1024, %get3A_1025] {strides = array<i32>} : memref<400x64xf32, #tpu.memory_space<vmem>>, vector<1x16xf32>,
        %get3A_1027 = vector.shape_cast %get3A_1026 : vector<1x16xf32> to vector<16xf32>
        %add3A_1028 = arith.addf %scan3A_1007, %get3A_1027 : vector<16xf32>
        %add3A_1029 = arith.constant 200 : i32
        %add3A_1030 = arith.addi %add3A_1029, %mul3A_1011 : i32
        %add3A_1031 = arith.constant 0 : i32
        %add3A_1032 = arith.addi %add3A_1030, %add3A_1031 : i32
        %get3A_1033 = arith.index_cast %add3A_1032 : i32 to index
        %get3A_1034 = arith.constant 32 : index
        %get3A_1035 = tpu.vector_load %arg6[%get3A_1033, %get3A_1034] {strides = array<i32>} : memref<400x64xf32, #tpu.memory_space<vmem>>, vector<1x16xf32>,
        %get3A_1036 = vector.shape_cast %get3A_1035 : vector<1x16xf32> to vector<16xf32>
        %add3A_1037 = arith.addf %scan3A_1008, %get3A_1036 : vector<16xf32>
        %add3A_1038 = arith.constant 200 : i32
        %add3A_1039 = arith.addi %add3A_1038, %mul3A_1011 : i32
        %add3A_1040 = arith.constant 0 : i32
        %add3A_1041 = arith.addi %add3A_1039, %add3A_1040 : i32
        %get3A_1042 = arith.index_cast %add3A_1041 : i32 to index
        %get3A_1043 = arith.constant 48 : index
        %get3A_1044 = tpu.vector_load %arg6[%get3A_1042, %get3A_1043] {strides = array<i32>} : memref<400x64xf32, #tpu.memory_space<vmem>>, vector<1x16xf32>,
        %get3A_1045 = vector.shape_cast %get3A_1044 : vector<1x16xf32> to vector<16xf32>
        %add3A_1046 = arith.addf %scan3A_1009, %get3A_1045 : vector<16xf32>
        %add3A_1047 = arith.constant 200 : i32
        %add3A_1048 = arith.addi %add3A_1047, %mul3A_1011 : i32
        %add3A_1049 = arith.constant 1 : i32
        %add3A_1050 = arith.addi %add3A_1048, %add3A_1049 : i32
        %get3A_1051 = arith.index_cast %add3A_1050 : i32 to index
        %get3A_1052 = arith.constant 0 : index
        %get3A_1053 = tpu.vector_load %arg6[%get3A_1051, %get3A_1052] {strides = array<i32>} : memref<400x64xf32, #tpu.memory_space<vmem>>, vector<1x16xf32>,
        %get3A_1054 = vector.shape_cast %get3A_1053 : vector<1x16xf32> to vector<16xf32>
        %add3A_1055 = arith.addf %add3A_1019, %get3A_1054 : vector<16xf32>
        %add3A_1056 = arith.constant 200 : i32
        %add3A_1057 = arith.addi %add3A_1056, %mul3A_1011 : i32
        %add3A_1058 = arith.constant 1 : i32
        %add3A_1059 = arith.addi %add3A_1057, %add3A_1058 : i32
        %get3A_1060 = arith.index_cast %add3A_1059 : i32 to index
        %get3A_1061 = arith.constant 16 : index
        %get3A_1062 = tpu.vector_load %arg6[%get3A_1060, %get3A_1061] {strides = array<i32>} : memref<400x64xf32, #tpu.memory_space<vmem>>, vector<1x16xf32>,
        %get3A_1063 = vector.shape_cast %get3A_1062 : vector<1x16xf32> to vector<16xf32>
        %add3A_1064 = arith.addf %add3A_1028, %get3A_1063 : vector<16xf32>
        %add3A_1065 = arith.constant 200 : i32
        %add3A_1066 = arith.addi %add3A_1065, %mul3A_1011 : i32
        %add3A_1067 = arith.constant 1 : i32
        %add3A_1068 = arith.addi %add3A_1066, %add3A_1067 : i32
        %get3A_1069 = arith.index_cast %add3A_1068 : i32 to index
        %get3A_1070 = arith.constant 32 : index
        %get3A_1071 = tpu.vector_load %arg6[%get3A_1069, %get3A_1070] {strides = array<i32>} : memref<400x64xf32, #tpu.memory_space<vmem>>, vector<1x16xf32>,
        %get3A_1072 = vector.shape_cast %get3A_1071 : vector<1x16xf32> to vector<16xf32>
        %add3A_1073 = arith.addf %add3A_1037, %get3A_1072 : vector<16xf32>
        %add3A_1074 = arith.constant 200 : i32
        %add3A_1075 = arith.addi %add3A_1074, %mul3A_1011 : i32
        %add3A_1076 = arith.constant 1 : i32
        %add3A_1077 = arith.addi %add3A_1075, %add3A_1076 : i32
        %get3A_1078 = arith.index_cast %add3A_1077 : i32 to index
        %get3A_1079 = arith.constant 48 : index
        %get3A_1080 = tpu.vector_load %arg6[%get3A_1078, %get3A_1079] {strides = array<i32>} : memref<400x64xf32, #tpu.memory_space<vmem>>, vector<1x16xf32>,
        %get3A_1081 = vector.shape_cast %get3A_1080 : vector<1x16xf32> to vector<16xf32>
        %add3A_1082 = arith.addf %add3A_1046, %get3A_1081 : vector<16xf32>
        %add3A_1083 = arith.constant 200 : i32
        %add3A_1084 = arith.addi %add3A_1083, %mul3A_1011 : i32
        %add3A_1085 = arith.constant 2 : i32
        %add3A_1086 = arith.addi %add3A_1084, %add3A_1085 : i32
        %get3A_1087 = arith.index_cast %add3A_1086 : i32 to index
        %get3A_1088 = arith.constant 0 : index
        %get3A_1089 = tpu.vector_load %arg6[%get3A_1087, %get3A_1088] {strides = array<i32>} : memref<400x64xf32, #tpu.memory_space<vmem>>, vector<1x16xf32>,
        %get3A_1090 = vector.shape_cast %get3A_1089 : vector<1x16xf32> to vector<16xf32>
        %add3A_1091 = arith.addf %add3A_1055, %get3A_1090 : vector<16xf32>
        %add3A_1092 = arith.constant 200 : i32
        %add3A_1093 = arith.addi %add3A_1092, %mul3A_1011 : i32
        %add3A_1094 = arith.constant 2 : i32
        %add3A_1095 = arith.addi %add3A_1093, %add3A_1094 : i32
        %get3A_1096 = arith.index_cast %add3A_1095 : i32 to index
        %get3A_1097 = arith.constant 16 : index
        %get3A_1098 = tpu.vector_load %arg6[%get3A_1096, %get3A_1097] {strides = array<i32>} : memref<400x64xf32, #tpu.memory_space<vmem>>, vector<1x16xf32>,
        %get3A_1099 = vector.shape_cast %get3A_1098 : vector<1x16xf32> to vector<16xf32>
        %add3A_1100 = arith.addf %add3A_1064, %get3A_1099 : vector<16xf32>
        %add3A_1101 = arith.constant 200 : i32
        %add3A_1102 = arith.addi %add3A_1101, %mul3A_1011 : i32
        %add3A_1103 = arith.constant 2 : i32
        %add3A_1104 = arith.addi %add3A_1102, %add3A_1103 : i32
        %get3A_1105 = arith.index_cast %add3A_1104 : i32 to index
        %get3A_1106 = arith.constant 32 : index
        %get3A_1107 = tpu.vector_load %arg6[%get3A_1105, %get3A_1106] {strides = array<i32>} : memref<400x64xf32, #tpu.memory_space<vmem>>, vector<1x16xf32>,
        %get3A_1108 = vector.shape_cast %get3A_1107 : vector<1x16xf32> to vector<16xf32>
        %add3A_1109 = arith.addf %add3A_1073, %get3A_1108 : vector<16xf32>
        %add3A_1110 = arith.constant 200 : i32
        %add3A_1111 = arith.addi %add3A_1110, %mul3A_1011 : i32
        %add3A_1112 = arith.constant 2 : i32
        %add3A_1113 = arith.addi %add3A_1111, %add3A_1112 : i32
        %get3A_1114 = arith.index_cast %add3A_1113 : i32 to index
        %get3A_1115 = arith.constant 48 : index
        %get3A_1116 = tpu.vector_load %arg6[%get3A_1114, %get3A_1115] {strides = array<i32>} : memref<400x64xf32, #tpu.memory_space<vmem>>, vector<1x16xf32>,
        %get3A_1117 = vector.shape_cast %get3A_1116 : vector<1x16xf32> to vector<16xf32>
        %add3A_1118 = arith.addf %add3A_1082, %get3A_1117 : vector<16xf32>
        %add3A_1119 = arith.constant 200 : i32
        %add3A_1120 = arith.addi %add3A_1119, %mul3A_1011 : i32
        %add3A_1121 = arith.constant 3 : i32
        %add3A_1122 = arith.addi %add3A_1120, %add3A_1121 : i32
        %get3A_1123 = arith.index_cast %add3A_1122 : i32 to index
        %get3A_1124 = arith.constant 0 : index
        %get3A_1125 = tpu.vector_load %arg6[%get3A_1123, %get3A_1124] {strides = array<i32>} : memref<400x64xf32, #tpu.memory_space<vmem>>, vector<1x16xf32>,
        %get3A_1126 = vector.shape_cast %get3A_1125 : vector<1x16xf32> to vector<16xf32>
        %add3A_1127 = arith.addf %add3A_1091, %get3A_1126 : vector<16xf32>
        %add3A_1128 = arith.constant 200 : i32
        %add3A_1129 = arith.addi %add3A_1128, %mul3A_1011 : i32
        %add3A_1130 = arith.constant 3 : i32
        %add3A_1131 = arith.addi %add3A_1129, %add3A_1130 : i32
        %get3A_1132 = arith.index_cast %add3A_1131 : i32 to index
        %get3A_1133 = arith.constant 16 : index
        %get3A_1134 = tpu.vector_load %arg6[%get3A_1132, %get3A_1133] {strides = array<i32>} : memref<400x64xf32, #tpu.memory_space<vmem>>, vector<1x16xf32>,
        %get3A_1135 = vector.shape_cast %get3A_1134 : vector<1x16xf32> to vector<16xf32>
        %add3A_1136 = arith.addf %add3A_1100, %get3A_1135 : vector<16xf32>
        %add3A_1137 = arith.constant 200 : i32
        %add3A_1138 = arith.addi %add3A_1137, %mul3A_1011 : i32
        %add3A_1139 = arith.constant 3 : i32
        %add3A_1140 = arith.addi %add3A_1138, %add3A_1139 : i32
        %get3A_1141 = arith.index_cast %add3A_1140 : i32 to index
        %get3A_1142 = arith.constant 32 : index
        %get3A_1143 = tpu.vector_load %arg6[%get3A_1141, %get3A_1142] {strides = array<i32>} : memref<400x64xf32, #tpu.memory_space<vmem>>, vector<1x16xf32>,
        %get3A_1144 = vector.shape_cast %get3A_1143 : vector<1x16xf32> to vector<16xf32>
        %add3A_1145 = arith.addf %add3A_1109, %get3A_1144 : vector<16xf32>
        %add3A_1146 = arith.constant 200 : i32
        %add3A_1147 = arith.addi %add3A_1146, %mul3A_1011 : i32
        %add3A_1148 = arith.constant 3 : i32
        %add3A_1149 = arith.addi %add3A_1147, %add3A_1148 : i32
        %get3A_1150 = arith.index_cast %add3A_1149 : i32 to index
        %get3A_1151 = arith.constant 48 : index
        %get3A_1152 = tpu.vector_load %arg6[%get3A_1150, %get3A_1151] {strides = array<i32>} : memref<400x64xf32, #tpu.memory_space<vmem>>, vector<1x16xf32>,
        %get3A_1153 = vector.shape_cast %get3A_1152 : vector<1x16xf32> to vector<16xf32>
        %add3A_1154 = arith.addf %add3A_1118, %get3A_1153 : vector<16xf32>
        %add3A_1155 = arith.constant 200 : i32
        %add3A_1156 = arith.addi %add3A_1155, %mul3A_1011 : i32
        %add3A_1157 = arith.constant 4 : i32
        %add3A_1158 = arith.addi %add3A_1156, %add3A_1157 : i32
        %get3A_1159 = arith.index_cast %add3A_1158 : i32 to index
        %get3A_1160 = arith.constant 0 : index
        %get3A_1161 = tpu.vector_load %arg6[%get3A_1159, %get3A_1160] {strides = array<i32>} : memref<400x64xf32, #tpu.memory_space<vmem>>, vector<1x16xf32>,
        %get3A_1162 = vector.shape_cast %get3A_1161 : vector<1x16xf32> to vector<16xf32>
        %add3A_1163 = arith.addf %add3A_1127, %get3A_1162 : vector<16xf32>
        %add3A_1164 = arith.constant 200 : i32
        %add3A_1165 = arith.addi %add3A_1164, %mul3A_1011 : i32
        %add3A_1166 = arith.constant 4 : i32
        %add3A_1167 = arith.addi %add3A_1165, %add3A_1166 : i32
        %get3A_1168 = arith.index_cast %add3A_1167 : i32 to index
        %get3A_1169 = arith.constant 16 : index
        %get3A_1170 = tpu.vector_load %arg6[%get3A_1168, %get3A_1169] {strides = array<i32>} : memref<400x64xf32, #tpu.memory_space<vmem>>, vector<1x16xf32>,
        %get3A_1171 = vector.shape_cast %get3A_1170 : vector<1x16xf32> to vector<16xf32>
        %add3A_1172 = arith.addf %add3A_1136, %get3A_1171 : vector<16xf32>
        %add3A_1173 = arith.constant 200 : i32
        %add3A_1174 = arith.addi %add3A_1173, %mul3A_1011 : i32
        %add3A_1175 = arith.constant 4 : i32
        %add3A_1176 = arith.addi %add3A_1174, %add3A_1175 : i32
        %get3A_1177 = arith.index_cast %add3A_1176 : i32 to index
        %get3A_1178 = arith.constant 32 : index
        %get3A_1179 = tpu.vector_load %arg6[%get3A_1177, %get3A_1178] {strides = array<i32>} : memref<400x64xf32, #tpu.memory_space<vmem>>, vector<1x16xf32>,
        %get3A_1180 = vector.shape_cast %get3A_1179 : vector<1x16xf32> to vector<16xf32>
        %add3A_1181 = arith.addf %add3A_1145, %get3A_1180 : vector<16xf32>
        %add3A_1182 = arith.constant 200 : i32
        %add3A_1183 = arith.addi %add3A_1182, %mul3A_1011 : i32
        %add3A_1184 = arith.constant 4 : i32
        %add3A_1185 = arith.addi %add3A_1183, %add3A_1184 : i32
        %get3A_1186 = arith.index_cast %add3A_1185 : i32 to index
        %get3A_1187 = arith.constant 48 : index
        %get3A_1188 = tpu.vector_load %arg6[%get3A_1186, %get3A_1187] {strides = array<i32>} : memref<400x64xf32, #tpu.memory_space<vmem>>, vector<1x16xf32>,
        %get3A_1189 = vector.shape_cast %get3A_1188 : vector<1x16xf32> to vector<16xf32>
        %add3A_1190 = arith.addf %add3A_1154, %get3A_1189 : vector<16xf32>
        scf.yield %add3A_1163, %add3A_1172, %add3A_1181, %add3A_1190 : vector<16xf32>, vector<16xf32>, vector<16xf32>, vector<16xf32>
      }
      %scan3A_398 = arith.constant 10 : i32
      %mul3A_399 = arith.constant 2.000000e-02 : f32
      %mul3A_400 = vector.broadcast %mul3A_399 : f32 to vector<16xf32>
      %mul3A_401 = arith.mulf %scan3A_397#0, %mul3A_400 : vector<16xf32>
      %swap3A_402 = arith.constant 4 : i32
      %swap3A_403 = arith.index_cast %swap3A_402 : i32 to index
      %swap3A_404 = arith.constant 0 : index
      %swap3A_405 = tpu.vector_load %arg8[%swap3A_403, %swap3A_404] {strides = array<i32>} : memref<8x64xf32, #tpu.memory_space<vmem>>, vector<1x16xf32>,
      %swap3A_406 = vector.shape_cast %swap3A_405 : vector<1x16xf32> to vector<16xf32>
      %swap3A_407 = vector.shape_cast %mul3A_401 : vector<16xf32> to vector<1x16xf32>
      tpu.vector_store %arg8[%swap3A_403, %swap3A_404], %swap3A_407 {strides = array<i32>} : memref<8x64xf32, #tpu.memory_space<vmem>>, vector<1x16xf32>,
      %mul3A_408 = arith.constant 2.000000e-02 : f32
      %mul3A_409 = vector.broadcast %mul3A_408 : f32 to vector<16xf32>
      %mul3A_410 = arith.mulf %scan3A_397#1, %mul3A_409 : vector<16xf32>
      %swap3A_411 = arith.constant 4 : i32
      %swap3A_412 = arith.index_cast %swap3A_411 : i32 to index
      %swap3A_413 = arith.constant 16 : index
      %swap3A_414 = tpu.vector_load %arg8[%swap3A_412, %swap3A_413] {strides = array<i32>} : memref<8x64xf32, #tpu.memory_space<vmem>>, vector<1x16xf32>,
      %swap3A_415 = vector.shape_cast %swap3A_414 : vector<1x16xf32> to vector<16xf32>
      %swap3A_416 = vector.shape_cast %mul3A_410 : vector<16xf32> to vector<1x16xf32>
      tpu.vector_store %arg8[%swap3A_412, %swap3A_413], %swap3A_416 {strides = array<i32>} : memref<8x64xf32, #tpu.memory_space<vmem>>, vector<1x16xf32>,
      %mul3A_417 = arith.constant 2.000000e-02 : f32
      %mul3A_418 = vector.broadcast %mul3A_417 : f32 to vector<16xf32>
      %mul3A_419 = arith.mulf %scan3A_397#2, %mul3A_418 : vector<16xf32>
      %swap3A_420 = arith.constant 4 : i32
      %swap3A_421 = arith.index_cast %swap3A_420 : i32 to index
      %swap3A_422 = arith.constant 32 : index
      %swap3A_423 = tpu.vector_load %arg8[%swap3A_421, %swap3A_422] {strides = array<i32>} : memref<8x64xf32, #tpu.memory_space<vmem>>, vector<1x16xf32>,
      %swap3A_424 = vector.shape_cast %swap3A_423 : vector<1x16xf32> to vector<16xf32>
      %swap3A_425 = vector.shape_cast %mul3A_419 : vector<16xf32> to vector<1x16xf32>
      tpu.vector_store %arg8[%swap3A_421, %swap3A_422], %swap3A_425 {strides = array<i32>} : memref<8x64xf32, #tpu.memory_space<vmem>>, vector<1x16xf32>,
      %mul3A_426 = arith.constant 2.000000e-02 : f32
      %mul3A_427 = vector.broadcast %mul3A_426 : f32 to vector<16xf32>
      %mul3A_428 = arith.mulf %scan3A_397#3, %mul3A_427 : vector<16xf32>
      %swap3A_429 = arith.constant 4 : i32
      %swap3A_430 = arith.index_cast %swap3A_429 : i32 to index
      %swap3A_431 = arith.constant 48 : index
      %swap3A_432 = tpu.vector_load %arg8[%swap3A_430, %swap3A_431] {strides = array<i32>} : memref<8x64xf32, #tpu.memory_space<vmem>>, vector<1x16xf32>,
      %swap3A_433 = vector.shape_cast %swap3A_432 : vector<1x16xf32> to vector<16xf32>
      %swap3A_434 = vector.shape_cast %mul3A_428 : vector<16xf32> to vector<1x16xf32>
      tpu.vector_store %arg8[%swap3A_430, %swap3A_431], %swap3A_434 {strides = array<i32>} : memref<8x64xf32, #tpu.memory_space<vmem>>, vector<1x16xf32>,
      %broadcast_in_dim3A_435 = arith.constant 0.000000e+00 : f32
      %broadcast_in_dim3A_436 = vector.broadcast %broadcast_in_dim3A_435 : f32 to vector<16xf32>
      %broadcast_in_dim3A_437 = arith.constant 0.000000e+00 : f32
      %broadcast_in_dim3A_438 = vector.broadcast %broadcast_in_dim3A_437 : f32 to vector<16xf32>
      %broadcast_in_dim3A_439 = arith.constant 0.000000e+00 : f32
      %broadcast_in_dim3A_440 = vector.broadcast %broadcast_in_dim3A_439 : f32 to vector<16xf32>
      %broadcast_in_dim3A_441 = arith.constant 0.000000e+00 : f32
      %broadcast_in_dim3A_442 = vector.broadcast %broadcast_in_dim3A_441 : f32 to vector<16xf32>
      %scan3A_443 = arith.constant 0 : i32
      %scan3A_444 = arith.constant 10 : i32
      %scan3A_445 = arith.addi %scan3A_443, %scan3A_444 : i32
      %scan3A_446 = arith.constant 1 : i32
      %scan3A_447:4 = scf.for %scan3A_1005 = %scan3A_443 to %scan3A_445 step %scan3A_446 iter_args(%scan3A_1006 = %broadcast_in_dim3A_436, %scan3A_1007 = %broadcast_in_dim3A_438, %scan3A_1008 = %broadcast_in_dim3A_440, %scan3A_1009 = %broadcast_in_dim3A_442) -> (vector<16xf32>, vector<16xf32>, vector<16xf32>, vector<16xf32>)  : i32 {
        %mul3A_1010 = arith.constant 5 : i32
        %mul3A_1011 = arith.muli %scan3A_1005, %mul3A_1010 : i32
        %add3A_1012 = arith.constant 250 : i32
        %add3A_1013 = arith.addi %add3A_1012, %mul3A_1011 : i32
        %add3A_1014 = arith.constant 0 : i32
        %add3A_1015 = arith.addi %add3A_1013, %add3A_1014 : i32
        %get3A = arith.index_cast %add3A_1015 : i32 to index
        %get3A_1016 = arith.constant 0 : index
        %get3A_1017 = tpu.vector_load %arg6[%get3A, %get3A_1016] {strides = array<i32>} : memref<400x64xf32, #tpu.memory_space<vmem>>, vector<1x16xf32>,
        %get3A_1018 = vector.shape_cast %get3A_1017 : vector<1x16xf32> to vector<16xf32>
        %add3A_1019 = arith.addf %scan3A_1006, %get3A_1018 : vector<16xf32>
        %add3A_1020 = arith.constant 250 : i32
        %add3A_1021 = arith.addi %add3A_1020, %mul3A_1011 : i32
        %add3A_1022 = arith.constant 0 : i32
        %add3A_1023 = arith.addi %add3A_1021, %add3A_1022 : i32
        %get3A_1024 = arith.index_cast %add3A_1023 : i32 to index
        %get3A_1025 = arith.constant 16 : index
        %get3A_1026 = tpu.vector_load %arg6[%get3A_1024, %get3A_1025] {strides = array<i32>} : memref<400x64xf32, #tpu.memory_space<vmem>>, vector<1x16xf32>,
        %get3A_1027 = vector.shape_cast %get3A_1026 : vector<1x16xf32> to vector<16xf32>
        %add3A_1028 = arith.addf %scan3A_1007, %get3A_1027 : vector<16xf32>
        %add3A_1029 = arith.constant 250 : i32
        %add3A_1030 = arith.addi %add3A_1029, %mul3A_1011 : i32
        %add3A_1031 = arith.constant 0 : i32
        %add3A_1032 = arith.addi %add3A_1030, %add3A_1031 : i32
        %get3A_1033 = arith.index_cast %add3A_1032 : i32 to index
        %get3A_1034 = arith.constant 32 : index
        %get3A_1035 = tpu.vector_load %arg6[%get3A_1033, %get3A_1034] {strides = array<i32>} : memref<400x64xf32, #tpu.memory_space<vmem>>, vector<1x16xf32>,
        %get3A_1036 = vector.shape_cast %get3A_1035 : vector<1x16xf32> to vector<16xf32>
        %add3A_1037 = arith.addf %scan3A_1008, %get3A_1036 : vector<16xf32>
        %add3A_1038 = arith.constant 250 : i32
        %add3A_1039 = arith.addi %add3A_1038, %mul3A_1011 : i32
        %add3A_1040 = arith.constant 0 : i32
        %add3A_1041 = arith.addi %add3A_1039, %add3A_1040 : i32
        %get3A_1042 = arith.index_cast %add3A_1041 : i32 to index
        %get3A_1043 = arith.constant 48 : index
        %get3A_1044 = tpu.vector_load %arg6[%get3A_1042, %get3A_1043] {strides = array<i32>} : memref<400x64xf32, #tpu.memory_space<vmem>>, vector<1x16xf32>,
        %get3A_1045 = vector.shape_cast %get3A_1044 : vector<1x16xf32> to vector<16xf32>
        %add3A_1046 = arith.addf %scan3A_1009, %get3A_1045 : vector<16xf32>
        %add3A_1047 = arith.constant 250 : i32
        %add3A_1048 = arith.addi %add3A_1047, %mul3A_1011 : i32
        %add3A_1049 = arith.constant 1 : i32
        %add3A_1050 = arith.addi %add3A_1048, %add3A_1049 : i32
        %get3A_1051 = arith.index_cast %add3A_1050 : i32 to index
        %get3A_1052 = arith.constant 0 : index
        %get3A_1053 = tpu.vector_load %arg6[%get3A_1051, %get3A_1052] {strides = array<i32>} : memref<400x64xf32, #tpu.memory_space<vmem>>, vector<1x16xf32>,
        %get3A_1054 = vector.shape_cast %get3A_1053 : vector<1x16xf32> to vector<16xf32>
        %add3A_1055 = arith.addf %add3A_1019, %get3A_1054 : vector<16xf32>
        %add3A_1056 = arith.constant 250 : i32
        %add3A_1057 = arith.addi %add3A_1056, %mul3A_1011 : i32
        %add3A_1058 = arith.constant 1 : i32
        %add3A_1059 = arith.addi %add3A_1057, %add3A_1058 : i32
        %get3A_1060 = arith.index_cast %add3A_1059 : i32 to index
        %get3A_1061 = arith.constant 16 : index
        %get3A_1062 = tpu.vector_load %arg6[%get3A_1060, %get3A_1061] {strides = array<i32>} : memref<400x64xf32, #tpu.memory_space<vmem>>, vector<1x16xf32>,
        %get3A_1063 = vector.shape_cast %get3A_1062 : vector<1x16xf32> to vector<16xf32>
        %add3A_1064 = arith.addf %add3A_1028, %get3A_1063 : vector<16xf32>
        %add3A_1065 = arith.constant 250 : i32
        %add3A_1066 = arith.addi %add3A_1065, %mul3A_1011 : i32
        %add3A_1067 = arith.constant 1 : i32
        %add3A_1068 = arith.addi %add3A_1066, %add3A_1067 : i32
        %get3A_1069 = arith.index_cast %add3A_1068 : i32 to index
        %get3A_1070 = arith.constant 32 : index
        %get3A_1071 = tpu.vector_load %arg6[%get3A_1069, %get3A_1070] {strides = array<i32>} : memref<400x64xf32, #tpu.memory_space<vmem>>, vector<1x16xf32>,
        %get3A_1072 = vector.shape_cast %get3A_1071 : vector<1x16xf32> to vector<16xf32>
        %add3A_1073 = arith.addf %add3A_1037, %get3A_1072 : vector<16xf32>
        %add3A_1074 = arith.constant 250 : i32
        %add3A_1075 = arith.addi %add3A_1074, %mul3A_1011 : i32
        %add3A_1076 = arith.constant 1 : i32
        %add3A_1077 = arith.addi %add3A_1075, %add3A_1076 : i32
        %get3A_1078 = arith.index_cast %add3A_1077 : i32 to index
        %get3A_1079 = arith.constant 48 : index
        %get3A_1080 = tpu.vector_load %arg6[%get3A_1078, %get3A_1079] {strides = array<i32>} : memref<400x64xf32, #tpu.memory_space<vmem>>, vector<1x16xf32>,
        %get3A_1081 = vector.shape_cast %get3A_1080 : vector<1x16xf32> to vector<16xf32>
        %add3A_1082 = arith.addf %add3A_1046, %get3A_1081 : vector<16xf32>
        %add3A_1083 = arith.constant 250 : i32
        %add3A_1084 = arith.addi %add3A_1083, %mul3A_1011 : i32
        %add3A_1085 = arith.constant 2 : i32
        %add3A_1086 = arith.addi %add3A_1084, %add3A_1085 : i32
        %get3A_1087 = arith.index_cast %add3A_1086 : i32 to index
        %get3A_1088 = arith.constant 0 : index
        %get3A_1089 = tpu.vector_load %arg6[%get3A_1087, %get3A_1088] {strides = array<i32>} : memref<400x64xf32, #tpu.memory_space<vmem>>, vector<1x16xf32>,
        %get3A_1090 = vector.shape_cast %get3A_1089 : vector<1x16xf32> to vector<16xf32>
        %add3A_1091 = arith.addf %add3A_1055, %get3A_1090 : vector<16xf32>
        %add3A_1092 = arith.constant 250 : i32
        %add3A_1093 = arith.addi %add3A_1092, %mul3A_1011 : i32
        %add3A_1094 = arith.constant 2 : i32
        %add3A_1095 = arith.addi %add3A_1093, %add3A_1094 : i32
        %get3A_1096 = arith.index_cast %add3A_1095 : i32 to index
        %get3A_1097 = arith.constant 16 : index
        %get3A_1098 = tpu.vector_load %arg6[%get3A_1096, %get3A_1097] {strides = array<i32>} : memref<400x64xf32, #tpu.memory_space<vmem>>, vector<1x16xf32>,
        %get3A_1099 = vector.shape_cast %get3A_1098 : vector<1x16xf32> to vector<16xf32>
        %add3A_1100 = arith.addf %add3A_1064, %get3A_1099 : vector<16xf32>
        %add3A_1101 = arith.constant 250 : i32
        %add3A_1102 = arith.addi %add3A_1101, %mul3A_1011 : i32
        %add3A_1103 = arith.constant 2 : i32
        %add3A_1104 = arith.addi %add3A_1102, %add3A_1103 : i32
        %get3A_1105 = arith.index_cast %add3A_1104 : i32 to index
        %get3A_1106 = arith.constant 32 : index
        %get3A_1107 = tpu.vector_load %arg6[%get3A_1105, %get3A_1106] {strides = array<i32>} : memref<400x64xf32, #tpu.memory_space<vmem>>, vector<1x16xf32>,
        %get3A_1108 = vector.shape_cast %get3A_1107 : vector<1x16xf32> to vector<16xf32>
        %add3A_1109 = arith.addf %add3A_1073, %get3A_1108 : vector<16xf32>
        %add3A_1110 = arith.constant 250 : i32
        %add3A_1111 = arith.addi %add3A_1110, %mul3A_1011 : i32
        %add3A_1112 = arith.constant 2 : i32
        %add3A_1113 = arith.addi %add3A_1111, %add3A_1112 : i32
        %get3A_1114 = arith.index_cast %add3A_1113 : i32 to index
        %get3A_1115 = arith.constant 48 : index
        %get3A_1116 = tpu.vector_load %arg6[%get3A_1114, %get3A_1115] {strides = array<i32>} : memref<400x64xf32, #tpu.memory_space<vmem>>, vector<1x16xf32>,
        %get3A_1117 = vector.shape_cast %get3A_1116 : vector<1x16xf32> to vector<16xf32>
        %add3A_1118 = arith.addf %add3A_1082, %get3A_1117 : vector<16xf32>
        %add3A_1119 = arith.constant 250 : i32
        %add3A_1120 = arith.addi %add3A_1119, %mul3A_1011 : i32
        %add3A_1121 = arith.constant 3 : i32
        %add3A_1122 = arith.addi %add3A_1120, %add3A_1121 : i32
        %get3A_1123 = arith.index_cast %add3A_1122 : i32 to index
        %get3A_1124 = arith.constant 0 : index
        %get3A_1125 = tpu.vector_load %arg6[%get3A_1123, %get3A_1124] {strides = array<i32>} : memref<400x64xf32, #tpu.memory_space<vmem>>, vector<1x16xf32>,
        %get3A_1126 = vector.shape_cast %get3A_1125 : vector<1x16xf32> to vector<16xf32>
        %add3A_1127 = arith.addf %add3A_1091, %get3A_1126 : vector<16xf32>
        %add3A_1128 = arith.constant 250 : i32
        %add3A_1129 = arith.addi %add3A_1128, %mul3A_1011 : i32
        %add3A_1130 = arith.constant 3 : i32
        %add3A_1131 = arith.addi %add3A_1129, %add3A_1130 : i32
        %get3A_1132 = arith.index_cast %add3A_1131 : i32 to index
        %get3A_1133 = arith.constant 16 : index
        %get3A_1134 = tpu.vector_load %arg6[%get3A_1132, %get3A_1133] {strides = array<i32>} : memref<400x64xf32, #tpu.memory_space<vmem>>, vector<1x16xf32>,
        %get3A_1135 = vector.shape_cast %get3A_1134 : vector<1x16xf32> to vector<16xf32>
        %add3A_1136 = arith.addf %add3A_1100, %get3A_1135 : vector<16xf32>
        %add3A_1137 = arith.constant 250 : i32
        %add3A_1138 = arith.addi %add3A_1137, %mul3A_1011 : i32
        %add3A_1139 = arith.constant 3 : i32
        %add3A_1140 = arith.addi %add3A_1138, %add3A_1139 : i32
        %get3A_1141 = arith.index_cast %add3A_1140 : i32 to index
        %get3A_1142 = arith.constant 32 : index
        %get3A_1143 = tpu.vector_load %arg6[%get3A_1141, %get3A_1142] {strides = array<i32>} : memref<400x64xf32, #tpu.memory_space<vmem>>, vector<1x16xf32>,
        %get3A_1144 = vector.shape_cast %get3A_1143 : vector<1x16xf32> to vector<16xf32>
        %add3A_1145 = arith.addf %add3A_1109, %get3A_1144 : vector<16xf32>
        %add3A_1146 = arith.constant 250 : i32
        %add3A_1147 = arith.addi %add3A_1146, %mul3A_1011 : i32
        %add3A_1148 = arith.constant 3 : i32
        %add3A_1149 = arith.addi %add3A_1147, %add3A_1148 : i32
        %get3A_1150 = arith.index_cast %add3A_1149 : i32 to index
        %get3A_1151 = arith.constant 48 : index
        %get3A_1152 = tpu.vector_load %arg6[%get3A_1150, %get3A_1151] {strides = array<i32>} : memref<400x64xf32, #tpu.memory_space<vmem>>, vector<1x16xf32>,
        %get3A_1153 = vector.shape_cast %get3A_1152 : vector<1x16xf32> to vector<16xf32>
        %add3A_1154 = arith.addf %add3A_1118, %get3A_1153 : vector<16xf32>
        %add3A_1155 = arith.constant 250 : i32
        %add3A_1156 = arith.addi %add3A_1155, %mul3A_1011 : i32
        %add3A_1157 = arith.constant 4 : i32
        %add3A_1158 = arith.addi %add3A_1156, %add3A_1157 : i32
        %get3A_1159 = arith.index_cast %add3A_1158 : i32 to index
        %get3A_1160 = arith.constant 0 : index
        %get3A_1161 = tpu.vector_load %arg6[%get3A_1159, %get3A_1160] {strides = array<i32>} : memref<400x64xf32, #tpu.memory_space<vmem>>, vector<1x16xf32>,
        %get3A_1162 = vector.shape_cast %get3A_1161 : vector<1x16xf32> to vector<16xf32>
        %add3A_1163 = arith.addf %add3A_1127, %get3A_1162 : vector<16xf32>
        %add3A_1164 = arith.constant 250 : i32
        %add3A_1165 = arith.addi %add3A_1164, %mul3A_1011 : i32
        %add3A_1166 = arith.constant 4 : i32
        %add3A_1167 = arith.addi %add3A_1165, %add3A_1166 : i32
        %get3A_1168 = arith.index_cast %add3A_1167 : i32 to index
        %get3A_1169 = arith.constant 16 : index
        %get3A_1170 = tpu.vector_load %arg6[%get3A_1168, %get3A_1169] {strides = array<i32>} : memref<400x64xf32, #tpu.memory_space<vmem>>, vector<1x16xf32>,
        %get3A_1171 = vector.shape_cast %get3A_1170 : vector<1x16xf32> to vector<16xf32>
        %add3A_1172 = arith.addf %add3A_1136, %get3A_1171 : vector<16xf32>
        %add3A_1173 = arith.constant 250 : i32
        %add3A_1174 = arith.addi %add3A_1173, %mul3A_1011 : i32
        %add3A_1175 = arith.constant 4 : i32
        %add3A_1176 = arith.addi %add3A_1174, %add3A_1175 : i32
        %get3A_1177 = arith.index_cast %add3A_1176 : i32 to index
        %get3A_1178 = arith.constant 32 : index
        %get3A_1179 = tpu.vector_load %arg6[%get3A_1177, %get3A_1178] {strides = array<i32>} : memref<400x64xf32, #tpu.memory_space<vmem>>, vector<1x16xf32>,
        %get3A_1180 = vector.shape_cast %get3A_1179 : vector<1x16xf32> to vector<16xf32>
        %add3A_1181 = arith.addf %add3A_1145, %get3A_1180 : vector<16xf32>
        %add3A_1182 = arith.constant 250 : i32
        %add3A_1183 = arith.addi %add3A_1182, %mul3A_1011 : i32
        %add3A_1184 = arith.constant 4 : i32
        %add3A_1185 = arith.addi %add3A_1183, %add3A_1184 : i32
        %get3A_1186 = arith.index_cast %add3A_1185 : i32 to index
        %get3A_1187 = arith.constant 48 : index
        %get3A_1188 = tpu.vector_load %arg6[%get3A_1186, %get3A_1187] {strides = array<i32>} : memref<400x64xf32, #tpu.memory_space<vmem>>, vector<1x16xf32>,
        %get3A_1189 = vector.shape_cast %get3A_1188 : vector<1x16xf32> to vector<16xf32>
        %add3A_1190 = arith.addf %add3A_1154, %get3A_1189 : vector<16xf32>
        scf.yield %add3A_1163, %add3A_1172, %add3A_1181, %add3A_1190 : vector<16xf32>, vector<16xf32>, vector<16xf32>, vector<16xf32>
      }
      %scan3A_448 = arith.constant 10 : i32
      %mul3A_449 = arith.constant 2.000000e-02 : f32
      %mul3A_450 = vector.broadcast %mul3A_449 : f32 to vector<16xf32>
      %mul3A_451 = arith.mulf %scan3A_447#0, %mul3A_450 : vector<16xf32>
      %swap3A_452 = arith.constant 5 : i32
      %swap3A_453 = arith.index_cast %swap3A_452 : i32 to index
      %swap3A_454 = arith.constant 0 : index
      %swap3A_455 = tpu.vector_load %arg8[%swap3A_453, %swap3A_454] {strides = array<i32>} : memref<8x64xf32, #tpu.memory_space<vmem>>, vector<1x16xf32>,
      %swap3A_456 = vector.shape_cast %swap3A_455 : vector<1x16xf32> to vector<16xf32>
      %swap3A_457 = vector.shape_cast %mul3A_451 : vector<16xf32> to vector<1x16xf32>
      tpu.vector_store %arg8[%swap3A_453, %swap3A_454], %swap3A_457 {strides = array<i32>} : memref<8x64xf32, #tpu.memory_space<vmem>>, vector<1x16xf32>,
      %mul3A_458 = arith.constant 2.000000e-02 : f32
      %mul3A_459 = vector.broadcast %mul3A_458 : f32 to vector<16xf32>
      %mul3A_460 = arith.mulf %scan3A_447#1, %mul3A_459 : vector<16xf32>
      %swap3A_461 = arith.constant 5 : i32
      %swap3A_462 = arith.index_cast %swap3A_461 : i32 to index
      %swap3A_463 = arith.constant 16 : index
      %swap3A_464 = tpu.vector_load %arg8[%swap3A_462, %swap3A_463] {strides = array<i32>} : memref<8x64xf32, #tpu.memory_space<vmem>>, vector<1x16xf32>,
      %swap3A_465 = vector.shape_cast %swap3A_464 : vector<1x16xf32> to vector<16xf32>
      %swap3A_466 = vector.shape_cast %mul3A_460 : vector<16xf32> to vector<1x16xf32>
      tpu.vector_store %arg8[%swap3A_462, %swap3A_463], %swap3A_466 {strides = array<i32>} : memref<8x64xf32, #tpu.memory_space<vmem>>, vector<1x16xf32>,
      %mul3A_467 = arith.constant 2.000000e-02 : f32
      %mul3A_468 = vector.broadcast %mul3A_467 : f32 to vector<16xf32>
      %mul3A_469 = arith.mulf %scan3A_447#2, %mul3A_468 : vector<16xf32>
      %swap3A_470 = arith.constant 5 : i32
      %swap3A_471 = arith.index_cast %swap3A_470 : i32 to index
      %swap3A_472 = arith.constant 32 : index
      %swap3A_473 = tpu.vector_load %arg8[%swap3A_471, %swap3A_472] {strides = array<i32>} : memref<8x64xf32, #tpu.memory_space<vmem>>, vector<1x16xf32>,
      %swap3A_474 = vector.shape_cast %swap3A_473 : vector<1x16xf32> to vector<16xf32>
      %swap3A_475 = vector.shape_cast %mul3A_469 : vector<16xf32> to vector<1x16xf32>
      tpu.vector_store %arg8[%swap3A_471, %swap3A_472], %swap3A_475 {strides = array<i32>} : memref<8x64xf32, #tpu.memory_space<vmem>>, vector<1x16xf32>,
      %mul3A_476 = arith.constant 2.000000e-02 : f32
      %mul3A_477 = vector.broadcast %mul3A_476 : f32 to vector<16xf32>
      %mul3A_478 = arith.mulf %scan3A_447#3, %mul3A_477 : vector<16xf32>
      %swap3A_479 = arith.constant 5 : i32
      %swap3A_480 = arith.index_cast %swap3A_479 : i32 to index
      %swap3A_481 = arith.constant 48 : index
      %swap3A_482 = tpu.vector_load %arg8[%swap3A_480, %swap3A_481] {strides = array<i32>} : memref<8x64xf32, #tpu.memory_space<vmem>>, vector<1x16xf32>,
      %swap3A_483 = vector.shape_cast %swap3A_482 : vector<1x16xf32> to vector<16xf32>
      %swap3A_484 = vector.shape_cast %mul3A_478 : vector<16xf32> to vector<1x16xf32>
      tpu.vector_store %arg8[%swap3A_480, %swap3A_481], %swap3A_484 {strides = array<i32>} : memref<8x64xf32, #tpu.memory_space<vmem>>, vector<1x16xf32>,
      %broadcast_in_dim3A_485 = arith.constant 0.000000e+00 : f32
      %broadcast_in_dim3A_486 = vector.broadcast %broadcast_in_dim3A_485 : f32 to vector<16xf32>
      %broadcast_in_dim3A_487 = arith.constant 0.000000e+00 : f32
      %broadcast_in_dim3A_488 = vector.broadcast %broadcast_in_dim3A_487 : f32 to vector<16xf32>
      %broadcast_in_dim3A_489 = arith.constant 0.000000e+00 : f32
      %broadcast_in_dim3A_490 = vector.broadcast %broadcast_in_dim3A_489 : f32 to vector<16xf32>
      %broadcast_in_dim3A_491 = arith.constant 0.000000e+00 : f32
      %broadcast_in_dim3A_492 = vector.broadcast %broadcast_in_dim3A_491 : f32 to vector<16xf32>
      %scan3A_493 = arith.constant 0 : i32
      %scan3A_494 = arith.constant 10 : i32
      %scan3A_495 = arith.addi %scan3A_493, %scan3A_494 : i32
      %scan3A_496 = arith.constant 1 : i32
      %scan3A_497:4 = scf.for %scan3A_1005 = %scan3A_493 to %scan3A_495 step %scan3A_496 iter_args(%scan3A_1006 = %broadcast_in_dim3A_486, %scan3A_1007 = %broadcast_in_dim3A_488, %scan3A_1008 = %broadcast_in_dim3A_490, %scan3A_1009 = %broadcast_in_dim3A_492) -> (vector<16xf32>, vector<16xf32>, vector<16xf32>, vector<16xf32>)  : i32 {
        %mul3A_1010 = arith.constant 5 : i32
        %mul3A_1011 = arith.muli %scan3A_1005, %mul3A_1010 : i32
        %add3A_1012 = arith.constant 300 : i32
        %add3A_1013 = arith.addi %add3A_1012, %mul3A_1011 : i32
        %add3A_1014 = arith.constant 0 : i32
        %add3A_1015 = arith.addi %add3A_1013, %add3A_1014 : i32
        %get3A = arith.index_cast %add3A_1015 : i32 to index
        %get3A_1016 = arith.constant 0 : index
        %get3A_1017 = tpu.vector_load %arg6[%get3A, %get3A_1016] {strides = array<i32>} : memref<400x64xf32, #tpu.memory_space<vmem>>, vector<1x16xf32>,
        %get3A_1018 = vector.shape_cast %get3A_1017 : vector<1x16xf32> to vector<16xf32>
        %add3A_1019 = arith.addf %scan3A_1006, %get3A_1018 : vector<16xf32>
        %add3A_1020 = arith.constant 300 : i32
        %add3A_1021 = arith.addi %add3A_1020, %mul3A_1011 : i32
        %add3A_1022 = arith.constant 0 : i32
        %add3A_1023 = arith.addi %add3A_1021, %add3A_1022 : i32
        %get3A_1024 = arith.index_cast %add3A_1023 : i32 to index
        %get3A_1025 = arith.constant 16 : index
        %get3A_1026 = tpu.vector_load %arg6[%get3A_1024, %get3A_1025] {strides = array<i32>} : memref<400x64xf32, #tpu.memory_space<vmem>>, vector<1x16xf32>,
        %get3A_1027 = vector.shape_cast %get3A_1026 : vector<1x16xf32> to vector<16xf32>
        %add3A_1028 = arith.addf %scan3A_1007, %get3A_1027 : vector<16xf32>
        %add3A_1029 = arith.constant 300 : i32
        %add3A_1030 = arith.addi %add3A_1029, %mul3A_1011 : i32
        %add3A_1031 = arith.constant 0 : i32
        %add3A_1032 = arith.addi %add3A_1030, %add3A_1031 : i32
        %get3A_1033 = arith.index_cast %add3A_1032 : i32 to index
        %get3A_1034 = arith.constant 32 : index
        %get3A_1035 = tpu.vector_load %arg6[%get3A_1033, %get3A_1034] {strides = array<i32>} : memref<400x64xf32, #tpu.memory_space<vmem>>, vector<1x16xf32>,
        %get3A_1036 = vector.shape_cast %get3A_1035 : vector<1x16xf32> to vector<16xf32>
        %add3A_1037 = arith.addf %scan3A_1008, %get3A_1036 : vector<16xf32>
        %add3A_1038 = arith.constant 300 : i32
        %add3A_1039 = arith.addi %add3A_1038, %mul3A_1011 : i32
        %add3A_1040 = arith.constant 0 : i32
        %add3A_1041 = arith.addi %add3A_1039, %add3A_1040 : i32
        %get3A_1042 = arith.index_cast %add3A_1041 : i32 to index
        %get3A_1043 = arith.constant 48 : index
        %get3A_1044 = tpu.vector_load %arg6[%get3A_1042, %get3A_1043] {strides = array<i32>} : memref<400x64xf32, #tpu.memory_space<vmem>>, vector<1x16xf32>,
        %get3A_1045 = vector.shape_cast %get3A_1044 : vector<1x16xf32> to vector<16xf32>
        %add3A_1046 = arith.addf %scan3A_1009, %get3A_1045 : vector<16xf32>
        %add3A_1047 = arith.constant 300 : i32
        %add3A_1048 = arith.addi %add3A_1047, %mul3A_1011 : i32
        %add3A_1049 = arith.constant 1 : i32
        %add3A_1050 = arith.addi %add3A_1048, %add3A_1049 : i32
        %get3A_1051 = arith.index_cast %add3A_1050 : i32 to index
        %get3A_1052 = arith.constant 0 : index
        %get3A_1053 = tpu.vector_load %arg6[%get3A_1051, %get3A_1052] {strides = array<i32>} : memref<400x64xf32, #tpu.memory_space<vmem>>, vector<1x16xf32>,
        %get3A_1054 = vector.shape_cast %get3A_1053 : vector<1x16xf32> to vector<16xf32>
        %add3A_1055 = arith.addf %add3A_1019, %get3A_1054 : vector<16xf32>
        %add3A_1056 = arith.constant 300 : i32
        %add3A_1057 = arith.addi %add3A_1056, %mul3A_1011 : i32
        %add3A_1058 = arith.constant 1 : i32
        %add3A_1059 = arith.addi %add3A_1057, %add3A_1058 : i32
        %get3A_1060 = arith.index_cast %add3A_1059 : i32 to index
        %get3A_1061 = arith.constant 16 : index
        %get3A_1062 = tpu.vector_load %arg6[%get3A_1060, %get3A_1061] {strides = array<i32>} : memref<400x64xf32, #tpu.memory_space<vmem>>, vector<1x16xf32>,
        %get3A_1063 = vector.shape_cast %get3A_1062 : vector<1x16xf32> to vector<16xf32>
        %add3A_1064 = arith.addf %add3A_1028, %get3A_1063 : vector<16xf32>
        %add3A_1065 = arith.constant 300 : i32
        %add3A_1066 = arith.addi %add3A_1065, %mul3A_1011 : i32
        %add3A_1067 = arith.constant 1 : i32
        %add3A_1068 = arith.addi %add3A_1066, %add3A_1067 : i32
        %get3A_1069 = arith.index_cast %add3A_1068 : i32 to index
        %get3A_1070 = arith.constant 32 : index
        %get3A_1071 = tpu.vector_load %arg6[%get3A_1069, %get3A_1070] {strides = array<i32>} : memref<400x64xf32, #tpu.memory_space<vmem>>, vector<1x16xf32>,
        %get3A_1072 = vector.shape_cast %get3A_1071 : vector<1x16xf32> to vector<16xf32>
        %add3A_1073 = arith.addf %add3A_1037, %get3A_1072 : vector<16xf32>
        %add3A_1074 = arith.constant 300 : i32
        %add3A_1075 = arith.addi %add3A_1074, %mul3A_1011 : i32
        %add3A_1076 = arith.constant 1 : i32
        %add3A_1077 = arith.addi %add3A_1075, %add3A_1076 : i32
        %get3A_1078 = arith.index_cast %add3A_1077 : i32 to index
        %get3A_1079 = arith.constant 48 : index
        %get3A_1080 = tpu.vector_load %arg6[%get3A_1078, %get3A_1079] {strides = array<i32>} : memref<400x64xf32, #tpu.memory_space<vmem>>, vector<1x16xf32>,
        %get3A_1081 = vector.shape_cast %get3A_1080 : vector<1x16xf32> to vector<16xf32>
        %add3A_1082 = arith.addf %add3A_1046, %get3A_1081 : vector<16xf32>
        %add3A_1083 = arith.constant 300 : i32
        %add3A_1084 = arith.addi %add3A_1083, %mul3A_1011 : i32
        %add3A_1085 = arith.constant 2 : i32
        %add3A_1086 = arith.addi %add3A_1084, %add3A_1085 : i32
        %get3A_1087 = arith.index_cast %add3A_1086 : i32 to index
        %get3A_1088 = arith.constant 0 : index
        %get3A_1089 = tpu.vector_load %arg6[%get3A_1087, %get3A_1088] {strides = array<i32>} : memref<400x64xf32, #tpu.memory_space<vmem>>, vector<1x16xf32>,
        %get3A_1090 = vector.shape_cast %get3A_1089 : vector<1x16xf32> to vector<16xf32>
        %add3A_1091 = arith.addf %add3A_1055, %get3A_1090 : vector<16xf32>
        %add3A_1092 = arith.constant 300 : i32
        %add3A_1093 = arith.addi %add3A_1092, %mul3A_1011 : i32
        %add3A_1094 = arith.constant 2 : i32
        %add3A_1095 = arith.addi %add3A_1093, %add3A_1094 : i32
        %get3A_1096 = arith.index_cast %add3A_1095 : i32 to index
        %get3A_1097 = arith.constant 16 : index
        %get3A_1098 = tpu.vector_load %arg6[%get3A_1096, %get3A_1097] {strides = array<i32>} : memref<400x64xf32, #tpu.memory_space<vmem>>, vector<1x16xf32>,
        %get3A_1099 = vector.shape_cast %get3A_1098 : vector<1x16xf32> to vector<16xf32>
        %add3A_1100 = arith.addf %add3A_1064, %get3A_1099 : vector<16xf32>
        %add3A_1101 = arith.constant 300 : i32
        %add3A_1102 = arith.addi %add3A_1101, %mul3A_1011 : i32
        %add3A_1103 = arith.constant 2 : i32
        %add3A_1104 = arith.addi %add3A_1102, %add3A_1103 : i32
        %get3A_1105 = arith.index_cast %add3A_1104 : i32 to index
        %get3A_1106 = arith.constant 32 : index
        %get3A_1107 = tpu.vector_load %arg6[%get3A_1105, %get3A_1106] {strides = array<i32>} : memref<400x64xf32, #tpu.memory_space<vmem>>, vector<1x16xf32>,
        %get3A_1108 = vector.shape_cast %get3A_1107 : vector<1x16xf32> to vector<16xf32>
        %add3A_1109 = arith.addf %add3A_1073, %get3A_1108 : vector<16xf32>
        %add3A_1110 = arith.constant 300 : i32
        %add3A_1111 = arith.addi %add3A_1110, %mul3A_1011 : i32
        %add3A_1112 = arith.constant 2 : i32
        %add3A_1113 = arith.addi %add3A_1111, %add3A_1112 : i32
        %get3A_1114 = arith.index_cast %add3A_1113 : i32 to index
        %get3A_1115 = arith.constant 48 : index
        %get3A_1116 = tpu.vector_load %arg6[%get3A_1114, %get3A_1115] {strides = array<i32>} : memref<400x64xf32, #tpu.memory_space<vmem>>, vector<1x16xf32>,
        %get3A_1117 = vector.shape_cast %get3A_1116 : vector<1x16xf32> to vector<16xf32>
        %add3A_1118 = arith.addf %add3A_1082, %get3A_1117 : vector<16xf32>
        %add3A_1119 = arith.constant 300 : i32
        %add3A_1120 = arith.addi %add3A_1119, %mul3A_1011 : i32
        %add3A_1121 = arith.constant 3 : i32
        %add3A_1122 = arith.addi %add3A_1120, %add3A_1121 : i32
        %get3A_1123 = arith.index_cast %add3A_1122 : i32 to index
        %get3A_1124 = arith.constant 0 : index
        %get3A_1125 = tpu.vector_load %arg6[%get3A_1123, %get3A_1124] {strides = array<i32>} : memref<400x64xf32, #tpu.memory_space<vmem>>, vector<1x16xf32>,
        %get3A_1126 = vector.shape_cast %get3A_1125 : vector<1x16xf32> to vector<16xf32>
        %add3A_1127 = arith.addf %add3A_1091, %get3A_1126 : vector<16xf32>
        %add3A_1128 = arith.constant 300 : i32
        %add3A_1129 = arith.addi %add3A_1128, %mul3A_1011 : i32
        %add3A_1130 = arith.constant 3 : i32
        %add3A_1131 = arith.addi %add3A_1129, %add3A_1130 : i32
        %get3A_1132 = arith.index_cast %add3A_1131 : i32 to index
        %get3A_1133 = arith.constant 16 : index
        %get3A_1134 = tpu.vector_load %arg6[%get3A_1132, %get3A_1133] {strides = array<i32>} : memref<400x64xf32, #tpu.memory_space<vmem>>, vector<1x16xf32>,
        %get3A_1135 = vector.shape_cast %get3A_1134 : vector<1x16xf32> to vector<16xf32>
        %add3A_1136 = arith.addf %add3A_1100, %get3A_1135 : vector<16xf32>
        %add3A_1137 = arith.constant 300 : i32
        %add3A_1138 = arith.addi %add3A_1137, %mul3A_1011 : i32
        %add3A_1139 = arith.constant 3 : i32
        %add3A_1140 = arith.addi %add3A_1138, %add3A_1139 : i32
        %get3A_1141 = arith.index_cast %add3A_1140 : i32 to index
        %get3A_1142 = arith.constant 32 : index
        %get3A_1143 = tpu.vector_load %arg6[%get3A_1141, %get3A_1142] {strides = array<i32>} : memref<400x64xf32, #tpu.memory_space<vmem>>, vector<1x16xf32>,
        %get3A_1144 = vector.shape_cast %get3A_1143 : vector<1x16xf32> to vector<16xf32>
        %add3A_1145 = arith.addf %add3A_1109, %get3A_1144 : vector<16xf32>
        %add3A_1146 = arith.constant 300 : i32
        %add3A_1147 = arith.addi %add3A_1146, %mul3A_1011 : i32
        %add3A_1148 = arith.constant 3 : i32
        %add3A_1149 = arith.addi %add3A_1147, %add3A_1148 : i32
        %get3A_1150 = arith.index_cast %add3A_1149 : i32 to index
        %get3A_1151 = arith.constant 48 : index
        %get3A_1152 = tpu.vector_load %arg6[%get3A_1150, %get3A_1151] {strides = array<i32>} : memref<400x64xf32, #tpu.memory_space<vmem>>, vector<1x16xf32>,
        %get3A_1153 = vector.shape_cast %get3A_1152 : vector<1x16xf32> to vector<16xf32>
        %add3A_1154 = arith.addf %add3A_1118, %get3A_1153 : vector<16xf32>
        %add3A_1155 = arith.constant 300 : i32
        %add3A_1156 = arith.addi %add3A_1155, %mul3A_1011 : i32
        %add3A_1157 = arith.constant 4 : i32
        %add3A_1158 = arith.addi %add3A_1156, %add3A_1157 : i32
        %get3A_1159 = arith.index_cast %add3A_1158 : i32 to index
        %get3A_1160 = arith.constant 0 : index
        %get3A_1161 = tpu.vector_load %arg6[%get3A_1159, %get3A_1160] {strides = array<i32>} : memref<400x64xf32, #tpu.memory_space<vmem>>, vector<1x16xf32>,
        %get3A_1162 = vector.shape_cast %get3A_1161 : vector<1x16xf32> to vector<16xf32>
        %add3A_1163 = arith.addf %add3A_1127, %get3A_1162 : vector<16xf32>
        %add3A_1164 = arith.constant 300 : i32
        %add3A_1165 = arith.addi %add3A_1164, %mul3A_1011 : i32
        %add3A_1166 = arith.constant 4 : i32
        %add3A_1167 = arith.addi %add3A_1165, %add3A_1166 : i32
        %get3A_1168 = arith.index_cast %add3A_1167 : i32 to index
        %get3A_1169 = arith.constant 16 : index
        %get3A_1170 = tpu.vector_load %arg6[%get3A_1168, %get3A_1169] {strides = array<i32>} : memref<400x64xf32, #tpu.memory_space<vmem>>, vector<1x16xf32>,
        %get3A_1171 = vector.shape_cast %get3A_1170 : vector<1x16xf32> to vector<16xf32>
        %add3A_1172 = arith.addf %add3A_1136, %get3A_1171 : vector<16xf32>
        %add3A_1173 = arith.constant 300 : i32
        %add3A_1174 = arith.addi %add3A_1173, %mul3A_1011 : i32
        %add3A_1175 = arith.constant 4 : i32
        %add3A_1176 = arith.addi %add3A_1174, %add3A_1175 : i32
        %get3A_1177 = arith.index_cast %add3A_1176 : i32 to index
        %get3A_1178 = arith.constant 32 : index
        %get3A_1179 = tpu.vector_load %arg6[%get3A_1177, %get3A_1178] {strides = array<i32>} : memref<400x64xf32, #tpu.memory_space<vmem>>, vector<1x16xf32>,
        %get3A_1180 = vector.shape_cast %get3A_1179 : vector<1x16xf32> to vector<16xf32>
        %add3A_1181 = arith.addf %add3A_1145, %get3A_1180 : vector<16xf32>
        %add3A_1182 = arith.constant 300 : i32
        %add3A_1183 = arith.addi %add3A_1182, %mul3A_1011 : i32
        %add3A_1184 = arith.constant 4 : i32
        %add3A_1185 = arith.addi %add3A_1183, %add3A_1184 : i32
        %get3A_1186 = arith.index_cast %add3A_1185 : i32 to index
        %get3A_1187 = arith.constant 48 : index
        %get3A_1188 = tpu.vector_load %arg6[%get3A_1186, %get3A_1187] {strides = array<i32>} : memref<400x64xf32, #tpu.memory_space<vmem>>, vector<1x16xf32>,
        %get3A_1189 = vector.shape_cast %get3A_1188 : vector<1x16xf32> to vector<16xf32>
        %add3A_1190 = arith.addf %add3A_1154, %get3A_1189 : vector<16xf32>
        scf.yield %add3A_1163, %add3A_1172, %add3A_1181, %add3A_1190 : vector<16xf32>, vector<16xf32>, vector<16xf32>, vector<16xf32>
      }
      %scan3A_498 = arith.constant 10 : i32
      %mul3A_499 = arith.constant 2.000000e-02 : f32
      %mul3A_500 = vector.broadcast %mul3A_499 : f32 to vector<16xf32>
      %mul3A_501 = arith.mulf %scan3A_497#0, %mul3A_500 : vector<16xf32>
      %swap3A_502 = arith.constant 6 : i32
      %swap3A_503 = arith.index_cast %swap3A_502 : i32 to index
      %swap3A_504 = arith.constant 0 : index
      %swap3A_505 = tpu.vector_load %arg8[%swap3A_503, %swap3A_504] {strides = array<i32>} : memref<8x64xf32, #tpu.memory_space<vmem>>, vector<1x16xf32>,
      %swap3A_506 = vector.shape_cast %swap3A_505 : vector<1x16xf32> to vector<16xf32>
      %swap3A_507 = vector.shape_cast %mul3A_501 : vector<16xf32> to vector<1x16xf32>
      tpu.vector_store %arg8[%swap3A_503, %swap3A_504], %swap3A_507 {strides = array<i32>} : memref<8x64xf32, #tpu.memory_space<vmem>>, vector<1x16xf32>,
      %mul3A_508 = arith.constant 2.000000e-02 : f32
      %mul3A_509 = vector.broadcast %mul3A_508 : f32 to vector<16xf32>
      %mul3A_510 = arith.mulf %scan3A_497#1, %mul3A_509 : vector<16xf32>
      %swap3A_511 = arith.constant 6 : i32
      %swap3A_512 = arith.index_cast %swap3A_511 : i32 to index
      %swap3A_513 = arith.constant 16 : index
      %swap3A_514 = tpu.vector_load %arg8[%swap3A_512, %swap3A_513] {strides = array<i32>} : memref<8x64xf32, #tpu.memory_space<vmem>>, vector<1x16xf32>,
      %swap3A_515 = vector.shape_cast %swap3A_514 : vector<1x16xf32> to vector<16xf32>
      %swap3A_516 = vector.shape_cast %mul3A_510 : vector<16xf32> to vector<1x16xf32>
      tpu.vector_store %arg8[%swap3A_512, %swap3A_513], %swap3A_516 {strides = array<i32>} : memref<8x64xf32, #tpu.memory_space<vmem>>, vector<1x16xf32>,
      %mul3A_517 = arith.constant 2.000000e-02 : f32
      %mul3A_518 = vector.broadcast %mul3A_517 : f32 to vector<16xf32>
      %mul3A_519 = arith.mulf %scan3A_497#2, %mul3A_518 : vector<16xf32>
      %swap3A_520 = arith.constant 6 : i32
      %swap3A_521 = arith.index_cast %swap3A_520 : i32 to index
      %swap3A_522 = arith.constant 32 : index
      %swap3A_523 = tpu.vector_load %arg8[%swap3A_521, %swap3A_522] {strides = array<i32>} : memref<8x64xf32, #tpu.memory_space<vmem>>, vector<1x16xf32>,
      %swap3A_524 = vector.shape_cast %swap3A_523 : vector<1x16xf32> to vector<16xf32>
      %swap3A_525 = vector.shape_cast %mul3A_519 : vector<16xf32> to vector<1x16xf32>
      tpu.vector_store %arg8[%swap3A_521, %swap3A_522], %swap3A_525 {strides = array<i32>} : memref<8x64xf32, #tpu.memory_space<vmem>>, vector<1x16xf32>,
      %mul3A_526 = arith.constant 2.000000e-02 : f32
      %mul3A_527 = vector.broadcast %mul3A_526 : f32 to vector<16xf32>
      %mul3A_528 = arith.mulf %scan3A_497#3, %mul3A_527 : vector<16xf32>
      %swap3A_529 = arith.constant 6 : i32
      %swap3A_530 = arith.index_cast %swap3A_529 : i32 to index
      %swap3A_531 = arith.constant 48 : index
      %swap3A_532 = tpu.vector_load %arg8[%swap3A_530, %swap3A_531] {strides = array<i32>} : memref<8x64xf32, #tpu.memory_space<vmem>>, vector<1x16xf32>,
      %swap3A_533 = vector.shape_cast %swap3A_532 : vector<1x16xf32> to vector<16xf32>
      %swap3A_534 = vector.shape_cast %mul3A_528 : vector<16xf32> to vector<1x16xf32>
      tpu.vector_store %arg8[%swap3A_530, %swap3A_531], %swap3A_534 {strides = array<i32>} : memref<8x64xf32, #tpu.memory_space<vmem>>, vector<1x16xf32>,
      %broadcast_in_dim3A_535 = arith.constant 0.000000e+00 : f32
      %broadcast_in_dim3A_536 = vector.broadcast %broadcast_in_dim3A_535 : f32 to vector<16xf32>
      %broadcast_in_dim3A_537 = arith.constant 0.000000e+00 : f32
      %broadcast_in_dim3A_538 = vector.broadcast %broadcast_in_dim3A_537 : f32 to vector<16xf32>
      %broadcast_in_dim3A_539 = arith.constant 0.000000e+00 : f32
      %broadcast_in_dim3A_540 = vector.broadcast %broadcast_in_dim3A_539 : f32 to vector<16xf32>
      %broadcast_in_dim3A_541 = arith.constant 0.000000e+00 : f32
      %broadcast_in_dim3A_542 = vector.broadcast %broadcast_in_dim3A_541 : f32 to vector<16xf32>
      %scan3A_543 = arith.constant 0 : i32
      %scan3A_544 = arith.constant 10 : i32
      %scan3A_545 = arith.addi %scan3A_543, %scan3A_544 : i32
      %scan3A_546 = arith.constant 1 : i32
      %scan3A_547:4 = scf.for %scan3A_1005 = %scan3A_543 to %scan3A_545 step %scan3A_546 iter_args(%scan3A_1006 = %broadcast_in_dim3A_536, %scan3A_1007 = %broadcast_in_dim3A_538, %scan3A_1008 = %broadcast_in_dim3A_540, %scan3A_1009 = %broadcast_in_dim3A_542) -> (vector<16xf32>, vector<16xf32>, vector<16xf32>, vector<16xf32>)  : i32 {
        %mul3A_1010 = arith.constant 5 : i32
        %mul3A_1011 = arith.muli %scan3A_1005, %mul3A_1010 : i32
        %add3A_1012 = arith.constant 350 : i32
        %add3A_1013 = arith.addi %add3A_1012, %mul3A_1011 : i32
        %add3A_1014 = arith.constant 0 : i32
        %add3A_1015 = arith.addi %add3A_1013, %add3A_1014 : i32
        %get3A = arith.index_cast %add3A_1015 : i32 to index
        %get3A_1016 = arith.constant 0 : index
        %get3A_1017 = tpu.vector_load %arg6[%get3A, %get3A_1016] {strides = array<i32>} : memref<400x64xf32, #tpu.memory_space<vmem>>, vector<1x16xf32>,
        %get3A_1018 = vector.shape_cast %get3A_1017 : vector<1x16xf32> to vector<16xf32>
        %add3A_1019 = arith.addf %scan3A_1006, %get3A_1018 : vector<16xf32>
        %add3A_1020 = arith.constant 350 : i32
        %add3A_1021 = arith.addi %add3A_1020, %mul3A_1011 : i32
        %add3A_1022 = arith.constant 0 : i32
        %add3A_1023 = arith.addi %add3A_1021, %add3A_1022 : i32
        %get3A_1024 = arith.index_cast %add3A_1023 : i32 to index
        %get3A_1025 = arith.constant 16 : index
        %get3A_1026 = tpu.vector_load %arg6[%get3A_1024, %get3A_1025] {strides = array<i32>} : memref<400x64xf32, #tpu.memory_space<vmem>>, vector<1x16xf32>,
        %get3A_1027 = vector.shape_cast %get3A_1026 : vector<1x16xf32> to vector<16xf32>
        %add3A_1028 = arith.addf %scan3A_1007, %get3A_1027 : vector<16xf32>
        %add3A_1029 = arith.constant 350 : i32
        %add3A_1030 = arith.addi %add3A_1029, %mul3A_1011 : i32
        %add3A_1031 = arith.constant 0 : i32
        %add3A_1032 = arith.addi %add3A_1030, %add3A_1031 : i32
        %get3A_1033 = arith.index_cast %add3A_1032 : i32 to index
        %get3A_1034 = arith.constant 32 : index
        %get3A_1035 = tpu.vector_load %arg6[%get3A_1033, %get3A_1034] {strides = array<i32>} : memref<400x64xf32, #tpu.memory_space<vmem>>, vector<1x16xf32>,
        %get3A_1036 = vector.shape_cast %get3A_1035 : vector<1x16xf32> to vector<16xf32>
        %add3A_1037 = arith.addf %scan3A_1008, %get3A_1036 : vector<16xf32>
        %add3A_1038 = arith.constant 350 : i32
        %add3A_1039 = arith.addi %add3A_1038, %mul3A_1011 : i32
        %add3A_1040 = arith.constant 0 : i32
        %add3A_1041 = arith.addi %add3A_1039, %add3A_1040 : i32
        %get3A_1042 = arith.index_cast %add3A_1041 : i32 to index
        %get3A_1043 = arith.constant 48 : index
        %get3A_1044 = tpu.vector_load %arg6[%get3A_1042, %get3A_1043] {strides = array<i32>} : memref<400x64xf32, #tpu.memory_space<vmem>>, vector<1x16xf32>,
        %get3A_1045 = vector.shape_cast %get3A_1044 : vector<1x16xf32> to vector<16xf32>
        %add3A_1046 = arith.addf %scan3A_1009, %get3A_1045 : vector<16xf32>
        %add3A_1047 = arith.constant 350 : i32
        %add3A_1048 = arith.addi %add3A_1047, %mul3A_1011 : i32
        %add3A_1049 = arith.constant 1 : i32
        %add3A_1050 = arith.addi %add3A_1048, %add3A_1049 : i32
        %get3A_1051 = arith.index_cast %add3A_1050 : i32 to index
        %get3A_1052 = arith.constant 0 : index
        %get3A_1053 = tpu.vector_load %arg6[%get3A_1051, %get3A_1052] {strides = array<i32>} : memref<400x64xf32, #tpu.memory_space<vmem>>, vector<1x16xf32>,
        %get3A_1054 = vector.shape_cast %get3A_1053 : vector<1x16xf32> to vector<16xf32>
        %add3A_1055 = arith.addf %add3A_1019, %get3A_1054 : vector<16xf32>
        %add3A_1056 = arith.constant 350 : i32
        %add3A_1057 = arith.addi %add3A_1056, %mul3A_1011 : i32
        %add3A_1058 = arith.constant 1 : i32
        %add3A_1059 = arith.addi %add3A_1057, %add3A_1058 : i32
        %get3A_1060 = arith.index_cast %add3A_1059 : i32 to index
        %get3A_1061 = arith.constant 16 : index
        %get3A_1062 = tpu.vector_load %arg6[%get3A_1060, %get3A_1061] {strides = array<i32>} : memref<400x64xf32, #tpu.memory_space<vmem>>, vector<1x16xf32>,
        %get3A_1063 = vector.shape_cast %get3A_1062 : vector<1x16xf32> to vector<16xf32>
        %add3A_1064 = arith.addf %add3A_1028, %get3A_1063 : vector<16xf32>
        %add3A_1065 = arith.constant 350 : i32
        %add3A_1066 = arith.addi %add3A_1065, %mul3A_1011 : i32
        %add3A_1067 = arith.constant 1 : i32
        %add3A_1068 = arith.addi %add3A_1066, %add3A_1067 : i32
        %get3A_1069 = arith.index_cast %add3A_1068 : i32 to index
        %get3A_1070 = arith.constant 32 : index
        %get3A_1071 = tpu.vector_load %arg6[%get3A_1069, %get3A_1070] {strides = array<i32>} : memref<400x64xf32, #tpu.memory_space<vmem>>, vector<1x16xf32>,
        %get3A_1072 = vector.shape_cast %get3A_1071 : vector<1x16xf32> to vector<16xf32>
        %add3A_1073 = arith.addf %add3A_1037, %get3A_1072 : vector<16xf32>
        %add3A_1074 = arith.constant 350 : i32
        %add3A_1075 = arith.addi %add3A_1074, %mul3A_1011 : i32
        %add3A_1076 = arith.constant 1 : i32
        %add3A_1077 = arith.addi %add3A_1075, %add3A_1076 : i32
        %get3A_1078 = arith.index_cast %add3A_1077 : i32 to index
        %get3A_1079 = arith.constant 48 : index
        %get3A_1080 = tpu.vector_load %arg6[%get3A_1078, %get3A_1079] {strides = array<i32>} : memref<400x64xf32, #tpu.memory_space<vmem>>, vector<1x16xf32>,
        %get3A_1081 = vector.shape_cast %get3A_1080 : vector<1x16xf32> to vector<16xf32>
        %add3A_1082 = arith.addf %add3A_1046, %get3A_1081 : vector<16xf32>
        %add3A_1083 = arith.constant 350 : i32
        %add3A_1084 = arith.addi %add3A_1083, %mul3A_1011 : i32
        %add3A_1085 = arith.constant 2 : i32
        %add3A_1086 = arith.addi %add3A_1084, %add3A_1085 : i32
        %get3A_1087 = arith.index_cast %add3A_1086 : i32 to index
        %get3A_1088 = arith.constant 0 : index
        %get3A_1089 = tpu.vector_load %arg6[%get3A_1087, %get3A_1088] {strides = array<i32>} : memref<400x64xf32, #tpu.memory_space<vmem>>, vector<1x16xf32>,
        %get3A_1090 = vector.shape_cast %get3A_1089 : vector<1x16xf32> to vector<16xf32>
        %add3A_1091 = arith.addf %add3A_1055, %get3A_1090 : vector<16xf32>
        %add3A_1092 = arith.constant 350 : i32
        %add3A_1093 = arith.addi %add3A_1092, %mul3A_1011 : i32
        %add3A_1094 = arith.constant 2 : i32
        %add3A_1095 = arith.addi %add3A_1093, %add3A_1094 : i32
        %get3A_1096 = arith.index_cast %add3A_1095 : i32 to index
        %get3A_1097 = arith.constant 16 : index
        %get3A_1098 = tpu.vector_load %arg6[%get3A_1096, %get3A_1097] {strides = array<i32>} : memref<400x64xf32, #tpu.memory_space<vmem>>, vector<1x16xf32>,
        %get3A_1099 = vector.shape_cast %get3A_1098 : vector<1x16xf32> to vector<16xf32>
        %add3A_1100 = arith.addf %add3A_1064, %get3A_1099 : vector<16xf32>
        %add3A_1101 = arith.constant 350 : i32
        %add3A_1102 = arith.addi %add3A_1101, %mul3A_1011 : i32
        %add3A_1103 = arith.constant 2 : i32
        %add3A_1104 = arith.addi %add3A_1102, %add3A_1103 : i32
        %get3A_1105 = arith.index_cast %add3A_1104 : i32 to index
        %get3A_1106 = arith.constant 32 : index
        %get3A_1107 = tpu.vector_load %arg6[%get3A_1105, %get3A_1106] {strides = array<i32>} : memref<400x64xf32, #tpu.memory_space<vmem>>, vector<1x16xf32>,
        %get3A_1108 = vector.shape_cast %get3A_1107 : vector<1x16xf32> to vector<16xf32>
        %add3A_1109 = arith.addf %add3A_1073, %get3A_1108 : vector<16xf32>
        %add3A_1110 = arith.constant 350 : i32
        %add3A_1111 = arith.addi %add3A_1110, %mul3A_1011 : i32
        %add3A_1112 = arith.constant 2 : i32
        %add3A_1113 = arith.addi %add3A_1111, %add3A_1112 : i32
        %get3A_1114 = arith.index_cast %add3A_1113 : i32 to index
        %get3A_1115 = arith.constant 48 : index
        %get3A_1116 = tpu.vector_load %arg6[%get3A_1114, %get3A_1115] {strides = array<i32>} : memref<400x64xf32, #tpu.memory_space<vmem>>, vector<1x16xf32>,
        %get3A_1117 = vector.shape_cast %get3A_1116 : vector<1x16xf32> to vector<16xf32>
        %add3A_1118 = arith.addf %add3A_1082, %get3A_1117 : vector<16xf32>
        %add3A_1119 = arith.constant 350 : i32
        %add3A_1120 = arith.addi %add3A_1119, %mul3A_1011 : i32
        %add3A_1121 = arith.constant 3 : i32
        %add3A_1122 = arith.addi %add3A_1120, %add3A_1121 : i32
        %get3A_1123 = arith.index_cast %add3A_1122 : i32 to index
        %get3A_1124 = arith.constant 0 : index
        %get3A_1125 = tpu.vector_load %arg6[%get3A_1123, %get3A_1124] {strides = array<i32>} : memref<400x64xf32, #tpu.memory_space<vmem>>, vector<1x16xf32>,
        %get3A_1126 = vector.shape_cast %get3A_1125 : vector<1x16xf32> to vector<16xf32>
        %add3A_1127 = arith.addf %add3A_1091, %get3A_1126 : vector<16xf32>
        %add3A_1128 = arith.constant 350 : i32
        %add3A_1129 = arith.addi %add3A_1128, %mul3A_1011 : i32
        %add3A_1130 = arith.constant 3 : i32
        %add3A_1131 = arith.addi %add3A_1129, %add3A_1130 : i32
        %get3A_1132 = arith.index_cast %add3A_1131 : i32 to index
        %get3A_1133 = arith.constant 16 : index
        %get3A_1134 = tpu.vector_load %arg6[%get3A_1132, %get3A_1133] {strides = array<i32>} : memref<400x64xf32, #tpu.memory_space<vmem>>, vector<1x16xf32>,
        %get3A_1135 = vector.shape_cast %get3A_1134 : vector<1x16xf32> to vector<16xf32>
        %add3A_1136 = arith.addf %add3A_1100, %get3A_1135 : vector<16xf32>
        %add3A_1137 = arith.constant 350 : i32
        %add3A_1138 = arith.addi %add3A_1137, %mul3A_1011 : i32
        %add3A_1139 = arith.constant 3 : i32
        %add3A_1140 = arith.addi %add3A_1138, %add3A_1139 : i32
        %get3A_1141 = arith.index_cast %add3A_1140 : i32 to index
        %get3A_1142 = arith.constant 32 : index
        %get3A_1143 = tpu.vector_load %arg6[%get3A_1141, %get3A_1142] {strides = array<i32>} : memref<400x64xf32, #tpu.memory_space<vmem>>, vector<1x16xf32>,
        %get3A_1144 = vector.shape_cast %get3A_1143 : vector<1x16xf32> to vector<16xf32>
        %add3A_1145 = arith.addf %add3A_1109, %get3A_1144 : vector<16xf32>
        %add3A_1146 = arith.constant 350 : i32
        %add3A_1147 = arith.addi %add3A_1146, %mul3A_1011 : i32
        %add3A_1148 = arith.constant 3 : i32
        %add3A_1149 = arith.addi %add3A_1147, %add3A_1148 : i32
        %get3A_1150 = arith.index_cast %add3A_1149 : i32 to index
        %get3A_1151 = arith.constant 48 : index
        %get3A_1152 = tpu.vector_load %arg6[%get3A_1150, %get3A_1151] {strides = array<i32>} : memref<400x64xf32, #tpu.memory_space<vmem>>, vector<1x16xf32>,
        %get3A_1153 = vector.shape_cast %get3A_1152 : vector<1x16xf32> to vector<16xf32>
        %add3A_1154 = arith.addf %add3A_1118, %get3A_1153 : vector<16xf32>
        %add3A_1155 = arith.constant 350 : i32
        %add3A_1156 = arith.addi %add3A_1155, %mul3A_1011 : i32
        %add3A_1157 = arith.constant 4 : i32
        %add3A_1158 = arith.addi %add3A_1156, %add3A_1157 : i32
        %get3A_1159 = arith.index_cast %add3A_1158 : i32 to index
        %get3A_1160 = arith.constant 0 : index
        %get3A_1161 = tpu.vector_load %arg6[%get3A_1159, %get3A_1160] {strides = array<i32>} : memref<400x64xf32, #tpu.memory_space<vmem>>, vector<1x16xf32>,
        %get3A_1162 = vector.shape_cast %get3A_1161 : vector<1x16xf32> to vector<16xf32>
        %add3A_1163 = arith.addf %add3A_1127, %get3A_1162 : vector<16xf32>
        %add3A_1164 = arith.constant 350 : i32
        %add3A_1165 = arith.addi %add3A_1164, %mul3A_1011 : i32
        %add3A_1166 = arith.constant 4 : i32
        %add3A_1167 = arith.addi %add3A_1165, %add3A_1166 : i32
        %get3A_1168 = arith.index_cast %add3A_1167 : i32 to index
        %get3A_1169 = arith.constant 16 : index
        %get3A_1170 = tpu.vector_load %arg6[%get3A_1168, %get3A_1169] {strides = array<i32>} : memref<400x64xf32, #tpu.memory_space<vmem>>, vector<1x16xf32>,
        %get3A_1171 = vector.shape_cast %get3A_1170 : vector<1x16xf32> to vector<16xf32>
        %add3A_1172 = arith.addf %add3A_1136, %get3A_1171 : vector<16xf32>
        %add3A_1173 = arith.constant 350 : i32
        %add3A_1174 = arith.addi %add3A_1173, %mul3A_1011 : i32
        %add3A_1175 = arith.constant 4 : i32
        %add3A_1176 = arith.addi %add3A_1174, %add3A_1175 : i32
        %get3A_1177 = arith.index_cast %add3A_1176 : i32 to index
        %get3A_1178 = arith.constant 32 : index
        %get3A_1179 = tpu.vector_load %arg6[%get3A_1177, %get3A_1178] {strides = array<i32>} : memref<400x64xf32, #tpu.memory_space<vmem>>, vector<1x16xf32>,
        %get3A_1180 = vector.shape_cast %get3A_1179 : vector<1x16xf32> to vector<16xf32>
        %add3A_1181 = arith.addf %add3A_1145, %get3A_1180 : vector<16xf32>
        %add3A_1182 = arith.constant 350 : i32
        %add3A_1183 = arith.addi %add3A_1182, %mul3A_1011 : i32
        %add3A_1184 = arith.constant 4 : i32
        %add3A_1185 = arith.addi %add3A_1183, %add3A_1184 : i32
        %get3A_1186 = arith.index_cast %add3A_1185 : i32 to index
        %get3A_1187 = arith.constant 48 : index
        %get3A_1188 = tpu.vector_load %arg6[%get3A_1186, %get3A_1187] {strides = array<i32>} : memref<400x64xf32, #tpu.memory_space<vmem>>, vector<1x16xf32>,
        %get3A_1189 = vector.shape_cast %get3A_1188 : vector<1x16xf32> to vector<16xf32>
        %add3A_1190 = arith.addf %add3A_1154, %get3A_1189 : vector<16xf32>
        scf.yield %add3A_1163, %add3A_1172, %add3A_1181, %add3A_1190 : vector<16xf32>, vector<16xf32>, vector<16xf32>, vector<16xf32>
      }
      %scan3A_548 = arith.constant 10 : i32
      %mul3A_549 = arith.constant 2.000000e-02 : f32
      %mul3A_550 = vector.broadcast %mul3A_549 : f32 to vector<16xf32>
      %mul3A_551 = arith.mulf %scan3A_547#0, %mul3A_550 : vector<16xf32>
      %swap3A_552 = arith.constant 7 : i32
      %swap3A_553 = arith.index_cast %swap3A_552 : i32 to index
      %swap3A_554 = arith.constant 0 : index
      %swap3A_555 = tpu.vector_load %arg8[%swap3A_553, %swap3A_554] {strides = array<i32>} : memref<8x64xf32, #tpu.memory_space<vmem>>, vector<1x16xf32>,
      %swap3A_556 = vector.shape_cast %swap3A_555 : vector<1x16xf32> to vector<16xf32>
      %swap3A_557 = vector.shape_cast %mul3A_551 : vector<16xf32> to vector<1x16xf32>
      tpu.vector_store %arg8[%swap3A_553, %swap3A_554], %swap3A_557 {strides = array<i32>} : memref<8x64xf32, #tpu.memory_space<vmem>>, vector<1x16xf32>,
      %mul3A_558 = arith.constant 2.000000e-02 : f32
      %mul3A_559 = vector.broadcast %mul3A_558 : f32 to vector<16xf32>
      %mul3A_560 = arith.mulf %scan3A_547#1, %mul3A_559 : vector<16xf32>
      %swap3A_561 = arith.constant 7 : i32
      %swap3A_562 = arith.index_cast %swap3A_561 : i32 to index
      %swap3A_563 = arith.constant 16 : index
      %swap3A_564 = tpu.vector_load %arg8[%swap3A_562, %swap3A_563] {strides = array<i32>} : memref<8x64xf32, #tpu.memory_space<vmem>>, vector<1x16xf32>,
      %swap3A_565 = vector.shape_cast %swap3A_564 : vector<1x16xf32> to vector<16xf32>
      %swap3A_566 = vector.shape_cast %mul3A_560 : vector<16xf32> to vector<1x16xf32>
      tpu.vector_store %arg8[%swap3A_562, %swap3A_563], %swap3A_566 {strides = array<i32>} : memref<8x64xf32, #tpu.memory_space<vmem>>, vector<1x16xf32>,
      %mul3A_567 = arith.constant 2.000000e-02 : f32
      %mul3A_568 = vector.broadcast %mul3A_567 : f32 to vector<16xf32>
      %mul3A_569 = arith.mulf %scan3A_547#2, %mul3A_568 : vector<16xf32>
      %swap3A_570 = arith.constant 7 : i32
      %swap3A_571 = arith.index_cast %swap3A_570 : i32 to index
      %swap3A_572 = arith.constant 32 : index
      %swap3A_573 = tpu.vector_load %arg8[%swap3A_571, %swap3A_572] {strides = array<i32>} : memref<8x64xf32, #tpu.memory_space<vmem>>, vector<1x16xf32>,
      %swap3A_574 = vector.shape_cast %swap3A_573 : vector<1x16xf32> to vector<16xf32>
      %swap3A_575 = vector.shape_cast %mul3A_569 : vector<16xf32> to vector<1x16xf32>
      tpu.vector_store %arg8[%swap3A_571, %swap3A_572], %swap3A_575 {strides = array<i32>} : memref<8x64xf32, #tpu.memory_space<vmem>>, vector<1x16xf32>,
      %mul3A_576 = arith.constant 2.000000e-02 : f32
      %mul3A_577 = vector.broadcast %mul3A_576 : f32 to vector<16xf32>
      %mul3A_578 = arith.mulf %scan3A_547#3, %mul3A_577 : vector<16xf32>
      %swap3A_579 = arith.constant 7 : i32
      %swap3A_580 = arith.index_cast %swap3A_579 : i32 to index
      %swap3A_581 = arith.constant 48 : index
      %swap3A_582 = tpu.vector_load %arg8[%swap3A_580, %swap3A_581] {strides = array<i32>} : memref<8x64xf32, #tpu.memory_space<vmem>>, vector<1x16xf32>,
      %swap3A_583 = vector.shape_cast %swap3A_582 : vector<1x16xf32> to vector<16xf32>
      %swap3A_584 = vector.shape_cast %mul3A_578 : vector<16xf32> to vector<1x16xf32>
      tpu.vector_store %arg8[%swap3A_580, %swap3A_581], %swap3A_584 {strides = array<i32>} : memref<8x64xf32, #tpu.memory_space<vmem>>, vector<1x16xf32>,
      %mul3A_585 = arith.constant 128 : i32
      %mul3A_586 = arith.muli %add3A, %mul3A_585 : i32
      %mul3A_587 = arith.constant 8 : i32
      %mul3A_588 = arith.muli %mul3A_73, %mul3A_587 : i32
      %add3A_589 = arith.addi %mul3A_586, %mul3A_588 : i32
      "tpu.region"() ({
        %run_scoped3A = tpu.sem_alloc : memref<!tpu.dma_semaphore, #tpu.memory_space<semaphore_mem>>
        %dma_start3A_1005 = arith.constant 0 : i32
        %dma_start3A_1006 = tpu.memref_slice %arg4[%add3A_589, %dma_start3A_1005] : memref<4096x64xf32, #tpu.memory_space<hbm>> -> memref<8x64xf32, #tpu.memory_space<hbm>>
        %dma_start3A_1007 = arith.constant 0 : i32
        %dma_start3A_1008 = tpu.memref_slice %arg4[%add3A_589, %dma_start3A_1007] : memref<4096x64xf32, #tpu.memory_space<hbm>> -> memref<8x64xf32, #tpu.memory_space<hbm>>
        tpu.enqueue_dma source(%arg8 : memref<8x64xf32, #tpu.memory_space<vmem>>) target(%dma_start3A_1008 : memref<8x64xf32, #tpu.memory_space<hbm>>) target_semaphore(%run_scoped3A : memref<!tpu.dma_semaphore, #tpu.memory_space<semaphore_mem>>)
        %dma_wait3A_1009 = arith.constant 0 : i32
        %dma_wait3A_1010 = tpu.memref_slice %arg4[%add3A_589, %dma_wait3A_1009] : memref<4096x64xf32, #tpu.memory_space<hbm>> -> memref<8x64xf32, #tpu.memory_space<hbm>>
        %dma_wait3A_1011 = arith.constant 0 : i32
        %dma_wait3A_1012 = tpu.memref_slice %arg4[%add3A_589, %dma_wait3A_1011] : memref<4096x64xf32, #tpu.memory_space<hbm>> -> memref<8x64xf32, #tpu.memory_space<hbm>>
        tpu.wait_dma2 semaphore(%run_scoped3A : memref<!tpu.dma_semaphore, #tpu.memory_space<semaphore_mem>>) src(%arg8 : memref<8x64xf32, #tpu.memory_space<vmem>>) dst(%dma_wait3A_1012 : memref<8x64xf32, #tpu.memory_space<hbm>>)
        tpu.yield
      }) : () -> ()
      %add3A_590 = arith.constant 1 : i32
      %add3A_591 = arith.addi %add3A_77, %add3A_590 : i32
      %lt3A = arith.constant 16 : i32
      %lt3A_592 = arith.cmpi slt, %add3A_591, %lt3A : i32
      %convert_element_type3A = arith.extui %lt3A_592 : i1 to i32
      %cond3A = arith.constant 0 : i32
      %cond3A_593 = arith.cmpi ne, %convert_element_type3A, %cond3A : i32
      scf.if %cond3A_593 {
        %add3A_1005 = arith.constant 1 : i32
        %add3A_1006 = arith.addi %add3A_77, %add3A_1005 : i32
        %mul3A_1007 = arith.constant 8 : i32
        %mul3A_1008 = arith.muli %add3A_1006, %mul3A_1007 : i32
        %add3A_1009 = arith.constant 0 : i32
        %add3A_1010 = arith.addi %mul3A_1008, %add3A_1009 : i32
        %mul3A_1011 = arith.constant 64 : i32
        %mul3A_1012 = arith.muli %add3A_1010, %mul3A_1011 : i32
        %dma_start3A_1013 = arith.constant 0 : i32
        %dma_start3A_1014 = arith.constant 0 : i32
        %dma_start3A_1015 = tpu.memref_slice %arg6[%dma_start3A_1013, %dma_start3A_1014] : memref<400x64xf32, #tpu.memory_space<vmem>> -> memref<50x64xf32, #tpu.memory_space<vmem>>
        %dma_start3A_1016 = tpu.memref_slice %arg5[%mul3A_1012] : memref<8192xi32, #tpu.memory_space<vmem>> -> memref<50xi32, #tpu.memory_space<vmem>>
        %dma_start3A_1017 = arith.constant 0 : i32
        %dma_start3A_1018 = arith.constant 0 : i32
        %dma_start3A_1019 = tpu.memref_slice %arg3[%dma_start3A_1017, %dma_start3A_1018] : memref<100000x64xf32, #tpu.memory_space<hbm>> -> memref<100000x64xf32, #tpu.memory_space<hbm>>
        tpu.enqueue_indirect_dma source(%dma_start3A_1019 : memref<100000x64xf32, #tpu.memory_space<hbm>>) target(%dma_start3A_1015 : memref<50x64xf32, #tpu.memory_space<vmem>>) offsets(%dma_start3A_1016 : memref<50xi32, #tpu.memory_space<vmem>>) semaphore(%arg9 : memref<!tpu.dma_semaphore, #tpu.memory_space<semaphore_mem>>)
        %mul3A_1020 = arith.constant 8 : i32
        %mul3A_1021 = arith.muli %add3A_1006, %mul3A_1020 : i32
        %add3A_1022 = arith.constant 1 : i32
        %add3A_1023 = arith.addi %mul3A_1021, %add3A_1022 : i32
        %mul3A_1024 = arith.constant 64 : i32
        %mul3A_1025 = arith.muli %add3A_1023, %mul3A_1024 : i32
        %dma_start3A_1026 = arith.constant 50 : i32
        %dma_start3A_1027 = arith.constant 0 : i32
        %dma_start3A_1028 = tpu.memref_slice %arg6[%dma_start3A_1026, %dma_start3A_1027] : memref<400x64xf32, #tpu.memory_space<vmem>> -> memref<50x64xf32, #tpu.memory_space<vmem>>
        %dma_start3A_1029 = tpu.memref_slice %arg5[%mul3A_1025] : memref<8192xi32, #tpu.memory_space<vmem>> -> memref<50xi32, #tpu.memory_space<vmem>>
        %dma_start3A_1030 = arith.constant 0 : i32
        %dma_start3A_1031 = arith.constant 0 : i32
        %dma_start3A_1032 = tpu.memref_slice %arg3[%dma_start3A_1030, %dma_start3A_1031] : memref<100000x64xf32, #tpu.memory_space<hbm>> -> memref<100000x64xf32, #tpu.memory_space<hbm>>
        tpu.enqueue_indirect_dma source(%dma_start3A_1032 : memref<100000x64xf32, #tpu.memory_space<hbm>>) target(%dma_start3A_1028 : memref<50x64xf32, #tpu.memory_space<vmem>>) offsets(%dma_start3A_1029 : memref<50xi32, #tpu.memory_space<vmem>>) semaphore(%arg9 : memref<!tpu.dma_semaphore, #tpu.memory_space<semaphore_mem>>)
        %mul3A_1033 = arith.constant 8 : i32
        %mul3A_1034 = arith.muli %add3A_1006, %mul3A_1033 : i32
        %add3A_1035 = arith.constant 2 : i32
        %add3A_1036 = arith.addi %mul3A_1034, %add3A_1035 : i32
        %mul3A_1037 = arith.constant 64 : i32
        %mul3A_1038 = arith.muli %add3A_1036, %mul3A_1037 : i32
        %dma_start3A_1039 = arith.constant 100 : i32
        %dma_start3A_1040 = arith.constant 0 : i32
        %dma_start3A_1041 = tpu.memref_slice %arg6[%dma_start3A_1039, %dma_start3A_1040] : memref<400x64xf32, #tpu.memory_space<vmem>> -> memref<50x64xf32, #tpu.memory_space<vmem>>
        %dma_start3A_1042 = tpu.memref_slice %arg5[%mul3A_1038] : memref<8192xi32, #tpu.memory_space<vmem>> -> memref<50xi32, #tpu.memory_space<vmem>>
        %dma_start3A_1043 = arith.constant 0 : i32
        %dma_start3A_1044 = arith.constant 0 : i32
        %dma_start3A_1045 = tpu.memref_slice %arg3[%dma_start3A_1043, %dma_start3A_1044] : memref<100000x64xf32, #tpu.memory_space<hbm>> -> memref<100000x64xf32, #tpu.memory_space<hbm>>
        tpu.enqueue_indirect_dma source(%dma_start3A_1045 : memref<100000x64xf32, #tpu.memory_space<hbm>>) target(%dma_start3A_1041 : memref<50x64xf32, #tpu.memory_space<vmem>>) offsets(%dma_start3A_1042 : memref<50xi32, #tpu.memory_space<vmem>>) semaphore(%arg9 : memref<!tpu.dma_semaphore, #tpu.memory_space<semaphore_mem>>)
        %mul3A_1046 = arith.constant 8 : i32
        %mul3A_1047 = arith.muli %add3A_1006, %mul3A_1046 : i32
        %add3A_1048 = arith.constant 3 : i32
        %add3A_1049 = arith.addi %mul3A_1047, %add3A_1048 : i32
        %mul3A_1050 = arith.constant 64 : i32
        %mul3A_1051 = arith.muli %add3A_1049, %mul3A_1050 : i32
        %dma_start3A_1052 = arith.constant 150 : i32
        %dma_start3A_1053 = arith.constant 0 : i32
        %dma_start3A_1054 = tpu.memref_slice %arg6[%dma_start3A_1052, %dma_start3A_1053] : memref<400x64xf32, #tpu.memory_space<vmem>> -> memref<50x64xf32, #tpu.memory_space<vmem>>
        %dma_start3A_1055 = tpu.memref_slice %arg5[%mul3A_1051] : memref<8192xi32, #tpu.memory_space<vmem>> -> memref<50xi32, #tpu.memory_space<vmem>>
        %dma_start3A_1056 = arith.constant 0 : i32
        %dma_start3A_1057 = arith.constant 0 : i32
        %dma_start3A_1058 = tpu.memref_slice %arg3[%dma_start3A_1056, %dma_start3A_1057] : memref<100000x64xf32, #tpu.memory_space<hbm>> -> memref<100000x64xf32, #tpu.memory_space<hbm>>
        tpu.enqueue_indirect_dma source(%dma_start3A_1058 : memref<100000x64xf32, #tpu.memory_space<hbm>>) target(%dma_start3A_1054 : memref<50x64xf32, #tpu.memory_space<vmem>>) offsets(%dma_start3A_1055 : memref<50xi32, #tpu.memory_space<vmem>>) semaphore(%arg9 : memref<!tpu.dma_semaphore, #tpu.memory_space<semaphore_mem>>)
        %mul3A_1059 = arith.constant 8 : i32
        %mul3A_1060 = arith.muli %add3A_1006, %mul3A_1059 : i32
        %add3A_1061 = arith.constant 4 : i32
        %add3A_1062 = arith.addi %mul3A_1060, %add3A_1061 : i32
        %mul3A_1063 = arith.constant 64 : i32
        %mul3A_1064 = arith.muli %add3A_1062, %mul3A_1063 : i32
        %dma_start3A_1065 = arith.constant 200 : i32
        %dma_start3A_1066 = arith.constant 0 : i32
        %dma_start3A_1067 = tpu.memref_slice %arg6[%dma_start3A_1065, %dma_start3A_1066] : memref<400x64xf32, #tpu.memory_space<vmem>> -> memref<50x64xf32, #tpu.memory_space<vmem>>
        %dma_start3A_1068 = tpu.memref_slice %arg5[%mul3A_1064] : memref<8192xi32, #tpu.memory_space<vmem>> -> memref<50xi32, #tpu.memory_space<vmem>>
        %dma_start3A_1069 = arith.constant 0 : i32
        %dma_start3A_1070 = arith.constant 0 : i32
        %dma_start3A_1071 = tpu.memref_slice %arg3[%dma_start3A_1069, %dma_start3A_1070] : memref<100000x64xf32, #tpu.memory_space<hbm>> -> memref<100000x64xf32, #tpu.memory_space<hbm>>
        tpu.enqueue_indirect_dma source(%dma_start3A_1071 : memref<100000x64xf32, #tpu.memory_space<hbm>>) target(%dma_start3A_1067 : memref<50x64xf32, #tpu.memory_space<vmem>>) offsets(%dma_start3A_1068 : memref<50xi32, #tpu.memory_space<vmem>>) semaphore(%arg9 : memref<!tpu.dma_semaphore, #tpu.memory_space<semaphore_mem>>)
        %mul3A_1072 = arith.constant 8 : i32
        %mul3A_1073 = arith.muli %add3A_1006, %mul3A_1072 : i32
        %add3A_1074 = arith.constant 5 : i32
        %add3A_1075 = arith.addi %mul3A_1073, %add3A_1074 : i32
        %mul3A_1076 = arith.constant 64 : i32
        %mul3A_1077 = arith.muli %add3A_1075, %mul3A_1076 : i32
        %dma_start3A_1078 = arith.constant 250 : i32
        %dma_start3A_1079 = arith.constant 0 : i32
        %dma_start3A_1080 = tpu.memref_slice %arg6[%dma_start3A_1078, %dma_start3A_1079] : memref<400x64xf32, #tpu.memory_space<vmem>> -> memref<50x64xf32, #tpu.memory_space<vmem>>
        %dma_start3A_1081 = tpu.memref_slice %arg5[%mul3A_1077] : memref<8192xi32, #tpu.memory_space<vmem>> -> memref<50xi32, #tpu.memory_space<vmem>>
        %dma_start3A_1082 = arith.constant 0 : i32
        %dma_start3A_1083 = arith.constant 0 : i32
        %dma_start3A_1084 = tpu.memref_slice %arg3[%dma_start3A_1082, %dma_start3A_1083] : memref<100000x64xf32, #tpu.memory_space<hbm>> -> memref<100000x64xf32, #tpu.memory_space<hbm>>
        tpu.enqueue_indirect_dma source(%dma_start3A_1084 : memref<100000x64xf32, #tpu.memory_space<hbm>>) target(%dma_start3A_1080 : memref<50x64xf32, #tpu.memory_space<vmem>>) offsets(%dma_start3A_1081 : memref<50xi32, #tpu.memory_space<vmem>>) semaphore(%arg9 : memref<!tpu.dma_semaphore, #tpu.memory_space<semaphore_mem>>)
        %mul3A_1085 = arith.constant 8 : i32
        %mul3A_1086 = arith.muli %add3A_1006, %mul3A_1085 : i32
        %add3A_1087 = arith.constant 6 : i32
        %add3A_1088 = arith.addi %mul3A_1086, %add3A_1087 : i32
        %mul3A_1089 = arith.constant 64 : i32
        %mul3A_1090 = arith.muli %add3A_1088, %mul3A_1089 : i32
        %dma_start3A_1091 = arith.constant 300 : i32
        %dma_start3A_1092 = arith.constant 0 : i32
        %dma_start3A_1093 = tpu.memref_slice %arg6[%dma_start3A_1091, %dma_start3A_1092] : memref<400x64xf32, #tpu.memory_space<vmem>> -> memref<50x64xf32, #tpu.memory_space<vmem>>
        %dma_start3A_1094 = tpu.memref_slice %arg5[%mul3A_1090] : memref<8192xi32, #tpu.memory_space<vmem>> -> memref<50xi32, #tpu.memory_space<vmem>>
        %dma_start3A_1095 = arith.constant 0 : i32
        %dma_start3A_1096 = arith.constant 0 : i32
        %dma_start3A_1097 = tpu.memref_slice %arg3[%dma_start3A_1095, %dma_start3A_1096] : memref<100000x64xf32, #tpu.memory_space<hbm>> -> memref<100000x64xf32, #tpu.memory_space<hbm>>
        tpu.enqueue_indirect_dma source(%dma_start3A_1097 : memref<100000x64xf32, #tpu.memory_space<hbm>>) target(%dma_start3A_1093 : memref<50x64xf32, #tpu.memory_space<vmem>>) offsets(%dma_start3A_1094 : memref<50xi32, #tpu.memory_space<vmem>>) semaphore(%arg9 : memref<!tpu.dma_semaphore, #tpu.memory_space<semaphore_mem>>)
        %mul3A_1098 = arith.constant 8 : i32
        %mul3A_1099 = arith.muli %add3A_1006, %mul3A_1098 : i32
        %add3A_1100 = arith.constant 7 : i32
        %add3A_1101 = arith.addi %mul3A_1099, %add3A_1100 : i32
        %mul3A_1102 = arith.constant 64 : i32
        %mul3A_1103 = arith.muli %add3A_1101, %mul3A_1102 : i32
        %dma_start3A_1104 = arith.constant 350 : i32
        %dma_start3A_1105 = arith.constant 0 : i32
        %dma_start3A_1106 = tpu.memref_slice %arg6[%dma_start3A_1104, %dma_start3A_1105] : memref<400x64xf32, #tpu.memory_space<vmem>> -> memref<50x64xf32, #tpu.memory_space<vmem>>
        %dma_start3A_1107 = tpu.memref_slice %arg5[%mul3A_1103] : memref<8192xi32, #tpu.memory_space<vmem>> -> memref<50xi32, #tpu.memory_space<vmem>>
        %dma_start3A_1108 = arith.constant 0 : i32
        %dma_start3A_1109 = arith.constant 0 : i32
        %dma_start3A_1110 = tpu.memref_slice %arg3[%dma_start3A_1108, %dma_start3A_1109] : memref<100000x64xf32, #tpu.memory_space<hbm>> -> memref<100000x64xf32, #tpu.memory_space<hbm>>
        tpu.enqueue_indirect_dma source(%dma_start3A_1110 : memref<100000x64xf32, #tpu.memory_space<hbm>>) target(%dma_start3A_1106 : memref<50x64xf32, #tpu.memory_space<vmem>>) offsets(%dma_start3A_1107 : memref<50xi32, #tpu.memory_space<vmem>>) semaphore(%arg9 : memref<!tpu.dma_semaphore, #tpu.memory_space<semaphore_mem>>)
      } else {
      }
      %dma_wait3A_594 = arith.constant 0 : i32
      %dma_wait3A_595 = arith.constant 0 : i32
      %dma_wait3A_596 = tpu.memref_slice %arg3[%dma_wait3A_594, %dma_wait3A_595] : memref<100000x64xf32, #tpu.memory_space<hbm>> -> memref<400x64xf32, #tpu.memory_space<hbm>>
      %dma_wait3A_597 = arith.constant 0 : i32
      %dma_wait3A_598 = arith.constant 0 : i32
      %dma_wait3A_599 = tpu.memref_slice %arg3[%dma_wait3A_597, %dma_wait3A_598] : memref<100000x64xf32, #tpu.memory_space<hbm>> -> memref<400x64xf32, #tpu.memory_space<hbm>>
      tpu.wait_dma2 semaphore(%arg10 : memref<!tpu.dma_semaphore, #tpu.memory_space<semaphore_mem>>) src(%dma_wait3A_599 : memref<400x64xf32, #tpu.memory_space<hbm>>) dst(%arg7 : memref<400x64xf32, #tpu.memory_space<vmem>>)
      %broadcast_in_dim3A_600 = arith.constant 0.000000e+00 : f32
      %broadcast_in_dim3A_601 = vector.broadcast %broadcast_in_dim3A_600 : f32 to vector<16xf32>
      %broadcast_in_dim3A_602 = arith.constant 0.000000e+00 : f32
      %broadcast_in_dim3A_603 = vector.broadcast %broadcast_in_dim3A_602 : f32 to vector<16xf32>
      %broadcast_in_dim3A_604 = arith.constant 0.000000e+00 : f32
      %broadcast_in_dim3A_605 = vector.broadcast %broadcast_in_dim3A_604 : f32 to vector<16xf32>
      %broadcast_in_dim3A_606 = arith.constant 0.000000e+00 : f32
      %broadcast_in_dim3A_607 = vector.broadcast %broadcast_in_dim3A_606 : f32 to vector<16xf32>
      %scan3A_608 = arith.constant 0 : i32
      %scan3A_609 = arith.constant 10 : i32
      %scan3A_610 = arith.addi %scan3A_608, %scan3A_609 : i32
      %scan3A_611 = arith.constant 1 : i32
      %scan3A_612:4 = scf.for %scan3A_1005 = %scan3A_608 to %scan3A_610 step %scan3A_611 iter_args(%scan3A_1006 = %broadcast_in_dim3A_601, %scan3A_1007 = %broadcast_in_dim3A_603, %scan3A_1008 = %broadcast_in_dim3A_605, %scan3A_1009 = %broadcast_in_dim3A_607) -> (vector<16xf32>, vector<16xf32>, vector<16xf32>, vector<16xf32>)  : i32 {
        %mul3A_1010 = arith.constant 5 : i32
        %mul3A_1011 = arith.muli %scan3A_1005, %mul3A_1010 : i32
        %add3A_1012 = arith.constant 0 : i32
        %add3A_1013 = arith.addi %add3A_1012, %mul3A_1011 : i32
        %add3A_1014 = arith.constant 0 : i32
        %add3A_1015 = arith.addi %add3A_1013, %add3A_1014 : i32
        %get3A = arith.index_cast %add3A_1015 : i32 to index
        %get3A_1016 = arith.constant 0 : index
        %get3A_1017 = tpu.vector_load %arg7[%get3A, %get3A_1016] {strides = array<i32>} : memref<400x64xf32, #tpu.memory_space<vmem>>, vector<1x16xf32>,
        %get3A_1018 = vector.shape_cast %get3A_1017 : vector<1x16xf32> to vector<16xf32>
        %add3A_1019 = arith.addf %scan3A_1006, %get3A_1018 : vector<16xf32>
        %add3A_1020 = arith.constant 0 : i32
        %add3A_1021 = arith.addi %add3A_1020, %mul3A_1011 : i32
        %add3A_1022 = arith.constant 0 : i32
        %add3A_1023 = arith.addi %add3A_1021, %add3A_1022 : i32
        %get3A_1024 = arith.index_cast %add3A_1023 : i32 to index
        %get3A_1025 = arith.constant 16 : index
        %get3A_1026 = tpu.vector_load %arg7[%get3A_1024, %get3A_1025] {strides = array<i32>} : memref<400x64xf32, #tpu.memory_space<vmem>>, vector<1x16xf32>,
        %get3A_1027 = vector.shape_cast %get3A_1026 : vector<1x16xf32> to vector<16xf32>
        %add3A_1028 = arith.addf %scan3A_1007, %get3A_1027 : vector<16xf32>
        %add3A_1029 = arith.constant 0 : i32
        %add3A_1030 = arith.addi %add3A_1029, %mul3A_1011 : i32
        %add3A_1031 = arith.constant 0 : i32
        %add3A_1032 = arith.addi %add3A_1030, %add3A_1031 : i32
        %get3A_1033 = arith.index_cast %add3A_1032 : i32 to index
        %get3A_1034 = arith.constant 32 : index
        %get3A_1035 = tpu.vector_load %arg7[%get3A_1033, %get3A_1034] {strides = array<i32>} : memref<400x64xf32, #tpu.memory_space<vmem>>, vector<1x16xf32>,
        %get3A_1036 = vector.shape_cast %get3A_1035 : vector<1x16xf32> to vector<16xf32>
        %add3A_1037 = arith.addf %scan3A_1008, %get3A_1036 : vector<16xf32>
        %add3A_1038 = arith.constant 0 : i32
        %add3A_1039 = arith.addi %add3A_1038, %mul3A_1011 : i32
        %add3A_1040 = arith.constant 0 : i32
        %add3A_1041 = arith.addi %add3A_1039, %add3A_1040 : i32
        %get3A_1042 = arith.index_cast %add3A_1041 : i32 to index
        %get3A_1043 = arith.constant 48 : index
        %get3A_1044 = tpu.vector_load %arg7[%get3A_1042, %get3A_1043] {strides = array<i32>} : memref<400x64xf32, #tpu.memory_space<vmem>>, vector<1x16xf32>,
        %get3A_1045 = vector.shape_cast %get3A_1044 : vector<1x16xf32> to vector<16xf32>
        %add3A_1046 = arith.addf %scan3A_1009, %get3A_1045 : vector<16xf32>
        %add3A_1047 = arith.constant 0 : i32
        %add3A_1048 = arith.addi %add3A_1047, %mul3A_1011 : i32
        %add3A_1049 = arith.constant 1 : i32
        %add3A_1050 = arith.addi %add3A_1048, %add3A_1049 : i32
        %get3A_1051 = arith.index_cast %add3A_1050 : i32 to index
        %get3A_1052 = arith.constant 0 : index
        %get3A_1053 = tpu.vector_load %arg7[%get3A_1051, %get3A_1052] {strides = array<i32>} : memref<400x64xf32, #tpu.memory_space<vmem>>, vector<1x16xf32>,
        %get3A_1054 = vector.shape_cast %get3A_1053 : vector<1x16xf32> to vector<16xf32>
        %add3A_1055 = arith.addf %add3A_1019, %get3A_1054 : vector<16xf32>
        %add3A_1056 = arith.constant 0 : i32
        %add3A_1057 = arith.addi %add3A_1056, %mul3A_1011 : i32
        %add3A_1058 = arith.constant 1 : i32
        %add3A_1059 = arith.addi %add3A_1057, %add3A_1058 : i32
        %get3A_1060 = arith.index_cast %add3A_1059 : i32 to index
        %get3A_1061 = arith.constant 16 : index
        %get3A_1062 = tpu.vector_load %arg7[%get3A_1060, %get3A_1061] {strides = array<i32>} : memref<400x64xf32, #tpu.memory_space<vmem>>, vector<1x16xf32>,
        %get3A_1063 = vector.shape_cast %get3A_1062 : vector<1x16xf32> to vector<16xf32>
        %add3A_1064 = arith.addf %add3A_1028, %get3A_1063 : vector<16xf32>
        %add3A_1065 = arith.constant 0 : i32
        %add3A_1066 = arith.addi %add3A_1065, %mul3A_1011 : i32
        %add3A_1067 = arith.constant 1 : i32
        %add3A_1068 = arith.addi %add3A_1066, %add3A_1067 : i32
        %get3A_1069 = arith.index_cast %add3A_1068 : i32 to index
        %get3A_1070 = arith.constant 32 : index
        %get3A_1071 = tpu.vector_load %arg7[%get3A_1069, %get3A_1070] {strides = array<i32>} : memref<400x64xf32, #tpu.memory_space<vmem>>, vector<1x16xf32>,
        %get3A_1072 = vector.shape_cast %get3A_1071 : vector<1x16xf32> to vector<16xf32>
        %add3A_1073 = arith.addf %add3A_1037, %get3A_1072 : vector<16xf32>
        %add3A_1074 = arith.constant 0 : i32
        %add3A_1075 = arith.addi %add3A_1074, %mul3A_1011 : i32
        %add3A_1076 = arith.constant 1 : i32
        %add3A_1077 = arith.addi %add3A_1075, %add3A_1076 : i32
        %get3A_1078 = arith.index_cast %add3A_1077 : i32 to index
        %get3A_1079 = arith.constant 48 : index
        %get3A_1080 = tpu.vector_load %arg7[%get3A_1078, %get3A_1079] {strides = array<i32>} : memref<400x64xf32, #tpu.memory_space<vmem>>, vector<1x16xf32>,
        %get3A_1081 = vector.shape_cast %get3A_1080 : vector<1x16xf32> to vector<16xf32>
        %add3A_1082 = arith.addf %add3A_1046, %get3A_1081 : vector<16xf32>
        %add3A_1083 = arith.constant 0 : i32
        %add3A_1084 = arith.addi %add3A_1083, %mul3A_1011 : i32
        %add3A_1085 = arith.constant 2 : i32
        %add3A_1086 = arith.addi %add3A_1084, %add3A_1085 : i32
        %get3A_1087 = arith.index_cast %add3A_1086 : i32 to index
        %get3A_1088 = arith.constant 0 : index
        %get3A_1089 = tpu.vector_load %arg7[%get3A_1087, %get3A_1088] {strides = array<i32>} : memref<400x64xf32, #tpu.memory_space<vmem>>, vector<1x16xf32>,
        %get3A_1090 = vector.shape_cast %get3A_1089 : vector<1x16xf32> to vector<16xf32>
        %add3A_1091 = arith.addf %add3A_1055, %get3A_1090 : vector<16xf32>
        %add3A_1092 = arith.constant 0 : i32
        %add3A_1093 = arith.addi %add3A_1092, %mul3A_1011 : i32
        %add3A_1094 = arith.constant 2 : i32
        %add3A_1095 = arith.addi %add3A_1093, %add3A_1094 : i32
        %get3A_1096 = arith.index_cast %add3A_1095 : i32 to index
        %get3A_1097 = arith.constant 16 : index
        %get3A_1098 = tpu.vector_load %arg7[%get3A_1096, %get3A_1097] {strides = array<i32>} : memref<400x64xf32, #tpu.memory_space<vmem>>, vector<1x16xf32>,
        %get3A_1099 = vector.shape_cast %get3A_1098 : vector<1x16xf32> to vector<16xf32>
        %add3A_1100 = arith.addf %add3A_1064, %get3A_1099 : vector<16xf32>
        %add3A_1101 = arith.constant 0 : i32
        %add3A_1102 = arith.addi %add3A_1101, %mul3A_1011 : i32
        %add3A_1103 = arith.constant 2 : i32
        %add3A_1104 = arith.addi %add3A_1102, %add3A_1103 : i32
        %get3A_1105 = arith.index_cast %add3A_1104 : i32 to index
        %get3A_1106 = arith.constant 32 : index
        %get3A_1107 = tpu.vector_load %arg7[%get3A_1105, %get3A_1106] {strides = array<i32>} : memref<400x64xf32, #tpu.memory_space<vmem>>, vector<1x16xf32>,
        %get3A_1108 = vector.shape_cast %get3A_1107 : vector<1x16xf32> to vector<16xf32>
        %add3A_1109 = arith.addf %add3A_1073, %get3A_1108 : vector<16xf32>
        %add3A_1110 = arith.constant 0 : i32
        %add3A_1111 = arith.addi %add3A_1110, %mul3A_1011 : i32
        %add3A_1112 = arith.constant 2 : i32
        %add3A_1113 = arith.addi %add3A_1111, %add3A_1112 : i32
        %get3A_1114 = arith.index_cast %add3A_1113 : i32 to index
        %get3A_1115 = arith.constant 48 : index
        %get3A_1116 = tpu.vector_load %arg7[%get3A_1114, %get3A_1115] {strides = array<i32>} : memref<400x64xf32, #tpu.memory_space<vmem>>, vector<1x16xf32>,
        %get3A_1117 = vector.shape_cast %get3A_1116 : vector<1x16xf32> to vector<16xf32>
        %add3A_1118 = arith.addf %add3A_1082, %get3A_1117 : vector<16xf32>
        %add3A_1119 = arith.constant 0 : i32
        %add3A_1120 = arith.addi %add3A_1119, %mul3A_1011 : i32
        %add3A_1121 = arith.constant 3 : i32
        %add3A_1122 = arith.addi %add3A_1120, %add3A_1121 : i32
        %get3A_1123 = arith.index_cast %add3A_1122 : i32 to index
        %get3A_1124 = arith.constant 0 : index
        %get3A_1125 = tpu.vector_load %arg7[%get3A_1123, %get3A_1124] {strides = array<i32>} : memref<400x64xf32, #tpu.memory_space<vmem>>, vector<1x16xf32>,
        %get3A_1126 = vector.shape_cast %get3A_1125 : vector<1x16xf32> to vector<16xf32>
        %add3A_1127 = arith.addf %add3A_1091, %get3A_1126 : vector<16xf32>
        %add3A_1128 = arith.constant 0 : i32
        %add3A_1129 = arith.addi %add3A_1128, %mul3A_1011 : i32
        %add3A_1130 = arith.constant 3 : i32
        %add3A_1131 = arith.addi %add3A_1129, %add3A_1130 : i32
        %get3A_1132 = arith.index_cast %add3A_1131 : i32 to index
        %get3A_1133 = arith.constant 16 : index
        %get3A_1134 = tpu.vector_load %arg7[%get3A_1132, %get3A_1133] {strides = array<i32>} : memref<400x64xf32, #tpu.memory_space<vmem>>, vector<1x16xf32>,
        %get3A_1135 = vector.shape_cast %get3A_1134 : vector<1x16xf32> to vector<16xf32>
        %add3A_1136 = arith.addf %add3A_1100, %get3A_1135 : vector<16xf32>
        %add3A_1137 = arith.constant 0 : i32
        %add3A_1138 = arith.addi %add3A_1137, %mul3A_1011 : i32
        %add3A_1139 = arith.constant 3 : i32
        %add3A_1140 = arith.addi %add3A_1138, %add3A_1139 : i32
        %get3A_1141 = arith.index_cast %add3A_1140 : i32 to index
        %get3A_1142 = arith.constant 32 : index
        %get3A_1143 = tpu.vector_load %arg7[%get3A_1141, %get3A_1142] {strides = array<i32>} : memref<400x64xf32, #tpu.memory_space<vmem>>, vector<1x16xf32>,
        %get3A_1144 = vector.shape_cast %get3A_1143 : vector<1x16xf32> to vector<16xf32>
        %add3A_1145 = arith.addf %add3A_1109, %get3A_1144 : vector<16xf32>
        %add3A_1146 = arith.constant 0 : i32
        %add3A_1147 = arith.addi %add3A_1146, %mul3A_1011 : i32
        %add3A_1148 = arith.constant 3 : i32
        %add3A_1149 = arith.addi %add3A_1147, %add3A_1148 : i32
        %get3A_1150 = arith.index_cast %add3A_1149 : i32 to index
        %get3A_1151 = arith.constant 48 : index
        %get3A_1152 = tpu.vector_load %arg7[%get3A_1150, %get3A_1151] {strides = array<i32>} : memref<400x64xf32, #tpu.memory_space<vmem>>, vector<1x16xf32>,
        %get3A_1153 = vector.shape_cast %get3A_1152 : vector<1x16xf32> to vector<16xf32>
        %add3A_1154 = arith.addf %add3A_1118, %get3A_1153 : vector<16xf32>
        %add3A_1155 = arith.constant 0 : i32
        %add3A_1156 = arith.addi %add3A_1155, %mul3A_1011 : i32
        %add3A_1157 = arith.constant 4 : i32
        %add3A_1158 = arith.addi %add3A_1156, %add3A_1157 : i32
        %get3A_1159 = arith.index_cast %add3A_1158 : i32 to index
        %get3A_1160 = arith.constant 0 : index
        %get3A_1161 = tpu.vector_load %arg7[%get3A_1159, %get3A_1160] {strides = array<i32>} : memref<400x64xf32, #tpu.memory_space<vmem>>, vector<1x16xf32>,
        %get3A_1162 = vector.shape_cast %get3A_1161 : vector<1x16xf32> to vector<16xf32>
        %add3A_1163 = arith.addf %add3A_1127, %get3A_1162 : vector<16xf32>
        %add3A_1164 = arith.constant 0 : i32
        %add3A_1165 = arith.addi %add3A_1164, %mul3A_1011 : i32
        %add3A_1166 = arith.constant 4 : i32
        %add3A_1167 = arith.addi %add3A_1165, %add3A_1166 : i32
        %get3A_1168 = arith.index_cast %add3A_1167 : i32 to index
        %get3A_1169 = arith.constant 16 : index
        %get3A_1170 = tpu.vector_load %arg7[%get3A_1168, %get3A_1169] {strides = array<i32>} : memref<400x64xf32, #tpu.memory_space<vmem>>, vector<1x16xf32>,
        %get3A_1171 = vector.shape_cast %get3A_1170 : vector<1x16xf32> to vector<16xf32>
        %add3A_1172 = arith.addf %add3A_1136, %get3A_1171 : vector<16xf32>
        %add3A_1173 = arith.constant 0 : i32
        %add3A_1174 = arith.addi %add3A_1173, %mul3A_1011 : i32
        %add3A_1175 = arith.constant 4 : i32
        %add3A_1176 = arith.addi %add3A_1174, %add3A_1175 : i32
        %get3A_1177 = arith.index_cast %add3A_1176 : i32 to index
        %get3A_1178 = arith.constant 32 : index
        %get3A_1179 = tpu.vector_load %arg7[%get3A_1177, %get3A_1178] {strides = array<i32>} : memref<400x64xf32, #tpu.memory_space<vmem>>, vector<1x16xf32>,
        %get3A_1180 = vector.shape_cast %get3A_1179 : vector<1x16xf32> to vector<16xf32>
        %add3A_1181 = arith.addf %add3A_1145, %get3A_1180 : vector<16xf32>
        %add3A_1182 = arith.constant 0 : i32
        %add3A_1183 = arith.addi %add3A_1182, %mul3A_1011 : i32
        %add3A_1184 = arith.constant 4 : i32
        %add3A_1185 = arith.addi %add3A_1183, %add3A_1184 : i32
        %get3A_1186 = arith.index_cast %add3A_1185 : i32 to index
        %get3A_1187 = arith.constant 48 : index
        %get3A_1188 = tpu.vector_load %arg7[%get3A_1186, %get3A_1187] {strides = array<i32>} : memref<400x64xf32, #tpu.memory_space<vmem>>, vector<1x16xf32>,
        %get3A_1189 = vector.shape_cast %get3A_1188 : vector<1x16xf32> to vector<16xf32>
        %add3A_1190 = arith.addf %add3A_1154, %get3A_1189 : vector<16xf32>
        scf.yield %add3A_1163, %add3A_1172, %add3A_1181, %add3A_1190 : vector<16xf32>, vector<16xf32>, vector<16xf32>, vector<16xf32>
      }
      %scan3A_613 = arith.constant 10 : i32
      %mul3A_614 = arith.constant 2.000000e-02 : f32
      %mul3A_615 = vector.broadcast %mul3A_614 : f32 to vector<16xf32>
      %mul3A_616 = arith.mulf %scan3A_612#0, %mul3A_615 : vector<16xf32>
      %swap3A_617 = arith.constant 0 : i32
      %swap3A_618 = arith.index_cast %swap3A_617 : i32 to index
      %swap3A_619 = arith.constant 0 : index
      %swap3A_620 = tpu.vector_load %arg8[%swap3A_618, %swap3A_619] {strides = array<i32>} : memref<8x64xf32, #tpu.memory_space<vmem>>, vector<1x16xf32>,
      %swap3A_621 = vector.shape_cast %swap3A_620 : vector<1x16xf32> to vector<16xf32>
      %swap3A_622 = vector.shape_cast %mul3A_616 : vector<16xf32> to vector<1x16xf32>
      tpu.vector_store %arg8[%swap3A_618, %swap3A_619], %swap3A_622 {strides = array<i32>} : memref<8x64xf32, #tpu.memory_space<vmem>>, vector<1x16xf32>,
      %mul3A_623 = arith.constant 2.000000e-02 : f32
      %mul3A_624 = vector.broadcast %mul3A_623 : f32 to vector<16xf32>
      %mul3A_625 = arith.mulf %scan3A_612#1, %mul3A_624 : vector<16xf32>
      %swap3A_626 = arith.constant 0 : i32
      %swap3A_627 = arith.index_cast %swap3A_626 : i32 to index
      %swap3A_628 = arith.constant 16 : index
      %swap3A_629 = tpu.vector_load %arg8[%swap3A_627, %swap3A_628] {strides = array<i32>} : memref<8x64xf32, #tpu.memory_space<vmem>>, vector<1x16xf32>,
      %swap3A_630 = vector.shape_cast %swap3A_629 : vector<1x16xf32> to vector<16xf32>
      %swap3A_631 = vector.shape_cast %mul3A_625 : vector<16xf32> to vector<1x16xf32>
      tpu.vector_store %arg8[%swap3A_627, %swap3A_628], %swap3A_631 {strides = array<i32>} : memref<8x64xf32, #tpu.memory_space<vmem>>, vector<1x16xf32>,
      %mul3A_632 = arith.constant 2.000000e-02 : f32
      %mul3A_633 = vector.broadcast %mul3A_632 : f32 to vector<16xf32>
      %mul3A_634 = arith.mulf %scan3A_612#2, %mul3A_633 : vector<16xf32>
      %swap3A_635 = arith.constant 0 : i32
      %swap3A_636 = arith.index_cast %swap3A_635 : i32 to index
      %swap3A_637 = arith.constant 32 : index
      %swap3A_638 = tpu.vector_load %arg8[%swap3A_636, %swap3A_637] {strides = array<i32>} : memref<8x64xf32, #tpu.memory_space<vmem>>, vector<1x16xf32>,
      %swap3A_639 = vector.shape_cast %swap3A_638 : vector<1x16xf32> to vector<16xf32>
      %swap3A_640 = vector.shape_cast %mul3A_634 : vector<16xf32> to vector<1x16xf32>
      tpu.vector_store %arg8[%swap3A_636, %swap3A_637], %swap3A_640 {strides = array<i32>} : memref<8x64xf32, #tpu.memory_space<vmem>>, vector<1x16xf32>,
      %mul3A_641 = arith.constant 2.000000e-02 : f32
      %mul3A_642 = vector.broadcast %mul3A_641 : f32 to vector<16xf32>
      %mul3A_643 = arith.mulf %scan3A_612#3, %mul3A_642 : vector<16xf32>
      %swap3A_644 = arith.constant 0 : i32
      %swap3A_645 = arith.index_cast %swap3A_644 : i32 to index
      %swap3A_646 = arith.constant 48 : index
      %swap3A_647 = tpu.vector_load %arg8[%swap3A_645, %swap3A_646] {strides = array<i32>} : memref<8x64xf32, #tpu.memory_space<vmem>>, vector<1x16xf32>,
      %swap3A_648 = vector.shape_cast %swap3A_647 : vector<1x16xf32> to vector<16xf32>
      %swap3A_649 = vector.shape_cast %mul3A_643 : vector<16xf32> to vector<1x16xf32>
      tpu.vector_store %arg8[%swap3A_645, %swap3A_646], %swap3A_649 {strides = array<i32>} : memref<8x64xf32, #tpu.memory_space<vmem>>, vector<1x16xf32>,
      %broadcast_in_dim3A_650 = arith.constant 0.000000e+00 : f32
      %broadcast_in_dim3A_651 = vector.broadcast %broadcast_in_dim3A_650 : f32 to vector<16xf32>
      %broadcast_in_dim3A_652 = arith.constant 0.000000e+00 : f32
      %broadcast_in_dim3A_653 = vector.broadcast %broadcast_in_dim3A_652 : f32 to vector<16xf32>
      %broadcast_in_dim3A_654 = arith.constant 0.000000e+00 : f32
      %broadcast_in_dim3A_655 = vector.broadcast %broadcast_in_dim3A_654 : f32 to vector<16xf32>
      %broadcast_in_dim3A_656 = arith.constant 0.000000e+00 : f32
      %broadcast_in_dim3A_657 = vector.broadcast %broadcast_in_dim3A_656 : f32 to vector<16xf32>
      %scan3A_658 = arith.constant 0 : i32
      %scan3A_659 = arith.constant 10 : i32
      %scan3A_660 = arith.addi %scan3A_658, %scan3A_659 : i32
      %scan3A_661 = arith.constant 1 : i32
      %scan3A_662:4 = scf.for %scan3A_1005 = %scan3A_658 to %scan3A_660 step %scan3A_661 iter_args(%scan3A_1006 = %broadcast_in_dim3A_651, %scan3A_1007 = %broadcast_in_dim3A_653, %scan3A_1008 = %broadcast_in_dim3A_655, %scan3A_1009 = %broadcast_in_dim3A_657) -> (vector<16xf32>, vector<16xf32>, vector<16xf32>, vector<16xf32>)  : i32 {
        %mul3A_1010 = arith.constant 5 : i32
        %mul3A_1011 = arith.muli %scan3A_1005, %mul3A_1010 : i32
        %add3A_1012 = arith.constant 50 : i32
        %add3A_1013 = arith.addi %add3A_1012, %mul3A_1011 : i32
        %add3A_1014 = arith.constant 0 : i32
        %add3A_1015 = arith.addi %add3A_1013, %add3A_1014 : i32
        %get3A = arith.index_cast %add3A_1015 : i32 to index
        %get3A_1016 = arith.constant 0 : index
        %get3A_1017 = tpu.vector_load %arg7[%get3A, %get3A_1016] {strides = array<i32>} : memref<400x64xf32, #tpu.memory_space<vmem>>, vector<1x16xf32>,
        %get3A_1018 = vector.shape_cast %get3A_1017 : vector<1x16xf32> to vector<16xf32>
        %add3A_1019 = arith.addf %scan3A_1006, %get3A_1018 : vector<16xf32>
        %add3A_1020 = arith.constant 50 : i32
        %add3A_1021 = arith.addi %add3A_1020, %mul3A_1011 : i32
        %add3A_1022 = arith.constant 0 : i32
        %add3A_1023 = arith.addi %add3A_1021, %add3A_1022 : i32
        %get3A_1024 = arith.index_cast %add3A_1023 : i32 to index
        %get3A_1025 = arith.constant 16 : index
        %get3A_1026 = tpu.vector_load %arg7[%get3A_1024, %get3A_1025] {strides = array<i32>} : memref<400x64xf32, #tpu.memory_space<vmem>>, vector<1x16xf32>,
        %get3A_1027 = vector.shape_cast %get3A_1026 : vector<1x16xf32> to vector<16xf32>
        %add3A_1028 = arith.addf %scan3A_1007, %get3A_1027 : vector<16xf32>
        %add3A_1029 = arith.constant 50 : i32
        %add3A_1030 = arith.addi %add3A_1029, %mul3A_1011 : i32
        %add3A_1031 = arith.constant 0 : i32
        %add3A_1032 = arith.addi %add3A_1030, %add3A_1031 : i32
        %get3A_1033 = arith.index_cast %add3A_1032 : i32 to index
        %get3A_1034 = arith.constant 32 : index
        %get3A_1035 = tpu.vector_load %arg7[%get3A_1033, %get3A_1034] {strides = array<i32>} : memref<400x64xf32, #tpu.memory_space<vmem>>, vector<1x16xf32>,
        %get3A_1036 = vector.shape_cast %get3A_1035 : vector<1x16xf32> to vector<16xf32>
        %add3A_1037 = arith.addf %scan3A_1008, %get3A_1036 : vector<16xf32>
        %add3A_1038 = arith.constant 50 : i32
        %add3A_1039 = arith.addi %add3A_1038, %mul3A_1011 : i32
        %add3A_1040 = arith.constant 0 : i32
        %add3A_1041 = arith.addi %add3A_1039, %add3A_1040 : i32
        %get3A_1042 = arith.index_cast %add3A_1041 : i32 to index
        %get3A_1043 = arith.constant 48 : index
        %get3A_1044 = tpu.vector_load %arg7[%get3A_1042, %get3A_1043] {strides = array<i32>} : memref<400x64xf32, #tpu.memory_space<vmem>>, vector<1x16xf32>,
        %get3A_1045 = vector.shape_cast %get3A_1044 : vector<1x16xf32> to vector<16xf32>
        %add3A_1046 = arith.addf %scan3A_1009, %get3A_1045 : vector<16xf32>
        %add3A_1047 = arith.constant 50 : i32
        %add3A_1048 = arith.addi %add3A_1047, %mul3A_1011 : i32
        %add3A_1049 = arith.constant 1 : i32
        %add3A_1050 = arith.addi %add3A_1048, %add3A_1049 : i32
        %get3A_1051 = arith.index_cast %add3A_1050 : i32 to index
        %get3A_1052 = arith.constant 0 : index
        %get3A_1053 = tpu.vector_load %arg7[%get3A_1051, %get3A_1052] {strides = array<i32>} : memref<400x64xf32, #tpu.memory_space<vmem>>, vector<1x16xf32>,
        %get3A_1054 = vector.shape_cast %get3A_1053 : vector<1x16xf32> to vector<16xf32>
        %add3A_1055 = arith.addf %add3A_1019, %get3A_1054 : vector<16xf32>
        %add3A_1056 = arith.constant 50 : i32
        %add3A_1057 = arith.addi %add3A_1056, %mul3A_1011 : i32
        %add3A_1058 = arith.constant 1 : i32
        %add3A_1059 = arith.addi %add3A_1057, %add3A_1058 : i32
        %get3A_1060 = arith.index_cast %add3A_1059 : i32 to index
        %get3A_1061 = arith.constant 16 : index
        %get3A_1062 = tpu.vector_load %arg7[%get3A_1060, %get3A_1061] {strides = array<i32>} : memref<400x64xf32, #tpu.memory_space<vmem>>, vector<1x16xf32>,
        %get3A_1063 = vector.shape_cast %get3A_1062 : vector<1x16xf32> to vector<16xf32>
        %add3A_1064 = arith.addf %add3A_1028, %get3A_1063 : vector<16xf32>
        %add3A_1065 = arith.constant 50 : i32
        %add3A_1066 = arith.addi %add3A_1065, %mul3A_1011 : i32
        %add3A_1067 = arith.constant 1 : i32
        %add3A_1068 = arith.addi %add3A_1066, %add3A_1067 : i32
        %get3A_1069 = arith.index_cast %add3A_1068 : i32 to index
        %get3A_1070 = arith.constant 32 : index
        %get3A_1071 = tpu.vector_load %arg7[%get3A_1069, %get3A_1070] {strides = array<i32>} : memref<400x64xf32, #tpu.memory_space<vmem>>, vector<1x16xf32>,
        %get3A_1072 = vector.shape_cast %get3A_1071 : vector<1x16xf32> to vector<16xf32>
        %add3A_1073 = arith.addf %add3A_1037, %get3A_1072 : vector<16xf32>
        %add3A_1074 = arith.constant 50 : i32
        %add3A_1075 = arith.addi %add3A_1074, %mul3A_1011 : i32
        %add3A_1076 = arith.constant 1 : i32
        %add3A_1077 = arith.addi %add3A_1075, %add3A_1076 : i32
        %get3A_1078 = arith.index_cast %add3A_1077 : i32 to index
        %get3A_1079 = arith.constant 48 : index
        %get3A_1080 = tpu.vector_load %arg7[%get3A_1078, %get3A_1079] {strides = array<i32>} : memref<400x64xf32, #tpu.memory_space<vmem>>, vector<1x16xf32>,
        %get3A_1081 = vector.shape_cast %get3A_1080 : vector<1x16xf32> to vector<16xf32>
        %add3A_1082 = arith.addf %add3A_1046, %get3A_1081 : vector<16xf32>
        %add3A_1083 = arith.constant 50 : i32
        %add3A_1084 = arith.addi %add3A_1083, %mul3A_1011 : i32
        %add3A_1085 = arith.constant 2 : i32
        %add3A_1086 = arith.addi %add3A_1084, %add3A_1085 : i32
        %get3A_1087 = arith.index_cast %add3A_1086 : i32 to index
        %get3A_1088 = arith.constant 0 : index
        %get3A_1089 = tpu.vector_load %arg7[%get3A_1087, %get3A_1088] {strides = array<i32>} : memref<400x64xf32, #tpu.memory_space<vmem>>, vector<1x16xf32>,
        %get3A_1090 = vector.shape_cast %get3A_1089 : vector<1x16xf32> to vector<16xf32>
        %add3A_1091 = arith.addf %add3A_1055, %get3A_1090 : vector<16xf32>
        %add3A_1092 = arith.constant 50 : i32
        %add3A_1093 = arith.addi %add3A_1092, %mul3A_1011 : i32
        %add3A_1094 = arith.constant 2 : i32
        %add3A_1095 = arith.addi %add3A_1093, %add3A_1094 : i32
        %get3A_1096 = arith.index_cast %add3A_1095 : i32 to index
        %get3A_1097 = arith.constant 16 : index
        %get3A_1098 = tpu.vector_load %arg7[%get3A_1096, %get3A_1097] {strides = array<i32>} : memref<400x64xf32, #tpu.memory_space<vmem>>, vector<1x16xf32>,
        %get3A_1099 = vector.shape_cast %get3A_1098 : vector<1x16xf32> to vector<16xf32>
        %add3A_1100 = arith.addf %add3A_1064, %get3A_1099 : vector<16xf32>
        %add3A_1101 = arith.constant 50 : i32
        %add3A_1102 = arith.addi %add3A_1101, %mul3A_1011 : i32
        %add3A_1103 = arith.constant 2 : i32
        %add3A_1104 = arith.addi %add3A_1102, %add3A_1103 : i32
        %get3A_1105 = arith.index_cast %add3A_1104 : i32 to index
        %get3A_1106 = arith.constant 32 : index
        %get3A_1107 = tpu.vector_load %arg7[%get3A_1105, %get3A_1106] {strides = array<i32>} : memref<400x64xf32, #tpu.memory_space<vmem>>, vector<1x16xf32>,
        %get3A_1108 = vector.shape_cast %get3A_1107 : vector<1x16xf32> to vector<16xf32>
        %add3A_1109 = arith.addf %add3A_1073, %get3A_1108 : vector<16xf32>
        %add3A_1110 = arith.constant 50 : i32
        %add3A_1111 = arith.addi %add3A_1110, %mul3A_1011 : i32
        %add3A_1112 = arith.constant 2 : i32
        %add3A_1113 = arith.addi %add3A_1111, %add3A_1112 : i32
        %get3A_1114 = arith.index_cast %add3A_1113 : i32 to index
        %get3A_1115 = arith.constant 48 : index
        %get3A_1116 = tpu.vector_load %arg7[%get3A_1114, %get3A_1115] {strides = array<i32>} : memref<400x64xf32, #tpu.memory_space<vmem>>, vector<1x16xf32>,
        %get3A_1117 = vector.shape_cast %get3A_1116 : vector<1x16xf32> to vector<16xf32>
        %add3A_1118 = arith.addf %add3A_1082, %get3A_1117 : vector<16xf32>
        %add3A_1119 = arith.constant 50 : i32
        %add3A_1120 = arith.addi %add3A_1119, %mul3A_1011 : i32
        %add3A_1121 = arith.constant 3 : i32
        %add3A_1122 = arith.addi %add3A_1120, %add3A_1121 : i32
        %get3A_1123 = arith.index_cast %add3A_1122 : i32 to index
        %get3A_1124 = arith.constant 0 : index
        %get3A_1125 = tpu.vector_load %arg7[%get3A_1123, %get3A_1124] {strides = array<i32>} : memref<400x64xf32, #tpu.memory_space<vmem>>, vector<1x16xf32>,
        %get3A_1126 = vector.shape_cast %get3A_1125 : vector<1x16xf32> to vector<16xf32>
        %add3A_1127 = arith.addf %add3A_1091, %get3A_1126 : vector<16xf32>
        %add3A_1128 = arith.constant 50 : i32
        %add3A_1129 = arith.addi %add3A_1128, %mul3A_1011 : i32
        %add3A_1130 = arith.constant 3 : i32
        %add3A_1131 = arith.addi %add3A_1129, %add3A_1130 : i32
        %get3A_1132 = arith.index_cast %add3A_1131 : i32 to index
        %get3A_1133 = arith.constant 16 : index
        %get3A_1134 = tpu.vector_load %arg7[%get3A_1132, %get3A_1133] {strides = array<i32>} : memref<400x64xf32, #tpu.memory_space<vmem>>, vector<1x16xf32>,
        %get3A_1135 = vector.shape_cast %get3A_1134 : vector<1x16xf32> to vector<16xf32>
        %add3A_1136 = arith.addf %add3A_1100, %get3A_1135 : vector<16xf32>
        %add3A_1137 = arith.constant 50 : i32
        %add3A_1138 = arith.addi %add3A_1137, %mul3A_1011 : i32
        %add3A_1139 = arith.constant 3 : i32
        %add3A_1140 = arith.addi %add3A_1138, %add3A_1139 : i32
        %get3A_1141 = arith.index_cast %add3A_1140 : i32 to index
        %get3A_1142 = arith.constant 32 : index
        %get3A_1143 = tpu.vector_load %arg7[%get3A_1141, %get3A_1142] {strides = array<i32>} : memref<400x64xf32, #tpu.memory_space<vmem>>, vector<1x16xf32>,
        %get3A_1144 = vector.shape_cast %get3A_1143 : vector<1x16xf32> to vector<16xf32>
        %add3A_1145 = arith.addf %add3A_1109, %get3A_1144 : vector<16xf32>
        %add3A_1146 = arith.constant 50 : i32
        %add3A_1147 = arith.addi %add3A_1146, %mul3A_1011 : i32
        %add3A_1148 = arith.constant 3 : i32
        %add3A_1149 = arith.addi %add3A_1147, %add3A_1148 : i32
        %get3A_1150 = arith.index_cast %add3A_1149 : i32 to index
        %get3A_1151 = arith.constant 48 : index
        %get3A_1152 = tpu.vector_load %arg7[%get3A_1150, %get3A_1151] {strides = array<i32>} : memref<400x64xf32, #tpu.memory_space<vmem>>, vector<1x16xf32>,
        %get3A_1153 = vector.shape_cast %get3A_1152 : vector<1x16xf32> to vector<16xf32>
        %add3A_1154 = arith.addf %add3A_1118, %get3A_1153 : vector<16xf32>
        %add3A_1155 = arith.constant 50 : i32
        %add3A_1156 = arith.addi %add3A_1155, %mul3A_1011 : i32
        %add3A_1157 = arith.constant 4 : i32
        %add3A_1158 = arith.addi %add3A_1156, %add3A_1157 : i32
        %get3A_1159 = arith.index_cast %add3A_1158 : i32 to index
        %get3A_1160 = arith.constant 0 : index
        %get3A_1161 = tpu.vector_load %arg7[%get3A_1159, %get3A_1160] {strides = array<i32>} : memref<400x64xf32, #tpu.memory_space<vmem>>, vector<1x16xf32>,
        %get3A_1162 = vector.shape_cast %get3A_1161 : vector<1x16xf32> to vector<16xf32>
        %add3A_1163 = arith.addf %add3A_1127, %get3A_1162 : vector<16xf32>
        %add3A_1164 = arith.constant 50 : i32
        %add3A_1165 = arith.addi %add3A_1164, %mul3A_1011 : i32
        %add3A_1166 = arith.constant 4 : i32
        %add3A_1167 = arith.addi %add3A_1165, %add3A_1166 : i32
        %get3A_1168 = arith.index_cast %add3A_1167 : i32 to index
        %get3A_1169 = arith.constant 16 : index
        %get3A_1170 = tpu.vector_load %arg7[%get3A_1168, %get3A_1169] {strides = array<i32>} : memref<400x64xf32, #tpu.memory_space<vmem>>, vector<1x16xf32>,
        %get3A_1171 = vector.shape_cast %get3A_1170 : vector<1x16xf32> to vector<16xf32>
        %add3A_1172 = arith.addf %add3A_1136, %get3A_1171 : vector<16xf32>
        %add3A_1173 = arith.constant 50 : i32
        %add3A_1174 = arith.addi %add3A_1173, %mul3A_1011 : i32
        %add3A_1175 = arith.constant 4 : i32
        %add3A_1176 = arith.addi %add3A_1174, %add3A_1175 : i32
        %get3A_1177 = arith.index_cast %add3A_1176 : i32 to index
        %get3A_1178 = arith.constant 32 : index
        %get3A_1179 = tpu.vector_load %arg7[%get3A_1177, %get3A_1178] {strides = array<i32>} : memref<400x64xf32, #tpu.memory_space<vmem>>, vector<1x16xf32>,
        %get3A_1180 = vector.shape_cast %get3A_1179 : vector<1x16xf32> to vector<16xf32>
        %add3A_1181 = arith.addf %add3A_1145, %get3A_1180 : vector<16xf32>
        %add3A_1182 = arith.constant 50 : i32
        %add3A_1183 = arith.addi %add3A_1182, %mul3A_1011 : i32
        %add3A_1184 = arith.constant 4 : i32
        %add3A_1185 = arith.addi %add3A_1183, %add3A_1184 : i32
        %get3A_1186 = arith.index_cast %add3A_1185 : i32 to index
        %get3A_1187 = arith.constant 48 : index
        %get3A_1188 = tpu.vector_load %arg7[%get3A_1186, %get3A_1187] {strides = array<i32>} : memref<400x64xf32, #tpu.memory_space<vmem>>, vector<1x16xf32>,
        %get3A_1189 = vector.shape_cast %get3A_1188 : vector<1x16xf32> to vector<16xf32>
        %add3A_1190 = arith.addf %add3A_1154, %get3A_1189 : vector<16xf32>
        scf.yield %add3A_1163, %add3A_1172, %add3A_1181, %add3A_1190 : vector<16xf32>, vector<16xf32>, vector<16xf32>, vector<16xf32>
      }
      %scan3A_663 = arith.constant 10 : i32
      %mul3A_664 = arith.constant 2.000000e-02 : f32
      %mul3A_665 = vector.broadcast %mul3A_664 : f32 to vector<16xf32>
      %mul3A_666 = arith.mulf %scan3A_662#0, %mul3A_665 : vector<16xf32>
      %swap3A_667 = arith.constant 1 : i32
      %swap3A_668 = arith.index_cast %swap3A_667 : i32 to index
      %swap3A_669 = arith.constant 0 : index
      %swap3A_670 = tpu.vector_load %arg8[%swap3A_668, %swap3A_669] {strides = array<i32>} : memref<8x64xf32, #tpu.memory_space<vmem>>, vector<1x16xf32>,
      %swap3A_671 = vector.shape_cast %swap3A_670 : vector<1x16xf32> to vector<16xf32>
      %swap3A_672 = vector.shape_cast %mul3A_666 : vector<16xf32> to vector<1x16xf32>
      tpu.vector_store %arg8[%swap3A_668, %swap3A_669], %swap3A_672 {strides = array<i32>} : memref<8x64xf32, #tpu.memory_space<vmem>>, vector<1x16xf32>,
      %mul3A_673 = arith.constant 2.000000e-02 : f32
      %mul3A_674 = vector.broadcast %mul3A_673 : f32 to vector<16xf32>
      %mul3A_675 = arith.mulf %scan3A_662#1, %mul3A_674 : vector<16xf32>
      %swap3A_676 = arith.constant 1 : i32
      %swap3A_677 = arith.index_cast %swap3A_676 : i32 to index
      %swap3A_678 = arith.constant 16 : index
      %swap3A_679 = tpu.vector_load %arg8[%swap3A_677, %swap3A_678] {strides = array<i32>} : memref<8x64xf32, #tpu.memory_space<vmem>>, vector<1x16xf32>,
      %swap3A_680 = vector.shape_cast %swap3A_679 : vector<1x16xf32> to vector<16xf32>
      %swap3A_681 = vector.shape_cast %mul3A_675 : vector<16xf32> to vector<1x16xf32>
      tpu.vector_store %arg8[%swap3A_677, %swap3A_678], %swap3A_681 {strides = array<i32>} : memref<8x64xf32, #tpu.memory_space<vmem>>, vector<1x16xf32>,
      %mul3A_682 = arith.constant 2.000000e-02 : f32
      %mul3A_683 = vector.broadcast %mul3A_682 : f32 to vector<16xf32>
      %mul3A_684 = arith.mulf %scan3A_662#2, %mul3A_683 : vector<16xf32>
      %swap3A_685 = arith.constant 1 : i32
      %swap3A_686 = arith.index_cast %swap3A_685 : i32 to index
      %swap3A_687 = arith.constant 32 : index
      %swap3A_688 = tpu.vector_load %arg8[%swap3A_686, %swap3A_687] {strides = array<i32>} : memref<8x64xf32, #tpu.memory_space<vmem>>, vector<1x16xf32>,
      %swap3A_689 = vector.shape_cast %swap3A_688 : vector<1x16xf32> to vector<16xf32>
      %swap3A_690 = vector.shape_cast %mul3A_684 : vector<16xf32> to vector<1x16xf32>
      tpu.vector_store %arg8[%swap3A_686, %swap3A_687], %swap3A_690 {strides = array<i32>} : memref<8x64xf32, #tpu.memory_space<vmem>>, vector<1x16xf32>,
      %mul3A_691 = arith.constant 2.000000e-02 : f32
      %mul3A_692 = vector.broadcast %mul3A_691 : f32 to vector<16xf32>
      %mul3A_693 = arith.mulf %scan3A_662#3, %mul3A_692 : vector<16xf32>
      %swap3A_694 = arith.constant 1 : i32
      %swap3A_695 = arith.index_cast %swap3A_694 : i32 to index
      %swap3A_696 = arith.constant 48 : index
      %swap3A_697 = tpu.vector_load %arg8[%swap3A_695, %swap3A_696] {strides = array<i32>} : memref<8x64xf32, #tpu.memory_space<vmem>>, vector<1x16xf32>,
      %swap3A_698 = vector.shape_cast %swap3A_697 : vector<1x16xf32> to vector<16xf32>
      %swap3A_699 = vector.shape_cast %mul3A_693 : vector<16xf32> to vector<1x16xf32>
      tpu.vector_store %arg8[%swap3A_695, %swap3A_696], %swap3A_699 {strides = array<i32>} : memref<8x64xf32, #tpu.memory_space<vmem>>, vector<1x16xf32>,
      %broadcast_in_dim3A_700 = arith.constant 0.000000e+00 : f32
      %broadcast_in_dim3A_701 = vector.broadcast %broadcast_in_dim3A_700 : f32 to vector<16xf32>
      %broadcast_in_dim3A_702 = arith.constant 0.000000e+00 : f32
      %broadcast_in_dim3A_703 = vector.broadcast %broadcast_in_dim3A_702 : f32 to vector<16xf32>
      %broadcast_in_dim3A_704 = arith.constant 0.000000e+00 : f32
      %broadcast_in_dim3A_705 = vector.broadcast %broadcast_in_dim3A_704 : f32 to vector<16xf32>
      %broadcast_in_dim3A_706 = arith.constant 0.000000e+00 : f32
      %broadcast_in_dim3A_707 = vector.broadcast %broadcast_in_dim3A_706 : f32 to vector<16xf32>
      %scan3A_708 = arith.constant 0 : i32
      %scan3A_709 = arith.constant 10 : i32
      %scan3A_710 = arith.addi %scan3A_708, %scan3A_709 : i32
      %scan3A_711 = arith.constant 1 : i32
      %scan3A_712:4 = scf.for %scan3A_1005 = %scan3A_708 to %scan3A_710 step %scan3A_711 iter_args(%scan3A_1006 = %broadcast_in_dim3A_701, %scan3A_1007 = %broadcast_in_dim3A_703, %scan3A_1008 = %broadcast_in_dim3A_705, %scan3A_1009 = %broadcast_in_dim3A_707) -> (vector<16xf32>, vector<16xf32>, vector<16xf32>, vector<16xf32>)  : i32 {
        %mul3A_1010 = arith.constant 5 : i32
        %mul3A_1011 = arith.muli %scan3A_1005, %mul3A_1010 : i32
        %add3A_1012 = arith.constant 100 : i32
        %add3A_1013 = arith.addi %add3A_1012, %mul3A_1011 : i32
        %add3A_1014 = arith.constant 0 : i32
        %add3A_1015 = arith.addi %add3A_1013, %add3A_1014 : i32
        %get3A = arith.index_cast %add3A_1015 : i32 to index
        %get3A_1016 = arith.constant 0 : index
        %get3A_1017 = tpu.vector_load %arg7[%get3A, %get3A_1016] {strides = array<i32>} : memref<400x64xf32, #tpu.memory_space<vmem>>, vector<1x16xf32>,
        %get3A_1018 = vector.shape_cast %get3A_1017 : vector<1x16xf32> to vector<16xf32>
        %add3A_1019 = arith.addf %scan3A_1006, %get3A_1018 : vector<16xf32>
        %add3A_1020 = arith.constant 100 : i32
        %add3A_1021 = arith.addi %add3A_1020, %mul3A_1011 : i32
        %add3A_1022 = arith.constant 0 : i32
        %add3A_1023 = arith.addi %add3A_1021, %add3A_1022 : i32
        %get3A_1024 = arith.index_cast %add3A_1023 : i32 to index
        %get3A_1025 = arith.constant 16 : index
        %get3A_1026 = tpu.vector_load %arg7[%get3A_1024, %get3A_1025] {strides = array<i32>} : memref<400x64xf32, #tpu.memory_space<vmem>>, vector<1x16xf32>,
        %get3A_1027 = vector.shape_cast %get3A_1026 : vector<1x16xf32> to vector<16xf32>
        %add3A_1028 = arith.addf %scan3A_1007, %get3A_1027 : vector<16xf32>
        %add3A_1029 = arith.constant 100 : i32
        %add3A_1030 = arith.addi %add3A_1029, %mul3A_1011 : i32
        %add3A_1031 = arith.constant 0 : i32
        %add3A_1032 = arith.addi %add3A_1030, %add3A_1031 : i32
        %get3A_1033 = arith.index_cast %add3A_1032 : i32 to index
        %get3A_1034 = arith.constant 32 : index
        %get3A_1035 = tpu.vector_load %arg7[%get3A_1033, %get3A_1034] {strides = array<i32>} : memref<400x64xf32, #tpu.memory_space<vmem>>, vector<1x16xf32>,
        %get3A_1036 = vector.shape_cast %get3A_1035 : vector<1x16xf32> to vector<16xf32>
        %add3A_1037 = arith.addf %scan3A_1008, %get3A_1036 : vector<16xf32>
        %add3A_1038 = arith.constant 100 : i32
        %add3A_1039 = arith.addi %add3A_1038, %mul3A_1011 : i32
        %add3A_1040 = arith.constant 0 : i32
        %add3A_1041 = arith.addi %add3A_1039, %add3A_1040 : i32
        %get3A_1042 = arith.index_cast %add3A_1041 : i32 to index
        %get3A_1043 = arith.constant 48 : index
        %get3A_1044 = tpu.vector_load %arg7[%get3A_1042, %get3A_1043] {strides = array<i32>} : memref<400x64xf32, #tpu.memory_space<vmem>>, vector<1x16xf32>,
        %get3A_1045 = vector.shape_cast %get3A_1044 : vector<1x16xf32> to vector<16xf32>
        %add3A_1046 = arith.addf %scan3A_1009, %get3A_1045 : vector<16xf32>
        %add3A_1047 = arith.constant 100 : i32
        %add3A_1048 = arith.addi %add3A_1047, %mul3A_1011 : i32
        %add3A_1049 = arith.constant 1 : i32
        %add3A_1050 = arith.addi %add3A_1048, %add3A_1049 : i32
        %get3A_1051 = arith.index_cast %add3A_1050 : i32 to index
        %get3A_1052 = arith.constant 0 : index
        %get3A_1053 = tpu.vector_load %arg7[%get3A_1051, %get3A_1052] {strides = array<i32>} : memref<400x64xf32, #tpu.memory_space<vmem>>, vector<1x16xf32>,
        %get3A_1054 = vector.shape_cast %get3A_1053 : vector<1x16xf32> to vector<16xf32>
        %add3A_1055 = arith.addf %add3A_1019, %get3A_1054 : vector<16xf32>
        %add3A_1056 = arith.constant 100 : i32
        %add3A_1057 = arith.addi %add3A_1056, %mul3A_1011 : i32
        %add3A_1058 = arith.constant 1 : i32
        %add3A_1059 = arith.addi %add3A_1057, %add3A_1058 : i32
        %get3A_1060 = arith.index_cast %add3A_1059 : i32 to index
        %get3A_1061 = arith.constant 16 : index
        %get3A_1062 = tpu.vector_load %arg7[%get3A_1060, %get3A_1061] {strides = array<i32>} : memref<400x64xf32, #tpu.memory_space<vmem>>, vector<1x16xf32>,
        %get3A_1063 = vector.shape_cast %get3A_1062 : vector<1x16xf32> to vector<16xf32>
        %add3A_1064 = arith.addf %add3A_1028, %get3A_1063 : vector<16xf32>
        %add3A_1065 = arith.constant 100 : i32
        %add3A_1066 = arith.addi %add3A_1065, %mul3A_1011 : i32
        %add3A_1067 = arith.constant 1 : i32
        %add3A_1068 = arith.addi %add3A_1066, %add3A_1067 : i32
        %get3A_1069 = arith.index_cast %add3A_1068 : i32 to index
        %get3A_1070 = arith.constant 32 : index
        %get3A_1071 = tpu.vector_load %arg7[%get3A_1069, %get3A_1070] {strides = array<i32>} : memref<400x64xf32, #tpu.memory_space<vmem>>, vector<1x16xf32>,
        %get3A_1072 = vector.shape_cast %get3A_1071 : vector<1x16xf32> to vector<16xf32>
        %add3A_1073 = arith.addf %add3A_1037, %get3A_1072 : vector<16xf32>
        %add3A_1074 = arith.constant 100 : i32
        %add3A_1075 = arith.addi %add3A_1074, %mul3A_1011 : i32
        %add3A_1076 = arith.constant 1 : i32
        %add3A_1077 = arith.addi %add3A_1075, %add3A_1076 : i32
        %get3A_1078 = arith.index_cast %add3A_1077 : i32 to index
        %get3A_1079 = arith.constant 48 : index
        %get3A_1080 = tpu.vector_load %arg7[%get3A_1078, %get3A_1079] {strides = array<i32>} : memref<400x64xf32, #tpu.memory_space<vmem>>, vector<1x16xf32>,
        %get3A_1081 = vector.shape_cast %get3A_1080 : vector<1x16xf32> to vector<16xf32>
        %add3A_1082 = arith.addf %add3A_1046, %get3A_1081 : vector<16xf32>
        %add3A_1083 = arith.constant 100 : i32
        %add3A_1084 = arith.addi %add3A_1083, %mul3A_1011 : i32
        %add3A_1085 = arith.constant 2 : i32
        %add3A_1086 = arith.addi %add3A_1084, %add3A_1085 : i32
        %get3A_1087 = arith.index_cast %add3A_1086 : i32 to index
        %get3A_1088 = arith.constant 0 : index
        %get3A_1089 = tpu.vector_load %arg7[%get3A_1087, %get3A_1088] {strides = array<i32>} : memref<400x64xf32, #tpu.memory_space<vmem>>, vector<1x16xf32>,
        %get3A_1090 = vector.shape_cast %get3A_1089 : vector<1x16xf32> to vector<16xf32>
        %add3A_1091 = arith.addf %add3A_1055, %get3A_1090 : vector<16xf32>
        %add3A_1092 = arith.constant 100 : i32
        %add3A_1093 = arith.addi %add3A_1092, %mul3A_1011 : i32
        %add3A_1094 = arith.constant 2 : i32
        %add3A_1095 = arith.addi %add3A_1093, %add3A_1094 : i32
        %get3A_1096 = arith.index_cast %add3A_1095 : i32 to index
        %get3A_1097 = arith.constant 16 : index
        %get3A_1098 = tpu.vector_load %arg7[%get3A_1096, %get3A_1097] {strides = array<i32>} : memref<400x64xf32, #tpu.memory_space<vmem>>, vector<1x16xf32>,
        %get3A_1099 = vector.shape_cast %get3A_1098 : vector<1x16xf32> to vector<16xf32>
        %add3A_1100 = arith.addf %add3A_1064, %get3A_1099 : vector<16xf32>
        %add3A_1101 = arith.constant 100 : i32
        %add3A_1102 = arith.addi %add3A_1101, %mul3A_1011 : i32
        %add3A_1103 = arith.constant 2 : i32
        %add3A_1104 = arith.addi %add3A_1102, %add3A_1103 : i32
        %get3A_1105 = arith.index_cast %add3A_1104 : i32 to index
        %get3A_1106 = arith.constant 32 : index
        %get3A_1107 = tpu.vector_load %arg7[%get3A_1105, %get3A_1106] {strides = array<i32>} : memref<400x64xf32, #tpu.memory_space<vmem>>, vector<1x16xf32>,
        %get3A_1108 = vector.shape_cast %get3A_1107 : vector<1x16xf32> to vector<16xf32>
        %add3A_1109 = arith.addf %add3A_1073, %get3A_1108 : vector<16xf32>
        %add3A_1110 = arith.constant 100 : i32
        %add3A_1111 = arith.addi %add3A_1110, %mul3A_1011 : i32
        %add3A_1112 = arith.constant 2 : i32
        %add3A_1113 = arith.addi %add3A_1111, %add3A_1112 : i32
        %get3A_1114 = arith.index_cast %add3A_1113 : i32 to index
        %get3A_1115 = arith.constant 48 : index
        %get3A_1116 = tpu.vector_load %arg7[%get3A_1114, %get3A_1115] {strides = array<i32>} : memref<400x64xf32, #tpu.memory_space<vmem>>, vector<1x16xf32>,
        %get3A_1117 = vector.shape_cast %get3A_1116 : vector<1x16xf32> to vector<16xf32>
        %add3A_1118 = arith.addf %add3A_1082, %get3A_1117 : vector<16xf32>
        %add3A_1119 = arith.constant 100 : i32
        %add3A_1120 = arith.addi %add3A_1119, %mul3A_1011 : i32
        %add3A_1121 = arith.constant 3 : i32
        %add3A_1122 = arith.addi %add3A_1120, %add3A_1121 : i32
        %get3A_1123 = arith.index_cast %add3A_1122 : i32 to index
        %get3A_1124 = arith.constant 0 : index
        %get3A_1125 = tpu.vector_load %arg7[%get3A_1123, %get3A_1124] {strides = array<i32>} : memref<400x64xf32, #tpu.memory_space<vmem>>, vector<1x16xf32>,
        %get3A_1126 = vector.shape_cast %get3A_1125 : vector<1x16xf32> to vector<16xf32>
        %add3A_1127 = arith.addf %add3A_1091, %get3A_1126 : vector<16xf32>
        %add3A_1128 = arith.constant 100 : i32
        %add3A_1129 = arith.addi %add3A_1128, %mul3A_1011 : i32
        %add3A_1130 = arith.constant 3 : i32
        %add3A_1131 = arith.addi %add3A_1129, %add3A_1130 : i32
        %get3A_1132 = arith.index_cast %add3A_1131 : i32 to index
        %get3A_1133 = arith.constant 16 : index
        %get3A_1134 = tpu.vector_load %arg7[%get3A_1132, %get3A_1133] {strides = array<i32>} : memref<400x64xf32, #tpu.memory_space<vmem>>, vector<1x16xf32>,
        %get3A_1135 = vector.shape_cast %get3A_1134 : vector<1x16xf32> to vector<16xf32>
        %add3A_1136 = arith.addf %add3A_1100, %get3A_1135 : vector<16xf32>
        %add3A_1137 = arith.constant 100 : i32
        %add3A_1138 = arith.addi %add3A_1137, %mul3A_1011 : i32
        %add3A_1139 = arith.constant 3 : i32
        %add3A_1140 = arith.addi %add3A_1138, %add3A_1139 : i32
        %get3A_1141 = arith.index_cast %add3A_1140 : i32 to index
        %get3A_1142 = arith.constant 32 : index
        %get3A_1143 = tpu.vector_load %arg7[%get3A_1141, %get3A_1142] {strides = array<i32>} : memref<400x64xf32, #tpu.memory_space<vmem>>, vector<1x16xf32>,
        %get3A_1144 = vector.shape_cast %get3A_1143 : vector<1x16xf32> to vector<16xf32>
        %add3A_1145 = arith.addf %add3A_1109, %get3A_1144 : vector<16xf32>
        %add3A_1146 = arith.constant 100 : i32
        %add3A_1147 = arith.addi %add3A_1146, %mul3A_1011 : i32
        %add3A_1148 = arith.constant 3 : i32
        %add3A_1149 = arith.addi %add3A_1147, %add3A_1148 : i32
        %get3A_1150 = arith.index_cast %add3A_1149 : i32 to index
        %get3A_1151 = arith.constant 48 : index
        %get3A_1152 = tpu.vector_load %arg7[%get3A_1150, %get3A_1151] {strides = array<i32>} : memref<400x64xf32, #tpu.memory_space<vmem>>, vector<1x16xf32>,
        %get3A_1153 = vector.shape_cast %get3A_1152 : vector<1x16xf32> to vector<16xf32>
        %add3A_1154 = arith.addf %add3A_1118, %get3A_1153 : vector<16xf32>
        %add3A_1155 = arith.constant 100 : i32
        %add3A_1156 = arith.addi %add3A_1155, %mul3A_1011 : i32
        %add3A_1157 = arith.constant 4 : i32
        %add3A_1158 = arith.addi %add3A_1156, %add3A_1157 : i32
        %get3A_1159 = arith.index_cast %add3A_1158 : i32 to index
        %get3A_1160 = arith.constant 0 : index
        %get3A_1161 = tpu.vector_load %arg7[%get3A_1159, %get3A_1160] {strides = array<i32>} : memref<400x64xf32, #tpu.memory_space<vmem>>, vector<1x16xf32>,
        %get3A_1162 = vector.shape_cast %get3A_1161 : vector<1x16xf32> to vector<16xf32>
        %add3A_1163 = arith.addf %add3A_1127, %get3A_1162 : vector<16xf32>
        %add3A_1164 = arith.constant 100 : i32
        %add3A_1165 = arith.addi %add3A_1164, %mul3A_1011 : i32
        %add3A_1166 = arith.constant 4 : i32
        %add3A_1167 = arith.addi %add3A_1165, %add3A_1166 : i32
        %get3A_1168 = arith.index_cast %add3A_1167 : i32 to index
        %get3A_1169 = arith.constant 16 : index
        %get3A_1170 = tpu.vector_load %arg7[%get3A_1168, %get3A_1169] {strides = array<i32>} : memref<400x64xf32, #tpu.memory_space<vmem>>, vector<1x16xf32>,
        %get3A_1171 = vector.shape_cast %get3A_1170 : vector<1x16xf32> to vector<16xf32>
        %add3A_1172 = arith.addf %add3A_1136, %get3A_1171 : vector<16xf32>
        %add3A_1173 = arith.constant 100 : i32
        %add3A_1174 = arith.addi %add3A_1173, %mul3A_1011 : i32
        %add3A_1175 = arith.constant 4 : i32
        %add3A_1176 = arith.addi %add3A_1174, %add3A_1175 : i32
        %get3A_1177 = arith.index_cast %add3A_1176 : i32 to index
        %get3A_1178 = arith.constant 32 : index
        %get3A_1179 = tpu.vector_load %arg7[%get3A_1177, %get3A_1178] {strides = array<i32>} : memref<400x64xf32, #tpu.memory_space<vmem>>, vector<1x16xf32>,
        %get3A_1180 = vector.shape_cast %get3A_1179 : vector<1x16xf32> to vector<16xf32>
        %add3A_1181 = arith.addf %add3A_1145, %get3A_1180 : vector<16xf32>
        %add3A_1182 = arith.constant 100 : i32
        %add3A_1183 = arith.addi %add3A_1182, %mul3A_1011 : i32
        %add3A_1184 = arith.constant 4 : i32
        %add3A_1185 = arith.addi %add3A_1183, %add3A_1184 : i32
        %get3A_1186 = arith.index_cast %add3A_1185 : i32 to index
        %get3A_1187 = arith.constant 48 : index
        %get3A_1188 = tpu.vector_load %arg7[%get3A_1186, %get3A_1187] {strides = array<i32>} : memref<400x64xf32, #tpu.memory_space<vmem>>, vector<1x16xf32>,
        %get3A_1189 = vector.shape_cast %get3A_1188 : vector<1x16xf32> to vector<16xf32>
        %add3A_1190 = arith.addf %add3A_1154, %get3A_1189 : vector<16xf32>
        scf.yield %add3A_1163, %add3A_1172, %add3A_1181, %add3A_1190 : vector<16xf32>, vector<16xf32>, vector<16xf32>, vector<16xf32>
      }
      %scan3A_713 = arith.constant 10 : i32
      %mul3A_714 = arith.constant 2.000000e-02 : f32
      %mul3A_715 = vector.broadcast %mul3A_714 : f32 to vector<16xf32>
      %mul3A_716 = arith.mulf %scan3A_712#0, %mul3A_715 : vector<16xf32>
      %swap3A_717 = arith.constant 2 : i32
      %swap3A_718 = arith.index_cast %swap3A_717 : i32 to index
      %swap3A_719 = arith.constant 0 : index
      %swap3A_720 = tpu.vector_load %arg8[%swap3A_718, %swap3A_719] {strides = array<i32>} : memref<8x64xf32, #tpu.memory_space<vmem>>, vector<1x16xf32>,
      %swap3A_721 = vector.shape_cast %swap3A_720 : vector<1x16xf32> to vector<16xf32>
      %swap3A_722 = vector.shape_cast %mul3A_716 : vector<16xf32> to vector<1x16xf32>
      tpu.vector_store %arg8[%swap3A_718, %swap3A_719], %swap3A_722 {strides = array<i32>} : memref<8x64xf32, #tpu.memory_space<vmem>>, vector<1x16xf32>,
      %mul3A_723 = arith.constant 2.000000e-02 : f32
      %mul3A_724 = vector.broadcast %mul3A_723 : f32 to vector<16xf32>
      %mul3A_725 = arith.mulf %scan3A_712#1, %mul3A_724 : vector<16xf32>
      %swap3A_726 = arith.constant 2 : i32
      %swap3A_727 = arith.index_cast %swap3A_726 : i32 to index
      %swap3A_728 = arith.constant 16 : index
      %swap3A_729 = tpu.vector_load %arg8[%swap3A_727, %swap3A_728] {strides = array<i32>} : memref<8x64xf32, #tpu.memory_space<vmem>>, vector<1x16xf32>,
      %swap3A_730 = vector.shape_cast %swap3A_729 : vector<1x16xf32> to vector<16xf32>
      %swap3A_731 = vector.shape_cast %mul3A_725 : vector<16xf32> to vector<1x16xf32>
      tpu.vector_store %arg8[%swap3A_727, %swap3A_728], %swap3A_731 {strides = array<i32>} : memref<8x64xf32, #tpu.memory_space<vmem>>, vector<1x16xf32>,
      %mul3A_732 = arith.constant 2.000000e-02 : f32
      %mul3A_733 = vector.broadcast %mul3A_732 : f32 to vector<16xf32>
      %mul3A_734 = arith.mulf %scan3A_712#2, %mul3A_733 : vector<16xf32>
      %swap3A_735 = arith.constant 2 : i32
      %swap3A_736 = arith.index_cast %swap3A_735 : i32 to index
      %swap3A_737 = arith.constant 32 : index
      %swap3A_738 = tpu.vector_load %arg8[%swap3A_736, %swap3A_737] {strides = array<i32>} : memref<8x64xf32, #tpu.memory_space<vmem>>, vector<1x16xf32>,
      %swap3A_739 = vector.shape_cast %swap3A_738 : vector<1x16xf32> to vector<16xf32>
      %swap3A_740 = vector.shape_cast %mul3A_734 : vector<16xf32> to vector<1x16xf32>
      tpu.vector_store %arg8[%swap3A_736, %swap3A_737], %swap3A_740 {strides = array<i32>} : memref<8x64xf32, #tpu.memory_space<vmem>>, vector<1x16xf32>,
      %mul3A_741 = arith.constant 2.000000e-02 : f32
      %mul3A_742 = vector.broadcast %mul3A_741 : f32 to vector<16xf32>
      %mul3A_743 = arith.mulf %scan3A_712#3, %mul3A_742 : vector<16xf32>
      %swap3A_744 = arith.constant 2 : i32
      %swap3A_745 = arith.index_cast %swap3A_744 : i32 to index
      %swap3A_746 = arith.constant 48 : index
      %swap3A_747 = tpu.vector_load %arg8[%swap3A_745, %swap3A_746] {strides = array<i32>} : memref<8x64xf32, #tpu.memory_space<vmem>>, vector<1x16xf32>,
      %swap3A_748 = vector.shape_cast %swap3A_747 : vector<1x16xf32> to vector<16xf32>
      %swap3A_749 = vector.shape_cast %mul3A_743 : vector<16xf32> to vector<1x16xf32>
      tpu.vector_store %arg8[%swap3A_745, %swap3A_746], %swap3A_749 {strides = array<i32>} : memref<8x64xf32, #tpu.memory_space<vmem>>, vector<1x16xf32>,
      %broadcast_in_dim3A_750 = arith.constant 0.000000e+00 : f32
      %broadcast_in_dim3A_751 = vector.broadcast %broadcast_in_dim3A_750 : f32 to vector<16xf32>
      %broadcast_in_dim3A_752 = arith.constant 0.000000e+00 : f32
      %broadcast_in_dim3A_753 = vector.broadcast %broadcast_in_dim3A_752 : f32 to vector<16xf32>
      %broadcast_in_dim3A_754 = arith.constant 0.000000e+00 : f32
      %broadcast_in_dim3A_755 = vector.broadcast %broadcast_in_dim3A_754 : f32 to vector<16xf32>
      %broadcast_in_dim3A_756 = arith.constant 0.000000e+00 : f32
      %broadcast_in_dim3A_757 = vector.broadcast %broadcast_in_dim3A_756 : f32 to vector<16xf32>
      %scan3A_758 = arith.constant 0 : i32
      %scan3A_759 = arith.constant 10 : i32
      %scan3A_760 = arith.addi %scan3A_758, %scan3A_759 : i32
      %scan3A_761 = arith.constant 1 : i32
      %scan3A_762:4 = scf.for %scan3A_1005 = %scan3A_758 to %scan3A_760 step %scan3A_761 iter_args(%scan3A_1006 = %broadcast_in_dim3A_751, %scan3A_1007 = %broadcast_in_dim3A_753, %scan3A_1008 = %broadcast_in_dim3A_755, %scan3A_1009 = %broadcast_in_dim3A_757) -> (vector<16xf32>, vector<16xf32>, vector<16xf32>, vector<16xf32>)  : i32 {
        %mul3A_1010 = arith.constant 5 : i32
        %mul3A_1011 = arith.muli %scan3A_1005, %mul3A_1010 : i32
        %add3A_1012 = arith.constant 150 : i32
        %add3A_1013 = arith.addi %add3A_1012, %mul3A_1011 : i32
        %add3A_1014 = arith.constant 0 : i32
        %add3A_1015 = arith.addi %add3A_1013, %add3A_1014 : i32
        %get3A = arith.index_cast %add3A_1015 : i32 to index
        %get3A_1016 = arith.constant 0 : index
        %get3A_1017 = tpu.vector_load %arg7[%get3A, %get3A_1016] {strides = array<i32>} : memref<400x64xf32, #tpu.memory_space<vmem>>, vector<1x16xf32>,
        %get3A_1018 = vector.shape_cast %get3A_1017 : vector<1x16xf32> to vector<16xf32>
        %add3A_1019 = arith.addf %scan3A_1006, %get3A_1018 : vector<16xf32>
        %add3A_1020 = arith.constant 150 : i32
        %add3A_1021 = arith.addi %add3A_1020, %mul3A_1011 : i32
        %add3A_1022 = arith.constant 0 : i32
        %add3A_1023 = arith.addi %add3A_1021, %add3A_1022 : i32
        %get3A_1024 = arith.index_cast %add3A_1023 : i32 to index
        %get3A_1025 = arith.constant 16 : index
        %get3A_1026 = tpu.vector_load %arg7[%get3A_1024, %get3A_1025] {strides = array<i32>} : memref<400x64xf32, #tpu.memory_space<vmem>>, vector<1x16xf32>,
        %get3A_1027 = vector.shape_cast %get3A_1026 : vector<1x16xf32> to vector<16xf32>
        %add3A_1028 = arith.addf %scan3A_1007, %get3A_1027 : vector<16xf32>
        %add3A_1029 = arith.constant 150 : i32
        %add3A_1030 = arith.addi %add3A_1029, %mul3A_1011 : i32
        %add3A_1031 = arith.constant 0 : i32
        %add3A_1032 = arith.addi %add3A_1030, %add3A_1031 : i32
        %get3A_1033 = arith.index_cast %add3A_1032 : i32 to index
        %get3A_1034 = arith.constant 32 : index
        %get3A_1035 = tpu.vector_load %arg7[%get3A_1033, %get3A_1034] {strides = array<i32>} : memref<400x64xf32, #tpu.memory_space<vmem>>, vector<1x16xf32>,
        %get3A_1036 = vector.shape_cast %get3A_1035 : vector<1x16xf32> to vector<16xf32>
        %add3A_1037 = arith.addf %scan3A_1008, %get3A_1036 : vector<16xf32>
        %add3A_1038 = arith.constant 150 : i32
        %add3A_1039 = arith.addi %add3A_1038, %mul3A_1011 : i32
        %add3A_1040 = arith.constant 0 : i32
        %add3A_1041 = arith.addi %add3A_1039, %add3A_1040 : i32
        %get3A_1042 = arith.index_cast %add3A_1041 : i32 to index
        %get3A_1043 = arith.constant 48 : index
        %get3A_1044 = tpu.vector_load %arg7[%get3A_1042, %get3A_1043] {strides = array<i32>} : memref<400x64xf32, #tpu.memory_space<vmem>>, vector<1x16xf32>,
        %get3A_1045 = vector.shape_cast %get3A_1044 : vector<1x16xf32> to vector<16xf32>
        %add3A_1046 = arith.addf %scan3A_1009, %get3A_1045 : vector<16xf32>
        %add3A_1047 = arith.constant 150 : i32
        %add3A_1048 = arith.addi %add3A_1047, %mul3A_1011 : i32
        %add3A_1049 = arith.constant 1 : i32
        %add3A_1050 = arith.addi %add3A_1048, %add3A_1049 : i32
        %get3A_1051 = arith.index_cast %add3A_1050 : i32 to index
        %get3A_1052 = arith.constant 0 : index
        %get3A_1053 = tpu.vector_load %arg7[%get3A_1051, %get3A_1052] {strides = array<i32>} : memref<400x64xf32, #tpu.memory_space<vmem>>, vector<1x16xf32>,
        %get3A_1054 = vector.shape_cast %get3A_1053 : vector<1x16xf32> to vector<16xf32>
        %add3A_1055 = arith.addf %add3A_1019, %get3A_1054 : vector<16xf32>
        %add3A_1056 = arith.constant 150 : i32
        %add3A_1057 = arith.addi %add3A_1056, %mul3A_1011 : i32
        %add3A_1058 = arith.constant 1 : i32
        %add3A_1059 = arith.addi %add3A_1057, %add3A_1058 : i32
        %get3A_1060 = arith.index_cast %add3A_1059 : i32 to index
        %get3A_1061 = arith.constant 16 : index
        %get3A_1062 = tpu.vector_load %arg7[%get3A_1060, %get3A_1061] {strides = array<i32>} : memref<400x64xf32, #tpu.memory_space<vmem>>, vector<1x16xf32>,
        %get3A_1063 = vector.shape_cast %get3A_1062 : vector<1x16xf32> to vector<16xf32>
        %add3A_1064 = arith.addf %add3A_1028, %get3A_1063 : vector<16xf32>
        %add3A_1065 = arith.constant 150 : i32
        %add3A_1066 = arith.addi %add3A_1065, %mul3A_1011 : i32
        %add3A_1067 = arith.constant 1 : i32
        %add3A_1068 = arith.addi %add3A_1066, %add3A_1067 : i32
        %get3A_1069 = arith.index_cast %add3A_1068 : i32 to index
        %get3A_1070 = arith.constant 32 : index
        %get3A_1071 = tpu.vector_load %arg7[%get3A_1069, %get3A_1070] {strides = array<i32>} : memref<400x64xf32, #tpu.memory_space<vmem>>, vector<1x16xf32>,
        %get3A_1072 = vector.shape_cast %get3A_1071 : vector<1x16xf32> to vector<16xf32>
        %add3A_1073 = arith.addf %add3A_1037, %get3A_1072 : vector<16xf32>
        %add3A_1074 = arith.constant 150 : i32
        %add3A_1075 = arith.addi %add3A_1074, %mul3A_1011 : i32
        %add3A_1076 = arith.constant 1 : i32
        %add3A_1077 = arith.addi %add3A_1075, %add3A_1076 : i32
        %get3A_1078 = arith.index_cast %add3A_1077 : i32 to index
        %get3A_1079 = arith.constant 48 : index
        %get3A_1080 = tpu.vector_load %arg7[%get3A_1078, %get3A_1079] {strides = array<i32>} : memref<400x64xf32, #tpu.memory_space<vmem>>, vector<1x16xf32>,
        %get3A_1081 = vector.shape_cast %get3A_1080 : vector<1x16xf32> to vector<16xf32>
        %add3A_1082 = arith.addf %add3A_1046, %get3A_1081 : vector<16xf32>
        %add3A_1083 = arith.constant 150 : i32
        %add3A_1084 = arith.addi %add3A_1083, %mul3A_1011 : i32
        %add3A_1085 = arith.constant 2 : i32
        %add3A_1086 = arith.addi %add3A_1084, %add3A_1085 : i32
        %get3A_1087 = arith.index_cast %add3A_1086 : i32 to index
        %get3A_1088 = arith.constant 0 : index
        %get3A_1089 = tpu.vector_load %arg7[%get3A_1087, %get3A_1088] {strides = array<i32>} : memref<400x64xf32, #tpu.memory_space<vmem>>, vector<1x16xf32>,
        %get3A_1090 = vector.shape_cast %get3A_1089 : vector<1x16xf32> to vector<16xf32>
        %add3A_1091 = arith.addf %add3A_1055, %get3A_1090 : vector<16xf32>
        %add3A_1092 = arith.constant 150 : i32
        %add3A_1093 = arith.addi %add3A_1092, %mul3A_1011 : i32
        %add3A_1094 = arith.constant 2 : i32
        %add3A_1095 = arith.addi %add3A_1093, %add3A_1094 : i32
        %get3A_1096 = arith.index_cast %add3A_1095 : i32 to index
        %get3A_1097 = arith.constant 16 : index
        %get3A_1098 = tpu.vector_load %arg7[%get3A_1096, %get3A_1097] {strides = array<i32>} : memref<400x64xf32, #tpu.memory_space<vmem>>, vector<1x16xf32>,
        %get3A_1099 = vector.shape_cast %get3A_1098 : vector<1x16xf32> to vector<16xf32>
        %add3A_1100 = arith.addf %add3A_1064, %get3A_1099 : vector<16xf32>
        %add3A_1101 = arith.constant 150 : i32
        %add3A_1102 = arith.addi %add3A_1101, %mul3A_1011 : i32
        %add3A_1103 = arith.constant 2 : i32
        %add3A_1104 = arith.addi %add3A_1102, %add3A_1103 : i32
        %get3A_1105 = arith.index_cast %add3A_1104 : i32 to index
        %get3A_1106 = arith.constant 32 : index
        %get3A_1107 = tpu.vector_load %arg7[%get3A_1105, %get3A_1106] {strides = array<i32>} : memref<400x64xf32, #tpu.memory_space<vmem>>, vector<1x16xf32>,
        %get3A_1108 = vector.shape_cast %get3A_1107 : vector<1x16xf32> to vector<16xf32>
        %add3A_1109 = arith.addf %add3A_1073, %get3A_1108 : vector<16xf32>
        %add3A_1110 = arith.constant 150 : i32
        %add3A_1111 = arith.addi %add3A_1110, %mul3A_1011 : i32
        %add3A_1112 = arith.constant 2 : i32
        %add3A_1113 = arith.addi %add3A_1111, %add3A_1112 : i32
        %get3A_1114 = arith.index_cast %add3A_1113 : i32 to index
        %get3A_1115 = arith.constant 48 : index
        %get3A_1116 = tpu.vector_load %arg7[%get3A_1114, %get3A_1115] {strides = array<i32>} : memref<400x64xf32, #tpu.memory_space<vmem>>, vector<1x16xf32>,
        %get3A_1117 = vector.shape_cast %get3A_1116 : vector<1x16xf32> to vector<16xf32>
        %add3A_1118 = arith.addf %add3A_1082, %get3A_1117 : vector<16xf32>
        %add3A_1119 = arith.constant 150 : i32
        %add3A_1120 = arith.addi %add3A_1119, %mul3A_1011 : i32
        %add3A_1121 = arith.constant 3 : i32
        %add3A_1122 = arith.addi %add3A_1120, %add3A_1121 : i32
        %get3A_1123 = arith.index_cast %add3A_1122 : i32 to index
        %get3A_1124 = arith.constant 0 : index
        %get3A_1125 = tpu.vector_load %arg7[%get3A_1123, %get3A_1124] {strides = array<i32>} : memref<400x64xf32, #tpu.memory_space<vmem>>, vector<1x16xf32>,
        %get3A_1126 = vector.shape_cast %get3A_1125 : vector<1x16xf32> to vector<16xf32>
        %add3A_1127 = arith.addf %add3A_1091, %get3A_1126 : vector<16xf32>
        %add3A_1128 = arith.constant 150 : i32
        %add3A_1129 = arith.addi %add3A_1128, %mul3A_1011 : i32
        %add3A_1130 = arith.constant 3 : i32
        %add3A_1131 = arith.addi %add3A_1129, %add3A_1130 : i32
        %get3A_1132 = arith.index_cast %add3A_1131 : i32 to index
        %get3A_1133 = arith.constant 16 : index
        %get3A_1134 = tpu.vector_load %arg7[%get3A_1132, %get3A_1133] {strides = array<i32>} : memref<400x64xf32, #tpu.memory_space<vmem>>, vector<1x16xf32>,
        %get3A_1135 = vector.shape_cast %get3A_1134 : vector<1x16xf32> to vector<16xf32>
        %add3A_1136 = arith.addf %add3A_1100, %get3A_1135 : vector<16xf32>
        %add3A_1137 = arith.constant 150 : i32
        %add3A_1138 = arith.addi %add3A_1137, %mul3A_1011 : i32
        %add3A_1139 = arith.constant 3 : i32
        %add3A_1140 = arith.addi %add3A_1138, %add3A_1139 : i32
        %get3A_1141 = arith.index_cast %add3A_1140 : i32 to index
        %get3A_1142 = arith.constant 32 : index
        %get3A_1143 = tpu.vector_load %arg7[%get3A_1141, %get3A_1142] {strides = array<i32>} : memref<400x64xf32, #tpu.memory_space<vmem>>, vector<1x16xf32>,
        %get3A_1144 = vector.shape_cast %get3A_1143 : vector<1x16xf32> to vector<16xf32>
        %add3A_1145 = arith.addf %add3A_1109, %get3A_1144 : vector<16xf32>
        %add3A_1146 = arith.constant 150 : i32
        %add3A_1147 = arith.addi %add3A_1146, %mul3A_1011 : i32
        %add3A_1148 = arith.constant 3 : i32
        %add3A_1149 = arith.addi %add3A_1147, %add3A_1148 : i32
        %get3A_1150 = arith.index_cast %add3A_1149 : i32 to index
        %get3A_1151 = arith.constant 48 : index
        %get3A_1152 = tpu.vector_load %arg7[%get3A_1150, %get3A_1151] {strides = array<i32>} : memref<400x64xf32, #tpu.memory_space<vmem>>, vector<1x16xf32>,
        %get3A_1153 = vector.shape_cast %get3A_1152 : vector<1x16xf32> to vector<16xf32>
        %add3A_1154 = arith.addf %add3A_1118, %get3A_1153 : vector<16xf32>
        %add3A_1155 = arith.constant 150 : i32
        %add3A_1156 = arith.addi %add3A_1155, %mul3A_1011 : i32
        %add3A_1157 = arith.constant 4 : i32
        %add3A_1158 = arith.addi %add3A_1156, %add3A_1157 : i32
        %get3A_1159 = arith.index_cast %add3A_1158 : i32 to index
        %get3A_1160 = arith.constant 0 : index
        %get3A_1161 = tpu.vector_load %arg7[%get3A_1159, %get3A_1160] {strides = array<i32>} : memref<400x64xf32, #tpu.memory_space<vmem>>, vector<1x16xf32>,
        %get3A_1162 = vector.shape_cast %get3A_1161 : vector<1x16xf32> to vector<16xf32>
        %add3A_1163 = arith.addf %add3A_1127, %get3A_1162 : vector<16xf32>
        %add3A_1164 = arith.constant 150 : i32
        %add3A_1165 = arith.addi %add3A_1164, %mul3A_1011 : i32
        %add3A_1166 = arith.constant 4 : i32
        %add3A_1167 = arith.addi %add3A_1165, %add3A_1166 : i32
        %get3A_1168 = arith.index_cast %add3A_1167 : i32 to index
        %get3A_1169 = arith.constant 16 : index
        %get3A_1170 = tpu.vector_load %arg7[%get3A_1168, %get3A_1169] {strides = array<i32>} : memref<400x64xf32, #tpu.memory_space<vmem>>, vector<1x16xf32>,
        %get3A_1171 = vector.shape_cast %get3A_1170 : vector<1x16xf32> to vector<16xf32>
        %add3A_1172 = arith.addf %add3A_1136, %get3A_1171 : vector<16xf32>
        %add3A_1173 = arith.constant 150 : i32
        %add3A_1174 = arith.addi %add3A_1173, %mul3A_1011 : i32
        %add3A_1175 = arith.constant 4 : i32
        %add3A_1176 = arith.addi %add3A_1174, %add3A_1175 : i32
        %get3A_1177 = arith.index_cast %add3A_1176 : i32 to index
        %get3A_1178 = arith.constant 32 : index
        %get3A_1179 = tpu.vector_load %arg7[%get3A_1177, %get3A_1178] {strides = array<i32>} : memref<400x64xf32, #tpu.memory_space<vmem>>, vector<1x16xf32>,
        %get3A_1180 = vector.shape_cast %get3A_1179 : vector<1x16xf32> to vector<16xf32>
        %add3A_1181 = arith.addf %add3A_1145, %get3A_1180 : vector<16xf32>
        %add3A_1182 = arith.constant 150 : i32
        %add3A_1183 = arith.addi %add3A_1182, %mul3A_1011 : i32
        %add3A_1184 = arith.constant 4 : i32
        %add3A_1185 = arith.addi %add3A_1183, %add3A_1184 : i32
        %get3A_1186 = arith.index_cast %add3A_1185 : i32 to index
        %get3A_1187 = arith.constant 48 : index
        %get3A_1188 = tpu.vector_load %arg7[%get3A_1186, %get3A_1187] {strides = array<i32>} : memref<400x64xf32, #tpu.memory_space<vmem>>, vector<1x16xf32>,
        %get3A_1189 = vector.shape_cast %get3A_1188 : vector<1x16xf32> to vector<16xf32>
        %add3A_1190 = arith.addf %add3A_1154, %get3A_1189 : vector<16xf32>
        scf.yield %add3A_1163, %add3A_1172, %add3A_1181, %add3A_1190 : vector<16xf32>, vector<16xf32>, vector<16xf32>, vector<16xf32>
      }
      %scan3A_763 = arith.constant 10 : i32
      %mul3A_764 = arith.constant 2.000000e-02 : f32
      %mul3A_765 = vector.broadcast %mul3A_764 : f32 to vector<16xf32>
      %mul3A_766 = arith.mulf %scan3A_762#0, %mul3A_765 : vector<16xf32>
      %swap3A_767 = arith.constant 3 : i32
      %swap3A_768 = arith.index_cast %swap3A_767 : i32 to index
      %swap3A_769 = arith.constant 0 : index
      %swap3A_770 = tpu.vector_load %arg8[%swap3A_768, %swap3A_769] {strides = array<i32>} : memref<8x64xf32, #tpu.memory_space<vmem>>, vector<1x16xf32>,
      %swap3A_771 = vector.shape_cast %swap3A_770 : vector<1x16xf32> to vector<16xf32>
      %swap3A_772 = vector.shape_cast %mul3A_766 : vector<16xf32> to vector<1x16xf32>
      tpu.vector_store %arg8[%swap3A_768, %swap3A_769], %swap3A_772 {strides = array<i32>} : memref<8x64xf32, #tpu.memory_space<vmem>>, vector<1x16xf32>,
      %mul3A_773 = arith.constant 2.000000e-02 : f32
      %mul3A_774 = vector.broadcast %mul3A_773 : f32 to vector<16xf32>
      %mul3A_775 = arith.mulf %scan3A_762#1, %mul3A_774 : vector<16xf32>
      %swap3A_776 = arith.constant 3 : i32
      %swap3A_777 = arith.index_cast %swap3A_776 : i32 to index
      %swap3A_778 = arith.constant 16 : index
      %swap3A_779 = tpu.vector_load %arg8[%swap3A_777, %swap3A_778] {strides = array<i32>} : memref<8x64xf32, #tpu.memory_space<vmem>>, vector<1x16xf32>,
      %swap3A_780 = vector.shape_cast %swap3A_779 : vector<1x16xf32> to vector<16xf32>
      %swap3A_781 = vector.shape_cast %mul3A_775 : vector<16xf32> to vector<1x16xf32>
      tpu.vector_store %arg8[%swap3A_777, %swap3A_778], %swap3A_781 {strides = array<i32>} : memref<8x64xf32, #tpu.memory_space<vmem>>, vector<1x16xf32>,
      %mul3A_782 = arith.constant 2.000000e-02 : f32
      %mul3A_783 = vector.broadcast %mul3A_782 : f32 to vector<16xf32>
      %mul3A_784 = arith.mulf %scan3A_762#2, %mul3A_783 : vector<16xf32>
      %swap3A_785 = arith.constant 3 : i32
      %swap3A_786 = arith.index_cast %swap3A_785 : i32 to index
      %swap3A_787 = arith.constant 32 : index
      %swap3A_788 = tpu.vector_load %arg8[%swap3A_786, %swap3A_787] {strides = array<i32>} : memref<8x64xf32, #tpu.memory_space<vmem>>, vector<1x16xf32>,
      %swap3A_789 = vector.shape_cast %swap3A_788 : vector<1x16xf32> to vector<16xf32>
      %swap3A_790 = vector.shape_cast %mul3A_784 : vector<16xf32> to vector<1x16xf32>
      tpu.vector_store %arg8[%swap3A_786, %swap3A_787], %swap3A_790 {strides = array<i32>} : memref<8x64xf32, #tpu.memory_space<vmem>>, vector<1x16xf32>,
      %mul3A_791 = arith.constant 2.000000e-02 : f32
      %mul3A_792 = vector.broadcast %mul3A_791 : f32 to vector<16xf32>
      %mul3A_793 = arith.mulf %scan3A_762#3, %mul3A_792 : vector<16xf32>
      %swap3A_794 = arith.constant 3 : i32
      %swap3A_795 = arith.index_cast %swap3A_794 : i32 to index
      %swap3A_796 = arith.constant 48 : index
      %swap3A_797 = tpu.vector_load %arg8[%swap3A_795, %swap3A_796] {strides = array<i32>} : memref<8x64xf32, #tpu.memory_space<vmem>>, vector<1x16xf32>,
      %swap3A_798 = vector.shape_cast %swap3A_797 : vector<1x16xf32> to vector<16xf32>
      %swap3A_799 = vector.shape_cast %mul3A_793 : vector<16xf32> to vector<1x16xf32>
      tpu.vector_store %arg8[%swap3A_795, %swap3A_796], %swap3A_799 {strides = array<i32>} : memref<8x64xf32, #tpu.memory_space<vmem>>, vector<1x16xf32>,
      %broadcast_in_dim3A_800 = arith.constant 0.000000e+00 : f32
      %broadcast_in_dim3A_801 = vector.broadcast %broadcast_in_dim3A_800 : f32 to vector<16xf32>
      %broadcast_in_dim3A_802 = arith.constant 0.000000e+00 : f32
      %broadcast_in_dim3A_803 = vector.broadcast %broadcast_in_dim3A_802 : f32 to vector<16xf32>
      %broadcast_in_dim3A_804 = arith.constant 0.000000e+00 : f32
      %broadcast_in_dim3A_805 = vector.broadcast %broadcast_in_dim3A_804 : f32 to vector<16xf32>
      %broadcast_in_dim3A_806 = arith.constant 0.000000e+00 : f32
      %broadcast_in_dim3A_807 = vector.broadcast %broadcast_in_dim3A_806 : f32 to vector<16xf32>
      %scan3A_808 = arith.constant 0 : i32
      %scan3A_809 = arith.constant 10 : i32
      %scan3A_810 = arith.addi %scan3A_808, %scan3A_809 : i32
      %scan3A_811 = arith.constant 1 : i32
      %scan3A_812:4 = scf.for %scan3A_1005 = %scan3A_808 to %scan3A_810 step %scan3A_811 iter_args(%scan3A_1006 = %broadcast_in_dim3A_801, %scan3A_1007 = %broadcast_in_dim3A_803, %scan3A_1008 = %broadcast_in_dim3A_805, %scan3A_1009 = %broadcast_in_dim3A_807) -> (vector<16xf32>, vector<16xf32>, vector<16xf32>, vector<16xf32>)  : i32 {
        %mul3A_1010 = arith.constant 5 : i32
        %mul3A_1011 = arith.muli %scan3A_1005, %mul3A_1010 : i32
        %add3A_1012 = arith.constant 200 : i32
        %add3A_1013 = arith.addi %add3A_1012, %mul3A_1011 : i32
        %add3A_1014 = arith.constant 0 : i32
        %add3A_1015 = arith.addi %add3A_1013, %add3A_1014 : i32
        %get3A = arith.index_cast %add3A_1015 : i32 to index
        %get3A_1016 = arith.constant 0 : index
        %get3A_1017 = tpu.vector_load %arg7[%get3A, %get3A_1016] {strides = array<i32>} : memref<400x64xf32, #tpu.memory_space<vmem>>, vector<1x16xf32>,
        %get3A_1018 = vector.shape_cast %get3A_1017 : vector<1x16xf32> to vector<16xf32>
        %add3A_1019 = arith.addf %scan3A_1006, %get3A_1018 : vector<16xf32>
        %add3A_1020 = arith.constant 200 : i32
        %add3A_1021 = arith.addi %add3A_1020, %mul3A_1011 : i32
        %add3A_1022 = arith.constant 0 : i32
        %add3A_1023 = arith.addi %add3A_1021, %add3A_1022 : i32
        %get3A_1024 = arith.index_cast %add3A_1023 : i32 to index
        %get3A_1025 = arith.constant 16 : index
        %get3A_1026 = tpu.vector_load %arg7[%get3A_1024, %get3A_1025] {strides = array<i32>} : memref<400x64xf32, #tpu.memory_space<vmem>>, vector<1x16xf32>,
        %get3A_1027 = vector.shape_cast %get3A_1026 : vector<1x16xf32> to vector<16xf32>
        %add3A_1028 = arith.addf %scan3A_1007, %get3A_1027 : vector<16xf32>
        %add3A_1029 = arith.constant 200 : i32
        %add3A_1030 = arith.addi %add3A_1029, %mul3A_1011 : i32
        %add3A_1031 = arith.constant 0 : i32
        %add3A_1032 = arith.addi %add3A_1030, %add3A_1031 : i32
        %get3A_1033 = arith.index_cast %add3A_1032 : i32 to index
        %get3A_1034 = arith.constant 32 : index
        %get3A_1035 = tpu.vector_load %arg7[%get3A_1033, %get3A_1034] {strides = array<i32>} : memref<400x64xf32, #tpu.memory_space<vmem>>, vector<1x16xf32>,
        %get3A_1036 = vector.shape_cast %get3A_1035 : vector<1x16xf32> to vector<16xf32>
        %add3A_1037 = arith.addf %scan3A_1008, %get3A_1036 : vector<16xf32>
        %add3A_1038 = arith.constant 200 : i32
        %add3A_1039 = arith.addi %add3A_1038, %mul3A_1011 : i32
        %add3A_1040 = arith.constant 0 : i32
        %add3A_1041 = arith.addi %add3A_1039, %add3A_1040 : i32
        %get3A_1042 = arith.index_cast %add3A_1041 : i32 to index
        %get3A_1043 = arith.constant 48 : index
        %get3A_1044 = tpu.vector_load %arg7[%get3A_1042, %get3A_1043] {strides = array<i32>} : memref<400x64xf32, #tpu.memory_space<vmem>>, vector<1x16xf32>,
        %get3A_1045 = vector.shape_cast %get3A_1044 : vector<1x16xf32> to vector<16xf32>
        %add3A_1046 = arith.addf %scan3A_1009, %get3A_1045 : vector<16xf32>
        %add3A_1047 = arith.constant 200 : i32
        %add3A_1048 = arith.addi %add3A_1047, %mul3A_1011 : i32
        %add3A_1049 = arith.constant 1 : i32
        %add3A_1050 = arith.addi %add3A_1048, %add3A_1049 : i32
        %get3A_1051 = arith.index_cast %add3A_1050 : i32 to index
        %get3A_1052 = arith.constant 0 : index
        %get3A_1053 = tpu.vector_load %arg7[%get3A_1051, %get3A_1052] {strides = array<i32>} : memref<400x64xf32, #tpu.memory_space<vmem>>, vector<1x16xf32>,
        %get3A_1054 = vector.shape_cast %get3A_1053 : vector<1x16xf32> to vector<16xf32>
        %add3A_1055 = arith.addf %add3A_1019, %get3A_1054 : vector<16xf32>
        %add3A_1056 = arith.constant 200 : i32
        %add3A_1057 = arith.addi %add3A_1056, %mul3A_1011 : i32
        %add3A_1058 = arith.constant 1 : i32
        %add3A_1059 = arith.addi %add3A_1057, %add3A_1058 : i32
        %get3A_1060 = arith.index_cast %add3A_1059 : i32 to index
        %get3A_1061 = arith.constant 16 : index
        %get3A_1062 = tpu.vector_load %arg7[%get3A_1060, %get3A_1061] {strides = array<i32>} : memref<400x64xf32, #tpu.memory_space<vmem>>, vector<1x16xf32>,
        %get3A_1063 = vector.shape_cast %get3A_1062 : vector<1x16xf32> to vector<16xf32>
        %add3A_1064 = arith.addf %add3A_1028, %get3A_1063 : vector<16xf32>
        %add3A_1065 = arith.constant 200 : i32
        %add3A_1066 = arith.addi %add3A_1065, %mul3A_1011 : i32
        %add3A_1067 = arith.constant 1 : i32
        %add3A_1068 = arith.addi %add3A_1066, %add3A_1067 : i32
        %get3A_1069 = arith.index_cast %add3A_1068 : i32 to index
        %get3A_1070 = arith.constant 32 : index
        %get3A_1071 = tpu.vector_load %arg7[%get3A_1069, %get3A_1070] {strides = array<i32>} : memref<400x64xf32, #tpu.memory_space<vmem>>, vector<1x16xf32>,
        %get3A_1072 = vector.shape_cast %get3A_1071 : vector<1x16xf32> to vector<16xf32>
        %add3A_1073 = arith.addf %add3A_1037, %get3A_1072 : vector<16xf32>
        %add3A_1074 = arith.constant 200 : i32
        %add3A_1075 = arith.addi %add3A_1074, %mul3A_1011 : i32
        %add3A_1076 = arith.constant 1 : i32
        %add3A_1077 = arith.addi %add3A_1075, %add3A_1076 : i32
        %get3A_1078 = arith.index_cast %add3A_1077 : i32 to index
        %get3A_1079 = arith.constant 48 : index
        %get3A_1080 = tpu.vector_load %arg7[%get3A_1078, %get3A_1079] {strides = array<i32>} : memref<400x64xf32, #tpu.memory_space<vmem>>, vector<1x16xf32>,
        %get3A_1081 = vector.shape_cast %get3A_1080 : vector<1x16xf32> to vector<16xf32>
        %add3A_1082 = arith.addf %add3A_1046, %get3A_1081 : vector<16xf32>
        %add3A_1083 = arith.constant 200 : i32
        %add3A_1084 = arith.addi %add3A_1083, %mul3A_1011 : i32
        %add3A_1085 = arith.constant 2 : i32
        %add3A_1086 = arith.addi %add3A_1084, %add3A_1085 : i32
        %get3A_1087 = arith.index_cast %add3A_1086 : i32 to index
        %get3A_1088 = arith.constant 0 : index
        %get3A_1089 = tpu.vector_load %arg7[%get3A_1087, %get3A_1088] {strides = array<i32>} : memref<400x64xf32, #tpu.memory_space<vmem>>, vector<1x16xf32>,
        %get3A_1090 = vector.shape_cast %get3A_1089 : vector<1x16xf32> to vector<16xf32>
        %add3A_1091 = arith.addf %add3A_1055, %get3A_1090 : vector<16xf32>
        %add3A_1092 = arith.constant 200 : i32
        %add3A_1093 = arith.addi %add3A_1092, %mul3A_1011 : i32
        %add3A_1094 = arith.constant 2 : i32
        %add3A_1095 = arith.addi %add3A_1093, %add3A_1094 : i32
        %get3A_1096 = arith.index_cast %add3A_1095 : i32 to index
        %get3A_1097 = arith.constant 16 : index
        %get3A_1098 = tpu.vector_load %arg7[%get3A_1096, %get3A_1097] {strides = array<i32>} : memref<400x64xf32, #tpu.memory_space<vmem>>, vector<1x16xf32>,
        %get3A_1099 = vector.shape_cast %get3A_1098 : vector<1x16xf32> to vector<16xf32>
        %add3A_1100 = arith.addf %add3A_1064, %get3A_1099 : vector<16xf32>
        %add3A_1101 = arith.constant 200 : i32
        %add3A_1102 = arith.addi %add3A_1101, %mul3A_1011 : i32
        %add3A_1103 = arith.constant 2 : i32
        %add3A_1104 = arith.addi %add3A_1102, %add3A_1103 : i32
        %get3A_1105 = arith.index_cast %add3A_1104 : i32 to index
        %get3A_1106 = arith.constant 32 : index
        %get3A_1107 = tpu.vector_load %arg7[%get3A_1105, %get3A_1106] {strides = array<i32>} : memref<400x64xf32, #tpu.memory_space<vmem>>, vector<1x16xf32>,
        %get3A_1108 = vector.shape_cast %get3A_1107 : vector<1x16xf32> to vector<16xf32>
        %add3A_1109 = arith.addf %add3A_1073, %get3A_1108 : vector<16xf32>
        %add3A_1110 = arith.constant 200 : i32
        %add3A_1111 = arith.addi %add3A_1110, %mul3A_1011 : i32
        %add3A_1112 = arith.constant 2 : i32
        %add3A_1113 = arith.addi %add3A_1111, %add3A_1112 : i32
        %get3A_1114 = arith.index_cast %add3A_1113 : i32 to index
        %get3A_1115 = arith.constant 48 : index
        %get3A_1116 = tpu.vector_load %arg7[%get3A_1114, %get3A_1115] {strides = array<i32>} : memref<400x64xf32, #tpu.memory_space<vmem>>, vector<1x16xf32>,
        %get3A_1117 = vector.shape_cast %get3A_1116 : vector<1x16xf32> to vector<16xf32>
        %add3A_1118 = arith.addf %add3A_1082, %get3A_1117 : vector<16xf32>
        %add3A_1119 = arith.constant 200 : i32
        %add3A_1120 = arith.addi %add3A_1119, %mul3A_1011 : i32
        %add3A_1121 = arith.constant 3 : i32
        %add3A_1122 = arith.addi %add3A_1120, %add3A_1121 : i32
        %get3A_1123 = arith.index_cast %add3A_1122 : i32 to index
        %get3A_1124 = arith.constant 0 : index
        %get3A_1125 = tpu.vector_load %arg7[%get3A_1123, %get3A_1124] {strides = array<i32>} : memref<400x64xf32, #tpu.memory_space<vmem>>, vector<1x16xf32>,
        %get3A_1126 = vector.shape_cast %get3A_1125 : vector<1x16xf32> to vector<16xf32>
        %add3A_1127 = arith.addf %add3A_1091, %get3A_1126 : vector<16xf32>
        %add3A_1128 = arith.constant 200 : i32
        %add3A_1129 = arith.addi %add3A_1128, %mul3A_1011 : i32
        %add3A_1130 = arith.constant 3 : i32
        %add3A_1131 = arith.addi %add3A_1129, %add3A_1130 : i32
        %get3A_1132 = arith.index_cast %add3A_1131 : i32 to index
        %get3A_1133 = arith.constant 16 : index
        %get3A_1134 = tpu.vector_load %arg7[%get3A_1132, %get3A_1133] {strides = array<i32>} : memref<400x64xf32, #tpu.memory_space<vmem>>, vector<1x16xf32>,
        %get3A_1135 = vector.shape_cast %get3A_1134 : vector<1x16xf32> to vector<16xf32>
        %add3A_1136 = arith.addf %add3A_1100, %get3A_1135 : vector<16xf32>
        %add3A_1137 = arith.constant 200 : i32
        %add3A_1138 = arith.addi %add3A_1137, %mul3A_1011 : i32
        %add3A_1139 = arith.constant 3 : i32
        %add3A_1140 = arith.addi %add3A_1138, %add3A_1139 : i32
        %get3A_1141 = arith.index_cast %add3A_1140 : i32 to index
        %get3A_1142 = arith.constant 32 : index
        %get3A_1143 = tpu.vector_load %arg7[%get3A_1141, %get3A_1142] {strides = array<i32>} : memref<400x64xf32, #tpu.memory_space<vmem>>, vector<1x16xf32>,
        %get3A_1144 = vector.shape_cast %get3A_1143 : vector<1x16xf32> to vector<16xf32>
        %add3A_1145 = arith.addf %add3A_1109, %get3A_1144 : vector<16xf32>
        %add3A_1146 = arith.constant 200 : i32
        %add3A_1147 = arith.addi %add3A_1146, %mul3A_1011 : i32
        %add3A_1148 = arith.constant 3 : i32
        %add3A_1149 = arith.addi %add3A_1147, %add3A_1148 : i32
        %get3A_1150 = arith.index_cast %add3A_1149 : i32 to index
        %get3A_1151 = arith.constant 48 : index
        %get3A_1152 = tpu.vector_load %arg7[%get3A_1150, %get3A_1151] {strides = array<i32>} : memref<400x64xf32, #tpu.memory_space<vmem>>, vector<1x16xf32>,
        %get3A_1153 = vector.shape_cast %get3A_1152 : vector<1x16xf32> to vector<16xf32>
        %add3A_1154 = arith.addf %add3A_1118, %get3A_1153 : vector<16xf32>
        %add3A_1155 = arith.constant 200 : i32
        %add3A_1156 = arith.addi %add3A_1155, %mul3A_1011 : i32
        %add3A_1157 = arith.constant 4 : i32
        %add3A_1158 = arith.addi %add3A_1156, %add3A_1157 : i32
        %get3A_1159 = arith.index_cast %add3A_1158 : i32 to index
        %get3A_1160 = arith.constant 0 : index
        %get3A_1161 = tpu.vector_load %arg7[%get3A_1159, %get3A_1160] {strides = array<i32>} : memref<400x64xf32, #tpu.memory_space<vmem>>, vector<1x16xf32>,
        %get3A_1162 = vector.shape_cast %get3A_1161 : vector<1x16xf32> to vector<16xf32>
        %add3A_1163 = arith.addf %add3A_1127, %get3A_1162 : vector<16xf32>
        %add3A_1164 = arith.constant 200 : i32
        %add3A_1165 = arith.addi %add3A_1164, %mul3A_1011 : i32
        %add3A_1166 = arith.constant 4 : i32
        %add3A_1167 = arith.addi %add3A_1165, %add3A_1166 : i32
        %get3A_1168 = arith.index_cast %add3A_1167 : i32 to index
        %get3A_1169 = arith.constant 16 : index
        %get3A_1170 = tpu.vector_load %arg7[%get3A_1168, %get3A_1169] {strides = array<i32>} : memref<400x64xf32, #tpu.memory_space<vmem>>, vector<1x16xf32>,
        %get3A_1171 = vector.shape_cast %get3A_1170 : vector<1x16xf32> to vector<16xf32>
        %add3A_1172 = arith.addf %add3A_1136, %get3A_1171 : vector<16xf32>
        %add3A_1173 = arith.constant 200 : i32
        %add3A_1174 = arith.addi %add3A_1173, %mul3A_1011 : i32
        %add3A_1175 = arith.constant 4 : i32
        %add3A_1176 = arith.addi %add3A_1174, %add3A_1175 : i32
        %get3A_1177 = arith.index_cast %add3A_1176 : i32 to index
        %get3A_1178 = arith.constant 32 : index
        %get3A_1179 = tpu.vector_load %arg7[%get3A_1177, %get3A_1178] {strides = array<i32>} : memref<400x64xf32, #tpu.memory_space<vmem>>, vector<1x16xf32>,
        %get3A_1180 = vector.shape_cast %get3A_1179 : vector<1x16xf32> to vector<16xf32>
        %add3A_1181 = arith.addf %add3A_1145, %get3A_1180 : vector<16xf32>
        %add3A_1182 = arith.constant 200 : i32
        %add3A_1183 = arith.addi %add3A_1182, %mul3A_1011 : i32
        %add3A_1184 = arith.constant 4 : i32
        %add3A_1185 = arith.addi %add3A_1183, %add3A_1184 : i32
        %get3A_1186 = arith.index_cast %add3A_1185 : i32 to index
        %get3A_1187 = arith.constant 48 : index
        %get3A_1188 = tpu.vector_load %arg7[%get3A_1186, %get3A_1187] {strides = array<i32>} : memref<400x64xf32, #tpu.memory_space<vmem>>, vector<1x16xf32>,
        %get3A_1189 = vector.shape_cast %get3A_1188 : vector<1x16xf32> to vector<16xf32>
        %add3A_1190 = arith.addf %add3A_1154, %get3A_1189 : vector<16xf32>
        scf.yield %add3A_1163, %add3A_1172, %add3A_1181, %add3A_1190 : vector<16xf32>, vector<16xf32>, vector<16xf32>, vector<16xf32>
      }
      %scan3A_813 = arith.constant 10 : i32
      %mul3A_814 = arith.constant 2.000000e-02 : f32
      %mul3A_815 = vector.broadcast %mul3A_814 : f32 to vector<16xf32>
      %mul3A_816 = arith.mulf %scan3A_812#0, %mul3A_815 : vector<16xf32>
      %swap3A_817 = arith.constant 4 : i32
      %swap3A_818 = arith.index_cast %swap3A_817 : i32 to index
      %swap3A_819 = arith.constant 0 : index
      %swap3A_820 = tpu.vector_load %arg8[%swap3A_818, %swap3A_819] {strides = array<i32>} : memref<8x64xf32, #tpu.memory_space<vmem>>, vector<1x16xf32>,
      %swap3A_821 = vector.shape_cast %swap3A_820 : vector<1x16xf32> to vector<16xf32>
      %swap3A_822 = vector.shape_cast %mul3A_816 : vector<16xf32> to vector<1x16xf32>
      tpu.vector_store %arg8[%swap3A_818, %swap3A_819], %swap3A_822 {strides = array<i32>} : memref<8x64xf32, #tpu.memory_space<vmem>>, vector<1x16xf32>,
      %mul3A_823 = arith.constant 2.000000e-02 : f32
      %mul3A_824 = vector.broadcast %mul3A_823 : f32 to vector<16xf32>
      %mul3A_825 = arith.mulf %scan3A_812#1, %mul3A_824 : vector<16xf32>
      %swap3A_826 = arith.constant 4 : i32
      %swap3A_827 = arith.index_cast %swap3A_826 : i32 to index
      %swap3A_828 = arith.constant 16 : index
      %swap3A_829 = tpu.vector_load %arg8[%swap3A_827, %swap3A_828] {strides = array<i32>} : memref<8x64xf32, #tpu.memory_space<vmem>>, vector<1x16xf32>,
      %swap3A_830 = vector.shape_cast %swap3A_829 : vector<1x16xf32> to vector<16xf32>
      %swap3A_831 = vector.shape_cast %mul3A_825 : vector<16xf32> to vector<1x16xf32>
      tpu.vector_store %arg8[%swap3A_827, %swap3A_828], %swap3A_831 {strides = array<i32>} : memref<8x64xf32, #tpu.memory_space<vmem>>, vector<1x16xf32>,
      %mul3A_832 = arith.constant 2.000000e-02 : f32
      %mul3A_833 = vector.broadcast %mul3A_832 : f32 to vector<16xf32>
      %mul3A_834 = arith.mulf %scan3A_812#2, %mul3A_833 : vector<16xf32>
      %swap3A_835 = arith.constant 4 : i32
      %swap3A_836 = arith.index_cast %swap3A_835 : i32 to index
      %swap3A_837 = arith.constant 32 : index
      %swap3A_838 = tpu.vector_load %arg8[%swap3A_836, %swap3A_837] {strides = array<i32>} : memref<8x64xf32, #tpu.memory_space<vmem>>, vector<1x16xf32>,
      %swap3A_839 = vector.shape_cast %swap3A_838 : vector<1x16xf32> to vector<16xf32>
      %swap3A_840 = vector.shape_cast %mul3A_834 : vector<16xf32> to vector<1x16xf32>
      tpu.vector_store %arg8[%swap3A_836, %swap3A_837], %swap3A_840 {strides = array<i32>} : memref<8x64xf32, #tpu.memory_space<vmem>>, vector<1x16xf32>,
      %mul3A_841 = arith.constant 2.000000e-02 : f32
      %mul3A_842 = vector.broadcast %mul3A_841 : f32 to vector<16xf32>
      %mul3A_843 = arith.mulf %scan3A_812#3, %mul3A_842 : vector<16xf32>
      %swap3A_844 = arith.constant 4 : i32
      %swap3A_845 = arith.index_cast %swap3A_844 : i32 to index
      %swap3A_846 = arith.constant 48 : index
      %swap3A_847 = tpu.vector_load %arg8[%swap3A_845, %swap3A_846] {strides = array<i32>} : memref<8x64xf32, #tpu.memory_space<vmem>>, vector<1x16xf32>,
      %swap3A_848 = vector.shape_cast %swap3A_847 : vector<1x16xf32> to vector<16xf32>
      %swap3A_849 = vector.shape_cast %mul3A_843 : vector<16xf32> to vector<1x16xf32>
      tpu.vector_store %arg8[%swap3A_845, %swap3A_846], %swap3A_849 {strides = array<i32>} : memref<8x64xf32, #tpu.memory_space<vmem>>, vector<1x16xf32>,
      %broadcast_in_dim3A_850 = arith.constant 0.000000e+00 : f32
      %broadcast_in_dim3A_851 = vector.broadcast %broadcast_in_dim3A_850 : f32 to vector<16xf32>
      %broadcast_in_dim3A_852 = arith.constant 0.000000e+00 : f32
      %broadcast_in_dim3A_853 = vector.broadcast %broadcast_in_dim3A_852 : f32 to vector<16xf32>
      %broadcast_in_dim3A_854 = arith.constant 0.000000e+00 : f32
      %broadcast_in_dim3A_855 = vector.broadcast %broadcast_in_dim3A_854 : f32 to vector<16xf32>
      %broadcast_in_dim3A_856 = arith.constant 0.000000e+00 : f32
      %broadcast_in_dim3A_857 = vector.broadcast %broadcast_in_dim3A_856 : f32 to vector<16xf32>
      %scan3A_858 = arith.constant 0 : i32
      %scan3A_859 = arith.constant 10 : i32
      %scan3A_860 = arith.addi %scan3A_858, %scan3A_859 : i32
      %scan3A_861 = arith.constant 1 : i32
      %scan3A_862:4 = scf.for %scan3A_1005 = %scan3A_858 to %scan3A_860 step %scan3A_861 iter_args(%scan3A_1006 = %broadcast_in_dim3A_851, %scan3A_1007 = %broadcast_in_dim3A_853, %scan3A_1008 = %broadcast_in_dim3A_855, %scan3A_1009 = %broadcast_in_dim3A_857) -> (vector<16xf32>, vector<16xf32>, vector<16xf32>, vector<16xf32>)  : i32 {
        %mul3A_1010 = arith.constant 5 : i32
        %mul3A_1011 = arith.muli %scan3A_1005, %mul3A_1010 : i32
        %add3A_1012 = arith.constant 250 : i32
        %add3A_1013 = arith.addi %add3A_1012, %mul3A_1011 : i32
        %add3A_1014 = arith.constant 0 : i32
        %add3A_1015 = arith.addi %add3A_1013, %add3A_1014 : i32
        %get3A = arith.index_cast %add3A_1015 : i32 to index
        %get3A_1016 = arith.constant 0 : index
        %get3A_1017 = tpu.vector_load %arg7[%get3A, %get3A_1016] {strides = array<i32>} : memref<400x64xf32, #tpu.memory_space<vmem>>, vector<1x16xf32>,
        %get3A_1018 = vector.shape_cast %get3A_1017 : vector<1x16xf32> to vector<16xf32>
        %add3A_1019 = arith.addf %scan3A_1006, %get3A_1018 : vector<16xf32>
        %add3A_1020 = arith.constant 250 : i32
        %add3A_1021 = arith.addi %add3A_1020, %mul3A_1011 : i32
        %add3A_1022 = arith.constant 0 : i32
        %add3A_1023 = arith.addi %add3A_1021, %add3A_1022 : i32
        %get3A_1024 = arith.index_cast %add3A_1023 : i32 to index
        %get3A_1025 = arith.constant 16 : index
        %get3A_1026 = tpu.vector_load %arg7[%get3A_1024, %get3A_1025] {strides = array<i32>} : memref<400x64xf32, #tpu.memory_space<vmem>>, vector<1x16xf32>,
        %get3A_1027 = vector.shape_cast %get3A_1026 : vector<1x16xf32> to vector<16xf32>
        %add3A_1028 = arith.addf %scan3A_1007, %get3A_1027 : vector<16xf32>
        %add3A_1029 = arith.constant 250 : i32
        %add3A_1030 = arith.addi %add3A_1029, %mul3A_1011 : i32
        %add3A_1031 = arith.constant 0 : i32
        %add3A_1032 = arith.addi %add3A_1030, %add3A_1031 : i32
        %get3A_1033 = arith.index_cast %add3A_1032 : i32 to index
        %get3A_1034 = arith.constant 32 : index
        %get3A_1035 = tpu.vector_load %arg7[%get3A_1033, %get3A_1034] {strides = array<i32>} : memref<400x64xf32, #tpu.memory_space<vmem>>, vector<1x16xf32>,
        %get3A_1036 = vector.shape_cast %get3A_1035 : vector<1x16xf32> to vector<16xf32>
        %add3A_1037 = arith.addf %scan3A_1008, %get3A_1036 : vector<16xf32>
        %add3A_1038 = arith.constant 250 : i32
        %add3A_1039 = arith.addi %add3A_1038, %mul3A_1011 : i32
        %add3A_1040 = arith.constant 0 : i32
        %add3A_1041 = arith.addi %add3A_1039, %add3A_1040 : i32
        %get3A_1042 = arith.index_cast %add3A_1041 : i32 to index
        %get3A_1043 = arith.constant 48 : index
        %get3A_1044 = tpu.vector_load %arg7[%get3A_1042, %get3A_1043] {strides = array<i32>} : memref<400x64xf32, #tpu.memory_space<vmem>>, vector<1x16xf32>,
        %get3A_1045 = vector.shape_cast %get3A_1044 : vector<1x16xf32> to vector<16xf32>
        %add3A_1046 = arith.addf %scan3A_1009, %get3A_1045 : vector<16xf32>
        %add3A_1047 = arith.constant 250 : i32
        %add3A_1048 = arith.addi %add3A_1047, %mul3A_1011 : i32
        %add3A_1049 = arith.constant 1 : i32
        %add3A_1050 = arith.addi %add3A_1048, %add3A_1049 : i32
        %get3A_1051 = arith.index_cast %add3A_1050 : i32 to index
        %get3A_1052 = arith.constant 0 : index
        %get3A_1053 = tpu.vector_load %arg7[%get3A_1051, %get3A_1052] {strides = array<i32>} : memref<400x64xf32, #tpu.memory_space<vmem>>, vector<1x16xf32>,
        %get3A_1054 = vector.shape_cast %get3A_1053 : vector<1x16xf32> to vector<16xf32>
        %add3A_1055 = arith.addf %add3A_1019, %get3A_1054 : vector<16xf32>
        %add3A_1056 = arith.constant 250 : i32
        %add3A_1057 = arith.addi %add3A_1056, %mul3A_1011 : i32
        %add3A_1058 = arith.constant 1 : i32
        %add3A_1059 = arith.addi %add3A_1057, %add3A_1058 : i32
        %get3A_1060 = arith.index_cast %add3A_1059 : i32 to index
        %get3A_1061 = arith.constant 16 : index
        %get3A_1062 = tpu.vector_load %arg7[%get3A_1060, %get3A_1061] {strides = array<i32>} : memref<400x64xf32, #tpu.memory_space<vmem>>, vector<1x16xf32>,
        %get3A_1063 = vector.shape_cast %get3A_1062 : vector<1x16xf32> to vector<16xf32>
        %add3A_1064 = arith.addf %add3A_1028, %get3A_1063 : vector<16xf32>
        %add3A_1065 = arith.constant 250 : i32
        %add3A_1066 = arith.addi %add3A_1065, %mul3A_1011 : i32
        %add3A_1067 = arith.constant 1 : i32
        %add3A_1068 = arith.addi %add3A_1066, %add3A_1067 : i32
        %get3A_1069 = arith.index_cast %add3A_1068 : i32 to index
        %get3A_1070 = arith.constant 32 : index
        %get3A_1071 = tpu.vector_load %arg7[%get3A_1069, %get3A_1070] {strides = array<i32>} : memref<400x64xf32, #tpu.memory_space<vmem>>, vector<1x16xf32>,
        %get3A_1072 = vector.shape_cast %get3A_1071 : vector<1x16xf32> to vector<16xf32>
        %add3A_1073 = arith.addf %add3A_1037, %get3A_1072 : vector<16xf32>
        %add3A_1074 = arith.constant 250 : i32
        %add3A_1075 = arith.addi %add3A_1074, %mul3A_1011 : i32
        %add3A_1076 = arith.constant 1 : i32
        %add3A_1077 = arith.addi %add3A_1075, %add3A_1076 : i32
        %get3A_1078 = arith.index_cast %add3A_1077 : i32 to index
        %get3A_1079 = arith.constant 48 : index
        %get3A_1080 = tpu.vector_load %arg7[%get3A_1078, %get3A_1079] {strides = array<i32>} : memref<400x64xf32, #tpu.memory_space<vmem>>, vector<1x16xf32>,
        %get3A_1081 = vector.shape_cast %get3A_1080 : vector<1x16xf32> to vector<16xf32>
        %add3A_1082 = arith.addf %add3A_1046, %get3A_1081 : vector<16xf32>
        %add3A_1083 = arith.constant 250 : i32
        %add3A_1084 = arith.addi %add3A_1083, %mul3A_1011 : i32
        %add3A_1085 = arith.constant 2 : i32
        %add3A_1086 = arith.addi %add3A_1084, %add3A_1085 : i32
        %get3A_1087 = arith.index_cast %add3A_1086 : i32 to index
        %get3A_1088 = arith.constant 0 : index
        %get3A_1089 = tpu.vector_load %arg7[%get3A_1087, %get3A_1088] {strides = array<i32>} : memref<400x64xf32, #tpu.memory_space<vmem>>, vector<1x16xf32>,
        %get3A_1090 = vector.shape_cast %get3A_1089 : vector<1x16xf32> to vector<16xf32>
        %add3A_1091 = arith.addf %add3A_1055, %get3A_1090 : vector<16xf32>
        %add3A_1092 = arith.constant 250 : i32
        %add3A_1093 = arith.addi %add3A_1092, %mul3A_1011 : i32
        %add3A_1094 = arith.constant 2 : i32
        %add3A_1095 = arith.addi %add3A_1093, %add3A_1094 : i32
        %get3A_1096 = arith.index_cast %add3A_1095 : i32 to index
        %get3A_1097 = arith.constant 16 : index
        %get3A_1098 = tpu.vector_load %arg7[%get3A_1096, %get3A_1097] {strides = array<i32>} : memref<400x64xf32, #tpu.memory_space<vmem>>, vector<1x16xf32>,
        %get3A_1099 = vector.shape_cast %get3A_1098 : vector<1x16xf32> to vector<16xf32>
        %add3A_1100 = arith.addf %add3A_1064, %get3A_1099 : vector<16xf32>
        %add3A_1101 = arith.constant 250 : i32
        %add3A_1102 = arith.addi %add3A_1101, %mul3A_1011 : i32
        %add3A_1103 = arith.constant 2 : i32
        %add3A_1104 = arith.addi %add3A_1102, %add3A_1103 : i32
        %get3A_1105 = arith.index_cast %add3A_1104 : i32 to index
        %get3A_1106 = arith.constant 32 : index
        %get3A_1107 = tpu.vector_load %arg7[%get3A_1105, %get3A_1106] {strides = array<i32>} : memref<400x64xf32, #tpu.memory_space<vmem>>, vector<1x16xf32>,
        %get3A_1108 = vector.shape_cast %get3A_1107 : vector<1x16xf32> to vector<16xf32>
        %add3A_1109 = arith.addf %add3A_1073, %get3A_1108 : vector<16xf32>
        %add3A_1110 = arith.constant 250 : i32
        %add3A_1111 = arith.addi %add3A_1110, %mul3A_1011 : i32
        %add3A_1112 = arith.constant 2 : i32
        %add3A_1113 = arith.addi %add3A_1111, %add3A_1112 : i32
        %get3A_1114 = arith.index_cast %add3A_1113 : i32 to index
        %get3A_1115 = arith.constant 48 : index
        %get3A_1116 = tpu.vector_load %arg7[%get3A_1114, %get3A_1115] {strides = array<i32>} : memref<400x64xf32, #tpu.memory_space<vmem>>, vector<1x16xf32>,
        %get3A_1117 = vector.shape_cast %get3A_1116 : vector<1x16xf32> to vector<16xf32>
        %add3A_1118 = arith.addf %add3A_1082, %get3A_1117 : vector<16xf32>
        %add3A_1119 = arith.constant 250 : i32
        %add3A_1120 = arith.addi %add3A_1119, %mul3A_1011 : i32
        %add3A_1121 = arith.constant 3 : i32
        %add3A_1122 = arith.addi %add3A_1120, %add3A_1121 : i32
        %get3A_1123 = arith.index_cast %add3A_1122 : i32 to index
        %get3A_1124 = arith.constant 0 : index
        %get3A_1125 = tpu.vector_load %arg7[%get3A_1123, %get3A_1124] {strides = array<i32>} : memref<400x64xf32, #tpu.memory_space<vmem>>, vector<1x16xf32>,
        %get3A_1126 = vector.shape_cast %get3A_1125 : vector<1x16xf32> to vector<16xf32>
        %add3A_1127 = arith.addf %add3A_1091, %get3A_1126 : vector<16xf32>
        %add3A_1128 = arith.constant 250 : i32
        %add3A_1129 = arith.addi %add3A_1128, %mul3A_1011 : i32
        %add3A_1130 = arith.constant 3 : i32
        %add3A_1131 = arith.addi %add3A_1129, %add3A_1130 : i32
        %get3A_1132 = arith.index_cast %add3A_1131 : i32 to index
        %get3A_1133 = arith.constant 16 : index
        %get3A_1134 = tpu.vector_load %arg7[%get3A_1132, %get3A_1133] {strides = array<i32>} : memref<400x64xf32, #tpu.memory_space<vmem>>, vector<1x16xf32>,
        %get3A_1135 = vector.shape_cast %get3A_1134 : vector<1x16xf32> to vector<16xf32>
        %add3A_1136 = arith.addf %add3A_1100, %get3A_1135 : vector<16xf32>
        %add3A_1137 = arith.constant 250 : i32
        %add3A_1138 = arith.addi %add3A_1137, %mul3A_1011 : i32
        %add3A_1139 = arith.constant 3 : i32
        %add3A_1140 = arith.addi %add3A_1138, %add3A_1139 : i32
        %get3A_1141 = arith.index_cast %add3A_1140 : i32 to index
        %get3A_1142 = arith.constant 32 : index
        %get3A_1143 = tpu.vector_load %arg7[%get3A_1141, %get3A_1142] {strides = array<i32>} : memref<400x64xf32, #tpu.memory_space<vmem>>, vector<1x16xf32>,
        %get3A_1144 = vector.shape_cast %get3A_1143 : vector<1x16xf32> to vector<16xf32>
        %add3A_1145 = arith.addf %add3A_1109, %get3A_1144 : vector<16xf32>
        %add3A_1146 = arith.constant 250 : i32
        %add3A_1147 = arith.addi %add3A_1146, %mul3A_1011 : i32
        %add3A_1148 = arith.constant 3 : i32
        %add3A_1149 = arith.addi %add3A_1147, %add3A_1148 : i32
        %get3A_1150 = arith.index_cast %add3A_1149 : i32 to index
        %get3A_1151 = arith.constant 48 : index
        %get3A_1152 = tpu.vector_load %arg7[%get3A_1150, %get3A_1151] {strides = array<i32>} : memref<400x64xf32, #tpu.memory_space<vmem>>, vector<1x16xf32>,
        %get3A_1153 = vector.shape_cast %get3A_1152 : vector<1x16xf32> to vector<16xf32>
        %add3A_1154 = arith.addf %add3A_1118, %get3A_1153 : vector<16xf32>
        %add3A_1155 = arith.constant 250 : i32
        %add3A_1156 = arith.addi %add3A_1155, %mul3A_1011 : i32
        %add3A_1157 = arith.constant 4 : i32
        %add3A_1158 = arith.addi %add3A_1156, %add3A_1157 : i32
        %get3A_1159 = arith.index_cast %add3A_1158 : i32 to index
        %get3A_1160 = arith.constant 0 : index
        %get3A_1161 = tpu.vector_load %arg7[%get3A_1159, %get3A_1160] {strides = array<i32>} : memref<400x64xf32, #tpu.memory_space<vmem>>, vector<1x16xf32>,
        %get3A_1162 = vector.shape_cast %get3A_1161 : vector<1x16xf32> to vector<16xf32>
        %add3A_1163 = arith.addf %add3A_1127, %get3A_1162 : vector<16xf32>
        %add3A_1164 = arith.constant 250 : i32
        %add3A_1165 = arith.addi %add3A_1164, %mul3A_1011 : i32
        %add3A_1166 = arith.constant 4 : i32
        %add3A_1167 = arith.addi %add3A_1165, %add3A_1166 : i32
        %get3A_1168 = arith.index_cast %add3A_1167 : i32 to index
        %get3A_1169 = arith.constant 16 : index
        %get3A_1170 = tpu.vector_load %arg7[%get3A_1168, %get3A_1169] {strides = array<i32>} : memref<400x64xf32, #tpu.memory_space<vmem>>, vector<1x16xf32>,
        %get3A_1171 = vector.shape_cast %get3A_1170 : vector<1x16xf32> to vector<16xf32>
        %add3A_1172 = arith.addf %add3A_1136, %get3A_1171 : vector<16xf32>
        %add3A_1173 = arith.constant 250 : i32
        %add3A_1174 = arith.addi %add3A_1173, %mul3A_1011 : i32
        %add3A_1175 = arith.constant 4 : i32
        %add3A_1176 = arith.addi %add3A_1174, %add3A_1175 : i32
        %get3A_1177 = arith.index_cast %add3A_1176 : i32 to index
        %get3A_1178 = arith.constant 32 : index
        %get3A_1179 = tpu.vector_load %arg7[%get3A_1177, %get3A_1178] {strides = array<i32>} : memref<400x64xf32, #tpu.memory_space<vmem>>, vector<1x16xf32>,
        %get3A_1180 = vector.shape_cast %get3A_1179 : vector<1x16xf32> to vector<16xf32>
        %add3A_1181 = arith.addf %add3A_1145, %get3A_1180 : vector<16xf32>
        %add3A_1182 = arith.constant 250 : i32
        %add3A_1183 = arith.addi %add3A_1182, %mul3A_1011 : i32
        %add3A_1184 = arith.constant 4 : i32
        %add3A_1185 = arith.addi %add3A_1183, %add3A_1184 : i32
        %get3A_1186 = arith.index_cast %add3A_1185 : i32 to index
        %get3A_1187 = arith.constant 48 : index
        %get3A_1188 = tpu.vector_load %arg7[%get3A_1186, %get3A_1187] {strides = array<i32>} : memref<400x64xf32, #tpu.memory_space<vmem>>, vector<1x16xf32>,
        %get3A_1189 = vector.shape_cast %get3A_1188 : vector<1x16xf32> to vector<16xf32>
        %add3A_1190 = arith.addf %add3A_1154, %get3A_1189 : vector<16xf32>
        scf.yield %add3A_1163, %add3A_1172, %add3A_1181, %add3A_1190 : vector<16xf32>, vector<16xf32>, vector<16xf32>, vector<16xf32>
      }
      %scan3A_863 = arith.constant 10 : i32
      %mul3A_864 = arith.constant 2.000000e-02 : f32
      %mul3A_865 = vector.broadcast %mul3A_864 : f32 to vector<16xf32>
      %mul3A_866 = arith.mulf %scan3A_862#0, %mul3A_865 : vector<16xf32>
      %swap3A_867 = arith.constant 5 : i32
      %swap3A_868 = arith.index_cast %swap3A_867 : i32 to index
      %swap3A_869 = arith.constant 0 : index
      %swap3A_870 = tpu.vector_load %arg8[%swap3A_868, %swap3A_869] {strides = array<i32>} : memref<8x64xf32, #tpu.memory_space<vmem>>, vector<1x16xf32>,
      %swap3A_871 = vector.shape_cast %swap3A_870 : vector<1x16xf32> to vector<16xf32>
      %swap3A_872 = vector.shape_cast %mul3A_866 : vector<16xf32> to vector<1x16xf32>
      tpu.vector_store %arg8[%swap3A_868, %swap3A_869], %swap3A_872 {strides = array<i32>} : memref<8x64xf32, #tpu.memory_space<vmem>>, vector<1x16xf32>,
      %mul3A_873 = arith.constant 2.000000e-02 : f32
      %mul3A_874 = vector.broadcast %mul3A_873 : f32 to vector<16xf32>
      %mul3A_875 = arith.mulf %scan3A_862#1, %mul3A_874 : vector<16xf32>
      %swap3A_876 = arith.constant 5 : i32
      %swap3A_877 = arith.index_cast %swap3A_876 : i32 to index
      %swap3A_878 = arith.constant 16 : index
      %swap3A_879 = tpu.vector_load %arg8[%swap3A_877, %swap3A_878] {strides = array<i32>} : memref<8x64xf32, #tpu.memory_space<vmem>>, vector<1x16xf32>,
      %swap3A_880 = vector.shape_cast %swap3A_879 : vector<1x16xf32> to vector<16xf32>
      %swap3A_881 = vector.shape_cast %mul3A_875 : vector<16xf32> to vector<1x16xf32>
      tpu.vector_store %arg8[%swap3A_877, %swap3A_878], %swap3A_881 {strides = array<i32>} : memref<8x64xf32, #tpu.memory_space<vmem>>, vector<1x16xf32>,
      %mul3A_882 = arith.constant 2.000000e-02 : f32
      %mul3A_883 = vector.broadcast %mul3A_882 : f32 to vector<16xf32>
      %mul3A_884 = arith.mulf %scan3A_862#2, %mul3A_883 : vector<16xf32>
      %swap3A_885 = arith.constant 5 : i32
      %swap3A_886 = arith.index_cast %swap3A_885 : i32 to index
      %swap3A_887 = arith.constant 32 : index
      %swap3A_888 = tpu.vector_load %arg8[%swap3A_886, %swap3A_887] {strides = array<i32>} : memref<8x64xf32, #tpu.memory_space<vmem>>, vector<1x16xf32>,
      %swap3A_889 = vector.shape_cast %swap3A_888 : vector<1x16xf32> to vector<16xf32>
      %swap3A_890 = vector.shape_cast %mul3A_884 : vector<16xf32> to vector<1x16xf32>
      tpu.vector_store %arg8[%swap3A_886, %swap3A_887], %swap3A_890 {strides = array<i32>} : memref<8x64xf32, #tpu.memory_space<vmem>>, vector<1x16xf32>,
      %mul3A_891 = arith.constant 2.000000e-02 : f32
      %mul3A_892 = vector.broadcast %mul3A_891 : f32 to vector<16xf32>
      %mul3A_893 = arith.mulf %scan3A_862#3, %mul3A_892 : vector<16xf32>
      %swap3A_894 = arith.constant 5 : i32
      %swap3A_895 = arith.index_cast %swap3A_894 : i32 to index
      %swap3A_896 = arith.constant 48 : index
      %swap3A_897 = tpu.vector_load %arg8[%swap3A_895, %swap3A_896] {strides = array<i32>} : memref<8x64xf32, #tpu.memory_space<vmem>>, vector<1x16xf32>,
      %swap3A_898 = vector.shape_cast %swap3A_897 : vector<1x16xf32> to vector<16xf32>
      %swap3A_899 = vector.shape_cast %mul3A_893 : vector<16xf32> to vector<1x16xf32>
      tpu.vector_store %arg8[%swap3A_895, %swap3A_896], %swap3A_899 {strides = array<i32>} : memref<8x64xf32, #tpu.memory_space<vmem>>, vector<1x16xf32>,
      %broadcast_in_dim3A_900 = arith.constant 0.000000e+00 : f32
      %broadcast_in_dim3A_901 = vector.broadcast %broadcast_in_dim3A_900 : f32 to vector<16xf32>
      %broadcast_in_dim3A_902 = arith.constant 0.000000e+00 : f32
      %broadcast_in_dim3A_903 = vector.broadcast %broadcast_in_dim3A_902 : f32 to vector<16xf32>
      %broadcast_in_dim3A_904 = arith.constant 0.000000e+00 : f32
      %broadcast_in_dim3A_905 = vector.broadcast %broadcast_in_dim3A_904 : f32 to vector<16xf32>
      %broadcast_in_dim3A_906 = arith.constant 0.000000e+00 : f32
      %broadcast_in_dim3A_907 = vector.broadcast %broadcast_in_dim3A_906 : f32 to vector<16xf32>
      %scan3A_908 = arith.constant 0 : i32
      %scan3A_909 = arith.constant 10 : i32
      %scan3A_910 = arith.addi %scan3A_908, %scan3A_909 : i32
      %scan3A_911 = arith.constant 1 : i32
      %scan3A_912:4 = scf.for %scan3A_1005 = %scan3A_908 to %scan3A_910 step %scan3A_911 iter_args(%scan3A_1006 = %broadcast_in_dim3A_901, %scan3A_1007 = %broadcast_in_dim3A_903, %scan3A_1008 = %broadcast_in_dim3A_905, %scan3A_1009 = %broadcast_in_dim3A_907) -> (vector<16xf32>, vector<16xf32>, vector<16xf32>, vector<16xf32>)  : i32 {
        %mul3A_1010 = arith.constant 5 : i32
        %mul3A_1011 = arith.muli %scan3A_1005, %mul3A_1010 : i32
        %add3A_1012 = arith.constant 300 : i32
        %add3A_1013 = arith.addi %add3A_1012, %mul3A_1011 : i32
        %add3A_1014 = arith.constant 0 : i32
        %add3A_1015 = arith.addi %add3A_1013, %add3A_1014 : i32
        %get3A = arith.index_cast %add3A_1015 : i32 to index
        %get3A_1016 = arith.constant 0 : index
        %get3A_1017 = tpu.vector_load %arg7[%get3A, %get3A_1016] {strides = array<i32>} : memref<400x64xf32, #tpu.memory_space<vmem>>, vector<1x16xf32>,
        %get3A_1018 = vector.shape_cast %get3A_1017 : vector<1x16xf32> to vector<16xf32>
        %add3A_1019 = arith.addf %scan3A_1006, %get3A_1018 : vector<16xf32>
        %add3A_1020 = arith.constant 300 : i32
        %add3A_1021 = arith.addi %add3A_1020, %mul3A_1011 : i32
        %add3A_1022 = arith.constant 0 : i32
        %add3A_1023 = arith.addi %add3A_1021, %add3A_1022 : i32
        %get3A_1024 = arith.index_cast %add3A_1023 : i32 to index
        %get3A_1025 = arith.constant 16 : index
        %get3A_1026 = tpu.vector_load %arg7[%get3A_1024, %get3A_1025] {strides = array<i32>} : memref<400x64xf32, #tpu.memory_space<vmem>>, vector<1x16xf32>,
        %get3A_1027 = vector.shape_cast %get3A_1026 : vector<1x16xf32> to vector<16xf32>
        %add3A_1028 = arith.addf %scan3A_1007, %get3A_1027 : vector<16xf32>
        %add3A_1029 = arith.constant 300 : i32
        %add3A_1030 = arith.addi %add3A_1029, %mul3A_1011 : i32
        %add3A_1031 = arith.constant 0 : i32
        %add3A_1032 = arith.addi %add3A_1030, %add3A_1031 : i32
        %get3A_1033 = arith.index_cast %add3A_1032 : i32 to index
        %get3A_1034 = arith.constant 32 : index
        %get3A_1035 = tpu.vector_load %arg7[%get3A_1033, %get3A_1034] {strides = array<i32>} : memref<400x64xf32, #tpu.memory_space<vmem>>, vector<1x16xf32>,
        %get3A_1036 = vector.shape_cast %get3A_1035 : vector<1x16xf32> to vector<16xf32>
        %add3A_1037 = arith.addf %scan3A_1008, %get3A_1036 : vector<16xf32>
        %add3A_1038 = arith.constant 300 : i32
        %add3A_1039 = arith.addi %add3A_1038, %mul3A_1011 : i32
        %add3A_1040 = arith.constant 0 : i32
        %add3A_1041 = arith.addi %add3A_1039, %add3A_1040 : i32
        %get3A_1042 = arith.index_cast %add3A_1041 : i32 to index
        %get3A_1043 = arith.constant 48 : index
        %get3A_1044 = tpu.vector_load %arg7[%get3A_1042, %get3A_1043] {strides = array<i32>} : memref<400x64xf32, #tpu.memory_space<vmem>>, vector<1x16xf32>,
        %get3A_1045 = vector.shape_cast %get3A_1044 : vector<1x16xf32> to vector<16xf32>
        %add3A_1046 = arith.addf %scan3A_1009, %get3A_1045 : vector<16xf32>
        %add3A_1047 = arith.constant 300 : i32
        %add3A_1048 = arith.addi %add3A_1047, %mul3A_1011 : i32
        %add3A_1049 = arith.constant 1 : i32
        %add3A_1050 = arith.addi %add3A_1048, %add3A_1049 : i32
        %get3A_1051 = arith.index_cast %add3A_1050 : i32 to index
        %get3A_1052 = arith.constant 0 : index
        %get3A_1053 = tpu.vector_load %arg7[%get3A_1051, %get3A_1052] {strides = array<i32>} : memref<400x64xf32, #tpu.memory_space<vmem>>, vector<1x16xf32>,
        %get3A_1054 = vector.shape_cast %get3A_1053 : vector<1x16xf32> to vector<16xf32>
        %add3A_1055 = arith.addf %add3A_1019, %get3A_1054 : vector<16xf32>
        %add3A_1056 = arith.constant 300 : i32
        %add3A_1057 = arith.addi %add3A_1056, %mul3A_1011 : i32
        %add3A_1058 = arith.constant 1 : i32
        %add3A_1059 = arith.addi %add3A_1057, %add3A_1058 : i32
        %get3A_1060 = arith.index_cast %add3A_1059 : i32 to index
        %get3A_1061 = arith.constant 16 : index
        %get3A_1062 = tpu.vector_load %arg7[%get3A_1060, %get3A_1061] {strides = array<i32>} : memref<400x64xf32, #tpu.memory_space<vmem>>, vector<1x16xf32>,
        %get3A_1063 = vector.shape_cast %get3A_1062 : vector<1x16xf32> to vector<16xf32>
        %add3A_1064 = arith.addf %add3A_1028, %get3A_1063 : vector<16xf32>
        %add3A_1065 = arith.constant 300 : i32
        %add3A_1066 = arith.addi %add3A_1065, %mul3A_1011 : i32
        %add3A_1067 = arith.constant 1 : i32
        %add3A_1068 = arith.addi %add3A_1066, %add3A_1067 : i32
        %get3A_1069 = arith.index_cast %add3A_1068 : i32 to index
        %get3A_1070 = arith.constant 32 : index
        %get3A_1071 = tpu.vector_load %arg7[%get3A_1069, %get3A_1070] {strides = array<i32>} : memref<400x64xf32, #tpu.memory_space<vmem>>, vector<1x16xf32>,
        %get3A_1072 = vector.shape_cast %get3A_1071 : vector<1x16xf32> to vector<16xf32>
        %add3A_1073 = arith.addf %add3A_1037, %get3A_1072 : vector<16xf32>
        %add3A_1074 = arith.constant 300 : i32
        %add3A_1075 = arith.addi %add3A_1074, %mul3A_1011 : i32
        %add3A_1076 = arith.constant 1 : i32
        %add3A_1077 = arith.addi %add3A_1075, %add3A_1076 : i32
        %get3A_1078 = arith.index_cast %add3A_1077 : i32 to index
        %get3A_1079 = arith.constant 48 : index
        %get3A_1080 = tpu.vector_load %arg7[%get3A_1078, %get3A_1079] {strides = array<i32>} : memref<400x64xf32, #tpu.memory_space<vmem>>, vector<1x16xf32>,
        %get3A_1081 = vector.shape_cast %get3A_1080 : vector<1x16xf32> to vector<16xf32>
        %add3A_1082 = arith.addf %add3A_1046, %get3A_1081 : vector<16xf32>
        %add3A_1083 = arith.constant 300 : i32
        %add3A_1084 = arith.addi %add3A_1083, %mul3A_1011 : i32
        %add3A_1085 = arith.constant 2 : i32
        %add3A_1086 = arith.addi %add3A_1084, %add3A_1085 : i32
        %get3A_1087 = arith.index_cast %add3A_1086 : i32 to index
        %get3A_1088 = arith.constant 0 : index
        %get3A_1089 = tpu.vector_load %arg7[%get3A_1087, %get3A_1088] {strides = array<i32>} : memref<400x64xf32, #tpu.memory_space<vmem>>, vector<1x16xf32>,
        %get3A_1090 = vector.shape_cast %get3A_1089 : vector<1x16xf32> to vector<16xf32>
        %add3A_1091 = arith.addf %add3A_1055, %get3A_1090 : vector<16xf32>
        %add3A_1092 = arith.constant 300 : i32
        %add3A_1093 = arith.addi %add3A_1092, %mul3A_1011 : i32
        %add3A_1094 = arith.constant 2 : i32
        %add3A_1095 = arith.addi %add3A_1093, %add3A_1094 : i32
        %get3A_1096 = arith.index_cast %add3A_1095 : i32 to index
        %get3A_1097 = arith.constant 16 : index
        %get3A_1098 = tpu.vector_load %arg7[%get3A_1096, %get3A_1097] {strides = array<i32>} : memref<400x64xf32, #tpu.memory_space<vmem>>, vector<1x16xf32>,
        %get3A_1099 = vector.shape_cast %get3A_1098 : vector<1x16xf32> to vector<16xf32>
        %add3A_1100 = arith.addf %add3A_1064, %get3A_1099 : vector<16xf32>
        %add3A_1101 = arith.constant 300 : i32
        %add3A_1102 = arith.addi %add3A_1101, %mul3A_1011 : i32
        %add3A_1103 = arith.constant 2 : i32
        %add3A_1104 = arith.addi %add3A_1102, %add3A_1103 : i32
        %get3A_1105 = arith.index_cast %add3A_1104 : i32 to index
        %get3A_1106 = arith.constant 32 : index
        %get3A_1107 = tpu.vector_load %arg7[%get3A_1105, %get3A_1106] {strides = array<i32>} : memref<400x64xf32, #tpu.memory_space<vmem>>, vector<1x16xf32>,
        %get3A_1108 = vector.shape_cast %get3A_1107 : vector<1x16xf32> to vector<16xf32>
        %add3A_1109 = arith.addf %add3A_1073, %get3A_1108 : vector<16xf32>
        %add3A_1110 = arith.constant 300 : i32
        %add3A_1111 = arith.addi %add3A_1110, %mul3A_1011 : i32
        %add3A_1112 = arith.constant 2 : i32
        %add3A_1113 = arith.addi %add3A_1111, %add3A_1112 : i32
        %get3A_1114 = arith.index_cast %add3A_1113 : i32 to index
        %get3A_1115 = arith.constant 48 : index
        %get3A_1116 = tpu.vector_load %arg7[%get3A_1114, %get3A_1115] {strides = array<i32>} : memref<400x64xf32, #tpu.memory_space<vmem>>, vector<1x16xf32>,
        %get3A_1117 = vector.shape_cast %get3A_1116 : vector<1x16xf32> to vector<16xf32>
        %add3A_1118 = arith.addf %add3A_1082, %get3A_1117 : vector<16xf32>
        %add3A_1119 = arith.constant 300 : i32
        %add3A_1120 = arith.addi %add3A_1119, %mul3A_1011 : i32
        %add3A_1121 = arith.constant 3 : i32
        %add3A_1122 = arith.addi %add3A_1120, %add3A_1121 : i32
        %get3A_1123 = arith.index_cast %add3A_1122 : i32 to index
        %get3A_1124 = arith.constant 0 : index
        %get3A_1125 = tpu.vector_load %arg7[%get3A_1123, %get3A_1124] {strides = array<i32>} : memref<400x64xf32, #tpu.memory_space<vmem>>, vector<1x16xf32>,
        %get3A_1126 = vector.shape_cast %get3A_1125 : vector<1x16xf32> to vector<16xf32>
        %add3A_1127 = arith.addf %add3A_1091, %get3A_1126 : vector<16xf32>
        %add3A_1128 = arith.constant 300 : i32
        %add3A_1129 = arith.addi %add3A_1128, %mul3A_1011 : i32
        %add3A_1130 = arith.constant 3 : i32
        %add3A_1131 = arith.addi %add3A_1129, %add3A_1130 : i32
        %get3A_1132 = arith.index_cast %add3A_1131 : i32 to index
        %get3A_1133 = arith.constant 16 : index
        %get3A_1134 = tpu.vector_load %arg7[%get3A_1132, %get3A_1133] {strides = array<i32>} : memref<400x64xf32, #tpu.memory_space<vmem>>, vector<1x16xf32>,
        %get3A_1135 = vector.shape_cast %get3A_1134 : vector<1x16xf32> to vector<16xf32>
        %add3A_1136 = arith.addf %add3A_1100, %get3A_1135 : vector<16xf32>
        %add3A_1137 = arith.constant 300 : i32
        %add3A_1138 = arith.addi %add3A_1137, %mul3A_1011 : i32
        %add3A_1139 = arith.constant 3 : i32
        %add3A_1140 = arith.addi %add3A_1138, %add3A_1139 : i32
        %get3A_1141 = arith.index_cast %add3A_1140 : i32 to index
        %get3A_1142 = arith.constant 32 : index
        %get3A_1143 = tpu.vector_load %arg7[%get3A_1141, %get3A_1142] {strides = array<i32>} : memref<400x64xf32, #tpu.memory_space<vmem>>, vector<1x16xf32>,
        %get3A_1144 = vector.shape_cast %get3A_1143 : vector<1x16xf32> to vector<16xf32>
        %add3A_1145 = arith.addf %add3A_1109, %get3A_1144 : vector<16xf32>
        %add3A_1146 = arith.constant 300 : i32
        %add3A_1147 = arith.addi %add3A_1146, %mul3A_1011 : i32
        %add3A_1148 = arith.constant 3 : i32
        %add3A_1149 = arith.addi %add3A_1147, %add3A_1148 : i32
        %get3A_1150 = arith.index_cast %add3A_1149 : i32 to index
        %get3A_1151 = arith.constant 48 : index
        %get3A_1152 = tpu.vector_load %arg7[%get3A_1150, %get3A_1151] {strides = array<i32>} : memref<400x64xf32, #tpu.memory_space<vmem>>, vector<1x16xf32>,
        %get3A_1153 = vector.shape_cast %get3A_1152 : vector<1x16xf32> to vector<16xf32>
        %add3A_1154 = arith.addf %add3A_1118, %get3A_1153 : vector<16xf32>
        %add3A_1155 = arith.constant 300 : i32
        %add3A_1156 = arith.addi %add3A_1155, %mul3A_1011 : i32
        %add3A_1157 = arith.constant 4 : i32
        %add3A_1158 = arith.addi %add3A_1156, %add3A_1157 : i32
        %get3A_1159 = arith.index_cast %add3A_1158 : i32 to index
        %get3A_1160 = arith.constant 0 : index
        %get3A_1161 = tpu.vector_load %arg7[%get3A_1159, %get3A_1160] {strides = array<i32>} : memref<400x64xf32, #tpu.memory_space<vmem>>, vector<1x16xf32>,
        %get3A_1162 = vector.shape_cast %get3A_1161 : vector<1x16xf32> to vector<16xf32>
        %add3A_1163 = arith.addf %add3A_1127, %get3A_1162 : vector<16xf32>
        %add3A_1164 = arith.constant 300 : i32
        %add3A_1165 = arith.addi %add3A_1164, %mul3A_1011 : i32
        %add3A_1166 = arith.constant 4 : i32
        %add3A_1167 = arith.addi %add3A_1165, %add3A_1166 : i32
        %get3A_1168 = arith.index_cast %add3A_1167 : i32 to index
        %get3A_1169 = arith.constant 16 : index
        %get3A_1170 = tpu.vector_load %arg7[%get3A_1168, %get3A_1169] {strides = array<i32>} : memref<400x64xf32, #tpu.memory_space<vmem>>, vector<1x16xf32>,
        %get3A_1171 = vector.shape_cast %get3A_1170 : vector<1x16xf32> to vector<16xf32>
        %add3A_1172 = arith.addf %add3A_1136, %get3A_1171 : vector<16xf32>
        %add3A_1173 = arith.constant 300 : i32
        %add3A_1174 = arith.addi %add3A_1173, %mul3A_1011 : i32
        %add3A_1175 = arith.constant 4 : i32
        %add3A_1176 = arith.addi %add3A_1174, %add3A_1175 : i32
        %get3A_1177 = arith.index_cast %add3A_1176 : i32 to index
        %get3A_1178 = arith.constant 32 : index
        %get3A_1179 = tpu.vector_load %arg7[%get3A_1177, %get3A_1178] {strides = array<i32>} : memref<400x64xf32, #tpu.memory_space<vmem>>, vector<1x16xf32>,
        %get3A_1180 = vector.shape_cast %get3A_1179 : vector<1x16xf32> to vector<16xf32>
        %add3A_1181 = arith.addf %add3A_1145, %get3A_1180 : vector<16xf32>
        %add3A_1182 = arith.constant 300 : i32
        %add3A_1183 = arith.addi %add3A_1182, %mul3A_1011 : i32
        %add3A_1184 = arith.constant 4 : i32
        %add3A_1185 = arith.addi %add3A_1183, %add3A_1184 : i32
        %get3A_1186 = arith.index_cast %add3A_1185 : i32 to index
        %get3A_1187 = arith.constant 48 : index
        %get3A_1188 = tpu.vector_load %arg7[%get3A_1186, %get3A_1187] {strides = array<i32>} : memref<400x64xf32, #tpu.memory_space<vmem>>, vector<1x16xf32>,
        %get3A_1189 = vector.shape_cast %get3A_1188 : vector<1x16xf32> to vector<16xf32>
        %add3A_1190 = arith.addf %add3A_1154, %get3A_1189 : vector<16xf32>
        scf.yield %add3A_1163, %add3A_1172, %add3A_1181, %add3A_1190 : vector<16xf32>, vector<16xf32>, vector<16xf32>, vector<16xf32>
      }
      %scan3A_913 = arith.constant 10 : i32
      %mul3A_914 = arith.constant 2.000000e-02 : f32
      %mul3A_915 = vector.broadcast %mul3A_914 : f32 to vector<16xf32>
      %mul3A_916 = arith.mulf %scan3A_912#0, %mul3A_915 : vector<16xf32>
      %swap3A_917 = arith.constant 6 : i32
      %swap3A_918 = arith.index_cast %swap3A_917 : i32 to index
      %swap3A_919 = arith.constant 0 : index
      %swap3A_920 = tpu.vector_load %arg8[%swap3A_918, %swap3A_919] {strides = array<i32>} : memref<8x64xf32, #tpu.memory_space<vmem>>, vector<1x16xf32>,
      %swap3A_921 = vector.shape_cast %swap3A_920 : vector<1x16xf32> to vector<16xf32>
      %swap3A_922 = vector.shape_cast %mul3A_916 : vector<16xf32> to vector<1x16xf32>
      tpu.vector_store %arg8[%swap3A_918, %swap3A_919], %swap3A_922 {strides = array<i32>} : memref<8x64xf32, #tpu.memory_space<vmem>>, vector<1x16xf32>,
      %mul3A_923 = arith.constant 2.000000e-02 : f32
      %mul3A_924 = vector.broadcast %mul3A_923 : f32 to vector<16xf32>
      %mul3A_925 = arith.mulf %scan3A_912#1, %mul3A_924 : vector<16xf32>
      %swap3A_926 = arith.constant 6 : i32
      %swap3A_927 = arith.index_cast %swap3A_926 : i32 to index
      %swap3A_928 = arith.constant 16 : index
      %swap3A_929 = tpu.vector_load %arg8[%swap3A_927, %swap3A_928] {strides = array<i32>} : memref<8x64xf32, #tpu.memory_space<vmem>>, vector<1x16xf32>,
      %swap3A_930 = vector.shape_cast %swap3A_929 : vector<1x16xf32> to vector<16xf32>
      %swap3A_931 = vector.shape_cast %mul3A_925 : vector<16xf32> to vector<1x16xf32>
      tpu.vector_store %arg8[%swap3A_927, %swap3A_928], %swap3A_931 {strides = array<i32>} : memref<8x64xf32, #tpu.memory_space<vmem>>, vector<1x16xf32>,
      %mul3A_932 = arith.constant 2.000000e-02 : f32
      %mul3A_933 = vector.broadcast %mul3A_932 : f32 to vector<16xf32>
      %mul3A_934 = arith.mulf %scan3A_912#2, %mul3A_933 : vector<16xf32>
      %swap3A_935 = arith.constant 6 : i32
      %swap3A_936 = arith.index_cast %swap3A_935 : i32 to index
      %swap3A_937 = arith.constant 32 : index
      %swap3A_938 = tpu.vector_load %arg8[%swap3A_936, %swap3A_937] {strides = array<i32>} : memref<8x64xf32, #tpu.memory_space<vmem>>, vector<1x16xf32>,
      %swap3A_939 = vector.shape_cast %swap3A_938 : vector<1x16xf32> to vector<16xf32>
      %swap3A_940 = vector.shape_cast %mul3A_934 : vector<16xf32> to vector<1x16xf32>
      tpu.vector_store %arg8[%swap3A_936, %swap3A_937], %swap3A_940 {strides = array<i32>} : memref<8x64xf32, #tpu.memory_space<vmem>>, vector<1x16xf32>,
      %mul3A_941 = arith.constant 2.000000e-02 : f32
      %mul3A_942 = vector.broadcast %mul3A_941 : f32 to vector<16xf32>
      %mul3A_943 = arith.mulf %scan3A_912#3, %mul3A_942 : vector<16xf32>
      %swap3A_944 = arith.constant 6 : i32
      %swap3A_945 = arith.index_cast %swap3A_944 : i32 to index
      %swap3A_946 = arith.constant 48 : index
      %swap3A_947 = tpu.vector_load %arg8[%swap3A_945, %swap3A_946] {strides = array<i32>} : memref<8x64xf32, #tpu.memory_space<vmem>>, vector<1x16xf32>,
      %swap3A_948 = vector.shape_cast %swap3A_947 : vector<1x16xf32> to vector<16xf32>
      %swap3A_949 = vector.shape_cast %mul3A_943 : vector<16xf32> to vector<1x16xf32>
      tpu.vector_store %arg8[%swap3A_945, %swap3A_946], %swap3A_949 {strides = array<i32>} : memref<8x64xf32, #tpu.memory_space<vmem>>, vector<1x16xf32>,
      %broadcast_in_dim3A_950 = arith.constant 0.000000e+00 : f32
      %broadcast_in_dim3A_951 = vector.broadcast %broadcast_in_dim3A_950 : f32 to vector<16xf32>
      %broadcast_in_dim3A_952 = arith.constant 0.000000e+00 : f32
      %broadcast_in_dim3A_953 = vector.broadcast %broadcast_in_dim3A_952 : f32 to vector<16xf32>
      %broadcast_in_dim3A_954 = arith.constant 0.000000e+00 : f32
      %broadcast_in_dim3A_955 = vector.broadcast %broadcast_in_dim3A_954 : f32 to vector<16xf32>
      %broadcast_in_dim3A_956 = arith.constant 0.000000e+00 : f32
      %broadcast_in_dim3A_957 = vector.broadcast %broadcast_in_dim3A_956 : f32 to vector<16xf32>
      %scan3A_958 = arith.constant 0 : i32
      %scan3A_959 = arith.constant 10 : i32
      %scan3A_960 = arith.addi %scan3A_958, %scan3A_959 : i32
      %scan3A_961 = arith.constant 1 : i32
      %scan3A_962:4 = scf.for %scan3A_1005 = %scan3A_958 to %scan3A_960 step %scan3A_961 iter_args(%scan3A_1006 = %broadcast_in_dim3A_951, %scan3A_1007 = %broadcast_in_dim3A_953, %scan3A_1008 = %broadcast_in_dim3A_955, %scan3A_1009 = %broadcast_in_dim3A_957) -> (vector<16xf32>, vector<16xf32>, vector<16xf32>, vector<16xf32>)  : i32 {
        %mul3A_1010 = arith.constant 5 : i32
        %mul3A_1011 = arith.muli %scan3A_1005, %mul3A_1010 : i32
        %add3A_1012 = arith.constant 350 : i32
        %add3A_1013 = arith.addi %add3A_1012, %mul3A_1011 : i32
        %add3A_1014 = arith.constant 0 : i32
        %add3A_1015 = arith.addi %add3A_1013, %add3A_1014 : i32
        %get3A = arith.index_cast %add3A_1015 : i32 to index
        %get3A_1016 = arith.constant 0 : index
        %get3A_1017 = tpu.vector_load %arg7[%get3A, %get3A_1016] {strides = array<i32>} : memref<400x64xf32, #tpu.memory_space<vmem>>, vector<1x16xf32>,
        %get3A_1018 = vector.shape_cast %get3A_1017 : vector<1x16xf32> to vector<16xf32>
        %add3A_1019 = arith.addf %scan3A_1006, %get3A_1018 : vector<16xf32>
        %add3A_1020 = arith.constant 350 : i32
        %add3A_1021 = arith.addi %add3A_1020, %mul3A_1011 : i32
        %add3A_1022 = arith.constant 0 : i32
        %add3A_1023 = arith.addi %add3A_1021, %add3A_1022 : i32
        %get3A_1024 = arith.index_cast %add3A_1023 : i32 to index
        %get3A_1025 = arith.constant 16 : index
        %get3A_1026 = tpu.vector_load %arg7[%get3A_1024, %get3A_1025] {strides = array<i32>} : memref<400x64xf32, #tpu.memory_space<vmem>>, vector<1x16xf32>,
        %get3A_1027 = vector.shape_cast %get3A_1026 : vector<1x16xf32> to vector<16xf32>
        %add3A_1028 = arith.addf %scan3A_1007, %get3A_1027 : vector<16xf32>
        %add3A_1029 = arith.constant 350 : i32
        %add3A_1030 = arith.addi %add3A_1029, %mul3A_1011 : i32
        %add3A_1031 = arith.constant 0 : i32
        %add3A_1032 = arith.addi %add3A_1030, %add3A_1031 : i32
        %get3A_1033 = arith.index_cast %add3A_1032 : i32 to index
        %get3A_1034 = arith.constant 32 : index
        %get3A_1035 = tpu.vector_load %arg7[%get3A_1033, %get3A_1034] {strides = array<i32>} : memref<400x64xf32, #tpu.memory_space<vmem>>, vector<1x16xf32>,
        %get3A_1036 = vector.shape_cast %get3A_1035 : vector<1x16xf32> to vector<16xf32>
        %add3A_1037 = arith.addf %scan3A_1008, %get3A_1036 : vector<16xf32>
        %add3A_1038 = arith.constant 350 : i32
        %add3A_1039 = arith.addi %add3A_1038, %mul3A_1011 : i32
        %add3A_1040 = arith.constant 0 : i32
        %add3A_1041 = arith.addi %add3A_1039, %add3A_1040 : i32
        %get3A_1042 = arith.index_cast %add3A_1041 : i32 to index
        %get3A_1043 = arith.constant 48 : index
        %get3A_1044 = tpu.vector_load %arg7[%get3A_1042, %get3A_1043] {strides = array<i32>} : memref<400x64xf32, #tpu.memory_space<vmem>>, vector<1x16xf32>,
        %get3A_1045 = vector.shape_cast %get3A_1044 : vector<1x16xf32> to vector<16xf32>
        %add3A_1046 = arith.addf %scan3A_1009, %get3A_1045 : vector<16xf32>
        %add3A_1047 = arith.constant 350 : i32
        %add3A_1048 = arith.addi %add3A_1047, %mul3A_1011 : i32
        %add3A_1049 = arith.constant 1 : i32
        %add3A_1050 = arith.addi %add3A_1048, %add3A_1049 : i32
        %get3A_1051 = arith.index_cast %add3A_1050 : i32 to index
        %get3A_1052 = arith.constant 0 : index
        %get3A_1053 = tpu.vector_load %arg7[%get3A_1051, %get3A_1052] {strides = array<i32>} : memref<400x64xf32, #tpu.memory_space<vmem>>, vector<1x16xf32>,
        %get3A_1054 = vector.shape_cast %get3A_1053 : vector<1x16xf32> to vector<16xf32>
        %add3A_1055 = arith.addf %add3A_1019, %get3A_1054 : vector<16xf32>
        %add3A_1056 = arith.constant 350 : i32
        %add3A_1057 = arith.addi %add3A_1056, %mul3A_1011 : i32
        %add3A_1058 = arith.constant 1 : i32
        %add3A_1059 = arith.addi %add3A_1057, %add3A_1058 : i32
        %get3A_1060 = arith.index_cast %add3A_1059 : i32 to index
        %get3A_1061 = arith.constant 16 : index
        %get3A_1062 = tpu.vector_load %arg7[%get3A_1060, %get3A_1061] {strides = array<i32>} : memref<400x64xf32, #tpu.memory_space<vmem>>, vector<1x16xf32>,
        %get3A_1063 = vector.shape_cast %get3A_1062 : vector<1x16xf32> to vector<16xf32>
        %add3A_1064 = arith.addf %add3A_1028, %get3A_1063 : vector<16xf32>
        %add3A_1065 = arith.constant 350 : i32
        %add3A_1066 = arith.addi %add3A_1065, %mul3A_1011 : i32
        %add3A_1067 = arith.constant 1 : i32
        %add3A_1068 = arith.addi %add3A_1066, %add3A_1067 : i32
        %get3A_1069 = arith.index_cast %add3A_1068 : i32 to index
        %get3A_1070 = arith.constant 32 : index
        %get3A_1071 = tpu.vector_load %arg7[%get3A_1069, %get3A_1070] {strides = array<i32>} : memref<400x64xf32, #tpu.memory_space<vmem>>, vector<1x16xf32>,
        %get3A_1072 = vector.shape_cast %get3A_1071 : vector<1x16xf32> to vector<16xf32>
        %add3A_1073 = arith.addf %add3A_1037, %get3A_1072 : vector<16xf32>
        %add3A_1074 = arith.constant 350 : i32
        %add3A_1075 = arith.addi %add3A_1074, %mul3A_1011 : i32
        %add3A_1076 = arith.constant 1 : i32
        %add3A_1077 = arith.addi %add3A_1075, %add3A_1076 : i32
        %get3A_1078 = arith.index_cast %add3A_1077 : i32 to index
        %get3A_1079 = arith.constant 48 : index
        %get3A_1080 = tpu.vector_load %arg7[%get3A_1078, %get3A_1079] {strides = array<i32>} : memref<400x64xf32, #tpu.memory_space<vmem>>, vector<1x16xf32>,
        %get3A_1081 = vector.shape_cast %get3A_1080 : vector<1x16xf32> to vector<16xf32>
        %add3A_1082 = arith.addf %add3A_1046, %get3A_1081 : vector<16xf32>
        %add3A_1083 = arith.constant 350 : i32
        %add3A_1084 = arith.addi %add3A_1083, %mul3A_1011 : i32
        %add3A_1085 = arith.constant 2 : i32
        %add3A_1086 = arith.addi %add3A_1084, %add3A_1085 : i32
        %get3A_1087 = arith.index_cast %add3A_1086 : i32 to index
        %get3A_1088 = arith.constant 0 : index
        %get3A_1089 = tpu.vector_load %arg7[%get3A_1087, %get3A_1088] {strides = array<i32>} : memref<400x64xf32, #tpu.memory_space<vmem>>, vector<1x16xf32>,
        %get3A_1090 = vector.shape_cast %get3A_1089 : vector<1x16xf32> to vector<16xf32>
        %add3A_1091 = arith.addf %add3A_1055, %get3A_1090 : vector<16xf32>
        %add3A_1092 = arith.constant 350 : i32
        %add3A_1093 = arith.addi %add3A_1092, %mul3A_1011 : i32
        %add3A_1094 = arith.constant 2 : i32
        %add3A_1095 = arith.addi %add3A_1093, %add3A_1094 : i32
        %get3A_1096 = arith.index_cast %add3A_1095 : i32 to index
        %get3A_1097 = arith.constant 16 : index
        %get3A_1098 = tpu.vector_load %arg7[%get3A_1096, %get3A_1097] {strides = array<i32>} : memref<400x64xf32, #tpu.memory_space<vmem>>, vector<1x16xf32>,
        %get3A_1099 = vector.shape_cast %get3A_1098 : vector<1x16xf32> to vector<16xf32>
        %add3A_1100 = arith.addf %add3A_1064, %get3A_1099 : vector<16xf32>
        %add3A_1101 = arith.constant 350 : i32
        %add3A_1102 = arith.addi %add3A_1101, %mul3A_1011 : i32
        %add3A_1103 = arith.constant 2 : i32
        %add3A_1104 = arith.addi %add3A_1102, %add3A_1103 : i32
        %get3A_1105 = arith.index_cast %add3A_1104 : i32 to index
        %get3A_1106 = arith.constant 32 : index
        %get3A_1107 = tpu.vector_load %arg7[%get3A_1105, %get3A_1106] {strides = array<i32>} : memref<400x64xf32, #tpu.memory_space<vmem>>, vector<1x16xf32>,
        %get3A_1108 = vector.shape_cast %get3A_1107 : vector<1x16xf32> to vector<16xf32>
        %add3A_1109 = arith.addf %add3A_1073, %get3A_1108 : vector<16xf32>
        %add3A_1110 = arith.constant 350 : i32
        %add3A_1111 = arith.addi %add3A_1110, %mul3A_1011 : i32
        %add3A_1112 = arith.constant 2 : i32
        %add3A_1113 = arith.addi %add3A_1111, %add3A_1112 : i32
        %get3A_1114 = arith.index_cast %add3A_1113 : i32 to index
        %get3A_1115 = arith.constant 48 : index
        %get3A_1116 = tpu.vector_load %arg7[%get3A_1114, %get3A_1115] {strides = array<i32>} : memref<400x64xf32, #tpu.memory_space<vmem>>, vector<1x16xf32>,
        %get3A_1117 = vector.shape_cast %get3A_1116 : vector<1x16xf32> to vector<16xf32>
        %add3A_1118 = arith.addf %add3A_1082, %get3A_1117 : vector<16xf32>
        %add3A_1119 = arith.constant 350 : i32
        %add3A_1120 = arith.addi %add3A_1119, %mul3A_1011 : i32
        %add3A_1121 = arith.constant 3 : i32
        %add3A_1122 = arith.addi %add3A_1120, %add3A_1121 : i32
        %get3A_1123 = arith.index_cast %add3A_1122 : i32 to index
        %get3A_1124 = arith.constant 0 : index
        %get3A_1125 = tpu.vector_load %arg7[%get3A_1123, %get3A_1124] {strides = array<i32>} : memref<400x64xf32, #tpu.memory_space<vmem>>, vector<1x16xf32>,
        %get3A_1126 = vector.shape_cast %get3A_1125 : vector<1x16xf32> to vector<16xf32>
        %add3A_1127 = arith.addf %add3A_1091, %get3A_1126 : vector<16xf32>
        %add3A_1128 = arith.constant 350 : i32
        %add3A_1129 = arith.addi %add3A_1128, %mul3A_1011 : i32
        %add3A_1130 = arith.constant 3 : i32
        %add3A_1131 = arith.addi %add3A_1129, %add3A_1130 : i32
        %get3A_1132 = arith.index_cast %add3A_1131 : i32 to index
        %get3A_1133 = arith.constant 16 : index
        %get3A_1134 = tpu.vector_load %arg7[%get3A_1132, %get3A_1133] {strides = array<i32>} : memref<400x64xf32, #tpu.memory_space<vmem>>, vector<1x16xf32>,
        %get3A_1135 = vector.shape_cast %get3A_1134 : vector<1x16xf32> to vector<16xf32>
        %add3A_1136 = arith.addf %add3A_1100, %get3A_1135 : vector<16xf32>
        %add3A_1137 = arith.constant 350 : i32
        %add3A_1138 = arith.addi %add3A_1137, %mul3A_1011 : i32
        %add3A_1139 = arith.constant 3 : i32
        %add3A_1140 = arith.addi %add3A_1138, %add3A_1139 : i32
        %get3A_1141 = arith.index_cast %add3A_1140 : i32 to index
        %get3A_1142 = arith.constant 32 : index
        %get3A_1143 = tpu.vector_load %arg7[%get3A_1141, %get3A_1142] {strides = array<i32>} : memref<400x64xf32, #tpu.memory_space<vmem>>, vector<1x16xf32>,
        %get3A_1144 = vector.shape_cast %get3A_1143 : vector<1x16xf32> to vector<16xf32>
        %add3A_1145 = arith.addf %add3A_1109, %get3A_1144 : vector<16xf32>
        %add3A_1146 = arith.constant 350 : i32
        %add3A_1147 = arith.addi %add3A_1146, %mul3A_1011 : i32
        %add3A_1148 = arith.constant 3 : i32
        %add3A_1149 = arith.addi %add3A_1147, %add3A_1148 : i32
        %get3A_1150 = arith.index_cast %add3A_1149 : i32 to index
        %get3A_1151 = arith.constant 48 : index
        %get3A_1152 = tpu.vector_load %arg7[%get3A_1150, %get3A_1151] {strides = array<i32>} : memref<400x64xf32, #tpu.memory_space<vmem>>, vector<1x16xf32>,
        %get3A_1153 = vector.shape_cast %get3A_1152 : vector<1x16xf32> to vector<16xf32>
        %add3A_1154 = arith.addf %add3A_1118, %get3A_1153 : vector<16xf32>
        %add3A_1155 = arith.constant 350 : i32
        %add3A_1156 = arith.addi %add3A_1155, %mul3A_1011 : i32
        %add3A_1157 = arith.constant 4 : i32
        %add3A_1158 = arith.addi %add3A_1156, %add3A_1157 : i32
        %get3A_1159 = arith.index_cast %add3A_1158 : i32 to index
        %get3A_1160 = arith.constant 0 : index
        %get3A_1161 = tpu.vector_load %arg7[%get3A_1159, %get3A_1160] {strides = array<i32>} : memref<400x64xf32, #tpu.memory_space<vmem>>, vector<1x16xf32>,
        %get3A_1162 = vector.shape_cast %get3A_1161 : vector<1x16xf32> to vector<16xf32>
        %add3A_1163 = arith.addf %add3A_1127, %get3A_1162 : vector<16xf32>
        %add3A_1164 = arith.constant 350 : i32
        %add3A_1165 = arith.addi %add3A_1164, %mul3A_1011 : i32
        %add3A_1166 = arith.constant 4 : i32
        %add3A_1167 = arith.addi %add3A_1165, %add3A_1166 : i32
        %get3A_1168 = arith.index_cast %add3A_1167 : i32 to index
        %get3A_1169 = arith.constant 16 : index
        %get3A_1170 = tpu.vector_load %arg7[%get3A_1168, %get3A_1169] {strides = array<i32>} : memref<400x64xf32, #tpu.memory_space<vmem>>, vector<1x16xf32>,
        %get3A_1171 = vector.shape_cast %get3A_1170 : vector<1x16xf32> to vector<16xf32>
        %add3A_1172 = arith.addf %add3A_1136, %get3A_1171 : vector<16xf32>
        %add3A_1173 = arith.constant 350 : i32
        %add3A_1174 = arith.addi %add3A_1173, %mul3A_1011 : i32
        %add3A_1175 = arith.constant 4 : i32
        %add3A_1176 = arith.addi %add3A_1174, %add3A_1175 : i32
        %get3A_1177 = arith.index_cast %add3A_1176 : i32 to index
        %get3A_1178 = arith.constant 32 : index
        %get3A_1179 = tpu.vector_load %arg7[%get3A_1177, %get3A_1178] {strides = array<i32>} : memref<400x64xf32, #tpu.memory_space<vmem>>, vector<1x16xf32>,
        %get3A_1180 = vector.shape_cast %get3A_1179 : vector<1x16xf32> to vector<16xf32>
        %add3A_1181 = arith.addf %add3A_1145, %get3A_1180 : vector<16xf32>
        %add3A_1182 = arith.constant 350 : i32
        %add3A_1183 = arith.addi %add3A_1182, %mul3A_1011 : i32
        %add3A_1184 = arith.constant 4 : i32
        %add3A_1185 = arith.addi %add3A_1183, %add3A_1184 : i32
        %get3A_1186 = arith.index_cast %add3A_1185 : i32 to index
        %get3A_1187 = arith.constant 48 : index
        %get3A_1188 = tpu.vector_load %arg7[%get3A_1186, %get3A_1187] {strides = array<i32>} : memref<400x64xf32, #tpu.memory_space<vmem>>, vector<1x16xf32>,
        %get3A_1189 = vector.shape_cast %get3A_1188 : vector<1x16xf32> to vector<16xf32>
        %add3A_1190 = arith.addf %add3A_1154, %get3A_1189 : vector<16xf32>
        scf.yield %add3A_1163, %add3A_1172, %add3A_1181, %add3A_1190 : vector<16xf32>, vector<16xf32>, vector<16xf32>, vector<16xf32>
      }
      %scan3A_963 = arith.constant 10 : i32
      %mul3A_964 = arith.constant 2.000000e-02 : f32
      %mul3A_965 = vector.broadcast %mul3A_964 : f32 to vector<16xf32>
      %mul3A_966 = arith.mulf %scan3A_962#0, %mul3A_965 : vector<16xf32>
      %swap3A_967 = arith.constant 7 : i32
      %swap3A_968 = arith.index_cast %swap3A_967 : i32 to index
      %swap3A_969 = arith.constant 0 : index
      %swap3A_970 = tpu.vector_load %arg8[%swap3A_968, %swap3A_969] {strides = array<i32>} : memref<8x64xf32, #tpu.memory_space<vmem>>, vector<1x16xf32>,
      %swap3A_971 = vector.shape_cast %swap3A_970 : vector<1x16xf32> to vector<16xf32>
      %swap3A_972 = vector.shape_cast %mul3A_966 : vector<16xf32> to vector<1x16xf32>
      tpu.vector_store %arg8[%swap3A_968, %swap3A_969], %swap3A_972 {strides = array<i32>} : memref<8x64xf32, #tpu.memory_space<vmem>>, vector<1x16xf32>,
      %mul3A_973 = arith.constant 2.000000e-02 : f32
      %mul3A_974 = vector.broadcast %mul3A_973 : f32 to vector<16xf32>
      %mul3A_975 = arith.mulf %scan3A_962#1, %mul3A_974 : vector<16xf32>
      %swap3A_976 = arith.constant 7 : i32
      %swap3A_977 = arith.index_cast %swap3A_976 : i32 to index
      %swap3A_978 = arith.constant 16 : index
      %swap3A_979 = tpu.vector_load %arg8[%swap3A_977, %swap3A_978] {strides = array<i32>} : memref<8x64xf32, #tpu.memory_space<vmem>>, vector<1x16xf32>,
      %swap3A_980 = vector.shape_cast %swap3A_979 : vector<1x16xf32> to vector<16xf32>
      %swap3A_981 = vector.shape_cast %mul3A_975 : vector<16xf32> to vector<1x16xf32>
      tpu.vector_store %arg8[%swap3A_977, %swap3A_978], %swap3A_981 {strides = array<i32>} : memref<8x64xf32, #tpu.memory_space<vmem>>, vector<1x16xf32>,
      %mul3A_982 = arith.constant 2.000000e-02 : f32
      %mul3A_983 = vector.broadcast %mul3A_982 : f32 to vector<16xf32>
      %mul3A_984 = arith.mulf %scan3A_962#2, %mul3A_983 : vector<16xf32>
      %swap3A_985 = arith.constant 7 : i32
      %swap3A_986 = arith.index_cast %swap3A_985 : i32 to index
      %swap3A_987 = arith.constant 32 : index
      %swap3A_988 = tpu.vector_load %arg8[%swap3A_986, %swap3A_987] {strides = array<i32>} : memref<8x64xf32, #tpu.memory_space<vmem>>, vector<1x16xf32>,
      %swap3A_989 = vector.shape_cast %swap3A_988 : vector<1x16xf32> to vector<16xf32>
      %swap3A_990 = vector.shape_cast %mul3A_984 : vector<16xf32> to vector<1x16xf32>
      tpu.vector_store %arg8[%swap3A_986, %swap3A_987], %swap3A_990 {strides = array<i32>} : memref<8x64xf32, #tpu.memory_space<vmem>>, vector<1x16xf32>,
      %mul3A_991 = arith.constant 2.000000e-02 : f32
      %mul3A_992 = vector.broadcast %mul3A_991 : f32 to vector<16xf32>
      %mul3A_993 = arith.mulf %scan3A_962#3, %mul3A_992 : vector<16xf32>
      %swap3A_994 = arith.constant 7 : i32
      %swap3A_995 = arith.index_cast %swap3A_994 : i32 to index
      %swap3A_996 = arith.constant 48 : index
      %swap3A_997 = tpu.vector_load %arg8[%swap3A_995, %swap3A_996] {strides = array<i32>} : memref<8x64xf32, #tpu.memory_space<vmem>>, vector<1x16xf32>,
      %swap3A_998 = vector.shape_cast %swap3A_997 : vector<1x16xf32> to vector<16xf32>
      %swap3A_999 = vector.shape_cast %mul3A_993 : vector<16xf32> to vector<1x16xf32>
      tpu.vector_store %arg8[%swap3A_995, %swap3A_996], %swap3A_999 {strides = array<i32>} : memref<8x64xf32, #tpu.memory_space<vmem>>, vector<1x16xf32>,
      %mul3A_1000 = arith.constant 128 : i32
      %mul3A_1001 = arith.muli %add3A, %mul3A_1000 : i32
      %mul3A_1002 = arith.constant 8 : i32
      %mul3A_1003 = arith.muli %add3A_77, %mul3A_1002 : i32
      %add3A_1004 = arith.addi %mul3A_1001, %mul3A_1003 : i32
      "tpu.region"() ({
        %run_scoped3A = tpu.sem_alloc : memref<!tpu.dma_semaphore, #tpu.memory_space<semaphore_mem>>
        %dma_start3A_1005 = arith.constant 0 : i32
        %dma_start3A_1006 = tpu.memref_slice %arg4[%add3A_1004, %dma_start3A_1005] : memref<4096x64xf32, #tpu.memory_space<hbm>> -> memref<8x64xf32, #tpu.memory_space<hbm>>
        %dma_start3A_1007 = arith.constant 0 : i32
        %dma_start3A_1008 = tpu.memref_slice %arg4[%add3A_1004, %dma_start3A_1007] : memref<4096x64xf32, #tpu.memory_space<hbm>> -> memref<8x64xf32, #tpu.memory_space<hbm>>
        tpu.enqueue_dma source(%arg8 : memref<8x64xf32, #tpu.memory_space<vmem>>) target(%dma_start3A_1008 : memref<8x64xf32, #tpu.memory_space<hbm>>) target_semaphore(%run_scoped3A : memref<!tpu.dma_semaphore, #tpu.memory_space<semaphore_mem>>)
        %dma_wait3A_1009 = arith.constant 0 : i32
        %dma_wait3A_1010 = tpu.memref_slice %arg4[%add3A_1004, %dma_wait3A_1009] : memref<4096x64xf32, #tpu.memory_space<hbm>> -> memref<8x64xf32, #tpu.memory_space<hbm>>
        %dma_wait3A_1011 = arith.constant 0 : i32
        %dma_wait3A_1012 = tpu.memref_slice %arg4[%add3A_1004, %dma_wait3A_1011] : memref<4096x64xf32, #tpu.memory_space<hbm>> -> memref<8x64xf32, #tpu.memory_space<hbm>>
        tpu.wait_dma2 semaphore(%run_scoped3A : memref<!tpu.dma_semaphore, #tpu.memory_space<semaphore_mem>>) src(%arg8 : memref<8x64xf32, #tpu.memory_space<vmem>>) dst(%dma_wait3A_1012 : memref<8x64xf32, #tpu.memory_space<hbm>>)
        tpu.yield
      }) : () -> ()
    }
    %scan3A_70 = arith.constant 8 : i32
    return
  }
}

</mosaic_0001>

<sc_bundles>
// kernel: kernel.3.cloned.1.call-start
scs
__scs_entry_jumppad:
0x0: {  	(pc) =	sbr.rel $0x88, $3  }
0x1: {  	(tag) =	ssettag $0x0;
	lr =	simm.s32 $0x1  }
0x2: {  	[smem:$0x3F9F] =	sst lr;
	_ =	strace $0xD0000000  }
0x3: {  	_ = 	snop  }
0x4: {  	_ = 	snop  }
0x5: {  	_ = 	snop  }
0x6: {  	_ = 	snop  }
0x7: {  	_ = 	snop  }
__scs_overlays_trampoline_lowered:
0x8: {  	[smem:$0x3FAE] =	sst s0  }
0x9: {  	[smem:$0x3FAF] =	sst s1  }
0xa: {  	[smem:$0x3FB0] =	sst s2  }
0xb: {  	[smem:$0x3FB1] =	sst s3  }
0xc: {  	[smem:$0x3FB2] =	sst s4  }
0xd: {  	[smem:$0x3FB3] =	sst s5  }
0xe: {  	[smem:$0x3FB4] =	sst s6  }
0xf: {  	[smem:$0x3FB5] =	sst s7  }
0x10: {  	[smem:$0x3FB6] =	sst s8  }
0x11: {  	[smem:$0x3FB7] =	sst s9;
	s0 =	simm.s32 @!p0 $0x0  }
0x12: {  	s1 =	sld [smem:$0x3F9D];
	s0 =	simm.s32 @p0 $0x1  }
0x13: {  	[smem:$0x3FB8] =	sst s0;
	s0 =	simm.s32 @!p1 $0x0  }
0x14: {  	s2 =	sld [smem:$0x3F9C];
	s0 =	simm.s32 @p1 $0x1  }
0x15: {  	[smem:$0x3FB9] =	sst s0;
	s0 =	simm.s32 @!p2 $0x0  }
0x16: {  	s3 =	sld [smem:$0x3FDB];
	s0 =	simm.s32 @p2 $0x1  }
0x17: {  	s4 =	simm.s32 $0x1BF5;
	[smem:$0x3FBB] =	sst s0  }
0x18: {  	s0 =	sld [smem:$0x3F9E];
	_ =	swait.ge [sflag:s4], $0x0  }
0x19: {  	s7 =	sld [smem:$0x3F9F]  }
0x1a: {  	s8 =	sadd.s32 $0xFFFFE003, lr  }
0x1b: {  	s9 =	sadd.s32 $0xFFFFFEF7, lr;
	s5 =	simm.s32 $0xFFFFFFFF;
	p2 =	slt.u32 s8, $0xFFFFF086  }
0x1c: {  	p1 =	slt.u32 s9, $0xF7A;
	s5 =	simm.s32 @!p2 $0x0  }
0x1d: {  	s5 =	simm.s32 @p1 $0x1;
	p0 =	seq.s32 s7, s2  }
0x1e: {  	s7 =	smul.u32 @!p0 $0xF7A, s2;
	p2 =	seq.s32 @!p0 s5, $0x0  }
0x1f: {  	s9 =	smul.u32 $0xF7A, s1;
	s8 =	simm.s32 @!p0 $0x1BF5;
	p2 =	por !p2, p0  }
0x20: {  	[sflag:s8] =	ssyncset.s32 @!p0 $0xFFFFF086;
	s6 =	sadd.s32 @!p0 s3, s7;
	s7 =	simm.s32 @!p0 $0x108  }
0x21: {  	s3 =	sadd.s32 s3, s9;
	s6 =	sadd.s32 @!p0 $0x88, s6;
	s7 =	simm.s32 @p2 $0x1082  }
0x22: {  	[simem:s7], [sflag:s8] =	dma.local @!p0 [hbm:s6], $0xF7A  }
0x23: {  	s9 =	sor.u32 $0xD0000000, s2;
	s6 =	simm.s32 $0x108;
	_ =	swait.ge @!p0 [sflag:s8], $0x0  }
0x24: {  	s3 =	sadd.s32 $0x88, s3;
	s6 =	simm.s32 @!p1 $0x1082;
	[sflag:s4] =	ssyncset.s32 $0xFFFFF086  }
0x25: {  	[simem:s6], [sflag:s4] =	dma.local [hbm:s3], $0xF7A  }
0x26: {  	[smem:$0x3F9F] =	sst s1;
	(tag) =	ssettag s2;
	_ =	strace s9  }
0x27: {  	s1 =	sld [smem:$0x3FAF]  }
0x28: {  	s2 =	sld [smem:$0x3FB0]  }
0x29: {  	s4 =	sld [smem:$0x3FB2]  }
0x2a: {  	p0 =	seq.s32 s5, $0x0;
	s5 =	sld [smem:$0x3FB3]  }
0x2b: {  	s6 =	sld [smem:$0x3FB4]  }
0x2c: {  	s7 =	sld [smem:$0x3FB5]  }
0x2d: {  	s3 =	simm.s32 $0x108;
	s8 =	sld [smem:$0x3FB6]  }
0x2e: {  	s3 =	simm.s32 @!p0 $0x1082;
	s9 =	sld [smem:$0x3FB7]  }
0x2f: {  	lr =	sadd.s32 s0, s3;
	s0 =	sld [smem:$0x3FAE]  }
0x30: {  	s3 =	sld [smem:$0x3FB1]  }
0x31: {  	[smem:$0x3FBA] =	sst s10  }
0x32: {  	s10 =	sld [smem:$0x3FB8];
	_ =	sdelay $0x3  }
0x33: {  	p0 =	seq.s32 s10, $0x1;
	s10 =	sld [smem:$0x3FBA];
	_ =	sdelay $0x3  }
0x34: {  	[smem:$0x3FBA] =	sst s10  }
0x35: {  	s10 =	sld [smem:$0x3FB9];
	_ =	sdelay $0x3  }
0x36: {  	p1 =	seq.s32 s10, $0x1;
	s10 =	sld [smem:$0x3FBA];
	_ =	sdelay $0x3  }
0x37: {  	[smem:$0x3FBA] =	sst s10  }
0x38: {  	s10 =	sld [smem:$0x3FBB]  }
0x39: {  	_ = 	snop;
	(pc) =	sbr.ind lr, $3  }
0x3a: {  	_ = 	snop  }
0x3b: {  	_ = 	snop  }
0x3c: {  	p2 =	seq.s32 s10, $0x1;
	s10 =	sld [smem:$0x3FBA]  }
0x3d: {  	_ =	shalt  }
0x3e: {  	_ =	shalt  }
0x3f: {  	_ =	shalt  }
0x40: {  	_ =	shalt  }
0x41: {  	_ =	shalt  }
0x42: {  	_ =	shalt  }
0x43: {  	_ =	shalt  }
0x44: {  	_ =	shalt  }
0x45: {  	_ =	shalt  }
0x46: {  	_ =	shalt  }
0x47: {  	_ =	shalt  }
0x48: {  	_ =	shalt  }
0x49: {  	_ =	shalt  }
0x4a: {  	_ =	shalt  }
0x4b: {  	_ =	shalt  }
0x4c: {  	_ =	shalt  }
0x4d: {  	_ =	shalt  }
0x4e: {  	_ =	shalt  }
0x4f: {  	_ =	shalt  }
0x50: {  	_ =	shalt  }
0x51: {  	_ =	shalt  }
0x52: {  	_ =	shalt  }
0x53: {  	_ =	shalt  }
0x54: {  	_ =	shalt  }
0x55: {  	_ =	shalt  }
0x56: {  	_ =	shalt  }
0x57: {  	_ =	shalt  }
0x58: {  	_ =	shalt  }
0x59: {  	_ =	shalt  }
0x5a: {  	_ =	shalt  }
0x5b: {  	_ =	shalt  }
0x5c: {  	_ =	shalt  }
0x5d: {  	_ =	shalt  }
0x5e: {  	_ =	shalt  }
0x5f: {  	_ =	shalt  }
0x60: {  	_ =	shalt  }
0x61: {  	_ =	shalt  }
0x62: {  	_ =	shalt  }
0x63: {  	_ =	shalt  }
0x64: {  	_ =	shalt  }
0x65: {  	_ =	shalt  }
0x66: {  	_ =	shalt  }
0x67: {  	_ =	shalt  }
0x68: {  	_ =	shalt  }
0x69: {  	_ =	shalt  }
0x6a: {  	_ =	shalt  }
0x6b: {  	_ =	shalt  }
0x6c: {  	_ =	shalt  }
0x6d: {  	_ =	shalt  }
0x6e: {  	_ =	shalt  }
0x6f: {  	_ =	shalt  }
0x70: {  	_ =	shalt  }
0x71: {  	_ =	shalt  }
0x72: {  	_ =	shalt  }
0x73: {  	_ =	shalt  }
0x74: {  	_ =	shalt  }
0x75: {  	_ =	shalt  }
0x76: {  	_ =	shalt  }
0x77: {  	_ =	shalt  }
0x78: {  	_ =	shalt  }
0x79: {  	_ =	shalt  }
0x7a: {  	_ =	shalt  }
0x7b: {  	_ =	shalt  }
0x7c: {  	_ =	shalt  }
0x7d: {  	_ =	shalt  }
0x7e: {  	_ =	shalt  }
0x7f: {  	_ =	shalt  }
0x80: {  	_ =	shalt  }
0x81: {  	_ =	shalt  }
0x82: {  	_ =	shalt  }
0x83: {  	_ =	shalt  }
0x84: {  	_ =	shalt  }
0x85: {  	_ =	shalt  }
0x86: {  	_ =	shalt  }
0x87: {  	_ =	shalt  }
.Lfunc_end0:
.L_simem_size_0:
called_computation_lowered:
.L_overlay_start_0:
0x88: {  	s2 =	sld [smem:$0x3FD9]  }
0x89: {  	s3 =	sld [smem:$0x3FFE];
	_ =	sdelay $0x1  }
0x8a: {  	s1 =	srdreg.scid  }
0x8b: {  	s0 =	sand.u32 $0x1, s1  }
0x8c: {  	s17 =	sshll.u32 s0, $0xA;
	s2 =	sadd.s32 s3, s2  }
0x8d: {  	s2 =	sadd.s32 s2, s17  }
0x8e: {  	[smem:$0x3FC6] =	sst s2  }
0x8f: {  	_ = 	snop  }
0x90: {  	s2 =	sld [smem:$0x3FD0];
	(tm) =	ssettm $0x1  }
0x91: {  	s18 =	sld [smem:$0x3FFB];
	_ =	sdelay $0x3  }
0x92: {  	_ =	strace s18  }
0x93: {  	s3 =	sld [smem:$0x3FFC];
	_ =	sdelay $0x3  }
0x94: {  	_ =	strace s3  }
0x95: {  	s3 =	sld [smem:$0x3FFD];
	_ =	sdelay $0x3  }
0x96: {  	_ =	strace s3  }
0x97: {  	_ =	strace $0x8FFFFFFF  }
0x98: {  	s19 =	sld [smem:$0x3FDB];
	_ =	sdelay $0x1  }
0x99: {  	s4 =	simm.s32 $_scs_section_size  }
0x9a: {  	s5 =	simm.s32 $_size__tile_overlayer_lowered;
	s6 =	simm.s32 $_tile_overlayer_lowered  }
0x9b: {  	s22 =	simm.s32 $0x1BFF;
	s21 =	sshll.u32 s6, $0x1;
	s3 =	sadd.s32 s4, s19  }
0x9c: {  	s7 =	simm.s32 $0x0;
	s20 =	sshll.u32 s5, $0x1;
	s5 =	sadd.s32 s21, s3  }
0x9d: {  	[timem:s7], [sflag:s22] =	dma.local [hbm:s5], s20  }
0x9e: {  	_ =	swait.ge [sflag:s22], s20  }
0x9f: {  	s4 =	ssub.s32 $0x0, s20;
	[sflag:s22] =	ssyncset.done $0x0  }
0xa0: {  	[sflag:s22] =	ssyncadd.s32 s4;
	_ =	sdelay $0x1  }
0xa1: {  	s23 =	simm.s32 $0x1B8B  }
0xa2: {  	_ =	swait.ge [sflag:s23], $0x1  }
0xa3: {  	[sflag:s23] =	ssyncset.done $0x0  }
0xa4: {  	s25 =	simm.s32 $0x1B8E;
	s24 =	sld [smem:$0x3FFE];
	[sflag:s23] =	ssyncadd.s32 $0xFFFFFFFF  }
0xa5: {  	s26 =	simm.s32 $execute0_lowered;
	[smem:$0x3FD2] =	sst s25  }
0xa6: {  	s5 =	sshll.u32 s26, $0x1;
	_ =	strace $0x80000046;
	[dreg:$0x1] =	wrdreg $0xFFFFFFFF  }
0xa7: {  	s28 =	simm.s32 $_size_execute0_lowered;
	s3 =	sadd.s32 s3, s5;
	[dreg:$0x0] =	wrdreg $0x0  }
0xa8: {  	s5 =	sshll.u32 s28, $0x1;
	[dreg:$0x2] =	wrdreg s3  }
0xa9: {  	[dreg:$0x3] =	wrdreg s5  }
0xaa: {  	[dreg:$0x4] =	wrdreg $0xC0  }
0xab: {  	_ =	task [dreg:s7], $0x5FFFF  }
0xac: {  	[dreg:$0x1] =	wrdreg $0xFFFFFFFF  }
0xad: {  	[dreg:$0x0] =	wrdreg $0x60  }
0xae: {  	[dreg:$0x2] =	wrdreg s2  }
0xaf: {  	[dreg:$0x3] =	wrdreg s24  }
0xb0: {  	[dreg:$0x4] =	wrdreg $0x9  }
0xb1: {  	_ =	task.clear_ibuf [dreg:s7], $0x5FFFF;
	_ =	strace $0x90000046  }
0xb2: {  	s29 =	simm.s32 $0x9;
	_ =	strace $0x80000048  }
0xb3: {  	_ =	swait.ge [sflag:s29], $0x1  }
0xb4: {  	[sflag:s29] =	ssyncadd.s32 $0xFFFFFFFF  }
0xb5: {  	_ =	strace $0x90000048  }
0xb6: {  	_ =	sfence  }
0xb7: {  	s30 =	sld [smem:$0x0];
	_ =	sdelay $0x2  }
0xb8: {  	s31 =	sshll.u32 s1, $0xD;
	s1 =	sshrl.u32 s1, $0x2  }
0xb9: {  	s3 =	sand.u32 $0x4000, s31;
	s1 =	sadd.s32 s1, s30  }
0xba: {  	s0 =	sor.u32 s3, s0;
	s1 =	sshll.u32 s1, $0x11  }
0xbb: {  	s0 =	sor.u32 s1, s0  }
0xbc: {  	s0 =	sadd.s32 $0x8F2B, s0  }
0xbd: {  	[sflag:s0] =	ssyncadd.remote.s32 $0x1  }
0xbe: {  	_ =	sfence.sel $0xFFFF  }
0xbf: {  	[dreg:$0x0] =	wrdreg $0xFFFFFFFF;
	(pc) =	sbr.abs _section_cstart, $3  }
0xc0: {  	[dreg:$0x1] =	wrdreg $0xFFFFFFFF  }
0xc1: {  	_ =	task.clear_ibuf [dreg:s7], $0x2FFFF;
	_ =	strace $0x9FFFFFFF  }
0xc2: {  	(tm) =	ssettm $0x7FFFFFFF  }
0xc3: {  	_ =	shalt  }
tec
execute0_lowered:
.L_overlay_start_1:
0x0: {  	(tag) =	ssettag $0x1  }
0x1: {  	s0 =	rddreg [dreg:$0x0]  }
0x2: {  	s1 =	rddreg [dreg:$0x1];
	s3 =	srdreg.scid  }
0x3: {  	s2 =	simm.s32 $0x0;
	s4 =	stileid.u32;
	s7 =	simm.s32 $0x3  }
0x4: {  	s8 =	simm.s32 $0x32;
	s18 =	simm.s32 $0x140;
	s19 =	simm.s32 $0x5E80  }
0x5: {  	s20 =	simm.s32 $0x180;
	s21 =	simm.s32 $0x6B00;
	s22 =	simm.s32 $0x1C0  }
0x6: {  	s23 =	simm.s32 $0x7780;
	s24 =	simm.s32 $0x8400;
	s25 =	simm.s32 $0x9080  }
0x7: {  	s28 =	simm.s32 $0xA980;
	s29 =	simm.s32 $0xB600;
	s30 =	simm.s32 $0xC280  }
0x8: {  	s31 =	simm.s32 $0xCF00;
	s9 =	simm.s32 $0xE800;
	s10 =	simm.s32 $0x2  }
0x9: {  	s11 =	simm.s32 $0x0;
	s3 =	sand.u32 $0x1, s3;
	[smem:$0x7FF] =	sst s2  }
0xa: {  	s4 =	sshll.u32 s4, $0xB;
	s5 =	sshll.u32 s3, $0xA;
	s26 =	ssub.s32 $0x2, s3  }
0xb: {  	_ =	strace $0x80000047;
	s4 =	sor.u32 s5, s4;
	s6 =	sshrl.u32 s26, $0x1  }
0xc: {  	s3 =	sadd.s32 $0x187000, s1;
	s1 =	sadd.s32 s4, s1;
	s6 =	ssub.s32 s26, s6  }
0xd: {  	s4 =	sadd.s32 s0, s4;
	s26 =	simm.s32 $0x9D00;
	s0 =	simm.s32 $0xDB80  }
0xe: {  	s5 =	sadd.s32 $0x600, s1;
	s6 =	smax.u32 s6, $0x1;
	s1 =	simm.s32 $0x1  }
.LBB2_1:
0xf: {  	[tilespmem:s2], [sflag:$0x3] =	stream.linear.gather [hbm4b:s4+s2], $0x2000, $0x38;
	[tilespmem:$0xEA00] =	vst v63  }
0x10: {  	_ =	swait.ge [sflag:s7], $0x2000  }
0x11: {  	[sflag:s7] =	ssyncset.done $0x0  }
0x12: {  	s12 =	simm.s32 $0x2000;
	[sflag:s7] =	ssyncadd.s32 $0xFFFFE000  }
0x13: {  	[tilespmem:s12], [sflag:$0x1] =	stream.indirect.gather [hbm4b:s3+s8], $0x40, s2, s8, $0xb8;
	[tilespmem:$0xEA00] =	vst v63  }
0x14: {  	s15 =	simm.s32 $0x40;
	s13 =	simm.s32 $0x2C80  }
0x15: {  	[tilespmem:s13], [sflag:$0x1] =	stream.indirect.gather [hbm4b:s3+s8], $0x40, s15, s8, $0xb8;
	[tilespmem:$0xEA00] =	vst v63  }
0x16: {  	s16 =	simm.s32 $0x80;
	s17 =	simm.s32 $0x3900  }
0x17: {  	[tilespmem:s17], [sflag:$0x1] =	stream.indirect.gather [hbm4b:s3+s8], $0x40, s16, s8, $0xb8;
	[tilespmem:$0xEA00] =	vst v63  }
0x18: {  	s14 =	simm.s32 $0xC0;
	s15 =	simm.s32 $0x4580  }
0x19: {  	[tilespmem:s15], [sflag:$0x1] =	stream.indirect.gather [hbm4b:s3+s8], $0x40, s14, s8, $0xb8;
	[tilespmem:$0xEA00] =	vst v63  }
0x1a: {  	s16 =	simm.s32 $0x100;
	s17 =	simm.s32 $0x5200  }
0x1b: {  	[tilespmem:s17], [sflag:$0x1] =	stream.indirect.gather [hbm4b:s3+s8], $0x40, s16, s8, $0xb8;
	[tilespmem:$0xEA00] =	vst v63  }
0x1c: {  	_ = 	snop  }
0x1d: {  	[tilespmem:s19], [sflag:$0x1] =	stream.indirect.gather [hbm4b:s3+s8], $0x40, s18, s8, $0xb8;
	[tilespmem:$0xEA00] =	vst v63  }
0x1e: {  	_ = 	snop  }
0x1f: {  	[tilespmem:s21], [sflag:$0x1] =	stream.indirect.gather [hbm4b:s3+s8], $0x40, s20, s8, $0xb8;
	[tilespmem:$0xEA00] =	vst v63  }
0x20: {  	s12 =	simm.s32 $0x0  }
0x21: {  	[tilespmem:s23], [sflag:$0x1] =	stream.indirect.gather [hbm4b:s3+s8], $0x40, s22, s8, $0xb8;
	[tilespmem:$0xEA00] =	vst v63  }
.LBB2_2:
0x22: {  	s13 =	sshllo.u32 s12, $0x1  }
0x23: {  	s14 =	sshll.u32 s13, $0x9  }
0x24: {  	s14 =	sand.u32 $0x3FFFFE00, s14  }
0x25: {  	[tilespmem:s24], [sflag:$0x2] =	stream.indirect.gather [hbm4b:s3+s8], $0x40, s14, s8, $0xb8;
	[tilespmem:$0xEA00] =	vst v63  }
0x26: {  	s15 =	sor.u32 $0x40, s14  }
0x27: {  	[tilespmem:s25], [sflag:$0x2] =	stream.indirect.gather [hbm4b:s3+s8], $0x40, s15, s8, $0xb8;
	[tilespmem:$0xEA00] =	vst v63  }
0x28: {  	s17 =	sor.u32 $0x80, s14  }
0x29: {  	[tilespmem:s26], [sflag:$0x2] =	stream.indirect.gather [hbm4b:s3+s8], $0x40, s17, s8, $0xb8;
	[tilespmem:$0xEA00] =	vst v63  }
0x2a: {  	s16 =	sor.u32 $0xC0, s14  }
0x2b: {  	[tilespmem:s28], [sflag:$0x2] =	stream.indirect.gather [hbm4b:s3+s8], $0x40, s16, s8, $0xb8;
	[tilespmem:$0xEA00] =	vst v63  }
0x2c: {  	s17 =	sor.u32 $0x100, s14  }
0x2d: {  	[tilespmem:s29], [sflag:$0x2] =	stream.indirect.gather [hbm4b:s3+s8], $0x40, s17, s8, $0xb8;
	[tilespmem:$0xEA00] =	vst v63  }
0x2e: {  	s16 =	sor.u32 $0x140, s14  }
0x2f: {  	[tilespmem:s30], [sflag:$0x2] =	stream.indirect.gather [hbm4b:s3+s8], $0x40, s16, s8, $0xb8;
	[tilespmem:$0xEA00] =	vst v63  }
0x30: {  	s17 =	sor.u32 $0x180, s14  }
0x31: {  	[tilespmem:s31], [sflag:$0x2] =	stream.indirect.gather [hbm4b:s3+s8], $0x40, s17, s8, $0xb8;
	[tilespmem:$0xEA00] =	vst v63  }
0x32: {  	s14 =	sor.u32 $0x1C0, s14  }
0x33: {  	[tilespmem:s0], [sflag:$0x2] =	stream.indirect.gather [hbm4b:s3+s8], $0x40, s14, s8, $0xb8;
	[tilespmem:$0xEA00] =	vst v63  }
0x34: {  	_ =	swait.ge [sflag:s1], $0x6400  }
0x35: {  	[sflag:s1] =	ssyncset.done $0x0  }
0x36: {  	s14 =	simm.s32 $0x0;
	[sflag:s1] =	ssyncadd.s32 $0xFFFF9C00  }
0x37: {  	v0 =	vld [tilespmem:s14+$0x2100]  }
0x38: {  	v1 =	vld [tilespmem:s14+$0x2110]  }
0x39: {  	v2 =	vld [tilespmem:s14+$0x20C0]  }
0x3a: {  	v3 =	vld [tilespmem:s14+$0x20D0]  }
0x3b: {  	v4 =	vld [tilespmem:s14+$0x2080]  }
0x3c: {  	v5 =	vld [tilespmem:s14+$0x2090]  }
0x3d: {  	v6 =	vld [tilespmem:s14+$0x2040]  }
0x3e: {  	v7 =	vld [tilespmem:s14+$0x2050]  }
0x3f: {  	v13 =	vld [tilespmem:s14+$0x2000]  }
0x40: {  	v8 =	vimm.f32 $0.0e+00;
	v14 =	vld [tilespmem:s14+$0x2010]  }
0x41: {  	v11 =	vimm.f32 $0.0e+00;
	v10 =	vimm.f32 $0.0e+00;
	v9 =	vimm.f32 $0.0e+00;
	s15 =	simm.s32 $0x500;
	v12 =	vld [tilespmem:s14+$0x2020]  }
.LBB2_3:
0x42: {  	p0 =	sne.s32 s15, $0x2D00;
	v15 =	vld [tilespmem:s14+$0x2030]  }
0x43: {  	v16 =	vld [tilespmem:s14+$0x2060]  }
0x44: {  	v17 =	vld [tilespmem:s14+$0x2070]  }
0x45: {  	v18 =	vld [tilespmem:s14+$0x20A0]  }
0x46: {  	v8 =	vadd.f32 v13, v8;
	v11 =	vadd.f32 v14, v11;
	v13 =	vld [tilespmem:s14+$0x20B0]  }
0x47: {  	v10 =	vadd.f32 v12, v10;
	v9 =	vadd.f32 v15, v9;
	v12 =	vld [tilespmem:s14+$0x20E0]  }
0x48: {  	v6 =	vadd.f32 v6, v8;
	v7 =	vadd.f32 v7, v11;
	v8 =	vld [tilespmem:s14+$0x20F0]  }
0x49: {  	v10 =	vadd.f32 v16, v10;
	v9 =	vadd.f32 v17, v9;
	v14 =	vld [tilespmem:s14+$0x2120]  }
0x4a: {  	v4 =	vadd.f32 v4, v6;
	v5 =	vadd.f32 v5, v7;
	v6 =	vld [tilespmem:s14+$0x2130];
	s14 =	sshra.s32 s15, $0x2  }
0x4b: {  	v10 =	vadd.f32 v18, v10;
	v7 =	vld [tilespmem:s14+$0x2100];
	v9 =	vadd.f32 v13, v9  }
0x4c: {  	v4 =	vadd.f32 v2, v4;
	v5 =	vadd.f32 v3, v5;
	v13 =	vld [tilespmem:s14+$0x2110]  }
0x4d: {  	v10 =	vadd.f32 v12, v10;
	v2 =	vld [tilespmem:s14+$0x20C0];
	v9 =	vadd.f32 v8, v9  }
0x4e: {  	v8 =	vadd.f32 v0, v4;
	v11 =	vadd.f32 v1, v5;
	v3 =	vld [tilespmem:s14+$0x20D0]  }
0x4f: {  	v10 =	vadd.f32 v14, v10;
	v4 =	vld [tilespmem:s14+$0x2080];
	v9 =	vadd.f32 v6, v9  }
0x50: {  	v5 =	vld [tilespmem:s14+$0x2090];
	v0 =	vmov v7  }
.Ltmp0:
0x51: {  	v6 =	vld [tilespmem:s14+$0x2040];
	v1 =	vmov v13;
	(pc) =	sbr.rel @p0 .LBB2_3-.Ltmp0, $4  }
0x52: {  	v7 =	vld [tilespmem:s14+$0x2050]  }
0x53: {  	v13 =	vld [tilespmem:s14+$0x2000]  }
0x54: {  	v14 =	vld [tilespmem:s14+$0x2010]  }
0x55: {  	s15 =	sadd.s32 $0x500, s15;
	v12 =	vld [tilespmem:s14+$0x2020]  }
0x56: {  	v15 =	vld [tilespmem:s14+$0x2030]  }
0x57: {  	v16 =	vld [tilespmem:s14+$0x2060]  }
0x58: {  	v17 =	vld [tilespmem:s14+$0x2070];
	v8 =	vadd.f32 v13, v8  }
0x59: {  	v13 =	vld [tilespmem:s14+$0x20A0];
	v11 =	vadd.f32 v14, v11  }
0x5a: {  	v14 =	vld [tilespmem:s14+$0x20B0];
	v10 =	vadd.f32 v12, v10;
	v6 =	vadd.f32 v6, v8  }
0x5b: {  	v8 =	vadd.f32 v15, v9;
	v9 =	vld [tilespmem:s14+$0x20E0];
	v7 =	vadd.f32 v7, v11  }
0x5c: {  	v11 =	vld [tilespmem:s14+$0x20F0];
	v10 =	vadd.f32 v16, v10;
	v4 =	vadd.f32 v4, v6  }
0x5d: {  	v6 =	vadd.f32 v17, v8;
	v8 =	vld [tilespmem:s14+$0x2120];
	v5 =	vadd.f32 v5, v7  }
0x5e: {  	v7 =	vld [tilespmem:s14+$0x2130];
	v10 =	vadd.f32 v13, v10;
	v2 =	vadd.f32 v2, v4  }
0x5f: {  	v4 =	vadd.f32 v14, v6;
	v3 =	vadd.f32 v3, v5  }
0x60: {  	v5 =	vadd.f32 v9, v10;
	v0 =	vadd.f32 v0, v2  }
0x61: {  	v2 =	vadd.f32 v11, v4;
	v1 =	vadd.f32 v1, v3  }
0x62: {  	v3 =	vadd.f32 v8, v5;
	v0 =	vmul.f32 $1.999999960e-02, v0  }
0x63: {  	v2 =	vadd.f32 v7, v2;
	v1 =	vmul.f32 $1.999999960e-02, v1  }
0x64: {  	[tilespmem:$0xE800] =	vst v0;
	v0 =	vmul.f32 $1.999999960e-02, v3  }
0x65: {  	[tilespmem:$0xE810] =	vst v1;
	v1 =	vmul.f32 $1.999999960e-02, v2  }
0x66: {  	[tilespmem:$0xE820] =	vst v0  }
0x67: {  	s14 =	simm.s32 $0x0;
	[tilespmem:$0xE830] =	vst v1  }
0x68: {  	v0 =	vld [tilespmem:s14+$0x2D80]  }
0x69: {  	v1 =	vld [tilespmem:s14+$0x2D90]  }
0x6a: {  	v2 =	vld [tilespmem:s14+$0x2D40]  }
0x6b: {  	v3 =	vld [tilespmem:s14+$0x2D50]  }
0x6c: {  	v4 =	vld [tilespmem:s14+$0x2D00]  }
0x6d: {  	v5 =	vld [tilespmem:s14+$0x2D10]  }
0x6e: {  	v6 =	vld [tilespmem:s14+$0x2CC0]  }
0x6f: {  	v7 =	vld [tilespmem:s14+$0x2CD0]  }
0x70: {  	v13 =	vld [tilespmem:s14+$0x2C80]  }
0x71: {  	v10 =	vimm.f32 $0.0e+00;
	v14 =	vld [tilespmem:s14+$0x2C90]  }
0x72: {  	s15 =	simm.s32 $0x500;
	v9 =	vimm.f32 $0.0e+00;
	v11 =	vimm.f32 $0.0e+00;
	v8 =	vimm.f32 $0.0e+00;
	v12 =	vld [tilespmem:s14+$0x2CA0]  }
.LBB2_5:
0x73: {  	p0 =	sne.s32 s15, $0x2D00;
	v15 =	vld [tilespmem:s14+$0x2CB0]  }
0x74: {  	v16 =	vld [tilespmem:s14+$0x2CE0]  }
0x75: {  	v17 =	vld [tilespmem:s14+$0x2CF0]  }
0x76: {  	v18 =	vld [tilespmem:s14+$0x2D20]  }
0x77: {  	v8 =	vadd.f32 v13, v8;
	v11 =	vadd.f32 v14, v11;
	v13 =	vld [tilespmem:s14+$0x2D30]  }
0x78: {  	v10 =	vadd.f32 v12, v10;
	v9 =	vadd.f32 v15, v9;
	v12 =	vld [tilespmem:s14+$0x2D60]  }
0x79: {  	v6 =	vadd.f32 v6, v8;
	v7 =	vadd.f32 v7, v11;
	v8 =	vld [tilespmem:s14+$0x2D70]  }
0x7a: {  	v10 =	vadd.f32 v16, v10;
	v9 =	vadd.f32 v17, v9;
	v14 =	vld [tilespmem:s14+$0x2DA0]  }
0x7b: {  	v4 =	vadd.f32 v4, v6;
	v5 =	vadd.f32 v5, v7;
	v6 =	vld [tilespmem:s14+$0x2DB0];
	s14 =	sshra.s32 s15, $0x2  }
0x7c: {  	v10 =	vadd.f32 v18, v10;
	v7 =	vld [tilespmem:s14+$0x2D80];
	v9 =	vadd.f32 v13, v9  }
0x7d: {  	v4 =	vadd.f32 v2, v4;
	v5 =	vadd.f32 v3, v5;
	v13 =	vld [tilespmem:s14+$0x2D90]  }
0x7e: {  	v10 =	vadd.f32 v12, v10;
	v2 =	vld [tilespmem:s14+$0x2D40];
	v9 =	vadd.f32 v8, v9  }
0x7f: {  	v8 =	vadd.f32 v0, v4;
	v11 =	vadd.f32 v1, v5;
	v3 =	vld [tilespmem:s14+$0x2D50]  }
0x80: {  	v10 =	vadd.f32 v14, v10;
	v4 =	vld [tilespmem:s14+$0x2D00];
	v9 =	vadd.f32 v6, v9  }
0x81: {  	v5 =	vld [tilespmem:s14+$0x2D10];
	v0 =	vmov v7  }
.Ltmp1:
0x82: {  	v6 =	vld [tilespmem:s14+$0x2CC0];
	v1 =	vmov v13;
	(pc) =	sbr.rel @p0 .LBB2_5-.Ltmp1, $4  }
0x83: {  	v7 =	vld [tilespmem:s14+$0x2CD0]  }
0x84: {  	v13 =	vld [tilespmem:s14+$0x2C80]  }
0x85: {  	v14 =	vld [tilespmem:s14+$0x2C90]  }
0x86: {  	s15 =	sadd.s32 $0x500, s15;
	v12 =	vld [tilespmem:s14+$0x2CA0]  }
0x87: {  	v15 =	vld [tilespmem:s14+$0x2CB0]  }
0x88: {  	v16 =	vld [tilespmem:s14+$0x2CE0]  }
0x89: {  	v17 =	vld [tilespmem:s14+$0x2CF0];
	v8 =	vadd.f32 v13, v8  }
0x8a: {  	v13 =	vld [tilespmem:s14+$0x2D20];
	v11 =	vadd.f32 v14, v11  }
0x8b: {  	v14 =	vld [tilespmem:s14+$0x2D30];
	v10 =	vadd.f32 v12, v10;
	v6 =	vadd.f32 v6, v8  }
0x8c: {  	v8 =	vadd.f32 v15, v9;
	v9 =	vld [tilespmem:s14+$0x2D60];
	v7 =	vadd.f32 v7, v11  }
0x8d: {  	v11 =	vld [tilespmem:s14+$0x2D70];
	v10 =	vadd.f32 v16, v10;
	v4 =	vadd.f32 v4, v6  }
0x8e: {  	v6 =	vadd.f32 v17, v8;
	v8 =	vld [tilespmem:s14+$0x2DA0];
	v5 =	vadd.f32 v5, v7  }
0x8f: {  	v7 =	vld [tilespmem:s14+$0x2DB0];
	v10 =	vadd.f32 v13, v10;
	v2 =	vadd.f32 v2, v4  }
0x90: {  	v4 =	vadd.f32 v14, v6;
	v3 =	vadd.f32 v3, v5  }
0x91: {  	v5 =	vadd.f32 v9, v10;
	v0 =	vadd.f32 v0, v2  }
0x92: {  	v2 =	vadd.f32 v11, v4;
	v1 =	vadd.f32 v1, v3  }
0x93: {  	v3 =	vadd.f32 v8, v5;
	v0 =	vmul.f32 $1.999999960e-02, v0  }
0x94: {  	v2 =	vadd.f32 v7, v2;
	v1 =	vmul.f32 $1.999999960e-02, v1  }
0x95: {  	[tilespmem:$0xE840] =	vst v0;
	v0 =	vmul.f32 $1.999999960e-02, v3  }
0x96: {  	[tilespmem:$0xE850] =	vst v1;
	v1 =	vmul.f32 $1.999999960e-02, v2  }
0x97: {  	[tilespmem:$0xE860] =	vst v0  }
0x98: {  	s14 =	simm.s32 $0x0;
	[tilespmem:$0xE870] =	vst v1  }
0x99: {  	v0 =	vld [tilespmem:s14+$0x3A00]  }
0x9a: {  	v1 =	vld [tilespmem:s14+$0x3A10]  }
0x9b: {  	v2 =	vld [tilespmem:s14+$0x39C0]  }
0x9c: {  	v3 =	vld [tilespmem:s14+$0x39D0]  }
0x9d: {  	v4 =	vld [tilespmem:s14+$0x3980]  }
0x9e: {  	v5 =	vld [tilespmem:s14+$0x3990]  }
0x9f: {  	v6 =	vld [tilespmem:s14+$0x3940]  }
0xa0: {  	v7 =	vld [tilespmem:s14+$0x3950]  }
0xa1: {  	v13 =	vld [tilespmem:s14+$0x3900]  }
0xa2: {  	v10 =	vimm.f32 $0.0e+00;
	v14 =	vld [tilespmem:s14+$0x3910]  }
0xa3: {  	s15 =	simm.s32 $0x500;
	v9 =	vimm.f32 $0.0e+00;
	v11 =	vimm.f32 $0.0e+00;
	v8 =	vimm.f32 $0.0e+00;
	v12 =	vld [tilespmem:s14+$0x3920]  }
.LBB2_7:
0xa4: {  	p0 =	sne.s32 s15, $0x2D00;
	v15 =	vld [tilespmem:s14+$0x3930]  }
0xa5: {  	v16 =	vld [tilespmem:s14+$0x3960]  }
0xa6: {  	v17 =	vld [tilespmem:s14+$0x3970]  }
0xa7: {  	v18 =	vld [tilespmem:s14+$0x39A0]  }
0xa8: {  	v8 =	vadd.f32 v13, v8;
	v11 =	vadd.f32 v14, v11;
	v13 =	vld [tilespmem:s14+$0x39B0]  }
0xa9: {  	v10 =	vadd.f32 v12, v10;
	v9 =	vadd.f32 v15, v9;
	v12 =	vld [tilespmem:s14+$0x39E0]  }
0xaa: {  	v6 =	vadd.f32 v6, v8;
	v7 =	vadd.f32 v7, v11;
	v8 =	vld [tilespmem:s14+$0x39F0]  }
0xab: {  	v10 =	vadd.f32 v16, v10;
	v9 =	vadd.f32 v17, v9;
	v14 =	vld [tilespmem:s14+$0x3A20]  }
0xac: {  	v4 =	vadd.f32 v4, v6;
	v5 =	vadd.f32 v5, v7;
	v6 =	vld [tilespmem:s14+$0x3A30];
	s14 =	sshra.s32 s15, $0x2  }
0xad: {  	v10 =	vadd.f32 v18, v10;
	v7 =	vld [tilespmem:s14+$0x3A00];
	v9 =	vadd.f32 v13, v9  }
0xae: {  	v4 =	vadd.f32 v2, v4;
	v5 =	vadd.f32 v3, v5;
	v13 =	vld [tilespmem:s14+$0x3A10]  }
0xaf: {  	v10 =	vadd.f32 v12, v10;
	v2 =	vld [tilespmem:s14+$0x39C0];
	v9 =	vadd.f32 v8, v9  }
0xb0: {  	v8 =	vadd.f32 v0, v4;
	v11 =	vadd.f32 v1, v5;
	v3 =	vld [tilespmem:s14+$0x39D0]  }
0xb1: {  	v10 =	vadd.f32 v14, v10;
	v4 =	vld [tilespmem:s14+$0x3980];
	v9 =	vadd.f32 v6, v9  }
0xb2: {  	v5 =	vld [tilespmem:s14+$0x3990];
	v0 =	vmov v7  }
.Ltmp2:
0xb3: {  	v6 =	vld [tilespmem:s14+$0x3940];
	v1 =	vmov v13;
	(pc) =	sbr.rel @p0 .LBB2_7-.Ltmp2, $4  }
0xb4: {  	v7 =	vld [tilespmem:s14+$0x3950]  }
0xb5: {  	v13 =	vld [tilespmem:s14+$0x3900]  }
0xb6: {  	v14 =	vld [tilespmem:s14+$0x3910]  }
0xb7: {  	s15 =	sadd.s32 $0x500, s15;
	v12 =	vld [tilespmem:s14+$0x3920]  }
0xb8: {  	v15 =	vld [tilespmem:s14+$0x3930]  }
0xb9: {  	v16 =	vld [tilespmem:s14+$0x3960]  }
0xba: {  	v17 =	vld [tilespmem:s14+$0x3970];
	v8 =	vadd.f32 v13, v8  }
0xbb: {  	v13 =	vld [tilespmem:s14+$0x39A0];
	v11 =	vadd.f32 v14, v11  }
0xbc: {  	v14 =	vld [tilespmem:s14+$0x39B0];
	v10 =	vadd.f32 v12, v10;
	v6 =	vadd.f32 v6, v8  }
0xbd: {  	v8 =	vadd.f32 v15, v9;
	v9 =	vld [tilespmem:s14+$0x39E0];
	v7 =	vadd.f32 v7, v11  }
0xbe: {  	v11 =	vld [tilespmem:s14+$0x39F0];
	v10 =	vadd.f32 v16, v10;
	v4 =	vadd.f32 v4, v6  }
0xbf: {  	v6 =	vadd.f32 v17, v8;
	v8 =	vld [tilespmem:s14+$0x3A20];
	v5 =	vadd.f32 v5, v7  }
0xc0: {  	v7 =	vld [tilespmem:s14+$0x3A30];
	v10 =	vadd.f32 v13, v10;
	v2 =	vadd.f32 v2, v4  }
0xc1: {  	v4 =	vadd.f32 v14, v6;
	v3 =	vadd.f32 v3, v5  }
0xc2: {  	v5 =	vadd.f32 v9, v10;
	v0 =	vadd.f32 v0, v2  }
0xc3: {  	v2 =	vadd.f32 v11, v4;
	v1 =	vadd.f32 v1, v3  }
0xc4: {  	v3 =	vadd.f32 v8, v5;
	v0 =	vmul.f32 $1.999999960e-02, v0  }
0xc5: {  	v2 =	vadd.f32 v7, v2;
	v1 =	vmul.f32 $1.999999960e-02, v1  }
0xc6: {  	[tilespmem:$0xE880] =	vst v0;
	v0 =	vmul.f32 $1.999999960e-02, v3  }
0xc7: {  	[tilespmem:$0xE890] =	vst v1;
	v1 =	vmul.f32 $1.999999960e-02, v2  }
0xc8: {  	[tilespmem:$0xE8A0] =	vst v0  }
0xc9: {  	s14 =	simm.s32 $0x0;
	[tilespmem:$0xE8B0] =	vst v1  }
0xca: {  	v0 =	vld [tilespmem:s14+$0x4680]  }
0xcb: {  	v1 =	vld [tilespmem:s14+$0x4690]  }
0xcc: {  	v2 =	vld [tilespmem:s14+$0x4640]  }
0xcd: {  	v3 =	vld [tilespmem:s14+$0x4650]  }
0xce: {  	v4 =	vld [tilespmem:s14+$0x4600]  }
0xcf: {  	v5 =	vld [tilespmem:s14+$0x4610]  }
0xd0: {  	v6 =	vld [tilespmem:s14+$0x45C0]  }
0xd1: {  	v7 =	vld [tilespmem:s14+$0x45D0]  }
0xd2: {  	v13 =	vld [tilespmem:s14+$0x4580]  }
0xd3: {  	v10 =	vimm.f32 $0.0e+00;
	v14 =	vld [tilespmem:s14+$0x4590]  }
0xd4: {  	s15 =	simm.s32 $0x500;
	v9 =	vimm.f32 $0.0e+00;
	v11 =	vimm.f32 $0.0e+00;
	v8 =	vimm.f32 $0.0e+00;
	v12 =	vld [tilespmem:s14+$0x45A0]  }
.LBB2_9:
0xd5: {  	p0 =	sne.s32 s15, $0x2D00;
	v15 =	vld [tilespmem:s14+$0x45B0]  }
0xd6: {  	v16 =	vld [tilespmem:s14+$0x45E0]  }
0xd7: {  	v17 =	vld [tilespmem:s14+$0x45F0]  }
0xd8: {  	v18 =	vld [tilespmem:s14+$0x4620]  }
0xd9: {  	v8 =	vadd.f32 v13, v8;
	v11 =	vadd.f32 v14, v11;
	v13 =	vld [tilespmem:s14+$0x4630]  }
0xda: {  	v10 =	vadd.f32 v12, v10;
	v9 =	vadd.f32 v15, v9;
	v12 =	vld [tilespmem:s14+$0x4660]  }
0xdb: {  	v6 =	vadd.f32 v6, v8;
	v7 =	vadd.f32 v7, v11;
	v8 =	vld [tilespmem:s14+$0x4670]  }
0xdc: {  	v10 =	vadd.f32 v16, v10;
	v9 =	vadd.f32 v17, v9;
	v14 =	vld [tilespmem:s14+$0x46A0]  }
0xdd: {  	v4 =	vadd.f32 v4, v6;
	v5 =	vadd.f32 v5, v7;
	v6 =	vld [tilespmem:s14+$0x46B0];
	s14 =	sshra.s32 s15, $0x2  }
0xde: {  	v10 =	vadd.f32 v18, v10;
	v7 =	vld [tilespmem:s14+$0x4680];
	v9 =	vadd.f32 v13, v9  }
0xdf: {  	v4 =	vadd.f32 v2, v4;
	v5 =	vadd.f32 v3, v5;
	v13 =	vld [tilespmem:s14+$0x4690]  }
0xe0: {  	v10 =	vadd.f32 v12, v10;
	v2 =	vld [tilespmem:s14+$0x4640];
	v9 =	vadd.f32 v8, v9  }
0xe1: {  	v8 =	vadd.f32 v0, v4;
	v11 =	vadd.f32 v1, v5;
	v3 =	vld [tilespmem:s14+$0x4650]  }
0xe2: {  	v10 =	vadd.f32 v14, v10;
	v4 =	vld [tilespmem:s14+$0x4600];
	v9 =	vadd.f32 v6, v9  }
0xe3: {  	v5 =	vld [tilespmem:s14+$0x4610];
	v0 =	vmov v7  }
.Ltmp3:
0xe4: {  	v6 =	vld [tilespmem:s14+$0x45C0];
	v1 =	vmov v13;
	(pc) =	sbr.rel @p0 .LBB2_9-.Ltmp3, $4  }
0xe5: {  	v7 =	vld [tilespmem:s14+$0x45D0]  }
0xe6: {  	v13 =	vld [tilespmem:s14+$0x4580]  }
0xe7: {  	v14 =	vld [tilespmem:s14+$0x4590]  }
0xe8: {  	s15 =	sadd.s32 $0x500, s15;
	v12 =	vld [tilespmem:s14+$0x45A0]  }
0xe9: {  	v15 =	vld [tilespmem:s14+$0x45B0]  }
0xea: {  	v16 =	vld [tilespmem:s14+$0x45E0]  }
0xeb: {  	v17 =	vld [tilespmem:s14+$0x45F0];
	v8 =	vadd.f32 v13, v8  }
0xec: {  	v13 =	vld [tilespmem:s14+$0x4620];
	v11 =	vadd.f32 v14, v11  }
0xed: {  	v14 =	vld [tilespmem:s14+$0x4630];
	v10 =	vadd.f32 v12, v10;
	v6 =	vadd.f32 v6, v8  }
0xee: {  	v8 =	vadd.f32 v15, v9;
	v9 =	vld [tilespmem:s14+$0x4660];
	v7 =	vadd.f32 v7, v11  }
0xef: {  	v11 =	vld [tilespmem:s14+$0x4670];
	v10 =	vadd.f32 v16, v10;
	v4 =	vadd.f32 v4, v6  }
0xf0: {  	v6 =	vadd.f32 v17, v8;
	v8 =	vld [tilespmem:s14+$0x46A0];
	v5 =	vadd.f32 v5, v7  }
0xf1: {  	v7 =	vld [tilespmem:s14+$0x46B0];
	v10 =	vadd.f32 v13, v10;
	v2 =	vadd.f32 v2, v4  }
0xf2: {  	v4 =	vadd.f32 v14, v6;
	v3 =	vadd.f32 v3, v5  }
0xf3: {  	v5 =	vadd.f32 v9, v10;
	v0 =	vadd.f32 v0, v2  }
0xf4: {  	v2 =	vadd.f32 v11, v4;
	v1 =	vadd.f32 v1, v3  }
0xf5: {  	v3 =	vadd.f32 v8, v5;
	v0 =	vmul.f32 $1.999999960e-02, v0  }
0xf6: {  	v2 =	vadd.f32 v7, v2;
	v1 =	vmul.f32 $1.999999960e-02, v1  }
0xf7: {  	[tilespmem:$0xE8C0] =	vst v0;
	v0 =	vmul.f32 $1.999999960e-02, v3  }
0xf8: {  	[tilespmem:$0xE8D0] =	vst v1;
	v1 =	vmul.f32 $1.999999960e-02, v2  }
0xf9: {  	[tilespmem:$0xE8E0] =	vst v0  }
0xfa: {  	s14 =	simm.s32 $0x0;
	[tilespmem:$0xE8F0] =	vst v1  }
0xfb: {  	v0 =	vld [tilespmem:s14+$0x5300]  }
0xfc: {  	v1 =	vld [tilespmem:s14+$0x5310]  }
0xfd: {  	v2 =	vld [tilespmem:s14+$0x52C0]  }
0xfe: {  	v3 =	vld [tilespmem:s14+$0x52D0]  }
0xff: {  	v4 =	vld [tilespmem:s14+$0x5280]  }
0x100: {  	v5 =	vld [tilespmem:s14+$0x5290]  }
0x101: {  	v6 =	vld [tilespmem:s14+$0x5240]  }
0x102: {  	v7 =	vld [tilespmem:s14+$0x5250]  }
0x103: {  	v13 =	vld [tilespmem:s14+$0x5200]  }
0x104: {  	v10 =	vimm.f32 $0.0e+00;
	v14 =	vld [tilespmem:s14+$0x5210]  }
0x105: {  	s15 =	simm.s32 $0x500;
	v9 =	vimm.f32 $0.0e+00;
	v11 =	vimm.f32 $0.0e+00;
	v8 =	vimm.f32 $0.0e+00;
	v12 =	vld [tilespmem:s14+$0x5220]  }
.LBB2_11:
0x106: {  	p0 =	sne.s32 s15, $0x2D00;
	v15 =	vld [tilespmem:s14+$0x5230]  }
0x107: {  	v16 =	vld [tilespmem:s14+$0x5260]  }
0x108: {  	v17 =	vld [tilespmem:s14+$0x5270]  }
0x109: {  	v18 =	vld [tilespmem:s14+$0x52A0]  }
0x10a: {  	v8 =	vadd.f32 v13, v8;
	v11 =	vadd.f32 v14, v11;
	v13 =	vld [tilespmem:s14+$0x52B0]  }
0x10b: {  	v10 =	vadd.f32 v12, v10;
	v9 =	vadd.f32 v15, v9;
	v12 =	vld [tilespmem:s14+$0x52E0]  }
0x10c: {  	v6 =	vadd.f32 v6, v8;
	v7 =	vadd.f32 v7, v11;
	v8 =	vld [tilespmem:s14+$0x52F0]  }
0x10d: {  	v10 =	vadd.f32 v16, v10;
	v9 =	vadd.f32 v17, v9;
	v14 =	vld [tilespmem:s14+$0x5320]  }
0x10e: {  	v4 =	vadd.f32 v4, v6;
	v5 =	vadd.f32 v5, v7;
	v6 =	vld [tilespmem:s14+$0x5330];
	s14 =	sshra.s32 s15, $0x2  }
0x10f: {  	v10 =	vadd.f32 v18, v10;
	v7 =	vld [tilespmem:s14+$0x5300];
	v9 =	vadd.f32 v13, v9  }
0x110: {  	v4 =	vadd.f32 v2, v4;
	v5 =	vadd.f32 v3, v5;
	v13 =	vld [tilespmem:s14+$0x5310]  }
0x111: {  	v10 =	vadd.f32 v12, v10;
	v2 =	vld [tilespmem:s14+$0x52C0];
	v9 =	vadd.f32 v8, v9  }
0x112: {  	v8 =	vadd.f32 v0, v4;
	v11 =	vadd.f32 v1, v5;
	v3 =	vld [tilespmem:s14+$0x52D0]  }
0x113: {  	v10 =	vadd.f32 v14, v10;
	v4 =	vld [tilespmem:s14+$0x5280];
	v9 =	vadd.f32 v6, v9  }
0x114: {  	v5 =	vld [tilespmem:s14+$0x5290];
	v0 =	vmov v7  }
.Ltmp4:
0x115: {  	v6 =	vld [tilespmem:s14+$0x5240];
	v1 =	vmov v13;
	(pc) =	sbr.rel @p0 .LBB2_11-.Ltmp4, $4  }
0x116: {  	v7 =	vld [tilespmem:s14+$0x5250]  }
0x117: {  	v13 =	vld [tilespmem:s14+$0x5200]  }
0x118: {  	v14 =	vld [tilespmem:s14+$0x5210]  }
0x119: {  	s15 =	sadd.s32 $0x500, s15;
	v12 =	vld [tilespmem:s14+$0x5220]  }
0x11a: {  	v15 =	vld [tilespmem:s14+$0x5230]  }
0x11b: {  	v16 =	vld [tilespmem:s14+$0x5260]  }
0x11c: {  	v17 =	vld [tilespmem:s14+$0x5270];
	v8 =	vadd.f32 v13, v8  }
0x11d: {  	v13 =	vld [tilespmem:s14+$0x52A0];
	v11 =	vadd.f32 v14, v11  }
0x11e: {  	v14 =	vld [tilespmem:s14+$0x52B0];
	v10 =	vadd.f32 v12, v10;
	v6 =	vadd.f32 v6, v8  }
0x11f: {  	v8 =	vadd.f32 v15, v9;
	v9 =	vld [tilespmem:s14+$0x52E0];
	v7 =	vadd.f32 v7, v11  }
0x120: {  	v11 =	vld [tilespmem:s14+$0x52F0];
	v10 =	vadd.f32 v16, v10;
	v4 =	vadd.f32 v4, v6  }
0x121: {  	v6 =	vadd.f32 v17, v8;
	v8 =	vld [tilespmem:s14+$0x5320];
	v5 =	vadd.f32 v5, v7  }
0x122: {  	v7 =	vld [tilespmem:s14+$0x5330];
	v10 =	vadd.f32 v13, v10;
	v2 =	vadd.f32 v2, v4  }
0x123: {  	v4 =	vadd.f32 v14, v6;
	v3 =	vadd.f32 v3, v5  }
0x124: {  	v5 =	vadd.f32 v9, v10;
	v0 =	vadd.f32 v0, v2  }
0x125: {  	v2 =	vadd.f32 v11, v4;
	v1 =	vadd.f32 v1, v3  }
0x126: {  	v3 =	vadd.f32 v8, v5;
	v0 =	vmul.f32 $1.999999960e-02, v0  }
0x127: {  	v2 =	vadd.f32 v7, v2;
	v1 =	vmul.f32 $1.999999960e-02, v1  }
0x128: {  	[tilespmem:$0xE900] =	vst v0;
	v0 =	vmul.f32 $1.999999960e-02, v3  }
0x129: {  	[tilespmem:$0xE910] =	vst v1;
	v1 =	vmul.f32 $1.999999960e-02, v2  }
0x12a: {  	[tilespmem:$0xE920] =	vst v0  }
0x12b: {  	s14 =	simm.s32 $0x0;
	[tilespmem:$0xE930] =	vst v1  }
0x12c: {  	v0 =	vld [tilespmem:s14+$0x5F80]  }
0x12d: {  	v1 =	vld [tilespmem:s14+$0x5F90]  }
0x12e: {  	v2 =	vld [tilespmem:s14+$0x5F40]  }
0x12f: {  	v3 =	vld [tilespmem:s14+$0x5F50]  }
0x130: {  	v4 =	vld [tilespmem:s14+$0x5F00]  }
0x131: {  	v5 =	vld [tilespmem:s14+$0x5F10]  }
0x132: {  	v6 =	vld [tilespmem:s14+$0x5EC0]  }
0x133: {  	v7 =	vld [tilespmem:s14+$0x5ED0]  }
0x134: {  	v13 =	vld [tilespmem:s14+$0x5E80]  }
0x135: {  	v10 =	vimm.f32 $0.0e+00;
	v14 =	vld [tilespmem:s14+$0x5E90]  }
0x136: {  	s15 =	simm.s32 $0x500;
	v9 =	vimm.f32 $0.0e+00;
	v11 =	vimm.f32 $0.0e+00;
	v8 =	vimm.f32 $0.0e+00;
	v12 =	vld [tilespmem:s14+$0x5EA0]  }
.LBB2_13:
0x137: {  	p0 =	sne.s32 s15, $0x2D00;
	v15 =	vld [tilespmem:s14+$0x5EB0]  }
0x138: {  	v16 =	vld [tilespmem:s14+$0x5EE0]  }
0x139: {  	v17 =	vld [tilespmem:s14+$0x5EF0]  }
0x13a: {  	v18 =	vld [tilespmem:s14+$0x5F20]  }
0x13b: {  	v8 =	vadd.f32 v13, v8;
	v11 =	vadd.f32 v14, v11;
	v13 =	vld [tilespmem:s14+$0x5F30]  }
0x13c: {  	v10 =	vadd.f32 v12, v10;
	v9 =	vadd.f32 v15, v9;
	v12 =	vld [tilespmem:s14+$0x5F60]  }
0x13d: {  	v6 =	vadd.f32 v6, v8;
	v7 =	vadd.f32 v7, v11;
	v8 =	vld [tilespmem:s14+$0x5F70]  }
0x13e: {  	v10 =	vadd.f32 v16, v10;
	v9 =	vadd.f32 v17, v9;
	v14 =	vld [tilespmem:s14+$0x5FA0]  }
0x13f: {  	v4 =	vadd.f32 v4, v6;
	v5 =	vadd.f32 v5, v7;
	v6 =	vld [tilespmem:s14+$0x5FB0];
	s14 =	sshra.s32 s15, $0x2  }
0x140: {  	v10 =	vadd.f32 v18, v10;
	v7 =	vld [tilespmem:s14+$0x5F80];
	v9 =	vadd.f32 v13, v9  }
0x141: {  	v4 =	vadd.f32 v2, v4;
	v5 =	vadd.f32 v3, v5;
	v13 =	vld [tilespmem:s14+$0x5F90]  }
0x142: {  	v10 =	vadd.f32 v12, v10;
	v2 =	vld [tilespmem:s14+$0x5F40];
	v9 =	vadd.f32 v8, v9  }
0x143: {  	v8 =	vadd.f32 v0, v4;
	v11 =	vadd.f32 v1, v5;
	v3 =	vld [tilespmem:s14+$0x5F50]  }
0x144: {  	v10 =	vadd.f32 v14, v10;
	v4 =	vld [tilespmem:s14+$0x5F00];
	v9 =	vadd.f32 v6, v9  }
0x145: {  	v5 =	vld [tilespmem:s14+$0x5F10];
	v0 =	vmov v7  }
.Ltmp5:
0x146: {  	v6 =	vld [tilespmem:s14+$0x5EC0];
	v1 =	vmov v13;
	(pc) =	sbr.rel @p0 .LBB2_13-.Ltmp5, $4  }
0x147: {  	v7 =	vld [tilespmem:s14+$0x5ED0]  }
0x148: {  	v13 =	vld [tilespmem:s14+$0x5E80]  }
0x149: {  	v14 =	vld [tilespmem:s14+$0x5E90]  }
0x14a: {  	s15 =	sadd.s32 $0x500, s15;
	v12 =	vld [tilespmem:s14+$0x5EA0]  }
0x14b: {  	v15 =	vld [tilespmem:s14+$0x5EB0]  }
0x14c: {  	v16 =	vld [tilespmem:s14+$0x5EE0]  }
0x14d: {  	v17 =	vld [tilespmem:s14+$0x5EF0];
	v8 =	vadd.f32 v13, v8  }
0x14e: {  	v13 =	vld [tilespmem:s14+$0x5F20];
	v11 =	vadd.f32 v14, v11  }
0x14f: {  	v14 =	vld [tilespmem:s14+$0x5F30];
	v10 =	vadd.f32 v12, v10;
	v6 =	vadd.f32 v6, v8  }
0x150: {  	v8 =	vadd.f32 v15, v9;
	v9 =	vld [tilespmem:s14+$0x5F60];
	v7 =	vadd.f32 v7, v11  }
0x151: {  	v11 =	vld [tilespmem:s14+$0x5F70];
	v10 =	vadd.f32 v16, v10;
	v4 =	vadd.f32 v4, v6  }
0x152: {  	v6 =	vadd.f32 v17, v8;
	v8 =	vld [tilespmem:s14+$0x5FA0];
	v5 =	vadd.f32 v5, v7  }
0x153: {  	v7 =	vld [tilespmem:s14+$0x5FB0];
	v10 =	vadd.f32 v13, v10;
	v2 =	vadd.f32 v2, v4  }
0x154: {  	v4 =	vadd.f32 v14, v6;
	v3 =	vadd.f32 v3, v5  }
0x155: {  	v5 =	vadd.f32 v9, v10;
	v0 =	vadd.f32 v0, v2  }
0x156: {  	v2 =	vadd.f32 v11, v4;
	v1 =	vadd.f32 v1, v3  }
0x157: {  	v3 =	vadd.f32 v8, v5;
	v0 =	vmul.f32 $1.999999960e-02, v0  }
0x158: {  	v2 =	vadd.f32 v7, v2;
	v1 =	vmul.f32 $1.999999960e-02, v1  }
0x159: {  	[tilespmem:$0xE940] =	vst v0;
	v0 =	vmul.f32 $1.999999960e-02, v3  }
0x15a: {  	[tilespmem:$0xE950] =	vst v1;
	v1 =	vmul.f32 $1.999999960e-02, v2  }
0x15b: {  	[tilespmem:$0xE960] =	vst v0  }
0x15c: {  	s14 =	simm.s32 $0x0;
	[tilespmem:$0xE970] =	vst v1  }
0x15d: {  	v0 =	vld [tilespmem:s14+$0x6C00]  }
0x15e: {  	v1 =	vld [tilespmem:s14+$0x6C10]  }
0x15f: {  	v2 =	vld [tilespmem:s14+$0x6BC0]  }
0x160: {  	v3 =	vld [tilespmem:s14+$0x6BD0]  }
0x161: {  	v4 =	vld [tilespmem:s14+$0x6B80]  }
0x162: {  	v5 =	vld [tilespmem:s14+$0x6B90]  }
0x163: {  	v6 =	vld [tilespmem:s14+$0x6B40]  }
0x164: {  	v7 =	vld [tilespmem:s14+$0x6B50]  }
0x165: {  	v13 =	vld [tilespmem:s14+$0x6B00]  }
0x166: {  	v10 =	vimm.f32 $0.0e+00;
	v14 =	vld [tilespmem:s14+$0x6B10]  }
0x167: {  	s15 =	simm.s32 $0x500;
	v9 =	vimm.f32 $0.0e+00;
	v11 =	vimm.f32 $0.0e+00;
	v8 =	vimm.f32 $0.0e+00;
	v12 =	vld [tilespmem:s14+$0x6B20]  }
.LBB2_15:
0x168: {  	p0 =	sne.s32 s15, $0x2D00;
	v15 =	vld [tilespmem:s14+$0x6B30]  }
0x169: {  	v16 =	vld [tilespmem:s14+$0x6B60]  }
0x16a: {  	v17 =	vld [tilespmem:s14+$0x6B70]  }
0x16b: {  	v18 =	vld [tilespmem:s14+$0x6BA0]  }
0x16c: {  	v8 =	vadd.f32 v13, v8;
	v11 =	vadd.f32 v14, v11;
	v13 =	vld [tilespmem:s14+$0x6BB0]  }
0x16d: {  	v10 =	vadd.f32 v12, v10;
	v9 =	vadd.f32 v15, v9;
	v12 =	vld [tilespmem:s14+$0x6BE0]  }
0x16e: {  	v6 =	vadd.f32 v6, v8;
	v7 =	vadd.f32 v7, v11;
	v8 =	vld [tilespmem:s14+$0x6BF0]  }
0x16f: {  	v10 =	vadd.f32 v16, v10;
	v9 =	vadd.f32 v17, v9;
	v14 =	vld [tilespmem:s14+$0x6C20]  }
0x170: {  	v4 =	vadd.f32 v4, v6;
	v5 =	vadd.f32 v5, v7;
	v6 =	vld [tilespmem:s14+$0x6C30];
	s14 =	sshra.s32 s15, $0x2  }
0x171: {  	v10 =	vadd.f32 v18, v10;
	v7 =	vld [tilespmem:s14+$0x6C00];
	v9 =	vadd.f32 v13, v9  }
0x172: {  	v4 =	vadd.f32 v2, v4;
	v5 =	vadd.f32 v3, v5;
	v13 =	vld [tilespmem:s14+$0x6C10]  }
0x173: {  	v10 =	vadd.f32 v12, v10;
	v2 =	vld [tilespmem:s14+$0x6BC0];
	v9 =	vadd.f32 v8, v9  }
0x174: {  	v8 =	vadd.f32 v0, v4;
	v11 =	vadd.f32 v1, v5;
	v3 =	vld [tilespmem:s14+$0x6BD0]  }
0x175: {  	v10 =	vadd.f32 v14, v10;
	v4 =	vld [tilespmem:s14+$0x6B80];
	v9 =	vadd.f32 v6, v9  }
0x176: {  	v5 =	vld [tilespmem:s14+$0x6B90];
	v0 =	vmov v7  }
.Ltmp6:
0x177: {  	v6 =	vld [tilespmem:s14+$0x6B40];
	v1 =	vmov v13;
	(pc) =	sbr.rel @p0 .LBB2_15-.Ltmp6, $4  }
0x178: {  	v7 =	vld [tilespmem:s14+$0x6B50]  }
0x179: {  	v13 =	vld [tilespmem:s14+$0x6B00]  }
0x17a: {  	v14 =	vld [tilespmem:s14+$0x6B10]  }
0x17b: {  	s15 =	sadd.s32 $0x500, s15;
	v12 =	vld [tilespmem:s14+$0x6B20]  }
0x17c: {  	v15 =	vld [tilespmem:s14+$0x6B30]  }
0x17d: {  	v16 =	vld [tilespmem:s14+$0x6B60]  }
0x17e: {  	v17 =	vld [tilespmem:s14+$0x6B70];
	v8 =	vadd.f32 v13, v8  }
0x17f: {  	v13 =	vld [tilespmem:s14+$0x6BA0];
	v11 =	vadd.f32 v14, v11  }
0x180: {  	v14 =	vld [tilespmem:s14+$0x6BB0];
	v10 =	vadd.f32 v12, v10;
	v6 =	vadd.f32 v6, v8  }
0x181: {  	v8 =	vadd.f32 v15, v9;
	v9 =	vld [tilespmem:s14+$0x6BE0];
	v7 =	vadd.f32 v7, v11  }
0x182: {  	v11 =	vld [tilespmem:s14+$0x6BF0];
	v10 =	vadd.f32 v16, v10;
	v4 =	vadd.f32 v4, v6  }
0x183: {  	v6 =	vadd.f32 v17, v8;
	v8 =	vld [tilespmem:s14+$0x6C20];
	v5 =	vadd.f32 v5, v7  }
0x184: {  	v7 =	vld [tilespmem:s14+$0x6C30];
	v10 =	vadd.f32 v13, v10;
	v2 =	vadd.f32 v2, v4  }
0x185: {  	v4 =	vadd.f32 v14, v6;
	v3 =	vadd.f32 v3, v5  }
0x186: {  	v5 =	vadd.f32 v9, v10;
	v0 =	vadd.f32 v0, v2  }
0x187: {  	v2 =	vadd.f32 v11, v4;
	v1 =	vadd.f32 v1, v3  }
0x188: {  	v3 =	vadd.f32 v8, v5;
	v0 =	vmul.f32 $1.999999960e-02, v0  }
0x189: {  	v2 =	vadd.f32 v7, v2;
	v1 =	vmul.f32 $1.999999960e-02, v1  }
0x18a: {  	[tilespmem:$0xE980] =	vst v0;
	v0 =	vmul.f32 $1.999999960e-02, v3  }
0x18b: {  	[tilespmem:$0xE990] =	vst v1;
	v1 =	vmul.f32 $1.999999960e-02, v2  }
0x18c: {  	[tilespmem:$0xE9A0] =	vst v0  }
0x18d: {  	s14 =	simm.s32 $0x0;
	[tilespmem:$0xE9B0] =	vst v1  }
0x18e: {  	v0 =	vld [tilespmem:s14+$0x7880]  }
0x18f: {  	v1 =	vld [tilespmem:s14+$0x7890]  }
0x190: {  	v2 =	vld [tilespmem:s14+$0x7840]  }
0x191: {  	v3 =	vld [tilespmem:s14+$0x7850]  }
0x192: {  	v4 =	vld [tilespmem:s14+$0x7800]  }
0x193: {  	v5 =	vld [tilespmem:s14+$0x7810]  }
0x194: {  	v6 =	vld [tilespmem:s14+$0x77C0]  }
0x195: {  	v7 =	vld [tilespmem:s14+$0x77D0]  }
0x196: {  	v13 =	vld [tilespmem:s14+$0x7780]  }
0x197: {  	v10 =	vimm.f32 $0.0e+00;
	v14 =	vld [tilespmem:s14+$0x7790]  }
0x198: {  	s15 =	simm.s32 $0x500;
	v9 =	vimm.f32 $0.0e+00;
	v11 =	vimm.f32 $0.0e+00;
	v8 =	vimm.f32 $0.0e+00;
	v12 =	vld [tilespmem:s14+$0x77A0]  }
.LBB2_17:
0x199: {  	p0 =	sne.s32 s15, $0x2D00;
	v15 =	vld [tilespmem:s14+$0x77B0]  }
0x19a: {  	v16 =	vld [tilespmem:s14+$0x77E0]  }
0x19b: {  	v17 =	vld [tilespmem:s14+$0x77F0]  }
0x19c: {  	v18 =	vld [tilespmem:s14+$0x7820]  }
0x19d: {  	v8 =	vadd.f32 v13, v8;
	v11 =	vadd.f32 v14, v11;
	v13 =	vld [tilespmem:s14+$0x7830]  }
0x19e: {  	v10 =	vadd.f32 v12, v10;
	v9 =	vadd.f32 v15, v9;
	v12 =	vld [tilespmem:s14+$0x7860]  }
0x19f: {  	v6 =	vadd.f32 v6, v8;
	v7 =	vadd.f32 v7, v11;
	v8 =	vld [tilespmem:s14+$0x7870]  }
0x1a0: {  	v10 =	vadd.f32 v16, v10;
	v9 =	vadd.f32 v17, v9;
	v14 =	vld [tilespmem:s14+$0x78A0]  }
0x1a1: {  	v4 =	vadd.f32 v4, v6;
	v5 =	vadd.f32 v5, v7;
	v6 =	vld [tilespmem:s14+$0x78B0];
	s14 =	sshra.s32 s15, $0x2  }
0x1a2: {  	v10 =	vadd.f32 v18, v10;
	v7 =	vld [tilespmem:s14+$0x7880];
	v9 =	vadd.f32 v13, v9  }
0x1a3: {  	v4 =	vadd.f32 v2, v4;
	v5 =	vadd.f32 v3, v5;
	v13 =	vld [tilespmem:s14+$0x7890]  }
0x1a4: {  	v10 =	vadd.f32 v12, v10;
	v2 =	vld [tilespmem:s14+$0x7840];
	v9 =	vadd.f32 v8, v9  }
0x1a5: {  	v8 =	vadd.f32 v0, v4;
	v11 =	vadd.f32 v1, v5;
	v3 =	vld [tilespmem:s14+$0x7850]  }
0x1a6: {  	v10 =	vadd.f32 v14, v10;
	v4 =	vld [tilespmem:s14+$0x7800];
	v9 =	vadd.f32 v6, v9  }
0x1a7: {  	v5 =	vld [tilespmem:s14+$0x7810];
	v0 =	vmov v7  }
.Ltmp7:
0x1a8: {  	v6 =	vld [tilespmem:s14+$0x77C0];
	v1 =	vmov v13;
	(pc) =	sbr.rel @p0 .LBB2_17-.Ltmp7, $4  }
0x1a9: {  	v7 =	vld [tilespmem:s14+$0x77D0]  }
0x1aa: {  	v13 =	vld [tilespmem:s14+$0x7780]  }
0x1ab: {  	v14 =	vld [tilespmem:s14+$0x7790]  }
0x1ac: {  	s15 =	sadd.s32 $0x500, s15;
	v12 =	vld [tilespmem:s14+$0x77A0]  }
0x1ad: {  	v15 =	vld [tilespmem:s14+$0x77B0]  }
0x1ae: {  	v16 =	vld [tilespmem:s14+$0x77E0]  }
0x1af: {  	v17 =	vld [tilespmem:s14+$0x77F0];
	v8 =	vadd.f32 v13, v8  }
0x1b0: {  	v13 =	vld [tilespmem:s14+$0x7820];
	v11 =	vadd.f32 v14, v11  }
0x1b1: {  	v14 =	vld [tilespmem:s14+$0x7830];
	v10 =	vadd.f32 v12, v10;
	v6 =	vadd.f32 v6, v8  }
0x1b2: {  	v8 =	vadd.f32 v15, v9;
	v9 =	vld [tilespmem:s14+$0x7860];
	v7 =	vadd.f32 v7, v11  }
0x1b3: {  	v11 =	vld [tilespmem:s14+$0x7870];
	v10 =	vadd.f32 v16, v10;
	v4 =	vadd.f32 v4, v6  }
0x1b4: {  	v6 =	vadd.f32 v17, v8;
	v8 =	vld [tilespmem:s14+$0x78A0];
	v5 =	vadd.f32 v5, v7  }
0x1b5: {  	v7 =	vld [tilespmem:s14+$0x78B0];
	v10 =	vadd.f32 v13, v10;
	v2 =	vadd.f32 v2, v4  }
0x1b6: {  	v4 =	vadd.f32 v14, v6;
	v3 =	vadd.f32 v3, v5  }
0x1b7: {  	v5 =	vadd.f32 v9, v10;
	v0 =	vadd.f32 v0, v2  }
0x1b8: {  	v2 =	vadd.f32 v11, v4;
	v1 =	vadd.f32 v1, v3  }
0x1b9: {  	v3 =	vadd.f32 v8, v5;
	v0 =	vmul.f32 $1.999999960e-02, v0  }
0x1ba: {  	v2 =	vadd.f32 v7, v2;
	v1 =	vmul.f32 $1.999999960e-02, v1  }
0x1bb: {  	[tilespmem:$0xE9C0] =	vst v0;
	v0 =	vmul.f32 $1.999999960e-02, v3  }
0x1bc: {  	[tilespmem:$0xE9D0] =	vst v1;
	v1 =	vmul.f32 $1.999999960e-02, v2  }
0x1bd: {  	s17 =	sshll.u32 s12, $0x7;
	[tilespmem:$0xE9E0] =	vst v0  }
0x1be: {  	p0 =	seq.s32 s12, $0x7;
	s14 =	sadd.s32 s17, s5;
	[tilespmem:$0xE9F0] =	vst v1  }
0x1bf: {  	[hbm4b:s14+s2] =	stream.linear.scatter [tilespmem:s9], [sflag:$0x3], $0x200, $0x38;
	[tilespmem:$0xEA00] =	vst v63  }
0x1c0: {  	s14 =	sshll.u32 @!p0 s12, $0xA;
	_ =	swait.ge [sflag:s7], $0x200  }
0x1c1: {  	s16 =	simm.s32 @!p0 $0x32;
	s14 =	sand.u32 @!p0 $0x3FFFFC00, s14;
	[sflag:s7] =	ssyncset.done $0x0  }
0x1c2: {  	s17 =	simm.s32 @!p0 $0x2000;
	s15 =	sadd.s32 @!p0 $0x400, s14;
	[sflag:s7] =	ssyncadd.s32 $0xFFFFFE00  }
0x1c3: {  	[tilespmem:s17], [sflag:$0x1] =	stream.indirect.gather @!p0 [hbm4b:s3+s16], $0x40, s15, s16, $0xb8;
	[tilespmem:$0xEA00] =	vst v63  }
0x1c4: {  	s15 =	sadd.s32 @!p0 $0x440, s14;
	s17 =	simm.s32 @!p0 $0x2C80  }
0x1c5: {  	[tilespmem:s17], [sflag:$0x1] =	stream.indirect.gather @!p0 [hbm4b:s3+s16], $0x40, s15, s16, $0xb8;
	[tilespmem:$0xEA00] =	vst v63  }
0x1c6: {  	s15 =	sadd.s32 @!p0 $0x480, s14;
	s17 =	simm.s32 @!p0 $0x3900  }
0x1c7: {  	[tilespmem:s17], [sflag:$0x1] =	stream.indirect.gather @!p0 [hbm4b:s3+s16], $0x40, s15, s16, $0xb8;
	[tilespmem:$0xEA00] =	vst v63  }
0x1c8: {  	s15 =	sadd.s32 @!p0 $0x4C0, s14;
	s17 =	simm.s32 @!p0 $0x4580  }
0x1c9: {  	[tilespmem:s17], [sflag:$0x1] =	stream.indirect.gather @!p0 [hbm4b:s3+s16], $0x40, s15, s16, $0xb8;
	[tilespmem:$0xEA00] =	vst v63  }
0x1ca: {  	s15 =	sadd.s32 @!p0 $0x500, s14;
	s17 =	simm.s32 @!p0 $0x5200  }
0x1cb: {  	[tilespmem:s17], [sflag:$0x1] =	stream.indirect.gather @!p0 [hbm4b:s3+s16], $0x40, s15, s16, $0xb8;
	[tilespmem:$0xEA00] =	vst v63  }
0x1cc: {  	s15 =	sadd.s32 @!p0 $0x540, s14;
	s17 =	simm.s32 @!p0 $0x5E80  }
0x1cd: {  	[tilespmem:s17], [sflag:$0x1] =	stream.indirect.gather @!p0 [hbm4b:s3+s16], $0x40, s15, s16, $0xb8;
	[tilespmem:$0xEA00] =	vst v63  }
0x1ce: {  	s15 =	sadd.s32 @!p0 $0x580, s14;
	s17 =	simm.s32 @!p0 $0x6B00  }
0x1cf: {  	[tilespmem:s17], [sflag:$0x1] =	stream.indirect.gather @!p0 [hbm4b:s3+s16], $0x40, s15, s16, $0xb8;
	[tilespmem:$0xEA00] =	vst v63  }
0x1d0: {  	s14 =	sadd.s32 @!p0 $0x5C0, s14;
	s15 =	simm.s32 @!p0 $0x7780  }
0x1d1: {  	[tilespmem:s15], [sflag:$0x1] =	stream.indirect.gather @!p0 [hbm4b:s3+s16], $0x40, s14, s16, $0xb8;
	[tilespmem:$0xEA00] =	vst v63  }
0x1d2: {  	_ =	swait.ge [sflag:s10], $0x6400  }
0x1d3: {  	[sflag:s10] =	ssyncset.done $0x0  }
0x1d4: {  	s14 =	simm.s32 $0x0;
	[sflag:s10] =	ssyncadd.s32 $0xFFFF9C00  }
0x1d5: {  	v0 =	vld [tilespmem:s14+$0x8500]  }
0x1d6: {  	v1 =	vld [tilespmem:s14+$0x8510]  }
0x1d7: {  	v2 =	vld [tilespmem:s14+$0x84C0]  }
0x1d8: {  	v3 =	vld [tilespmem:s14+$0x84D0]  }
0x1d9: {  	v4 =	vld [tilespmem:s14+$0x8480]  }
0x1da: {  	v5 =	vld [tilespmem:s14+$0x8490]  }
0x1db: {  	v6 =	vld [tilespmem:s14+$0x8440]  }
0x1dc: {  	v7 =	vld [tilespmem:s14+$0x8450]  }
0x1dd: {  	v12 =	vld [tilespmem:s14+$0x8400]  }
0x1de: {  	v10 =	vimm.f32 $0.0e+00;
	v14 =	vld [tilespmem:s14+$0x8410]  }
0x1df: {  	s13 =	sshll.u32 s13, $0x6;
	v9 =	vimm.f32 $0.0e+00;
	v11 =	vimm.f32 $0.0e+00;
	v8 =	vimm.f32 $0.0e+00;
	s15 =	simm.s32 $0x500;
	v13 =	vld [tilespmem:s14+$0x8420]  }
.LBB2_19:
0x1e0: {  	p0 =	sne.s32 s15, $0x2D00;
	v15 =	vld [tilespmem:s14+$0x8430]  }
0x1e1: {  	v16 =	vld [tilespmem:s14+$0x8460]  }
0x1e2: {  	v17 =	vld [tilespmem:s14+$0x8470]  }
0x1e3: {  	v18 =	vld [tilespmem:s14+$0x84A0]  }
0x1e4: {  	v8 =	vadd.f32 v12, v8;
	v11 =	vadd.f32 v14, v11;
	v12 =	vld [tilespmem:s14+$0x84B0]  }
0x1e5: {  	v10 =	vadd.f32 v13, v10;
	v9 =	vadd.f32 v15, v9;
	v13 =	vld [tilespmem:s14+$0x84E0]  }
0x1e6: {  	v6 =	vadd.f32 v6, v8;
	v7 =	vadd.f32 v7, v11;
	v8 =	vld [tilespmem:s14+$0x84F0]  }
0x1e7: {  	v10 =	vadd.f32 v16, v10;
	v9 =	vadd.f32 v17, v9;
	v14 =	vld [tilespmem:s14+$0x8520]  }
0x1e8: {  	v4 =	vadd.f32 v4, v6;
	v5 =	vadd.f32 v5, v7;
	v6 =	vld [tilespmem:s14+$0x8530];
	s14 =	sshra.s32 s15, $0x2  }
0x1e9: {  	v10 =	vadd.f32 v18, v10;
	v7 =	vld [tilespmem:s14+$0x8500];
	v9 =	vadd.f32 v12, v9  }
0x1ea: {  	v4 =	vadd.f32 v2, v4;
	v5 =	vadd.f32 v3, v5;
	v12 =	vld [tilespmem:s14+$0x8510]  }
0x1eb: {  	v10 =	vadd.f32 v13, v10;
	v2 =	vld [tilespmem:s14+$0x84C0];
	v9 =	vadd.f32 v8, v9  }
0x1ec: {  	v8 =	vadd.f32 v0, v4;
	v11 =	vadd.f32 v1, v5;
	v3 =	vld [tilespmem:s14+$0x84D0]  }
0x1ed: {  	v10 =	vadd.f32 v14, v10;
	v4 =	vld [tilespmem:s14+$0x8480];
	v9 =	vadd.f32 v6, v9  }
0x1ee: {  	v5 =	vld [tilespmem:s14+$0x8490];
	v0 =	vmov v7  }
.Ltmp8:
0x1ef: {  	v6 =	vld [tilespmem:s14+$0x8440];
	v1 =	vmov v12;
	(pc) =	sbr.rel @p0 .LBB2_19-.Ltmp8, $4  }
0x1f0: {  	v7 =	vld [tilespmem:s14+$0x8450]  }
0x1f1: {  	v12 =	vld [tilespmem:s14+$0x8400]  }
0x1f2: {  	v14 =	vld [tilespmem:s14+$0x8410]  }
0x1f3: {  	s15 =	sadd.s32 $0x500, s15;
	v13 =	vld [tilespmem:s14+$0x8420]  }
0x1f4: {  	v15 =	vld [tilespmem:s14+$0x8430]  }
0x1f5: {  	v16 =	vld [tilespmem:s14+$0x8460]  }
0x1f6: {  	v17 =	vld [tilespmem:s14+$0x8470];
	v8 =	vadd.f32 v12, v8  }
0x1f7: {  	v12 =	vld [tilespmem:s14+$0x84A0];
	v11 =	vadd.f32 v14, v11  }
0x1f8: {  	v14 =	vld [tilespmem:s14+$0x84B0];
	v10 =	vadd.f32 v13, v10;
	v6 =	vadd.f32 v6, v8  }
0x1f9: {  	v8 =	vadd.f32 v15, v9;
	v9 =	vld [tilespmem:s14+$0x84E0];
	v7 =	vadd.f32 v7, v11  }
0x1fa: {  	v11 =	vld [tilespmem:s14+$0x84F0];
	v10 =	vadd.f32 v16, v10;
	v4 =	vadd.f32 v4, v6  }
0x1fb: {  	v6 =	vadd.f32 v17, v8;
	v8 =	vld [tilespmem:s14+$0x8520];
	v5 =	vadd.f32 v5, v7  }
0x1fc: {  	v7 =	vld [tilespmem:s14+$0x8530];
	v10 =	vadd.f32 v12, v10;
	v2 =	vadd.f32 v2, v4  }
0x1fd: {  	v4 =	vadd.f32 v14, v6;
	v3 =	vadd.f32 v3, v5  }
0x1fe: {  	v5 =	vadd.f32 v9, v10;
	v0 =	vadd.f32 v0, v2  }
0x1ff: {  	v2 =	vadd.f32 v11, v4;
	v1 =	vadd.f32 v1, v3  }
0x200: {  	v3 =	vadd.f32 v8, v5;
	v0 =	vmul.f32 $1.999999960e-02, v0  }
0x201: {  	v2 =	vadd.f32 v7, v2;
	v1 =	vmul.f32 $1.999999960e-02, v1  }
0x202: {  	[tilespmem:$0xE800] =	vst v0;
	v0 =	vmul.f32 $1.999999960e-02, v3  }
0x203: {  	[tilespmem:$0xE810] =	vst v1;
	v1 =	vmul.f32 $1.999999960e-02, v2  }
0x204: {  	[tilespmem:$0xE820] =	vst v0  }
0x205: {  	s14 =	simm.s32 $0x0;
	[tilespmem:$0xE830] =	vst v1  }
0x206: {  	v0 =	vld [tilespmem:s14+$0x9180]  }
0x207: {  	v1 =	vld [tilespmem:s14+$0x9190]  }
0x208: {  	v2 =	vld [tilespmem:s14+$0x9140]  }
0x209: {  	v3 =	vld [tilespmem:s14+$0x9150]  }
0x20a: {  	v4 =	vld [tilespmem:s14+$0x9100]  }
0x20b: {  	v5 =	vld [tilespmem:s14+$0x9110]  }
0x20c: {  	v6 =	vld [tilespmem:s14+$0x90C0]  }
0x20d: {  	v7 =	vld [tilespmem:s14+$0x90D0]  }
0x20e: {  	v13 =	vld [tilespmem:s14+$0x9080]  }
0x20f: {  	v10 =	vimm.f32 $0.0e+00;
	v14 =	vld [tilespmem:s14+$0x9090]  }
0x210: {  	s15 =	simm.s32 $0x500;
	v9 =	vimm.f32 $0.0e+00;
	v11 =	vimm.f32 $0.0e+00;
	v8 =	vimm.f32 $0.0e+00;
	v12 =	vld [tilespmem:s14+$0x90A0]  }
.LBB2_21:
0x211: {  	p0 =	sne.s32 s15, $0x2D00;
	v15 =	vld [tilespmem:s14+$0x90B0]  }
0x212: {  	v16 =	vld [tilespmem:s14+$0x90E0]  }
0x213: {  	v17 =	vld [tilespmem:s14+$0x90F0]  }
0x214: {  	v18 =	vld [tilespmem:s14+$0x9120]  }
0x215: {  	v8 =	vadd.f32 v13, v8;
	v11 =	vadd.f32 v14, v11;
	v13 =	vld [tilespmem:s14+$0x9130]  }
0x216: {  	v10 =	vadd.f32 v12, v10;
	v9 =	vadd.f32 v15, v9;
	v12 =	vld [tilespmem:s14+$0x9160]  }
0x217: {  	v6 =	vadd.f32 v6, v8;
	v7 =	vadd.f32 v7, v11;
	v8 =	vld [tilespmem:s14+$0x9170]  }
0x218: {  	v10 =	vadd.f32 v16, v10;
	v9 =	vadd.f32 v17, v9;
	v14 =	vld [tilespmem:s14+$0x91A0]  }
0x219: {  	v4 =	vadd.f32 v4, v6;
	v5 =	vadd.f32 v5, v7;
	v6 =	vld [tilespmem:s14+$0x91B0];
	s14 =	sshra.s32 s15, $0x2  }
0x21a: {  	v10 =	vadd.f32 v18, v10;
	v7 =	vld [tilespmem:s14+$0x9180];
	v9 =	vadd.f32 v13, v9  }
0x21b: {  	v4 =	vadd.f32 v2, v4;
	v5 =	vadd.f32 v3, v5;
	v13 =	vld [tilespmem:s14+$0x9190]  }
0x21c: {  	v10 =	vadd.f32 v12, v10;
	v2 =	vld [tilespmem:s14+$0x9140];
	v9 =	vadd.f32 v8, v9  }
0x21d: {  	v8 =	vadd.f32 v0, v4;
	v11 =	vadd.f32 v1, v5;
	v3 =	vld [tilespmem:s14+$0x9150]  }
0x21e: {  	v10 =	vadd.f32 v14, v10;
	v4 =	vld [tilespmem:s14+$0x9100];
	v9 =	vadd.f32 v6, v9  }
0x21f: {  	v5 =	vld [tilespmem:s14+$0x9110];
	v0 =	vmov v7  }
.Ltmp9:
0x220: {  	v6 =	vld [tilespmem:s14+$0x90C0];
	v1 =	vmov v13;
	(pc) =	sbr.rel @p0 .LBB2_21-.Ltmp9, $4  }
0x221: {  	v7 =	vld [tilespmem:s14+$0x90D0]  }
0x222: {  	v13 =	vld [tilespmem:s14+$0x9080]  }
0x223: {  	v14 =	vld [tilespmem:s14+$0x9090]  }
0x224: {  	s15 =	sadd.s32 $0x500, s15;
	v12 =	vld [tilespmem:s14+$0x90A0]  }
0x225: {  	v15 =	vld [tilespmem:s14+$0x90B0]  }
0x226: {  	v16 =	vld [tilespmem:s14+$0x90E0]  }
0x227: {  	v17 =	vld [tilespmem:s14+$0x90F0];
	v8 =	vadd.f32 v13, v8  }
0x228: {  	v13 =	vld [tilespmem:s14+$0x9120];
	v11 =	vadd.f32 v14, v11  }
0x229: {  	v14 =	vld [tilespmem:s14+$0x9130];
	v10 =	vadd.f32 v12, v10;
	v6 =	vadd.f32 v6, v8  }
0x22a: {  	v8 =	vadd.f32 v15, v9;
	v9 =	vld [tilespmem:s14+$0x9160];
	v7 =	vadd.f32 v7, v11  }
0x22b: {  	v11 =	vld [tilespmem:s14+$0x9170];
	v10 =	vadd.f32 v16, v10;
	v4 =	vadd.f32 v4, v6  }
0x22c: {  	v6 =	vadd.f32 v17, v8;
	v8 =	vld [tilespmem:s14+$0x91A0];
	v5 =	vadd.f32 v5, v7  }
0x22d: {  	v7 =	vld [tilespmem:s14+$0x91B0];
	v10 =	vadd.f32 v13, v10;
	v2 =	vadd.f32 v2, v4  }
0x22e: {  	v4 =	vadd.f32 v14, v6;
	v3 =	vadd.f32 v3, v5  }
0x22f: {  	v5 =	vadd.f32 v9, v10;
	v0 =	vadd.f32 v0, v2  }
0x230: {  	v2 =	vadd.f32 v11, v4;
	v1 =	vadd.f32 v1, v3  }
0x231: {  	v3 =	vadd.f32 v8, v5;
	v0 =	vmul.f32 $1.999999960e-02, v0  }
0x232: {  	v2 =	vadd.f32 v7, v2;
	v1 =	vmul.f32 $1.999999960e-02, v1  }
0x233: {  	[tilespmem:$0xE840] =	vst v0;
	v0 =	vmul.f32 $1.999999960e-02, v3  }
0x234: {  	[tilespmem:$0xE850] =	vst v1;
	v1 =	vmul.f32 $1.999999960e-02, v2  }
0x235: {  	[tilespmem:$0xE860] =	vst v0  }
0x236: {  	s14 =	simm.s32 $0x0;
	[tilespmem:$0xE870] =	vst v1  }
0x237: {  	v0 =	vld [tilespmem:s14+$0x9E00]  }
0x238: {  	v1 =	vld [tilespmem:s14+$0x9E10]  }
0x239: {  	v2 =	vld [tilespmem:s14+$0x9DC0]  }
0x23a: {  	v3 =	vld [tilespmem:s14+$0x9DD0]  }
0x23b: {  	v4 =	vld [tilespmem:s14+$0x9D80]  }
0x23c: {  	v5 =	vld [tilespmem:s14+$0x9D90]  }
0x23d: {  	v6 =	vld [tilespmem:s14+$0x9D40]  }
0x23e: {  	v7 =	vld [tilespmem:s14+$0x9D50]  }
0x23f: {  	v13 =	vld [tilespmem:s14+$0x9D00]  }
0x240: {  	v10 =	vimm.f32 $0.0e+00;
	v14 =	vld [tilespmem:s14+$0x9D10]  }
0x241: {  	s15 =	simm.s32 $0x500;
	v9 =	vimm.f32 $0.0e+00;
	v11 =	vimm.f32 $0.0e+00;
	v8 =	vimm.f32 $0.0e+00;
	v12 =	vld [tilespmem:s14+$0x9D20]  }
.LBB2_23:
0x242: {  	p0 =	sne.s32 s15, $0x2D00;
	v15 =	vld [tilespmem:s14+$0x9D30]  }
0x243: {  	v16 =	vld [tilespmem:s14+$0x9D60]  }
0x244: {  	v17 =	vld [tilespmem:s14+$0x9D70]  }
0x245: {  	v18 =	vld [tilespmem:s14+$0x9DA0]  }
0x246: {  	v8 =	vadd.f32 v13, v8;
	v11 =	vadd.f32 v14, v11;
	v13 =	vld [tilespmem:s14+$0x9DB0]  }
0x247: {  	v10 =	vadd.f32 v12, v10;
	v9 =	vadd.f32 v15, v9;
	v12 =	vld [tilespmem:s14+$0x9DE0]  }
0x248: {  	v6 =	vadd.f32 v6, v8;
	v7 =	vadd.f32 v7, v11;
	v8 =	vld [tilespmem:s14+$0x9DF0]  }
0x249: {  	v10 =	vadd.f32 v16, v10;
	v9 =	vadd.f32 v17, v9;
	v14 =	vld [tilespmem:s14+$0x9E20]  }
0x24a: {  	v4 =	vadd.f32 v4, v6;
	v5 =	vadd.f32 v5, v7;
	v6 =	vld [tilespmem:s14+$0x9E30];
	s14 =	sshra.s32 s15, $0x2  }
0x24b: {  	v10 =	vadd.f32 v18, v10;
	v7 =	vld [tilespmem:s14+$0x9E00];
	v9 =	vadd.f32 v13, v9  }
0x24c: {  	v4 =	vadd.f32 v2, v4;
	v5 =	vadd.f32 v3, v5;
	v13 =	vld [tilespmem:s14+$0x9E10]  }
0x24d: {  	v10 =	vadd.f32 v12, v10;
	v2 =	vld [tilespmem:s14+$0x9DC0];
	v9 =	vadd.f32 v8, v9  }
0x24e: {  	v8 =	vadd.f32 v0, v4;
	v11 =	vadd.f32 v1, v5;
	v3 =	vld [tilespmem:s14+$0x9DD0]  }
0x24f: {  	v10 =	vadd.f32 v14, v10;
	v4 =	vld [tilespmem:s14+$0x9D80];
	v9 =	vadd.f32 v6, v9  }
0x250: {  	v5 =	vld [tilespmem:s14+$0x9D90];
	v0 =	vmov v7  }
.Ltmp10:
0x251: {  	v6 =	vld [tilespmem:s14+$0x9D40];
	v1 =	vmov v13;
	(pc) =	sbr.rel @p0 .LBB2_23-.Ltmp10, $4  }
0x252: {  	v7 =	vld [tilespmem:s14+$0x9D50]  }
0x253: {  	v13 =	vld [tilespmem:s14+$0x9D00]  }
0x254: {  	v14 =	vld [tilespmem:s14+$0x9D10]  }
0x255: {  	s15 =	sadd.s32 $0x500, s15;
	v12 =	vld [tilespmem:s14+$0x9D20]  }
0x256: {  	v15 =	vld [tilespmem:s14+$0x9D30]  }
0x257: {  	v16 =	vld [tilespmem:s14+$0x9D60]  }
0x258: {  	v17 =	vld [tilespmem:s14+$0x9D70];
	v8 =	vadd.f32 v13, v8  }
0x259: {  	v13 =	vld [tilespmem:s14+$0x9DA0];
	v11 =	vadd.f32 v14, v11  }
0x25a: {  	v14 =	vld [tilespmem:s14+$0x9DB0];
	v10 =	vadd.f32 v12, v10;
	v6 =	vadd.f32 v6, v8  }
0x25b: {  	v8 =	vadd.f32 v15, v9;
	v9 =	vld [tilespmem:s14+$0x9DE0];
	v7 =	vadd.f32 v7, v11  }
0x25c: {  	v11 =	vld [tilespmem:s14+$0x9DF0];
	v10 =	vadd.f32 v16, v10;
	v4 =	vadd.f32 v4, v6  }
0x25d: {  	v6 =	vadd.f32 v17, v8;
	v8 =	vld [tilespmem:s14+$0x9E20];
	v5 =	vadd.f32 v5, v7  }
0x25e: {  	v7 =	vld [tilespmem:s14+$0x9E30];
	v10 =	vadd.f32 v13, v10;
	v2 =	vadd.f32 v2, v4  }
0x25f: {  	v4 =	vadd.f32 v14, v6;
	v3 =	vadd.f32 v3, v5  }
0x260: {  	v5 =	vadd.f32 v9, v10;
	v0 =	vadd.f32 v0, v2  }
0x261: {  	v2 =	vadd.f32 v11, v4;
	v1 =	vadd.f32 v1, v3  }
0x262: {  	v3 =	vadd.f32 v8, v5;
	v0 =	vmul.f32 $1.999999960e-02, v0  }
0x263: {  	v2 =	vadd.f32 v7, v2;
	v1 =	vmul.f32 $1.999999960e-02, v1  }
0x264: {  	[tilespmem:$0xE880] =	vst v0;
	v0 =	vmul.f32 $1.999999960e-02, v3  }
0x265: {  	[tilespmem:$0xE890] =	vst v1;
	v1 =	vmul.f32 $1.999999960e-02, v2  }
0x266: {  	[tilespmem:$0xE8A0] =	vst v0  }
0x267: {  	s14 =	simm.s32 $0x0;
	[tilespmem:$0xE8B0] =	vst v1  }
0x268: {  	v0 =	vld [tilespmem:s14+$0xAA80]  }
0x269: {  	v1 =	vld [tilespmem:s14+$0xAA90]  }
0x26a: {  	v2 =	vld [tilespmem:s14+$0xAA40]  }
0x26b: {  	v3 =	vld [tilespmem:s14+$0xAA50]  }
0x26c: {  	v4 =	vld [tilespmem:s14+$0xAA00]  }
0x26d: {  	v5 =	vld [tilespmem:s14+$0xAA10]  }
0x26e: {  	v6 =	vld [tilespmem:s14+$0xA9C0]  }
0x26f: {  	v7 =	vld [tilespmem:s14+$0xA9D0]  }
0x270: {  	v13 =	vld [tilespmem:s14+$0xA980]  }
0x271: {  	v10 =	vimm.f32 $0.0e+00;
	v14 =	vld [tilespmem:s14+$0xA990]  }
0x272: {  	s15 =	simm.s32 $0x500;
	v9 =	vimm.f32 $0.0e+00;
	v11 =	vimm.f32 $0.0e+00;
	v8 =	vimm.f32 $0.0e+00;
	v12 =	vld [tilespmem:s14+$0xA9A0]  }
.LBB2_25:
0x273: {  	p0 =	sne.s32 s15, $0x2D00;
	v15 =	vld [tilespmem:s14+$0xA9B0]  }
0x274: {  	v16 =	vld [tilespmem:s14+$0xA9E0]  }
0x275: {  	v17 =	vld [tilespmem:s14+$0xA9F0]  }
0x276: {  	v18 =	vld [tilespmem:s14+$0xAA20]  }
0x277: {  	v8 =	vadd.f32 v13, v8;
	v11 =	vadd.f32 v14, v11;
	v13 =	vld [tilespmem:s14+$0xAA30]  }
0x278: {  	v10 =	vadd.f32 v12, v10;
	v9 =	vadd.f32 v15, v9;
	v12 =	vld [tilespmem:s14+$0xAA60]  }
0x279: {  	v6 =	vadd.f32 v6, v8;
	v7 =	vadd.f32 v7, v11;
	v8 =	vld [tilespmem:s14+$0xAA70]  }
0x27a: {  	v10 =	vadd.f32 v16, v10;
	v9 =	vadd.f32 v17, v9;
	v14 =	vld [tilespmem:s14+$0xAAA0]  }
0x27b: {  	v4 =	vadd.f32 v4, v6;
	v5 =	vadd.f32 v5, v7;
	v6 =	vld [tilespmem:s14+$0xAAB0];
	s14 =	sshra.s32 s15, $0x2  }
0x27c: {  	v10 =	vadd.f32 v18, v10;
	v7 =	vld [tilespmem:s14+$0xAA80];
	v9 =	vadd.f32 v13, v9  }
0x27d: {  	v4 =	vadd.f32 v2, v4;
	v5 =	vadd.f32 v3, v5;
	v13 =	vld [tilespmem:s14+$0xAA90]  }
0x27e: {  	v10 =	vadd.f32 v12, v10;
	v2 =	vld [tilespmem:s14+$0xAA40];
	v9 =	vadd.f32 v8, v9  }
0x27f: {  	v8 =	vadd.f32 v0, v4;
	v11 =	vadd.f32 v1, v5;
	v3 =	vld [tilespmem:s14+$0xAA50]  }
0x280: {  	v10 =	vadd.f32 v14, v10;
	v4 =	vld [tilespmem:s14+$0xAA00];
	v9 =	vadd.f32 v6, v9  }
0x281: {  	v5 =	vld [tilespmem:s14+$0xAA10];
	v0 =	vmov v7  }
.Ltmp11:
0x282: {  	v6 =	vld [tilespmem:s14+$0xA9C0];
	v1 =	vmov v13;
	(pc) =	sbr.rel @p0 .LBB2_25-.Ltmp11, $4  }
0x283: {  	v7 =	vld [tilespmem:s14+$0xA9D0]  }
0x284: {  	v13 =	vld [tilespmem:s14+$0xA980]  }
0x285: {  	v14 =	vld [tilespmem:s14+$0xA990]  }
0x286: {  	s15 =	sadd.s32 $0x500, s15;
	v12 =	vld [tilespmem:s14+$0xA9A0]  }
0x287: {  	v15 =	vld [tilespmem:s14+$0xA9B0]  }
0x288: {  	v16 =	vld [tilespmem:s14+$0xA9E0]  }
0x289: {  	v17 =	vld [tilespmem:s14+$0xA9F0];
	v8 =	vadd.f32 v13, v8  }
0x28a: {  	v13 =	vld [tilespmem:s14+$0xAA20];
	v11 =	vadd.f32 v14, v11  }
0x28b: {  	v14 =	vld [tilespmem:s14+$0xAA30];
	v10 =	vadd.f32 v12, v10;
	v6 =	vadd.f32 v6, v8  }
0x28c: {  	v8 =	vadd.f32 v15, v9;
	v9 =	vld [tilespmem:s14+$0xAA60];
	v7 =	vadd.f32 v7, v11  }
0x28d: {  	v11 =	vld [tilespmem:s14+$0xAA70];
	v10 =	vadd.f32 v16, v10;
	v4 =	vadd.f32 v4, v6  }
0x28e: {  	v6 =	vadd.f32 v17, v8;
	v8 =	vld [tilespmem:s14+$0xAAA0];
	v5 =	vadd.f32 v5, v7  }
0x28f: {  	v7 =	vld [tilespmem:s14+$0xAAB0];
	v10 =	vadd.f32 v13, v10;
	v2 =	vadd.f32 v2, v4  }
0x290: {  	v4 =	vadd.f32 v14, v6;
	v3 =	vadd.f32 v3, v5  }
0x291: {  	v5 =	vadd.f32 v9, v10;
	v0 =	vadd.f32 v0, v2  }
0x292: {  	v2 =	vadd.f32 v11, v4;
	v1 =	vadd.f32 v1, v3  }
0x293: {  	v3 =	vadd.f32 v8, v5;
	v0 =	vmul.f32 $1.999999960e-02, v0  }
0x294: {  	v2 =	vadd.f32 v7, v2;
	v1 =	vmul.f32 $1.999999960e-02, v1  }
0x295: {  	[tilespmem:$0xE8C0] =	vst v0;
	v0 =	vmul.f32 $1.999999960e-02, v3  }
0x296: {  	[tilespmem:$0xE8D0] =	vst v1;
	v1 =	vmul.f32 $1.999999960e-02, v2  }
0x297: {  	[tilespmem:$0xE8E0] =	vst v0  }
0x298: {  	s14 =	simm.s32 $0x0;
	[tilespmem:$0xE8F0] =	vst v1  }
0x299: {  	v0 =	vld [tilespmem:s14+$0xB700]  }
0x29a: {  	v1 =	vld [tilespmem:s14+$0xB710]  }
0x29b: {  	v2 =	vld [tilespmem:s14+$0xB6C0]  }
0x29c: {  	v3 =	vld [tilespmem:s14+$0xB6D0]  }
0x29d: {  	v4 =	vld [tilespmem:s14+$0xB680]  }
0x29e: {  	v5 =	vld [tilespmem:s14+$0xB690]  }
0x29f: {  	v6 =	vld [tilespmem:s14+$0xB640]  }
0x2a0: {  	v7 =	vld [tilespmem:s14+$0xB650]  }
0x2a1: {  	v13 =	vld [tilespmem:s14+$0xB600]  }
0x2a2: {  	v10 =	vimm.f32 $0.0e+00;
	v14 =	vld [tilespmem:s14+$0xB610]  }
0x2a3: {  	s15 =	simm.s32 $0x500;
	v9 =	vimm.f32 $0.0e+00;
	v11 =	vimm.f32 $0.0e+00;
	v8 =	vimm.f32 $0.0e+00;
	v12 =	vld [tilespmem:s14+$0xB620]  }
.LBB2_27:
0x2a4: {  	p0 =	sne.s32 s15, $0x2D00;
	v15 =	vld [tilespmem:s14+$0xB630]  }
0x2a5: {  	v16 =	vld [tilespmem:s14+$0xB660]  }
0x2a6: {  	v17 =	vld [tilespmem:s14+$0xB670]  }
0x2a7: {  	v18 =	vld [tilespmem:s14+$0xB6A0]  }
0x2a8: {  	v8 =	vadd.f32 v13, v8;
	v11 =	vadd.f32 v14, v11;
	v13 =	vld [tilespmem:s14+$0xB6B0]  }
0x2a9: {  	v10 =	vadd.f32 v12, v10;
	v9 =	vadd.f32 v15, v9;
	v12 =	vld [tilespmem:s14+$0xB6E0]  }
0x2aa: {  	v6 =	vadd.f32 v6, v8;
	v7 =	vadd.f32 v7, v11;
	v8 =	vld [tilespmem:s14+$0xB6F0]  }
0x2ab: {  	v10 =	vadd.f32 v16, v10;
	v9 =	vadd.f32 v17, v9;
	v14 =	vld [tilespmem:s14+$0xB720]  }
0x2ac: {  	v4 =	vadd.f32 v4, v6;
	v5 =	vadd.f32 v5, v7;
	v6 =	vld [tilespmem:s14+$0xB730];
	s14 =	sshra.s32 s15, $0x2  }
0x2ad: {  	v10 =	vadd.f32 v18, v10;
	v7 =	vld [tilespmem:s14+$0xB700];
	v9 =	vadd.f32 v13, v9  }
0x2ae: {  	v4 =	vadd.f32 v2, v4;
	v5 =	vadd.f32 v3, v5;
	v13 =	vld [tilespmem:s14+$0xB710]  }
0x2af: {  	v10 =	vadd.f32 v12, v10;
	v2 =	vld [tilespmem:s14+$0xB6C0];
	v9 =	vadd.f32 v8, v9  }
0x2b0: {  	v8 =	vadd.f32 v0, v4;
	v11 =	vadd.f32 v1, v5;
	v3 =	vld [tilespmem:s14+$0xB6D0]  }
0x2b1: {  	v10 =	vadd.f32 v14, v10;
	v4 =	vld [tilespmem:s14+$0xB680];
	v9 =	vadd.f32 v6, v9  }
0x2b2: {  	v5 =	vld [tilespmem:s14+$0xB690];
	v0 =	vmov v7  }
.Ltmp12:
0x2b3: {  	v6 =	vld [tilespmem:s14+$0xB640];
	v1 =	vmov v13;
	(pc) =	sbr.rel @p0 .LBB2_27-.Ltmp12, $4  }
0x2b4: {  	v7 =	vld [tilespmem:s14+$0xB650]  }
0x2b5: {  	v13 =	vld [tilespmem:s14+$0xB600]  }
0x2b6: {  	v14 =	vld [tilespmem:s14+$0xB610]  }
0x2b7: {  	s15 =	sadd.s32 $0x500, s15;
	v12 =	vld [tilespmem:s14+$0xB620]  }
0x2b8: {  	v15 =	vld [tilespmem:s14+$0xB630]  }
0x2b9: {  	v16 =	vld [tilespmem:s14+$0xB660]  }
0x2ba: {  	v17 =	vld [tilespmem:s14+$0xB670];
	v8 =	vadd.f32 v13, v8  }
0x2bb: {  	v13 =	vld [tilespmem:s14+$0xB6A0];
	v11 =	vadd.f32 v14, v11  }
0x2bc: {  	v14 =	vld [tilespmem:s14+$0xB6B0];
	v10 =	vadd.f32 v12, v10;
	v6 =	vadd.f32 v6, v8  }
0x2bd: {  	v8 =	vadd.f32 v15, v9;
	v9 =	vld [tilespmem:s14+$0xB6E0];
	v7 =	vadd.f32 v7, v11  }
0x2be: {  	v11 =	vld [tilespmem:s14+$0xB6F0];
	v10 =	vadd.f32 v16, v10;
	v4 =	vadd.f32 v4, v6  }
0x2bf: {  	v6 =	vadd.f32 v17, v8;
	v8 =	vld [tilespmem:s14+$0xB720];
	v5 =	vadd.f32 v5, v7  }
0x2c0: {  	v7 =	vld [tilespmem:s14+$0xB730];
	v10 =	vadd.f32 v13, v10;
	v2 =	vadd.f32 v2, v4  }
0x2c1: {  	v4 =	vadd.f32 v14, v6;
	v3 =	vadd.f32 v3, v5  }
0x2c2: {  	v5 =	vadd.f32 v9, v10;
	v0 =	vadd.f32 v0, v2  }
0x2c3: {  	v2 =	vadd.f32 v11, v4;
	v1 =	vadd.f32 v1, v3  }
0x2c4: {  	v3 =	vadd.f32 v8, v5;
	v0 =	vmul.f32 $1.999999960e-02, v0  }
0x2c5: {  	v2 =	vadd.f32 v7, v2;
	v1 =	vmul.f32 $1.999999960e-02, v1  }
0x2c6: {  	[tilespmem:$0xE900] =	vst v0;
	v0 =	vmul.f32 $1.999999960e-02, v3  }
0x2c7: {  	[tilespmem:$0xE910] =	vst v1;
	v1 =	vmul.f32 $1.999999960e-02, v2  }
0x2c8: {  	[tilespmem:$0xE920] =	vst v0  }
0x2c9: {  	s14 =	simm.s32 $0x0;
	[tilespmem:$0xE930] =	vst v1  }
0x2ca: {  	v0 =	vld [tilespmem:s14+$0xC380]  }
0x2cb: {  	v1 =	vld [tilespmem:s14+$0xC390]  }
0x2cc: {  	v2 =	vld [tilespmem:s14+$0xC340]  }
0x2cd: {  	v3 =	vld [tilespmem:s14+$0xC350]  }
0x2ce: {  	v4 =	vld [tilespmem:s14+$0xC300]  }
0x2cf: {  	v5 =	vld [tilespmem:s14+$0xC310]  }
0x2d0: {  	v6 =	vld [tilespmem:s14+$0xC2C0]  }
0x2d1: {  	v7 =	vld [tilespmem:s14+$0xC2D0]  }
0x2d2: {  	v13 =	vld [tilespmem:s14+$0xC280]  }
0x2d3: {  	v10 =	vimm.f32 $0.0e+00;
	v14 =	vld [tilespmem:s14+$0xC290]  }
0x2d4: {  	s15 =	simm.s32 $0x500;
	v9 =	vimm.f32 $0.0e+00;
	v11 =	vimm.f32 $0.0e+00;
	v8 =	vimm.f32 $0.0e+00;
	v12 =	vld [tilespmem:s14+$0xC2A0]  }
.LBB2_29:
0x2d5: {  	p0 =	sne.s32 s15, $0x2D00;
	v15 =	vld [tilespmem:s14+$0xC2B0]  }
0x2d6: {  	v16 =	vld [tilespmem:s14+$0xC2E0]  }
0x2d7: {  	v17 =	vld [tilespmem:s14+$0xC2F0]  }
0x2d8: {  	v18 =	vld [tilespmem:s14+$0xC320]  }
0x2d9: {  	v8 =	vadd.f32 v13, v8;
	v11 =	vadd.f32 v14, v11;
	v13 =	vld [tilespmem:s14+$0xC330]  }
0x2da: {  	v10 =	vadd.f32 v12, v10;
	v9 =	vadd.f32 v15, v9;
	v12 =	vld [tilespmem:s14+$0xC360]  }
0x2db: {  	v6 =	vadd.f32 v6, v8;
	v7 =	vadd.f32 v7, v11;
	v8 =	vld [tilespmem:s14+$0xC370]  }
0x2dc: {  	v10 =	vadd.f32 v16, v10;
	v9 =	vadd.f32 v17, v9;
	v14 =	vld [tilespmem:s14+$0xC3A0]  }
0x2dd: {  	v4 =	vadd.f32 v4, v6;
	v5 =	vadd.f32 v5, v7;
	v6 =	vld [tilespmem:s14+$0xC3B0];
	s14 =	sshra.s32 s15, $0x2  }
0x2de: {  	v10 =	vadd.f32 v18, v10;
	v7 =	vld [tilespmem:s14+$0xC380];
	v9 =	vadd.f32 v13, v9  }
0x2df: {  	v4 =	vadd.f32 v2, v4;
	v5 =	vadd.f32 v3, v5;
	v13 =	vld [tilespmem:s14+$0xC390]  }
0x2e0: {  	v10 =	vadd.f32 v12, v10;
	v2 =	vld [tilespmem:s14+$0xC340];
	v9 =	vadd.f32 v8, v9  }
0x2e1: {  	v8 =	vadd.f32 v0, v4;
	v11 =	vadd.f32 v1, v5;
	v3 =	vld [tilespmem:s14+$0xC350]  }
0x2e2: {  	v10 =	vadd.f32 v14, v10;
	v4 =	vld [tilespmem:s14+$0xC300];
	v9 =	vadd.f32 v6, v9  }
0x2e3: {  	v5 =	vld [tilespmem:s14+$0xC310];
	v0 =	vmov v7  }
.Ltmp13:
0x2e4: {  	v6 =	vld [tilespmem:s14+$0xC2C0];
	v1 =	vmov v13;
	(pc) =	sbr.rel @p0 .LBB2_29-.Ltmp13, $4  }
0x2e5: {  	v7 =	vld [tilespmem:s14+$0xC2D0]  }
0x2e6: {  	v13 =	vld [tilespmem:s14+$0xC280]  }
0x2e7: {  	v14 =	vld [tilespmem:s14+$0xC290]  }
0x2e8: {  	s15 =	sadd.s32 $0x500, s15;
	v12 =	vld [tilespmem:s14+$0xC2A0]  }
0x2e9: {  	v15 =	vld [tilespmem:s14+$0xC2B0]  }
0x2ea: {  	v16 =	vld [tilespmem:s14+$0xC2E0]  }
0x2eb: {  	v17 =	vld [tilespmem:s14+$0xC2F0];
	v8 =	vadd.f32 v13, v8  }
0x2ec: {  	v13 =	vld [tilespmem:s14+$0xC320];
	v11 =	vadd.f32 v14, v11  }
0x2ed: {  	v14 =	vld [tilespmem:s14+$0xC330];
	v10 =	vadd.f32 v12, v10;
	v6 =	vadd.f32 v6, v8  }
0x2ee: {  	v8 =	vadd.f32 v15, v9;
	v9 =	vld [tilespmem:s14+$0xC360];
	v7 =	vadd.f32 v7, v11  }
0x2ef: {  	v11 =	vld [tilespmem:s14+$0xC370];
	v10 =	vadd.f32 v16, v10;
	v4 =	vadd.f32 v4, v6  }
0x2f0: {  	v6 =	vadd.f32 v17, v8;
	v8 =	vld [tilespmem:s14+$0xC3A0];
	v5 =	vadd.f32 v5, v7  }
0x2f1: {  	v7 =	vld [tilespmem:s14+$0xC3B0];
	v10 =	vadd.f32 v13, v10;
	v2 =	vadd.f32 v2, v4  }
0x2f2: {  	v4 =	vadd.f32 v14, v6;
	v3 =	vadd.f32 v3, v5  }
0x2f3: {  	v5 =	vadd.f32 v9, v10;
	v0 =	vadd.f32 v0, v2  }
0x2f4: {  	v2 =	vadd.f32 v11, v4;
	v1 =	vadd.f32 v1, v3  }
0x2f5: {  	v3 =	vadd.f32 v8, v5;
	v0 =	vmul.f32 $1.999999960e-02, v0  }
0x2f6: {  	v2 =	vadd.f32 v7, v2;
	v1 =	vmul.f32 $1.999999960e-02, v1  }
0x2f7: {  	[tilespmem:$0xE940] =	vst v0;
	v0 =	vmul.f32 $1.999999960e-02, v3  }
0x2f8: {  	[tilespmem:$0xE950] =	vst v1;
	v1 =	vmul.f32 $1.999999960e-02, v2  }
0x2f9: {  	[tilespmem:$0xE960] =	vst v0  }
0x2fa: {  	s14 =	simm.s32 $0x0;
	[tilespmem:$0xE970] =	vst v1  }
0x2fb: {  	v0 =	vld [tilespmem:s14+$0xD000]  }
0x2fc: {  	v1 =	vld [tilespmem:s14+$0xD010]  }
0x2fd: {  	v2 =	vld [tilespmem:s14+$0xCFC0]  }
0x2fe: {  	v3 =	vld [tilespmem:s14+$0xCFD0]  }
0x2ff: {  	v4 =	vld [tilespmem:s14+$0xCF80]  }
0x300: {  	v5 =	vld [tilespmem:s14+$0xCF90]  }
0x301: {  	v6 =	vld [tilespmem:s14+$0xCF40]  }
0x302: {  	v7 =	vld [tilespmem:s14+$0xCF50]  }
0x303: {  	v13 =	vld [tilespmem:s14+$0xCF00]  }
0x304: {  	v10 =	vimm.f32 $0.0e+00;
	v14 =	vld [tilespmem:s14+$0xCF10]  }
0x305: {  	s15 =	simm.s32 $0x500;
	v9 =	vimm.f32 $0.0e+00;
	v11 =	vimm.f32 $0.0e+00;
	v8 =	vimm.f32 $0.0e+00;
	v12 =	vld [tilespmem:s14+$0xCF20]  }
.LBB2_31:
0x306: {  	p0 =	sne.s32 s15, $0x2D00;
	v15 =	vld [tilespmem:s14+$0xCF30]  }
0x307: {  	v16 =	vld [tilespmem:s14+$0xCF60]  }
0x308: {  	v17 =	vld [tilespmem:s14+$0xCF70]  }
0x309: {  	v18 =	vld [tilespmem:s14+$0xCFA0]  }
0x30a: {  	v8 =	vadd.f32 v13, v8;
	v11 =	vadd.f32 v14, v11;
	v13 =	vld [tilespmem:s14+$0xCFB0]  }
0x30b: {  	v10 =	vadd.f32 v12, v10;
	v9 =	vadd.f32 v15, v9;
	v12 =	vld [tilespmem:s14+$0xCFE0]  }
0x30c: {  	v6 =	vadd.f32 v6, v8;
	v7 =	vadd.f32 v7, v11;
	v8 =	vld [tilespmem:s14+$0xCFF0]  }
0x30d: {  	v10 =	vadd.f32 v16, v10;
	v9 =	vadd.f32 v17, v9;
	v14 =	vld [tilespmem:s14+$0xD020]  }
0x30e: {  	v4 =	vadd.f32 v4, v6;
	v5 =	vadd.f32 v5, v7;
	v6 =	vld [tilespmem:s14+$0xD030];
	s14 =	sshra.s32 s15, $0x2  }
0x30f: {  	v10 =	vadd.f32 v18, v10;
	v7 =	vld [tilespmem:s14+$0xD000];
	v9 =	vadd.f32 v13, v9  }
0x310: {  	v4 =	vadd.f32 v2, v4;
	v5 =	vadd.f32 v3, v5;
	v13 =	vld [tilespmem:s14+$0xD010]  }
0x311: {  	v10 =	vadd.f32 v12, v10;
	v2 =	vld [tilespmem:s14+$0xCFC0];
	v9 =	vadd.f32 v8, v9  }
0x312: {  	v8 =	vadd.f32 v0, v4;
	v11 =	vadd.f32 v1, v5;
	v3 =	vld [tilespmem:s14+$0xCFD0]  }
0x313: {  	v10 =	vadd.f32 v14, v10;
	v4 =	vld [tilespmem:s14+$0xCF80];
	v9 =	vadd.f32 v6, v9  }
0x314: {  	v5 =	vld [tilespmem:s14+$0xCF90];
	v0 =	vmov v7  }
.Ltmp14:
0x315: {  	v6 =	vld [tilespmem:s14+$0xCF40];
	v1 =	vmov v13;
	(pc) =	sbr.rel @p0 .LBB2_31-.Ltmp14, $4  }
0x316: {  	v7 =	vld [tilespmem:s14+$0xCF50]  }
0x317: {  	v13 =	vld [tilespmem:s14+$0xCF00]  }
0x318: {  	v14 =	vld [tilespmem:s14+$0xCF10]  }
0x319: {  	s15 =	sadd.s32 $0x500, s15;
	v12 =	vld [tilespmem:s14+$0xCF20]  }
0x31a: {  	v15 =	vld [tilespmem:s14+$0xCF30]  }
0x31b: {  	v16 =	vld [tilespmem:s14+$0xCF60]  }
0x31c: {  	v17 =	vld [tilespmem:s14+$0xCF70];
	v8 =	vadd.f32 v13, v8  }
0x31d: {  	v13 =	vld [tilespmem:s14+$0xCFA0];
	v11 =	vadd.f32 v14, v11  }
0x31e: {  	v14 =	vld [tilespmem:s14+$0xCFB0];
	v10 =	vadd.f32 v12, v10;
	v6 =	vadd.f32 v6, v8  }
0x31f: {  	v8 =	vadd.f32 v15, v9;
	v9 =	vld [tilespmem:s14+$0xCFE0];
	v7 =	vadd.f32 v7, v11  }
0x320: {  	v11 =	vld [tilespmem:s14+$0xCFF0];
	v10 =	vadd.f32 v16, v10;
	v4 =	vadd.f32 v4, v6  }
0x321: {  	v6 =	vadd.f32 v17, v8;
	v8 =	vld [tilespmem:s14+$0xD020];
	v5 =	vadd.f32 v5, v7  }
0x322: {  	v7 =	vld [tilespmem:s14+$0xD030];
	v10 =	vadd.f32 v13, v10;
	v2 =	vadd.f32 v2, v4  }
0x323: {  	v4 =	vadd.f32 v14, v6;
	v3 =	vadd.f32 v3, v5  }
0x324: {  	v5 =	vadd.f32 v9, v10;
	v0 =	vadd.f32 v0, v2  }
0x325: {  	v2 =	vadd.f32 v11, v4;
	v1 =	vadd.f32 v1, v3  }
0x326: {  	v3 =	vadd.f32 v8, v5;
	v0 =	vmul.f32 $1.999999960e-02, v0  }
0x327: {  	v2 =	vadd.f32 v7, v2;
	v1 =	vmul.f32 $1.999999960e-02, v1  }
0x328: {  	[tilespmem:$0xE980] =	vst v0;
	v0 =	vmul.f32 $1.999999960e-02, v3  }
0x329: {  	[tilespmem:$0xE990] =	vst v1;
	v1 =	vmul.f32 $1.999999960e-02, v2  }
0x32a: {  	[tilespmem:$0xE9A0] =	vst v0  }
0x32b: {  	s14 =	simm.s32 $0x0;
	[tilespmem:$0xE9B0] =	vst v1  }
0x32c: {  	v0 =	vld [tilespmem:s14+$0xDC80]  }
0x32d: {  	v1 =	vld [tilespmem:s14+$0xDC90]  }
0x32e: {  	v2 =	vld [tilespmem:s14+$0xDC40]  }
0x32f: {  	v3 =	vld [tilespmem:s14+$0xDC50]  }
0x330: {  	v4 =	vld [tilespmem:s14+$0xDC00]  }
0x331: {  	v5 =	vld [tilespmem:s14+$0xDC10]  }
0x332: {  	v6 =	vld [tilespmem:s14+$0xDBC0]  }
0x333: {  	v7 =	vld [tilespmem:s14+$0xDBD0]  }
0x334: {  	v13 =	vld [tilespmem:s14+$0xDB80]  }
0x335: {  	v10 =	vimm.f32 $0.0e+00;
	v14 =	vld [tilespmem:s14+$0xDB90]  }
0x336: {  	s15 =	simm.s32 $0x500;
	v9 =	vimm.f32 $0.0e+00;
	v11 =	vimm.f32 $0.0e+00;
	v8 =	vimm.f32 $0.0e+00;
	v12 =	vld [tilespmem:s14+$0xDBA0]  }
.LBB2_33:
0x337: {  	p0 =	sne.s32 s15, $0x2D00;
	v15 =	vld [tilespmem:s14+$0xDBB0]  }
0x338: {  	v16 =	vld [tilespmem:s14+$0xDBE0]  }
0x339: {  	v17 =	vld [tilespmem:s14+$0xDBF0]  }
0x33a: {  	v18 =	vld [tilespmem:s14+$0xDC20]  }
0x33b: {  	v8 =	vadd.f32 v13, v8;
	v11 =	vadd.f32 v14, v11;
	v13 =	vld [tilespmem:s14+$0xDC30]  }
0x33c: {  	v10 =	vadd.f32 v12, v10;
	v9 =	vadd.f32 v15, v9;
	v12 =	vld [tilespmem:s14+$0xDC60]  }
0x33d: {  	v6 =	vadd.f32 v6, v8;
	v7 =	vadd.f32 v7, v11;
	v8 =	vld [tilespmem:s14+$0xDC70]  }
0x33e: {  	v10 =	vadd.f32 v16, v10;
	v9 =	vadd.f32 v17, v9;
	v14 =	vld [tilespmem:s14+$0xDCA0]  }
0x33f: {  	v4 =	vadd.f32 v4, v6;
	v5 =	vadd.f32 v5, v7;
	v6 =	vld [tilespmem:s14+$0xDCB0];
	s14 =	sshra.s32 s15, $0x2  }
0x340: {  	v10 =	vadd.f32 v18, v10;
	v7 =	vld [tilespmem:s14+$0xDC80];
	v9 =	vadd.f32 v13, v9  }
0x341: {  	v4 =	vadd.f32 v2, v4;
	v5 =	vadd.f32 v3, v5;
	v13 =	vld [tilespmem:s14+$0xDC90]  }
0x342: {  	v10 =	vadd.f32 v12, v10;
	v2 =	vld [tilespmem:s14+$0xDC40];
	v9 =	vadd.f32 v8, v9  }
0x343: {  	v8 =	vadd.f32 v0, v4;
	v11 =	vadd.f32 v1, v5;
	v3 =	vld [tilespmem:s14+$0xDC50]  }
0x344: {  	v10 =	vadd.f32 v14, v10;
	v4 =	vld [tilespmem:s14+$0xDC00];
	v9 =	vadd.f32 v6, v9  }
0x345: {  	v5 =	vld [tilespmem:s14+$0xDC10];
	v0 =	vmov v7  }
.Ltmp15:
0x346: {  	v6 =	vld [tilespmem:s14+$0xDBC0];
	v1 =	vmov v13;
	(pc) =	sbr.rel @p0 .LBB2_33-.Ltmp15, $4  }
0x347: {  	v7 =	vld [tilespmem:s14+$0xDBD0]  }
0x348: {  	v13 =	vld [tilespmem:s14+$0xDB80]  }
0x349: {  	v14 =	vld [tilespmem:s14+$0xDB90]  }
0x34a: {  	s15 =	sadd.s32 $0x500, s15;
	v12 =	vld [tilespmem:s14+$0xDBA0]  }
0x34b: {  	v15 =	vld [tilespmem:s14+$0xDBB0]  }
0x34c: {  	v16 =	vld [tilespmem:s14+$0xDBE0]  }
0x34d: {  	v17 =	vld [tilespmem:s14+$0xDBF0];
	v8 =	vadd.f32 v13, v8  }
0x34e: {  	v50 =	vld [tilespmem:s14+$0xDC20];
	v11 =	vadd.f32 v14, v11  }
0x34f: {  	v51 =	vld [tilespmem:s14+$0xDC30];
	v10 =	vadd.f32 v12, v10;
	v6 =	vadd.f32 v6, v8  }
0x350: {  	v53 =	vld [tilespmem:s14+$0xDC60];
	v52 =	vadd.f32 v15, v9;
	v7 =	vadd.f32 v7, v11  }
0x351: {  	v54 =	vld [tilespmem:s14+$0xDC70];
	v10 =	vadd.f32 v16, v10;
	v4 =	vadd.f32 v4, v6  }
0x352: {  	v56 =	vld [tilespmem:s14+$0xDCA0];
	v55 =	vadd.f32 v17, v52;
	v5 =	vadd.f32 v5, v7  }
0x353: {  	v57 =	vld [tilespmem:s14+$0xDCB0];
	v10 =	vadd.f32 v50, v10;
	v2 =	vadd.f32 v2, v4  }
0x354: {  	v58 =	vadd.f32 v51, v55;
	v3 =	vadd.f32 v3, v5  }
0x355: {  	v59 =	vadd.f32 v53, v10;
	v0 =	vadd.f32 v0, v2  }
0x356: {  	v60 =	vadd.f32 v54, v58;
	v1 =	vadd.f32 v1, v3  }
0x357: {  	v61 =	vadd.f32 v56, v59;
	v0 =	vmul.f32 $1.999999960e-02, v0  }
0x358: {  	v2 =	vadd.f32 v57, v60;
	v1 =	vmul.f32 $1.999999960e-02, v1  }
0x359: {  	[tilespmem:$0xE9C0] =	vst v0;
	v62 =	vmul.f32 $1.999999960e-02, v61  }
0x35a: {  	s12 =	sadd.s32 $0x1, s12;
	[tilespmem:$0xE9D0] =	vst v1;
	v63 =	vmul.f32 $1.999999960e-02, v2  }
0x35b: {  	p0 =	sne.s32 s12, $0x8;
	[tilespmem:$0xE9E0] =	vst v62  }
.Ltmp16:
0x35c: {  	s13 =	sadd.s32 s13, s5;
	[tilespmem:$0xE9F0] =	vst v63;
	(pc) =	sbr.rel @p0 .LBB2_2-.Ltmp16, $4  }
0x35d: {  	[hbm4b:s13+s2] =	stream.linear.scatter [tilespmem:s9], [sflag:$0x3], $0x200, $0x38;
	[tilespmem:$0xEA00] =	vst v63  }
0x35e: {  	_ =	swait.ge [sflag:s7], $0x200  }
0x35f: {  	[sflag:s7] =	ssyncset.done $0x0  }
0x360: {  	[sflag:s7] =	ssyncadd.s32 $0xFFFFFE00  }
0x361: {  	s11 =	sadd.s32 $0x1, s11  }
0x362: {  	p0 =	sne.s32 s11, s6  }
.Ltmp17:
0x363: {  	_ = 	snop;
	(pc) =	sbr.rel @p0 .LBB2_1-.Ltmp17, $1  }
0x364: {  	_ =	sdelay $0x3  }
0x365: {  	_ =	sfence.sel $0x180000  }
0x366: {  	[bflag:$0x0] =	sbarrier.arrive $0xFFFF  }
0x367: {  	_ =	strace $0x90000047  }
0x368: {  	s0 =	stileid.u32;
	[bflag:$0x2] =	sbarrier.arrive $0xFFFF  }
0x369: {  	p0 =	sne.s32 s0, $0x0;
	s0 =	rddreg [dreg:$0x2]  }
0x36a: {  	s0 =	sadd.s32 @!p0 $0x100000, s0  }
0x36b: {  	[sflag:s0] =	ssyncadd.tile.s32 @!p0 $0x1;
	_ =	shalt  }
.Lfunc_end2:
_tile_overlayer_lowered:
.L_overlay_start_2:
0x36c: {  	(tag) =	ssettag $0x2  }
0x36d: {  	s0 =	rddreg [dreg:$0x0];
	s2 =	stileid.u32  }
0x36e: {  	s1 =	rddreg [dreg:$0x1];
	p0 =	sne.s32 s2, $0x0  }
0x36f: {  	s3 =	rddreg [dreg:$0x2];
	[bflag:$0x3] =	sbarrier.arrive $0xFFFF;
	s2 =	simm.s32 @!p0 $0x1C03  }
0x370: {  	[timem:s3], [sflag:s2] =	dma.local @!p0 [hbm:s0], s1  }
0x371: {  	s0 =	simm.s32 @!p0 $0x3  }
0x372: {  	_ =	swait.ge @!p0 [sflag:s0], s1  }
0x373: {  	s1 =	ssub.s32 @!p0 $0x0, s1;
	[sflag:s0] =	ssyncset.done @!p0 $0x0  }
0x374: {  	[sflag:s0] =	ssyncadd.s32 @!p0 s1  }
0x375: {  	[bflag:$0x3] =	sbarrier.arrive $0xFFFF  }
0x376: {  	_ =	shalt  }

</sc_bundles>
